<compile_context>
chip_gen: v7x
topology: tpu7x:2x2x1
jax: 0.10.2.dev20260603
libtpu: 0.0.44.dev20260713+nightly
codegen_flags: <defaults>
</compile_context>

<pallas_src>
import functools

import jax
import jax.numpy as jnp
from jax import lax
from jax.experimental import pallas as pl
from jax.experimental.pallas import tpu as pltpu
from jax.experimental.pallas import tpu_sc as plsc


_LANE = 16



def _make_gather(B, D, NBLK, NC, NS):
    mesh = plsc.VectorSubcoreMesh(core_axis_name="c", subcore_axis_name="s")
    half_blk = NBLK // 2
    half_w = half_blk * 128
    rows = B // 128

    @functools.partial(
        pl.kernel,
        mesh=mesh,
        compiler_params=pltpu.CompilerParams(use_tc_tiling_on_sc=False,
                                             needs_layout_passes=False),
        out_type=jax.ShapeDtypeStruct((D, rows, 128), jnp.int32),
        scratch_types=[
            pltpu.VMEM((rows, 128), jnp.int32),
            pltpu.VMEM((half_blk, 1, 128), jnp.float32),
            pltpu.VMEM((half_blk, 1, 128), jnp.float32),
            pltpu.SemaphoreType.DMA,
        ],
    )
    def gather_kernel(idx_hbm, t3_hbm, xt_hbm, buf_v, slab_a, slab_b, sem):
        c = lax.axis_index("c")
        s = lax.axis_index("s")
        wid = s * NC + c
        zero16 = jnp.zeros((_LANE,), jnp.int32)

        ca = pltpu.async_copy(
            t3_hbm.at[pl.ds(0, half_blk), pl.ds(wid, 1)], slab_a, sem)
        cb = pltpu.async_copy(
            t3_hbm.at[pl.ds(half_blk, half_blk), pl.ds(wid, 1)], slab_b, sem)
        pltpu.sync_copy(idx_hbm, buf_v)
        ca.wait()
        cb.wait()

        def body(r, _):
            for k in range(8):
                sl = pl.ds(k * _LANE, _LANE)
                i = buf_v[r, sl]
                ia = jnp.minimum(i, half_w - 1)
                ga = plsc.load_gather(
                    slab_a, [lax.shift_right_logical(ia, 7), zero16,
                             jnp.bitwise_and(ia, 127)])
                hi = i >= half_w
                ib = jnp.clip(i - half_w, 0, half_w - 1)
                gb = plsc.load_gather(
                    slab_b, [lax.shift_right_logical(ib, 7), zero16,
                             jnp.bitwise_and(ib, 127)])
                buf_v[r, sl] = plsc.bitcast(jnp.where(hi, gb, ga), jnp.int32)
            return 0

        lax.fori_loop(0, rows, body, 0, unroll=4)
        pltpu.sync_copy(buf_v, xt_hbm.at[wid])

    return gather_kernel



def _mlp_body(xu_ref, xm_ref, W1_ref, b1_ref, W2_ref, b2_ref, Wout_ref,
              bout_ref, out_ref):
    xu3 = lax.bitcast_convert_type(xu_ref[...], jnp.float32)
    xu = xu3.reshape(xu3.shape[0], xu3.shape[1] * xu3.shape[2])
    xm3 = lax.bitcast_convert_type(xm_ref[...], jnp.float32)
    xm = xm3.reshape(xm3.shape[0], xm3.shape[1] * xm3.shape[2])
    W1 = W1_ref[...]
    D = xu.shape[0]
    dn = (((0,), (0,)), ((), ()))
    h = (lax.dot_general(W1[:D], xu, dn, preferred_element_type=jnp.float32)
         + lax.dot_general(W1[D:], xm, dn,
                           preferred_element_type=jnp.float32)
         + b1_ref[...])
    h = jnp.maximum(h, 0.0)
    h = lax.dot_general(W2_ref[...], h, dn,
                        preferred_element_type=jnp.float32) + b2_ref[...]
    h = jnp.maximum(h, 0.0)
    out_ref[...] = lax.dot_general(Wout_ref[...], h, dn,
                                   preferred_element_type=jnp.float32) \
        + bout_ref[...]


def _run_mlp(xu3, xm3, W1, b1, W2, b2, Wout, bout):
    D, R, L = xu3.shape
    B = R * L
    H1 = W1.shape[1]
    H2 = W2.shape[1]
    BN = 16384
    grid = (B // BN,)
    const = lambda shape: pl.BlockSpec(shape, lambda i: (0,) * len(shape))
    return pl.pallas_call(
        _mlp_body,
        grid=grid,
        in_specs=[
            pl.BlockSpec((D, BN // 128, 128), lambda i: (0, i, 0)),
            pl.BlockSpec((D, BN // 128, 128), lambda i: (0, i, 0)),
            const((2 * D, H1)),
            const((H1, 1)),
            const((H1, H2)),
            const((H2, 1)),
            const((H2, 1)),
            const((1, 1)),
        ],
        out_specs=pl.BlockSpec((1, BN), lambda i: (0, i)),
        out_shape=jax.ShapeDtypeStruct((1, B), jnp.float32),
    )(xu3, xm3, W1, b1.reshape(H1, 1), W2, b2.reshape(H2, 1),
      Wout, bout.reshape(1, 1))



def kernel(inputs, user_emb, movie_emb, W1, b1, W2, b2, Wout, bout):
    B = inputs.shape[0]
    NM, D = movie_emb.shape
    NBLK = ((NM + 127) // 128 + 1) // 2 * 2
    info = plsc.get_sparse_core_info()
    NC, NS = info.num_cores, info.num_subcores
    uidx = inputs[:, 0].reshape(B // 128, 128)
    midx = inputs[:, 1].reshape(B // 128, 128)
    W = NBLK * 128
    u3 = user_emb.T[:, :W].reshape(D, NBLK, 128).transpose(1, 0, 2)
    m3 = jnp.pad(movie_emb.T, ((0, 0), (0, W - NM))) \
        .reshape(D, NBLK, 128).transpose(1, 0, 2)
    g = _make_gather(B, D, NBLK, NC, NS)
    xu3 = g(uidx, u3)
    xm3 = g(midx, m3)
    out = _run_mlp(xu3, xm3, W1, b1, W2, b2, Wout, bout)
    return out.reshape(B, 1)

# --- scband reference (transcript-rebuilt; emitter-appended) ---
"""Pipeline reference for scband-recommender-net-15375982919883 (READ-ONLY COPY).

The authoritative reference and input builder live on the scoring server;
editing this copy changes nothing except your own understanding.
"""

import jax, jax.numpy as jnp
import numpy as np

NUM_USERS = 1000000
NUM_MOVIES = 100000
EMBED_DIM = 32
BATCH = 16384

def setup_inputs(seed: int = 0) -> dict:
    key = jax.random.key(seed)
    ks = jax.random.split(key, 10)
    inputs = jax.random.randint(ks[0], (BATCH, 2), 0, 100000, dtype=jnp.int64 if jax.config.jax_enable_x64 else jnp.int32).astype(jnp.int32)
    user_emb = jax.random.normal(ks[1], (NUM_USERS, EMBED_DIM), dtype=jnp.float32) * 0.05
    movie_emb = jax.random.normal(ks[2], (NUM_MOVIES, EMBED_DIM), dtype=jnp.float32) * 0.05
    W1 = jax.random.normal(ks[3], (2 * EMBED_DIM, 64), dtype=jnp.float32) * (1.0 / np.sqrt(2 * EMBED_DIM))
    b1 = jnp.zeros((64,), dtype=jnp.float32)
    W2 = jax.random.normal(ks[4], (64, 32), dtype=jnp.float32) * (1.0 / np.sqrt(64))
    b2 = jnp.zeros((32,), dtype=jnp.float32)
    Wout = jax.random.normal(ks[5], (32, 1), dtype=jnp.float32) * (1.0 / np.sqrt(32))
    bout = jnp.zeros((1,), dtype=jnp.float32)
    return {"inputs": inputs, "user_emb": user_emb, "movie_emb": movie_emb, "W1": W1, "b1": b1, "W2": W2, "b2": b2, "Wout": Wout, "bout": bout}

def reference(inputs, user_emb, movie_emb, W1, b1, W2, b2, Wout, bout):
    user_vector = jnp.take(user_emb, inputs[:, 0], axis=0)
    movie_vector = jnp.take(movie_emb, inputs[:, 1], axis=0)
    x = jnp.concatenate([user_vector, movie_vector], axis=-1)
    x = jax.nn.relu(x @ W1 + b1)
    x = jax.nn.relu(x @ W2 + b2)
    # Dropout is identity at inference time
    return x @ Wout + bout

if __name__ == "__main__":
    import jax
    _d = setup_inputs()
    print(jax.jit(kernel)(*tuple(_d.values())))

</pallas_src>

<mosaic_0001>
#map = affine_map<(d0, d1) -> (0, 0)>
#map1 = affine_map<(d0, d1) -> (0, 0, 0)>
module attributes {stable_mosaic.version = 14 : i64} {
  func.func @gather_kernel(%arg0: i32, %arg1: i32, %arg2: memref<128x128xi32, #tpu.memory_space<hbm>>, %arg3: memref<782x32x128xf32, #tpu.memory_space<hbm>>, %arg4: memref<32x128x128xi32, #tpu.memory_space<hbm>>, %arg5: memref<128x128xi32, #tpu.memory_space<vmem>>, %arg6: memref<391x1x128xf32, #tpu.memory_space<vmem>>, %arg7: memref<391x1x128xf32, #tpu.memory_space<vmem>>, %arg8: memref<!tpu.dma_semaphore, #tpu.memory_space<semaphore_mem>>) attributes {dimension_semantics = [#tpu.dimension_semantics<core_parallel>, #tpu.dimension_semantics<subcore_parallel>], iteration_bounds = array<i64: 2, 16>, scalar_prefetch = 0 : i64, scratch_operands = 4 : i64, tpu.core_type = #tpu.core_type<sc_vector_subcore>, window_params = [{transform_indices = #map}, {transform_indices = #map1}, {transform_indices = #map1}]} {
    %mul3A = arith.constant 2 : i32
    %mul3A_0 = arith.muli %arg1, %mul3A : i32
    %add3A = arith.addi %mul3A_0, %arg0 : i32
    %broadcast_in_dim3A = arith.constant 0 : i32
    %broadcast_in_dim3A_1 = vector.broadcast %broadcast_in_dim3A : i32 to vector<16xi32>
    %dma_start3A = arith.constant 0 : i32
    %dma_start3A_2 = arith.constant 0 : i32
    %dma_start3A_3 = tpu.memref_slice %arg3[%dma_start3A, %add3A, %dma_start3A_2] : memref<782x32x128xf32, #tpu.memory_space<hbm>> -> memref<391x1x128xf32, #tpu.memory_space<hbm>>
    %dma_start3A_4 = arith.constant 0 : i32
    %dma_start3A_5 = arith.constant 0 : i32
    %dma_start3A_6 = tpu.memref_slice %arg3[%dma_start3A_4, %add3A, %dma_start3A_5] : memref<782x32x128xf32, #tpu.memory_space<hbm>> -> memref<391x1x128xf32, #tpu.memory_space<hbm>>
    tpu.enqueue_dma source(%dma_start3A_6 : memref<391x1x128xf32, #tpu.memory_space<hbm>>) target(%arg6 : memref<391x1x128xf32, #tpu.memory_space<vmem>>) target_semaphore(%arg8 : memref<!tpu.dma_semaphore, #tpu.memory_space<semaphore_mem>>)
    %dma_start3A_7 = arith.constant 391 : i32
    %dma_start3A_8 = arith.constant 0 : i32
    %dma_start3A_9 = tpu.memref_slice %arg3[%dma_start3A_7, %add3A, %dma_start3A_8] : memref<782x32x128xf32, #tpu.memory_space<hbm>> -> memref<391x1x128xf32, #tpu.memory_space<hbm>>
    %dma_start3A_10 = arith.constant 391 : i32
    %dma_start3A_11 = arith.constant 0 : i32
    %dma_start3A_12 = tpu.memref_slice %arg3[%dma_start3A_10, %add3A, %dma_start3A_11] : memref<782x32x128xf32, #tpu.memory_space<hbm>> -> memref<391x1x128xf32, #tpu.memory_space<hbm>>
    tpu.enqueue_dma source(%dma_start3A_12 : memref<391x1x128xf32, #tpu.memory_space<hbm>>) target(%arg7 : memref<391x1x128xf32, #tpu.memory_space<vmem>>) target_semaphore(%arg8 : memref<!tpu.dma_semaphore, #tpu.memory_space<semaphore_mem>>)
    "tpu.region"() ({
      %run_scoped3A = tpu.sem_alloc : memref<!tpu.dma_semaphore, #tpu.memory_space<semaphore_mem>>
      tpu.enqueue_dma source(%arg2 : memref<128x128xi32, #tpu.memory_space<hbm>>) target(%arg5 : memref<128x128xi32, #tpu.memory_space<vmem>>) target_semaphore(%run_scoped3A : memref<!tpu.dma_semaphore, #tpu.memory_space<semaphore_mem>>)
      tpu.wait_dma2 semaphore(%run_scoped3A : memref<!tpu.dma_semaphore, #tpu.memory_space<semaphore_mem>>) src(%arg2 : memref<128x128xi32, #tpu.memory_space<hbm>>) dst(%arg5 : memref<128x128xi32, #tpu.memory_space<vmem>>)
      tpu.yield
    }) : () -> ()
    %dma_wait3A = arith.constant 0 : i32
    %dma_wait3A_13 = arith.constant 0 : i32
    %dma_wait3A_14 = tpu.memref_slice %arg3[%dma_wait3A, %add3A, %dma_wait3A_13] : memref<782x32x128xf32, #tpu.memory_space<hbm>> -> memref<391x1x128xf32, #tpu.memory_space<hbm>>
    %dma_wait3A_15 = arith.constant 0 : i32
    %dma_wait3A_16 = arith.constant 0 : i32
    %dma_wait3A_17 = tpu.memref_slice %arg3[%dma_wait3A_15, %add3A, %dma_wait3A_16] : memref<782x32x128xf32, #tpu.memory_space<hbm>> -> memref<391x1x128xf32, #tpu.memory_space<hbm>>
    tpu.wait_dma2 semaphore(%arg8 : memref<!tpu.dma_semaphore, #tpu.memory_space<semaphore_mem>>) src(%dma_wait3A_17 : memref<391x1x128xf32, #tpu.memory_space<hbm>>) dst(%arg6 : memref<391x1x128xf32, #tpu.memory_space<vmem>>)
    %dma_wait3A_18 = arith.constant 391 : i32
    %dma_wait3A_19 = arith.constant 0 : i32
    %dma_wait3A_20 = tpu.memref_slice %arg3[%dma_wait3A_18, %add3A, %dma_wait3A_19] : memref<782x32x128xf32, #tpu.memory_space<hbm>> -> memref<391x1x128xf32, #tpu.memory_space<hbm>>
    %dma_wait3A_21 = arith.constant 391 : i32
    %dma_wait3A_22 = arith.constant 0 : i32
    %dma_wait3A_23 = tpu.memref_slice %arg3[%dma_wait3A_21, %add3A, %dma_wait3A_22] : memref<782x32x128xf32, #tpu.memory_space<hbm>> -> memref<391x1x128xf32, #tpu.memory_space<hbm>>
    tpu.wait_dma2 semaphore(%arg8 : memref<!tpu.dma_semaphore, #tpu.memory_space<semaphore_mem>>) src(%dma_wait3A_23 : memref<391x1x128xf32, #tpu.memory_space<hbm>>) dst(%arg7 : memref<391x1x128xf32, #tpu.memory_space<vmem>>)
    %scan3A = arith.constant 0 : i32
    %scan3A_24 = arith.constant 0 : i32
    %scan3A_25 = arith.constant 128 : i32
    %scan3A_26 = arith.addi %scan3A_24, %scan3A_25 : i32
    %scan3A_27 = arith.constant 4 : i32
    %scan3A_28 = scf.for %scan3A_30 = %scan3A_24 to %scan3A_26 step %scan3A_27 iter_args(%scan3A_31 = %scan3A) -> (i32)  : i32 {
      %get3A = arith.index_cast %scan3A_30 : i32 to index
      %get3A_32 = arith.constant 0 : index
      %get3A_33 = tpu.vector_load %arg5[%get3A, %get3A_32] {strides = array<i32>} : memref<128x128xi32, #tpu.memory_space<vmem>>, vector<16xi32>,
      %min3A = arith.constant 50047 : i32
      %min3A_34 = vector.broadcast %min3A : i32 to vector<16xi32>
      %min3A_35 = arith.minsi %get3A_33, %min3A_34 : vector<16xi32>
      %shift_right_logical3A = arith.constant 7 : i32
      %shift_right_logical3A_36 = vector.broadcast %shift_right_logical3A : i32 to vector<16xi32>
      %shift_right_logical3A_37 = arith.shrui %min3A_35, %shift_right_logical3A_36 : vector<16xi32>
      %and3A = arith.constant 127 : i32
      %and3A_38 = vector.broadcast %and3A : i32 to vector<16xi32>
      %and3A_39 = arith.andi %min3A_35, %and3A_38 : vector<16xi32>
      %gather3A = tpu.vector_load_idx %arg6[%shift_right_logical3A_37, %broadcast_in_dim3A_1, %and3A_39] : memref<391x1x128xf32, #tpu.memory_space<vmem>>[vector<16xi32>, vector<16xi32>, vector<16xi32>], vector<16xf32>,
      %ge3A = arith.constant 50048 : i32
      %ge3A_40 = vector.broadcast %ge3A : i32 to vector<16xi32>
      %ge3A_41 = arith.cmpi sge, %get3A_33, %ge3A_40 : vector<16xi32>
      %sub3A = arith.constant 50048 : i32
      %sub3A_42 = vector.broadcast %sub3A : i32 to vector<16xi32>
      %sub3A_43 = arith.subi %get3A_33, %sub3A_42 : vector<16xi32>
      %jit3A = arith.constant 0 : i32
      %jit3A_44 = arith.constant 50047 : i32
      %max3A = vector.broadcast %jit3A : i32 to vector<16xi32>
      %max3A_45 = arith.maxsi %max3A, %sub3A_43 : vector<16xi32>
      %min3A_46 = vector.broadcast %jit3A_44 : i32 to vector<16xi32>
      %min3A_47 = arith.minsi %min3A_46, %max3A_45 : vector<16xi32>
      %shift_right_logical3A_48 = arith.constant 7 : i32
      %shift_right_logical3A_49 = vector.broadcast %shift_right_logical3A_48 : i32 to vector<16xi32>
      %shift_right_logical3A_50 = arith.shrui %min3A_47, %shift_right_logical3A_49 : vector<16xi32>
      %and3A_51 = arith.constant 127 : i32
      %and3A_52 = vector.broadcast %and3A_51 : i32 to vector<16xi32>
      %and3A_53 = arith.andi %min3A_47, %and3A_52 : vector<16xi32>
      %gather3A_54 = tpu.vector_load_idx %arg7[%shift_right_logical3A_50, %broadcast_in_dim3A_1, %and3A_53] : memref<391x1x128xf32, #tpu.memory_space<vmem>>[vector<16xi32>, vector<16xi32>, vector<16xi32>], vector<16xf32>,
      %select_n3A = arith.select %ge3A_41, %gather3A_54, %gather3A : vector<16xi1>, vector<16xf32>
      %bitcast3A = vector.bitcast %select_n3A : vector<16xf32> to vector<16xi32>
      %swap3A = arith.index_cast %scan3A_30 : i32 to index
      %swap3A_55 = arith.constant 0 : index
      %swap3A_56 = tpu.vector_load %arg5[%swap3A, %swap3A_55] {strides = array<i32>} : memref<128x128xi32, #tpu.memory_space<vmem>>, vector<16xi32>,
      tpu.vector_store %arg5[%swap3A, %swap3A_55], %bitcast3A {strides = array<i32>} : memref<128x128xi32, #tpu.memory_space<vmem>>, vector<16xi32>,
      %get3A_57 = arith.index_cast %scan3A_30 : i32 to index
      %get3A_58 = arith.constant 16 : index
      %get3A_59 = tpu.vector_load %arg5[%get3A_57, %get3A_58] {strides = array<i32>} : memref<128x128xi32, #tpu.memory_space<vmem>>, vector<16xi32>,
      %min3A_60 = arith.constant 50047 : i32
      %min3A_61 = vector.broadcast %min3A_60 : i32 to vector<16xi32>
      %min3A_62 = arith.minsi %get3A_59, %min3A_61 : vector<16xi32>
      %shift_right_logical3A_63 = arith.constant 7 : i32
      %shift_right_logical3A_64 = vector.broadcast %shift_right_logical3A_63 : i32 to vector<16xi32>
      %shift_right_logical3A_65 = arith.shrui %min3A_62, %shift_right_logical3A_64 : vector<16xi32>
      %and3A_66 = arith.constant 127 : i32
      %and3A_67 = vector.broadcast %and3A_66 : i32 to vector<16xi32>
      %and3A_68 = arith.andi %min3A_62, %and3A_67 : vector<16xi32>
      %gather3A_69 = tpu.vector_load_idx %arg6[%shift_right_logical3A_65, %broadcast_in_dim3A_1, %and3A_68] : memref<391x1x128xf32, #tpu.memory_space<vmem>>[vector<16xi32>, vector<16xi32>, vector<16xi32>], vector<16xf32>,
      %ge3A_70 = arith.constant 50048 : i32
      %ge3A_71 = vector.broadcast %ge3A_70 : i32 to vector<16xi32>
      %ge3A_72 = arith.cmpi sge, %get3A_59, %ge3A_71 : vector<16xi32>
      %sub3A_73 = arith.constant 50048 : i32
      %sub3A_74 = vector.broadcast %sub3A_73 : i32 to vector<16xi32>
      %sub3A_75 = arith.subi %get3A_59, %sub3A_74 : vector<16xi32>
      %jit3A_76 = arith.constant 0 : i32
      %jit3A_77 = arith.constant 50047 : i32
      %max3A_78 = vector.broadcast %jit3A_76 : i32 to vector<16xi32>
      %max3A_79 = arith.maxsi %max3A_78, %sub3A_75 : vector<16xi32>
      %min3A_80 = vector.broadcast %jit3A_77 : i32 to vector<16xi32>
      %min3A_81 = arith.minsi %min3A_80, %max3A_79 : vector<16xi32>
      %shift_right_logical3A_82 = arith.constant 7 : i32
      %shift_right_logical3A_83 = vector.broadcast %shift_right_logical3A_82 : i32 to vector<16xi32>
      %shift_right_logical3A_84 = arith.shrui %min3A_81, %shift_right_logical3A_83 : vector<16xi32>
      %and3A_85 = arith.constant 127 : i32
      %and3A_86 = vector.broadcast %and3A_85 : i32 to vector<16xi32>
      %and3A_87 = arith.andi %min3A_81, %and3A_86 : vector<16xi32>
      %gather3A_88 = tpu.vector_load_idx %arg7[%shift_right_logical3A_84, %broadcast_in_dim3A_1, %and3A_87] : memref<391x1x128xf32, #tpu.memory_space<vmem>>[vector<16xi32>, vector<16xi32>, vector<16xi32>], vector<16xf32>,
      %select_n3A_89 = arith.select %ge3A_72, %gather3A_88, %gather3A_69 : vector<16xi1>, vector<16xf32>
      %bitcast3A_90 = vector.bitcast %select_n3A_89 : vector<16xf32> to vector<16xi32>
      %swap3A_91 = arith.index_cast %scan3A_30 : i32 to index
      %swap3A_92 = arith.constant 16 : index
      %swap3A_93 = tpu.vector_load %arg5[%swap3A_91, %swap3A_92] {strides = array<i32>} : memref<128x128xi32, #tpu.memory_space<vmem>>, vector<16xi32>,
      tpu.vector_store %arg5[%swap3A_91, %swap3A_92], %bitcast3A_90 {strides = array<i32>} : memref<128x128xi32, #tpu.memory_space<vmem>>, vector<16xi32>,
      %get3A_94 = arith.index_cast %scan3A_30 : i32 to index
      %get3A_95 = arith.constant 32 : index
      %get3A_96 = tpu.vector_load %arg5[%get3A_94, %get3A_95] {strides = array<i32>} : memref<128x128xi32, #tpu.memory_space<vmem>>, vector<16xi32>,
      %min3A_97 = arith.constant 50047 : i32
      %min3A_98 = vector.broadcast %min3A_97 : i32 to vector<16xi32>
      %min3A_99 = arith.minsi %get3A_96, %min3A_98 : vector<16xi32>
      %shift_right_logical3A_100 = arith.constant 7 : i32
      %shift_right_logical3A_101 = vector.broadcast %shift_right_logical3A_100 : i32 to vector<16xi32>
      %shift_right_logical3A_102 = arith.shrui %min3A_99, %shift_right_logical3A_101 : vector<16xi32>
      %and3A_103 = arith.constant 127 : i32
      %and3A_104 = vector.broadcast %and3A_103 : i32 to vector<16xi32>
      %and3A_105 = arith.andi %min3A_99, %and3A_104 : vector<16xi32>
      %gather3A_106 = tpu.vector_load_idx %arg6[%shift_right_logical3A_102, %broadcast_in_dim3A_1, %and3A_105] : memref<391x1x128xf32, #tpu.memory_space<vmem>>[vector<16xi32>, vector<16xi32>, vector<16xi32>], vector<16xf32>,
      %ge3A_107 = arith.constant 50048 : i32
      %ge3A_108 = vector.broadcast %ge3A_107 : i32 to vector<16xi32>
      %ge3A_109 = arith.cmpi sge, %get3A_96, %ge3A_108 : vector<16xi32>
      %sub3A_110 = arith.constant 50048 : i32
      %sub3A_111 = vector.broadcast %sub3A_110 : i32 to vector<16xi32>
      %sub3A_112 = arith.subi %get3A_96, %sub3A_111 : vector<16xi32>
      %jit3A_113 = arith.constant 0 : i32
      %jit3A_114 = arith.constant 50047 : i32
      %max3A_115 = vector.broadcast %jit3A_113 : i32 to vector<16xi32>
      %max3A_116 = arith.maxsi %max3A_115, %sub3A_112 : vector<16xi32>
      %min3A_117 = vector.broadcast %jit3A_114 : i32 to vector<16xi32>
      %min3A_118 = arith.minsi %min3A_117, %max3A_116 : vector<16xi32>
      %shift_right_logical3A_119 = arith.constant 7 : i32
      %shift_right_logical3A_120 = vector.broadcast %shift_right_logical3A_119 : i32 to vector<16xi32>
      %shift_right_logical3A_121 = arith.shrui %min3A_118, %shift_right_logical3A_120 : vector<16xi32>
      %and3A_122 = arith.constant 127 : i32
      %and3A_123 = vector.broadcast %and3A_122 : i32 to vector<16xi32>
      %and3A_124 = arith.andi %min3A_118, %and3A_123 : vector<16xi32>
      %gather3A_125 = tpu.vector_load_idx %arg7[%shift_right_logical3A_121, %broadcast_in_dim3A_1, %and3A_124] : memref<391x1x128xf32, #tpu.memory_space<vmem>>[vector<16xi32>, vector<16xi32>, vector<16xi32>], vector<16xf32>,
      %select_n3A_126 = arith.select %ge3A_109, %gather3A_125, %gather3A_106 : vector<16xi1>, vector<16xf32>
      %bitcast3A_127 = vector.bitcast %select_n3A_126 : vector<16xf32> to vector<16xi32>
      %swap3A_128 = arith.index_cast %scan3A_30 : i32 to index
      %swap3A_129 = arith.constant 32 : index
      %swap3A_130 = tpu.vector_load %arg5[%swap3A_128, %swap3A_129] {strides = array<i32>} : memref<128x128xi32, #tpu.memory_space<vmem>>, vector<16xi32>,
      tpu.vector_store %arg5[%swap3A_128, %swap3A_129], %bitcast3A_127 {strides = array<i32>} : memref<128x128xi32, #tpu.memory_space<vmem>>, vector<16xi32>,
      %get3A_131 = arith.index_cast %scan3A_30 : i32 to index
      %get3A_132 = arith.constant 48 : index
      %get3A_133 = tpu.vector_load %arg5[%get3A_131, %get3A_132] {strides = array<i32>} : memref<128x128xi32, #tpu.memory_space<vmem>>, vector<16xi32>,
      %min3A_134 = arith.constant 50047 : i32
      %min3A_135 = vector.broadcast %min3A_134 : i32 to vector<16xi32>
      %min3A_136 = arith.minsi %get3A_133, %min3A_135 : vector<16xi32>
      %shift_right_logical3A_137 = arith.constant 7 : i32
      %shift_right_logical3A_138 = vector.broadcast %shift_right_logical3A_137 : i32 to vector<16xi32>
      %shift_right_logical3A_139 = arith.shrui %min3A_136, %shift_right_logical3A_138 : vector<16xi32>
      %and3A_140 = arith.constant 127 : i32
      %and3A_141 = vector.broadcast %and3A_140 : i32 to vector<16xi32>
      %and3A_142 = arith.andi %min3A_136, %and3A_141 : vector<16xi32>
      %gather3A_143 = tpu.vector_load_idx %arg6[%shift_right_logical3A_139, %broadcast_in_dim3A_1, %and3A_142] : memref<391x1x128xf32, #tpu.memory_space<vmem>>[vector<16xi32>, vector<16xi32>, vector<16xi32>], vector<16xf32>,
      %ge3A_144 = arith.constant 50048 : i32
      %ge3A_145 = vector.broadcast %ge3A_144 : i32 to vector<16xi32>
      %ge3A_146 = arith.cmpi sge, %get3A_133, %ge3A_145 : vector<16xi32>
      %sub3A_147 = arith.constant 50048 : i32
      %sub3A_148 = vector.broadcast %sub3A_147 : i32 to vector<16xi32>
      %sub3A_149 = arith.subi %get3A_133, %sub3A_148 : vector<16xi32>
      %jit3A_150 = arith.constant 0 : i32
      %jit3A_151 = arith.constant 50047 : i32
      %max3A_152 = vector.broadcast %jit3A_150 : i32 to vector<16xi32>
      %max3A_153 = arith.maxsi %max3A_152, %sub3A_149 : vector<16xi32>
      %min3A_154 = vector.broadcast %jit3A_151 : i32 to vector<16xi32>
      %min3A_155 = arith.minsi %min3A_154, %max3A_153 : vector<16xi32>
      %shift_right_logical3A_156 = arith.constant 7 : i32
      %shift_right_logical3A_157 = vector.broadcast %shift_right_logical3A_156 : i32 to vector<16xi32>
      %shift_right_logical3A_158 = arith.shrui %min3A_155, %shift_right_logical3A_157 : vector<16xi32>
      %and3A_159 = arith.constant 127 : i32
      %and3A_160 = vector.broadcast %and3A_159 : i32 to vector<16xi32>
      %and3A_161 = arith.andi %min3A_155, %and3A_160 : vector<16xi32>
      %gather3A_162 = tpu.vector_load_idx %arg7[%shift_right_logical3A_158, %broadcast_in_dim3A_1, %and3A_161] : memref<391x1x128xf32, #tpu.memory_space<vmem>>[vector<16xi32>, vector<16xi32>, vector<16xi32>], vector<16xf32>,
      %select_n3A_163 = arith.select %ge3A_146, %gather3A_162, %gather3A_143 : vector<16xi1>, vector<16xf32>
      %bitcast3A_164 = vector.bitcast %select_n3A_163 : vector<16xf32> to vector<16xi32>
      %swap3A_165 = arith.index_cast %scan3A_30 : i32 to index
      %swap3A_166 = arith.constant 48 : index
      %swap3A_167 = tpu.vector_load %arg5[%swap3A_165, %swap3A_166] {strides = array<i32>} : memref<128x128xi32, #tpu.memory_space<vmem>>, vector<16xi32>,
      tpu.vector_store %arg5[%swap3A_165, %swap3A_166], %bitcast3A_164 {strides = array<i32>} : memref<128x128xi32, #tpu.memory_space<vmem>>, vector<16xi32>,
      %get3A_168 = arith.index_cast %scan3A_30 : i32 to index
      %get3A_169 = arith.constant 64 : index
      %get3A_170 = tpu.vector_load %arg5[%get3A_168, %get3A_169] {strides = array<i32>} : memref<128x128xi32, #tpu.memory_space<vmem>>, vector<16xi32>,
      %min3A_171 = arith.constant 50047 : i32
      %min3A_172 = vector.broadcast %min3A_171 : i32 to vector<16xi32>
      %min3A_173 = arith.minsi %get3A_170, %min3A_172 : vector<16xi32>
      %shift_right_logical3A_174 = arith.constant 7 : i32
      %shift_right_logical3A_175 = vector.broadcast %shift_right_logical3A_174 : i32 to vector<16xi32>
      %shift_right_logical3A_176 = arith.shrui %min3A_173, %shift_right_logical3A_175 : vector<16xi32>
      %and3A_177 = arith.constant 127 : i32
      %and3A_178 = vector.broadcast %and3A_177 : i32 to vector<16xi32>
      %and3A_179 = arith.andi %min3A_173, %and3A_178 : vector<16xi32>
      %gather3A_180 = tpu.vector_load_idx %arg6[%shift_right_logical3A_176, %broadcast_in_dim3A_1, %and3A_179] : memref<391x1x128xf32, #tpu.memory_space<vmem>>[vector<16xi32>, vector<16xi32>, vector<16xi32>], vector<16xf32>,
      %ge3A_181 = arith.constant 50048 : i32
      %ge3A_182 = vector.broadcast %ge3A_181 : i32 to vector<16xi32>
      %ge3A_183 = arith.cmpi sge, %get3A_170, %ge3A_182 : vector<16xi32>
      %sub3A_184 = arith.constant 50048 : i32
      %sub3A_185 = vector.broadcast %sub3A_184 : i32 to vector<16xi32>
      %sub3A_186 = arith.subi %get3A_170, %sub3A_185 : vector<16xi32>
      %jit3A_187 = arith.constant 0 : i32
      %jit3A_188 = arith.constant 50047 : i32
      %max3A_189 = vector.broadcast %jit3A_187 : i32 to vector<16xi32>
      %max3A_190 = arith.maxsi %max3A_189, %sub3A_186 : vector<16xi32>
      %min3A_191 = vector.broadcast %jit3A_188 : i32 to vector<16xi32>
      %min3A_192 = arith.minsi %min3A_191, %max3A_190 : vector<16xi32>
      %shift_right_logical3A_193 = arith.constant 7 : i32
      %shift_right_logical3A_194 = vector.broadcast %shift_right_logical3A_193 : i32 to vector<16xi32>
      %shift_right_logical3A_195 = arith.shrui %min3A_192, %shift_right_logical3A_194 : vector<16xi32>
      %and3A_196 = arith.constant 127 : i32
      %and3A_197 = vector.broadcast %and3A_196 : i32 to vector<16xi32>
      %and3A_198 = arith.andi %min3A_192, %and3A_197 : vector<16xi32>
      %gather3A_199 = tpu.vector_load_idx %arg7[%shift_right_logical3A_195, %broadcast_in_dim3A_1, %and3A_198] : memref<391x1x128xf32, #tpu.memory_space<vmem>>[vector<16xi32>, vector<16xi32>, vector<16xi32>], vector<16xf32>,
      %select_n3A_200 = arith.select %ge3A_183, %gather3A_199, %gather3A_180 : vector<16xi1>, vector<16xf32>
      %bitcast3A_201 = vector.bitcast %select_n3A_200 : vector<16xf32> to vector<16xi32>
      %swap3A_202 = arith.index_cast %scan3A_30 : i32 to index
      %swap3A_203 = arith.constant 64 : index
      %swap3A_204 = tpu.vector_load %arg5[%swap3A_202, %swap3A_203] {strides = array<i32>} : memref<128x128xi32, #tpu.memory_space<vmem>>, vector<16xi32>,
      tpu.vector_store %arg5[%swap3A_202, %swap3A_203], %bitcast3A_201 {strides = array<i32>} : memref<128x128xi32, #tpu.memory_space<vmem>>, vector<16xi32>,
      %get3A_205 = arith.index_cast %scan3A_30 : i32 to index
      %get3A_206 = arith.constant 80 : index
      %get3A_207 = tpu.vector_load %arg5[%get3A_205, %get3A_206] {strides = array<i32>} : memref<128x128xi32, #tpu.memory_space<vmem>>, vector<16xi32>,
      %min3A_208 = arith.constant 50047 : i32
      %min3A_209 = vector.broadcast %min3A_208 : i32 to vector<16xi32>
      %min3A_210 = arith.minsi %get3A_207, %min3A_209 : vector<16xi32>
      %shift_right_logical3A_211 = arith.constant 7 : i32
      %shift_right_logical3A_212 = vector.broadcast %shift_right_logical3A_211 : i32 to vector<16xi32>
      %shift_right_logical3A_213 = arith.shrui %min3A_210, %shift_right_logical3A_212 : vector<16xi32>
      %and3A_214 = arith.constant 127 : i32
      %and3A_215 = vector.broadcast %and3A_214 : i32 to vector<16xi32>
      %and3A_216 = arith.andi %min3A_210, %and3A_215 : vector<16xi32>
      %gather3A_217 = tpu.vector_load_idx %arg6[%shift_right_logical3A_213, %broadcast_in_dim3A_1, %and3A_216] : memref<391x1x128xf32, #tpu.memory_space<vmem>>[vector<16xi32>, vector<16xi32>, vector<16xi32>], vector<16xf32>,
      %ge3A_218 = arith.constant 50048 : i32
      %ge3A_219 = vector.broadcast %ge3A_218 : i32 to vector<16xi32>
      %ge3A_220 = arith.cmpi sge, %get3A_207, %ge3A_219 : vector<16xi32>
      %sub3A_221 = arith.constant 50048 : i32
      %sub3A_222 = vector.broadcast %sub3A_221 : i32 to vector<16xi32>
      %sub3A_223 = arith.subi %get3A_207, %sub3A_222 : vector<16xi32>
      %jit3A_224 = arith.constant 0 : i32
      %jit3A_225 = arith.constant 50047 : i32
      %max3A_226 = vector.broadcast %jit3A_224 : i32 to vector<16xi32>
      %max3A_227 = arith.maxsi %max3A_226, %sub3A_223 : vector<16xi32>
      %min3A_228 = vector.broadcast %jit3A_225 : i32 to vector<16xi32>
      %min3A_229 = arith.minsi %min3A_228, %max3A_227 : vector<16xi32>
      %shift_right_logical3A_230 = arith.constant 7 : i32
      %shift_right_logical3A_231 = vector.broadcast %shift_right_logical3A_230 : i32 to vector<16xi32>
      %shift_right_logical3A_232 = arith.shrui %min3A_229, %shift_right_logical3A_231 : vector<16xi32>
      %and3A_233 = arith.constant 127 : i32
      %and3A_234 = vector.broadcast %and3A_233 : i32 to vector<16xi32>
      %and3A_235 = arith.andi %min3A_229, %and3A_234 : vector<16xi32>
      %gather3A_236 = tpu.vector_load_idx %arg7[%shift_right_logical3A_232, %broadcast_in_dim3A_1, %and3A_235] : memref<391x1x128xf32, #tpu.memory_space<vmem>>[vector<16xi32>, vector<16xi32>, vector<16xi32>], vector<16xf32>,
      %select_n3A_237 = arith.select %ge3A_220, %gather3A_236, %gather3A_217 : vector<16xi1>, vector<16xf32>
      %bitcast3A_238 = vector.bitcast %select_n3A_237 : vector<16xf32> to vector<16xi32>
      %swap3A_239 = arith.index_cast %scan3A_30 : i32 to index
      %swap3A_240 = arith.constant 80 : index
      %swap3A_241 = tpu.vector_load %arg5[%swap3A_239, %swap3A_240] {strides = array<i32>} : memref<128x128xi32, #tpu.memory_space<vmem>>, vector<16xi32>,
      tpu.vector_store %arg5[%swap3A_239, %swap3A_240], %bitcast3A_238 {strides = array<i32>} : memref<128x128xi32, #tpu.memory_space<vmem>>, vector<16xi32>,
      %get3A_242 = arith.index_cast %scan3A_30 : i32 to index
      %get3A_243 = arith.constant 96 : index
      %get3A_244 = tpu.vector_load %arg5[%get3A_242, %get3A_243] {strides = array<i32>} : memref<128x128xi32, #tpu.memory_space<vmem>>, vector<16xi32>,
      %min3A_245 = arith.constant 50047 : i32
      %min3A_246 = vector.broadcast %min3A_245 : i32 to vector<16xi32>
      %min3A_247 = arith.minsi %get3A_244, %min3A_246 : vector<16xi32>
      %shift_right_logical3A_248 = arith.constant 7 : i32
      %shift_right_logical3A_249 = vector.broadcast %shift_right_logical3A_248 : i32 to vector<16xi32>
      %shift_right_logical3A_250 = arith.shrui %min3A_247, %shift_right_logical3A_249 : vector<16xi32>
      %and3A_251 = arith.constant 127 : i32
      %and3A_252 = vector.broadcast %and3A_251 : i32 to vector<16xi32>
      %and3A_253 = arith.andi %min3A_247, %and3A_252 : vector<16xi32>
      %gather3A_254 = tpu.vector_load_idx %arg6[%shift_right_logical3A_250, %broadcast_in_dim3A_1, %and3A_253] : memref<391x1x128xf32, #tpu.memory_space<vmem>>[vector<16xi32>, vector<16xi32>, vector<16xi32>], vector<16xf32>,
      %ge3A_255 = arith.constant 50048 : i32
      %ge3A_256 = vector.broadcast %ge3A_255 : i32 to vector<16xi32>
      %ge3A_257 = arith.cmpi sge, %get3A_244, %ge3A_256 : vector<16xi32>
      %sub3A_258 = arith.constant 50048 : i32
      %sub3A_259 = vector.broadcast %sub3A_258 : i32 to vector<16xi32>
      %sub3A_260 = arith.subi %get3A_244, %sub3A_259 : vector<16xi32>
      %jit3A_261 = arith.constant 0 : i32
      %jit3A_262 = arith.constant 50047 : i32
      %max3A_263 = vector.broadcast %jit3A_261 : i32 to vector<16xi32>
      %max3A_264 = arith.maxsi %max3A_263, %sub3A_260 : vector<16xi32>
      %min3A_265 = vector.broadcast %jit3A_262 : i32 to vector<16xi32>
      %min3A_266 = arith.minsi %min3A_265, %max3A_264 : vector<16xi32>
      %shift_right_logical3A_267 = arith.constant 7 : i32
      %shift_right_logical3A_268 = vector.broadcast %shift_right_logical3A_267 : i32 to vector<16xi32>
      %shift_right_logical3A_269 = arith.shrui %min3A_266, %shift_right_logical3A_268 : vector<16xi32>
      %and3A_270 = arith.constant 127 : i32
      %and3A_271 = vector.broadcast %and3A_270 : i32 to vector<16xi32>
      %and3A_272 = arith.andi %min3A_266, %and3A_271 : vector<16xi32>
      %gather3A_273 = tpu.vector_load_idx %arg7[%shift_right_logical3A_269, %broadcast_in_dim3A_1, %and3A_272] : memref<391x1x128xf32, #tpu.memory_space<vmem>>[vector<16xi32>, vector<16xi32>, vector<16xi32>], vector<16xf32>,
      %select_n3A_274 = arith.select %ge3A_257, %gather3A_273, %gather3A_254 : vector<16xi1>, vector<16xf32>
      %bitcast3A_275 = vector.bitcast %select_n3A_274 : vector<16xf32> to vector<16xi32>
      %swap3A_276 = arith.index_cast %scan3A_30 : i32 to index
      %swap3A_277 = arith.constant 96 : index
      %swap3A_278 = tpu.vector_load %arg5[%swap3A_276, %swap3A_277] {strides = array<i32>} : memref<128x128xi32, #tpu.memory_space<vmem>>, vector<16xi32>,
      tpu.vector_store %arg5[%swap3A_276, %swap3A_277], %bitcast3A_275 {strides = array<i32>} : memref<128x128xi32, #tpu.memory_space<vmem>>, vector<16xi32>,
      %get3A_279 = arith.index_cast %scan3A_30 : i32 to index
      %get3A_280 = arith.constant 112 : index
      %get3A_281 = tpu.vector_load %arg5[%get3A_279, %get3A_280] {strides = array<i32>} : memref<128x128xi32, #tpu.memory_space<vmem>>, vector<16xi32>,
      %min3A_282 = arith.constant 50047 : i32
      %min3A_283 = vector.broadcast %min3A_282 : i32 to vector<16xi32>
      %min3A_284 = arith.minsi %get3A_281, %min3A_283 : vector<16xi32>
      %shift_right_logical3A_285 = arith.constant 7 : i32
      %shift_right_logical3A_286 = vector.broadcast %shift_right_logical3A_285 : i32 to vector<16xi32>
      %shift_right_logical3A_287 = arith.shrui %min3A_284, %shift_right_logical3A_286 : vector<16xi32>
      %and3A_288 = arith.constant 127 : i32
      %and3A_289 = vector.broadcast %and3A_288 : i32 to vector<16xi32>
      %and3A_290 = arith.andi %min3A_284, %and3A_289 : vector<16xi32>
      %gather3A_291 = tpu.vector_load_idx %arg6[%shift_right_logical3A_287, %broadcast_in_dim3A_1, %and3A_290] : memref<391x1x128xf32, #tpu.memory_space<vmem>>[vector<16xi32>, vector<16xi32>, vector<16xi32>], vector<16xf32>,
      %ge3A_292 = arith.constant 50048 : i32
      %ge3A_293 = vector.broadcast %ge3A_292 : i32 to vector<16xi32>
      %ge3A_294 = arith.cmpi sge, %get3A_281, %ge3A_293 : vector<16xi32>
      %sub3A_295 = arith.constant 50048 : i32
      %sub3A_296 = vector.broadcast %sub3A_295 : i32 to vector<16xi32>
      %sub3A_297 = arith.subi %get3A_281, %sub3A_296 : vector<16xi32>
      %jit3A_298 = arith.constant 0 : i32
      %jit3A_299 = arith.constant 50047 : i32
      %max3A_300 = vector.broadcast %jit3A_298 : i32 to vector<16xi32>
      %max3A_301 = arith.maxsi %max3A_300, %sub3A_297 : vector<16xi32>
      %min3A_302 = vector.broadcast %jit3A_299 : i32 to vector<16xi32>
      %min3A_303 = arith.minsi %min3A_302, %max3A_301 : vector<16xi32>
      %shift_right_logical3A_304 = arith.constant 7 : i32
      %shift_right_logical3A_305 = vector.broadcast %shift_right_logical3A_304 : i32 to vector<16xi32>
      %shift_right_logical3A_306 = arith.shrui %min3A_303, %shift_right_logical3A_305 : vector<16xi32>
      %and3A_307 = arith.constant 127 : i32
      %and3A_308 = vector.broadcast %and3A_307 : i32 to vector<16xi32>
      %and3A_309 = arith.andi %min3A_303, %and3A_308 : vector<16xi32>
      %gather3A_310 = tpu.vector_load_idx %arg7[%shift_right_logical3A_306, %broadcast_in_dim3A_1, %and3A_309] : memref<391x1x128xf32, #tpu.memory_space<vmem>>[vector<16xi32>, vector<16xi32>, vector<16xi32>], vector<16xf32>,
      %select_n3A_311 = arith.select %ge3A_294, %gather3A_310, %gather3A_291 : vector<16xi1>, vector<16xf32>
      %bitcast3A_312 = vector.bitcast %select_n3A_311 : vector<16xf32> to vector<16xi32>
      %swap3A_313 = arith.index_cast %scan3A_30 : i32 to index
      %swap3A_314 = arith.constant 112 : index
      %swap3A_315 = tpu.vector_load %arg5[%swap3A_313, %swap3A_314] {strides = array<i32>} : memref<128x128xi32, #tpu.memory_space<vmem>>, vector<16xi32>,
      tpu.vector_store %arg5[%swap3A_313, %swap3A_314], %bitcast3A_312 {strides = array<i32>} : memref<128x128xi32, #tpu.memory_space<vmem>>, vector<16xi32>,
      %scan3A_316 = arith.constant 0 : i32
      %scan3A_317 = arith.constant 1 : i32
      %scan3A_318 = arith.addi %scan3A_30, %scan3A_317 : i32
      %get3A_319 = arith.index_cast %scan3A_318 : i32 to index
      %get3A_320 = arith.constant 0 : index
      %get3A_321 = tpu.vector_load %arg5[%get3A_319, %get3A_320] {strides = array<i32>} : memref<128x128xi32, #tpu.memory_space<vmem>>, vector<16xi32>,
      %min3A_322 = arith.constant 50047 : i32
      %min3A_323 = vector.broadcast %min3A_322 : i32 to vector<16xi32>
      %min3A_324 = arith.minsi %get3A_321, %min3A_323 : vector<16xi32>
      %shift_right_logical3A_325 = arith.constant 7 : i32
      %shift_right_logical3A_326 = vector.broadcast %shift_right_logical3A_325 : i32 to vector<16xi32>
      %shift_right_logical3A_327 = arith.shrui %min3A_324, %shift_right_logical3A_326 : vector<16xi32>
      %and3A_328 = arith.constant 127 : i32
      %and3A_329 = vector.broadcast %and3A_328 : i32 to vector<16xi32>
      %and3A_330 = arith.andi %min3A_324, %and3A_329 : vector<16xi32>
      %gather3A_331 = tpu.vector_load_idx %arg6[%shift_right_logical3A_327, %broadcast_in_dim3A_1, %and3A_330] : memref<391x1x128xf32, #tpu.memory_space<vmem>>[vector<16xi32>, vector<16xi32>, vector<16xi32>], vector<16xf32>,
      %ge3A_332 = arith.constant 50048 : i32
      %ge3A_333 = vector.broadcast %ge3A_332 : i32 to vector<16xi32>
      %ge3A_334 = arith.cmpi sge, %get3A_321, %ge3A_333 : vector<16xi32>
      %sub3A_335 = arith.constant 50048 : i32
      %sub3A_336 = vector.broadcast %sub3A_335 : i32 to vector<16xi32>
      %sub3A_337 = arith.subi %get3A_321, %sub3A_336 : vector<16xi32>
      %jit3A_338 = arith.constant 0 : i32
      %jit3A_339 = arith.constant 50047 : i32
      %max3A_340 = vector.broadcast %jit3A_338 : i32 to vector<16xi32>
      %max3A_341 = arith.maxsi %max3A_340, %sub3A_337 : vector<16xi32>
      %min3A_342 = vector.broadcast %jit3A_339 : i32 to vector<16xi32>
      %min3A_343 = arith.minsi %min3A_342, %max3A_341 : vector<16xi32>
      %shift_right_logical3A_344 = arith.constant 7 : i32
      %shift_right_logical3A_345 = vector.broadcast %shift_right_logical3A_344 : i32 to vector<16xi32>
      %shift_right_logical3A_346 = arith.shrui %min3A_343, %shift_right_logical3A_345 : vector<16xi32>
      %and3A_347 = arith.constant 127 : i32
      %and3A_348 = vector.broadcast %and3A_347 : i32 to vector<16xi32>
      %and3A_349 = arith.andi %min3A_343, %and3A_348 : vector<16xi32>
      %gather3A_350 = tpu.vector_load_idx %arg7[%shift_right_logical3A_346, %broadcast_in_dim3A_1, %and3A_349] : memref<391x1x128xf32, #tpu.memory_space<vmem>>[vector<16xi32>, vector<16xi32>, vector<16xi32>], vector<16xf32>,
      %select_n3A_351 = arith.select %ge3A_334, %gather3A_350, %gather3A_331 : vector<16xi1>, vector<16xf32>
      %bitcast3A_352 = vector.bitcast %select_n3A_351 : vector<16xf32> to vector<16xi32>
      %swap3A_353 = arith.index_cast %scan3A_318 : i32 to index
      %swap3A_354 = arith.constant 0 : index
      %swap3A_355 = tpu.vector_load %arg5[%swap3A_353, %swap3A_354] {strides = array<i32>} : memref<128x128xi32, #tpu.memory_space<vmem>>, vector<16xi32>,
      tpu.vector_store %arg5[%swap3A_353, %swap3A_354], %bitcast3A_352 {strides = array<i32>} : memref<128x128xi32, #tpu.memory_space<vmem>>, vector<16xi32>,
      %get3A_356 = arith.index_cast %scan3A_318 : i32 to index
      %get3A_357 = arith.constant 16 : index
      %get3A_358 = tpu.vector_load %arg5[%get3A_356, %get3A_357] {strides = array<i32>} : memref<128x128xi32, #tpu.memory_space<vmem>>, vector<16xi32>,
      %min3A_359 = arith.constant 50047 : i32
      %min3A_360 = vector.broadcast %min3A_359 : i32 to vector<16xi32>
      %min3A_361 = arith.minsi %get3A_358, %min3A_360 : vector<16xi32>
      %shift_right_logical3A_362 = arith.constant 7 : i32
      %shift_right_logical3A_363 = vector.broadcast %shift_right_logical3A_362 : i32 to vector<16xi32>
      %shift_right_logical3A_364 = arith.shrui %min3A_361, %shift_right_logical3A_363 : vector<16xi32>
      %and3A_365 = arith.constant 127 : i32
      %and3A_366 = vector.broadcast %and3A_365 : i32 to vector<16xi32>
      %and3A_367 = arith.andi %min3A_361, %and3A_366 : vector<16xi32>
      %gather3A_368 = tpu.vector_load_idx %arg6[%shift_right_logical3A_364, %broadcast_in_dim3A_1, %and3A_367] : memref<391x1x128xf32, #tpu.memory_space<vmem>>[vector<16xi32>, vector<16xi32>, vector<16xi32>], vector<16xf32>,
      %ge3A_369 = arith.constant 50048 : i32
      %ge3A_370 = vector.broadcast %ge3A_369 : i32 to vector<16xi32>
      %ge3A_371 = arith.cmpi sge, %get3A_358, %ge3A_370 : vector<16xi32>
      %sub3A_372 = arith.constant 50048 : i32
      %sub3A_373 = vector.broadcast %sub3A_372 : i32 to vector<16xi32>
      %sub3A_374 = arith.subi %get3A_358, %sub3A_373 : vector<16xi32>
      %jit3A_375 = arith.constant 0 : i32
      %jit3A_376 = arith.constant 50047 : i32
      %max3A_377 = vector.broadcast %jit3A_375 : i32 to vector<16xi32>
      %max3A_378 = arith.maxsi %max3A_377, %sub3A_374 : vector<16xi32>
      %min3A_379 = vector.broadcast %jit3A_376 : i32 to vector<16xi32>
      %min3A_380 = arith.minsi %min3A_379, %max3A_378 : vector<16xi32>
      %shift_right_logical3A_381 = arith.constant 7 : i32
      %shift_right_logical3A_382 = vector.broadcast %shift_right_logical3A_381 : i32 to vector<16xi32>
      %shift_right_logical3A_383 = arith.shrui %min3A_380, %shift_right_logical3A_382 : vector<16xi32>
      %and3A_384 = arith.constant 127 : i32
      %and3A_385 = vector.broadcast %and3A_384 : i32 to vector<16xi32>
      %and3A_386 = arith.andi %min3A_380, %and3A_385 : vector<16xi32>
      %gather3A_387 = tpu.vector_load_idx %arg7[%shift_right_logical3A_383, %broadcast_in_dim3A_1, %and3A_386] : memref<391x1x128xf32, #tpu.memory_space<vmem>>[vector<16xi32>, vector<16xi32>, vector<16xi32>], vector<16xf32>,
      %select_n3A_388 = arith.select %ge3A_371, %gather3A_387, %gather3A_368 : vector<16xi1>, vector<16xf32>
      %bitcast3A_389 = vector.bitcast %select_n3A_388 : vector<16xf32> to vector<16xi32>
      %swap3A_390 = arith.index_cast %scan3A_318 : i32 to index
      %swap3A_391 = arith.constant 16 : index
      %swap3A_392 = tpu.vector_load %arg5[%swap3A_390, %swap3A_391] {strides = array<i32>} : memref<128x128xi32, #tpu.memory_space<vmem>>, vector<16xi32>,
      tpu.vector_store %arg5[%swap3A_390, %swap3A_391], %bitcast3A_389 {strides = array<i32>} : memref<128x128xi32, #tpu.memory_space<vmem>>, vector<16xi32>,
      %get3A_393 = arith.index_cast %scan3A_318 : i32 to index
      %get3A_394 = arith.constant 32 : index
      %get3A_395 = tpu.vector_load %arg5[%get3A_393, %get3A_394] {strides = array<i32>} : memref<128x128xi32, #tpu.memory_space<vmem>>, vector<16xi32>,
      %min3A_396 = arith.constant 50047 : i32
      %min3A_397 = vector.broadcast %min3A_396 : i32 to vector<16xi32>
      %min3A_398 = arith.minsi %get3A_395, %min3A_397 : vector<16xi32>
      %shift_right_logical3A_399 = arith.constant 7 : i32
      %shift_right_logical3A_400 = vector.broadcast %shift_right_logical3A_399 : i32 to vector<16xi32>
      %shift_right_logical3A_401 = arith.shrui %min3A_398, %shift_right_logical3A_400 : vector<16xi32>
      %and3A_402 = arith.constant 127 : i32
      %and3A_403 = vector.broadcast %and3A_402 : i32 to vector<16xi32>
      %and3A_404 = arith.andi %min3A_398, %and3A_403 : vector<16xi32>
      %gather3A_405 = tpu.vector_load_idx %arg6[%shift_right_logical3A_401, %broadcast_in_dim3A_1, %and3A_404] : memref<391x1x128xf32, #tpu.memory_space<vmem>>[vector<16xi32>, vector<16xi32>, vector<16xi32>], vector<16xf32>,
      %ge3A_406 = arith.constant 50048 : i32
      %ge3A_407 = vector.broadcast %ge3A_406 : i32 to vector<16xi32>
      %ge3A_408 = arith.cmpi sge, %get3A_395, %ge3A_407 : vector<16xi32>
      %sub3A_409 = arith.constant 50048 : i32
      %sub3A_410 = vector.broadcast %sub3A_409 : i32 to vector<16xi32>
      %sub3A_411 = arith.subi %get3A_395, %sub3A_410 : vector<16xi32>
      %jit3A_412 = arith.constant 0 : i32
      %jit3A_413 = arith.constant 50047 : i32
      %max3A_414 = vector.broadcast %jit3A_412 : i32 to vector<16xi32>
      %max3A_415 = arith.maxsi %max3A_414, %sub3A_411 : vector<16xi32>
      %min3A_416 = vector.broadcast %jit3A_413 : i32 to vector<16xi32>
      %min3A_417 = arith.minsi %min3A_416, %max3A_415 : vector<16xi32>
      %shift_right_logical3A_418 = arith.constant 7 : i32
      %shift_right_logical3A_419 = vector.broadcast %shift_right_logical3A_418 : i32 to vector<16xi32>
      %shift_right_logical3A_420 = arith.shrui %min3A_417, %shift_right_logical3A_419 : vector<16xi32>
      %and3A_421 = arith.constant 127 : i32
      %and3A_422 = vector.broadcast %and3A_421 : i32 to vector<16xi32>
      %and3A_423 = arith.andi %min3A_417, %and3A_422 : vector<16xi32>
      %gather3A_424 = tpu.vector_load_idx %arg7[%shift_right_logical3A_420, %broadcast_in_dim3A_1, %and3A_423] : memref<391x1x128xf32, #tpu.memory_space<vmem>>[vector<16xi32>, vector<16xi32>, vector<16xi32>], vector<16xf32>,
      %select_n3A_425 = arith.select %ge3A_408, %gather3A_424, %gather3A_405 : vector<16xi1>, vector<16xf32>
      %bitcast3A_426 = vector.bitcast %select_n3A_425 : vector<16xf32> to vector<16xi32>
      %swap3A_427 = arith.index_cast %scan3A_318 : i32 to index
      %swap3A_428 = arith.constant 32 : index
      %swap3A_429 = tpu.vector_load %arg5[%swap3A_427, %swap3A_428] {strides = array<i32>} : memref<128x128xi32, #tpu.memory_space<vmem>>, vector<16xi32>,
      tpu.vector_store %arg5[%swap3A_427, %swap3A_428], %bitcast3A_426 {strides = array<i32>} : memref<128x128xi32, #tpu.memory_space<vmem>>, vector<16xi32>,
      %get3A_430 = arith.index_cast %scan3A_318 : i32 to index
      %get3A_431 = arith.constant 48 : index
      %get3A_432 = tpu.vector_load %arg5[%get3A_430, %get3A_431] {strides = array<i32>} : memref<128x128xi32, #tpu.memory_space<vmem>>, vector<16xi32>,
      %min3A_433 = arith.constant 50047 : i32
      %min3A_434 = vector.broadcast %min3A_433 : i32 to vector<16xi32>
      %min3A_435 = arith.minsi %get3A_432, %min3A_434 : vector<16xi32>
      %shift_right_logical3A_436 = arith.constant 7 : i32
      %shift_right_logical3A_437 = vector.broadcast %shift_right_logical3A_436 : i32 to vector<16xi32>
      %shift_right_logical3A_438 = arith.shrui %min3A_435, %shift_right_logical3A_437 : vector<16xi32>
      %and3A_439 = arith.constant 127 : i32
      %and3A_440 = vector.broadcast %and3A_439 : i32 to vector<16xi32>
      %and3A_441 = arith.andi %min3A_435, %and3A_440 : vector<16xi32>
      %gather3A_442 = tpu.vector_load_idx %arg6[%shift_right_logical3A_438, %broadcast_in_dim3A_1, %and3A_441] : memref<391x1x128xf32, #tpu.memory_space<vmem>>[vector<16xi32>, vector<16xi32>, vector<16xi32>], vector<16xf32>,
      %ge3A_443 = arith.constant 50048 : i32
      %ge3A_444 = vector.broadcast %ge3A_443 : i32 to vector<16xi32>
      %ge3A_445 = arith.cmpi sge, %get3A_432, %ge3A_444 : vector<16xi32>
      %sub3A_446 = arith.constant 50048 : i32
      %sub3A_447 = vector.broadcast %sub3A_446 : i32 to vector<16xi32>
      %sub3A_448 = arith.subi %get3A_432, %sub3A_447 : vector<16xi32>
      %jit3A_449 = arith.constant 0 : i32
      %jit3A_450 = arith.constant 50047 : i32
      %max3A_451 = vector.broadcast %jit3A_449 : i32 to vector<16xi32>
      %max3A_452 = arith.maxsi %max3A_451, %sub3A_448 : vector<16xi32>
      %min3A_453 = vector.broadcast %jit3A_450 : i32 to vector<16xi32>
      %min3A_454 = arith.minsi %min3A_453, %max3A_452 : vector<16xi32>
      %shift_right_logical3A_455 = arith.constant 7 : i32
      %shift_right_logical3A_456 = vector.broadcast %shift_right_logical3A_455 : i32 to vector<16xi32>
      %shift_right_logical3A_457 = arith.shrui %min3A_454, %shift_right_logical3A_456 : vector<16xi32>
      %and3A_458 = arith.constant 127 : i32
      %and3A_459 = vector.broadcast %and3A_458 : i32 to vector<16xi32>
      %and3A_460 = arith.andi %min3A_454, %and3A_459 : vector<16xi32>
      %gather3A_461 = tpu.vector_load_idx %arg7[%shift_right_logical3A_457, %broadcast_in_dim3A_1, %and3A_460] : memref<391x1x128xf32, #tpu.memory_space<vmem>>[vector<16xi32>, vector<16xi32>, vector<16xi32>], vector<16xf32>,
      %select_n3A_462 = arith.select %ge3A_445, %gather3A_461, %gather3A_442 : vector<16xi1>, vector<16xf32>
      %bitcast3A_463 = vector.bitcast %select_n3A_462 : vector<16xf32> to vector<16xi32>
      %swap3A_464 = arith.index_cast %scan3A_318 : i32 to index
      %swap3A_465 = arith.constant 48 : index
      %swap3A_466 = tpu.vector_load %arg5[%swap3A_464, %swap3A_465] {strides = array<i32>} : memref<128x128xi32, #tpu.memory_space<vmem>>, vector<16xi32>,
      tpu.vector_store %arg5[%swap3A_464, %swap3A_465], %bitcast3A_463 {strides = array<i32>} : memref<128x128xi32, #tpu.memory_space<vmem>>, vector<16xi32>,
      %get3A_467 = arith.index_cast %scan3A_318 : i32 to index
      %get3A_468 = arith.constant 64 : index
      %get3A_469 = tpu.vector_load %arg5[%get3A_467, %get3A_468] {strides = array<i32>} : memref<128x128xi32, #tpu.memory_space<vmem>>, vector<16xi32>,
      %min3A_470 = arith.constant 50047 : i32
      %min3A_471 = vector.broadcast %min3A_470 : i32 to vector<16xi32>
      %min3A_472 = arith.minsi %get3A_469, %min3A_471 : vector<16xi32>
      %shift_right_logical3A_473 = arith.constant 7 : i32
      %shift_right_logical3A_474 = vector.broadcast %shift_right_logical3A_473 : i32 to vector<16xi32>
      %shift_right_logical3A_475 = arith.shrui %min3A_472, %shift_right_logical3A_474 : vector<16xi32>
      %and3A_476 = arith.constant 127 : i32
      %and3A_477 = vector.broadcast %and3A_476 : i32 to vector<16xi32>
      %and3A_478 = arith.andi %min3A_472, %and3A_477 : vector<16xi32>
      %gather3A_479 = tpu.vector_load_idx %arg6[%shift_right_logical3A_475, %broadcast_in_dim3A_1, %and3A_478] : memref<391x1x128xf32, #tpu.memory_space<vmem>>[vector<16xi32>, vector<16xi32>, vector<16xi32>], vector<16xf32>,
      %ge3A_480 = arith.constant 50048 : i32
      %ge3A_481 = vector.broadcast %ge3A_480 : i32 to vector<16xi32>
      %ge3A_482 = arith.cmpi sge, %get3A_469, %ge3A_481 : vector<16xi32>
      %sub3A_483 = arith.constant 50048 : i32
      %sub3A_484 = vector.broadcast %sub3A_483 : i32 to vector<16xi32>
      %sub3A_485 = arith.subi %get3A_469, %sub3A_484 : vector<16xi32>
      %jit3A_486 = arith.constant 0 : i32
      %jit3A_487 = arith.constant 50047 : i32
      %max3A_488 = vector.broadcast %jit3A_486 : i32 to vector<16xi32>
      %max3A_489 = arith.maxsi %max3A_488, %sub3A_485 : vector<16xi32>
      %min3A_490 = vector.broadcast %jit3A_487 : i32 to vector<16xi32>
      %min3A_491 = arith.minsi %min3A_490, %max3A_489 : vector<16xi32>
      %shift_right_logical3A_492 = arith.constant 7 : i32
      %shift_right_logical3A_493 = vector.broadcast %shift_right_logical3A_492 : i32 to vector<16xi32>
      %shift_right_logical3A_494 = arith.shrui %min3A_491, %shift_right_logical3A_493 : vector<16xi32>
      %and3A_495 = arith.constant 127 : i32
      %and3A_496 = vector.broadcast %and3A_495 : i32 to vector<16xi32>
      %and3A_497 = arith.andi %min3A_491, %and3A_496 : vector<16xi32>
      %gather3A_498 = tpu.vector_load_idx %arg7[%shift_right_logical3A_494, %broadcast_in_dim3A_1, %and3A_497] : memref<391x1x128xf32, #tpu.memory_space<vmem>>[vector<16xi32>, vector<16xi32>, vector<16xi32>], vector<16xf32>,
      %select_n3A_499 = arith.select %ge3A_482, %gather3A_498, %gather3A_479 : vector<16xi1>, vector<16xf32>
      %bitcast3A_500 = vector.bitcast %select_n3A_499 : vector<16xf32> to vector<16xi32>
      %swap3A_501 = arith.index_cast %scan3A_318 : i32 to index
      %swap3A_502 = arith.constant 64 : index
      %swap3A_503 = tpu.vector_load %arg5[%swap3A_501, %swap3A_502] {strides = array<i32>} : memref<128x128xi32, #tpu.memory_space<vmem>>, vector<16xi32>,
      tpu.vector_store %arg5[%swap3A_501, %swap3A_502], %bitcast3A_500 {strides = array<i32>} : memref<128x128xi32, #tpu.memory_space<vmem>>, vector<16xi32>,
      %get3A_504 = arith.index_cast %scan3A_318 : i32 to index
      %get3A_505 = arith.constant 80 : index
      %get3A_506 = tpu.vector_load %arg5[%get3A_504, %get3A_505] {strides = array<i32>} : memref<128x128xi32, #tpu.memory_space<vmem>>, vector<16xi32>,
      %min3A_507 = arith.constant 50047 : i32
      %min3A_508 = vector.broadcast %min3A_507 : i32 to vector<16xi32>
      %min3A_509 = arith.minsi %get3A_506, %min3A_508 : vector<16xi32>
      %shift_right_logical3A_510 = arith.constant 7 : i32
      %shift_right_logical3A_511 = vector.broadcast %shift_right_logical3A_510 : i32 to vector<16xi32>
      %shift_right_logical3A_512 = arith.shrui %min3A_509, %shift_right_logical3A_511 : vector<16xi32>
      %and3A_513 = arith.constant 127 : i32
      %and3A_514 = vector.broadcast %and3A_513 : i32 to vector<16xi32>
      %and3A_515 = arith.andi %min3A_509, %and3A_514 : vector<16xi32>
      %gather3A_516 = tpu.vector_load_idx %arg6[%shift_right_logical3A_512, %broadcast_in_dim3A_1, %and3A_515] : memref<391x1x128xf32, #tpu.memory_space<vmem>>[vector<16xi32>, vector<16xi32>, vector<16xi32>], vector<16xf32>,
      %ge3A_517 = arith.constant 50048 : i32
      %ge3A_518 = vector.broadcast %ge3A_517 : i32 to vector<16xi32>
      %ge3A_519 = arith.cmpi sge, %get3A_506, %ge3A_518 : vector<16xi32>
      %sub3A_520 = arith.constant 50048 : i32
      %sub3A_521 = vector.broadcast %sub3A_520 : i32 to vector<16xi32>
      %sub3A_522 = arith.subi %get3A_506, %sub3A_521 : vector<16xi32>
      %jit3A_523 = arith.constant 0 : i32
      %jit3A_524 = arith.constant 50047 : i32
      %max3A_525 = vector.broadcast %jit3A_523 : i32 to vector<16xi32>
      %max3A_526 = arith.maxsi %max3A_525, %sub3A_522 : vector<16xi32>
      %min3A_527 = vector.broadcast %jit3A_524 : i32 to vector<16xi32>
      %min3A_528 = arith.minsi %min3A_527, %max3A_526 : vector<16xi32>
      %shift_right_logical3A_529 = arith.constant 7 : i32
      %shift_right_logical3A_530 = vector.broadcast %shift_right_logical3A_529 : i32 to vector<16xi32>
      %shift_right_logical3A_531 = arith.shrui %min3A_528, %shift_right_logical3A_530 : vector<16xi32>
      %and3A_532 = arith.constant 127 : i32
      %and3A_533 = vector.broadcast %and3A_532 : i32 to vector<16xi32>
      %and3A_534 = arith.andi %min3A_528, %and3A_533 : vector<16xi32>
      %gather3A_535 = tpu.vector_load_idx %arg7[%shift_right_logical3A_531, %broadcast_in_dim3A_1, %and3A_534] : memref<391x1x128xf32, #tpu.memory_space<vmem>>[vector<16xi32>, vector<16xi32>, vector<16xi32>], vector<16xf32>,
      %select_n3A_536 = arith.select %ge3A_519, %gather3A_535, %gather3A_516 : vector<16xi1>, vector<16xf32>
      %bitcast3A_537 = vector.bitcast %select_n3A_536 : vector<16xf32> to vector<16xi32>
      %swap3A_538 = arith.index_cast %scan3A_318 : i32 to index
      %swap3A_539 = arith.constant 80 : index
      %swap3A_540 = tpu.vector_load %arg5[%swap3A_538, %swap3A_539] {strides = array<i32>} : memref<128x128xi32, #tpu.memory_space<vmem>>, vector<16xi32>,
      tpu.vector_store %arg5[%swap3A_538, %swap3A_539], %bitcast3A_537 {strides = array<i32>} : memref<128x128xi32, #tpu.memory_space<vmem>>, vector<16xi32>,
      %get3A_541 = arith.index_cast %scan3A_318 : i32 to index
      %get3A_542 = arith.constant 96 : index
      %get3A_543 = tpu.vector_load %arg5[%get3A_541, %get3A_542] {strides = array<i32>} : memref<128x128xi32, #tpu.memory_space<vmem>>, vector<16xi32>,
      %min3A_544 = arith.constant 50047 : i32
      %min3A_545 = vector.broadcast %min3A_544 : i32 to vector<16xi32>
      %min3A_546 = arith.minsi %get3A_543, %min3A_545 : vector<16xi32>
      %shift_right_logical3A_547 = arith.constant 7 : i32
      %shift_right_logical3A_548 = vector.broadcast %shift_right_logical3A_547 : i32 to vector<16xi32>
      %shift_right_logical3A_549 = arith.shrui %min3A_546, %shift_right_logical3A_548 : vector<16xi32>
      %and3A_550 = arith.constant 127 : i32
      %and3A_551 = vector.broadcast %and3A_550 : i32 to vector<16xi32>
      %and3A_552 = arith.andi %min3A_546, %and3A_551 : vector<16xi32>
      %gather3A_553 = tpu.vector_load_idx %arg6[%shift_right_logical3A_549, %broadcast_in_dim3A_1, %and3A_552] : memref<391x1x128xf32, #tpu.memory_space<vmem>>[vector<16xi32>, vector<16xi32>, vector<16xi32>], vector<16xf32>,
      %ge3A_554 = arith.constant 50048 : i32
      %ge3A_555 = vector.broadcast %ge3A_554 : i32 to vector<16xi32>
      %ge3A_556 = arith.cmpi sge, %get3A_543, %ge3A_555 : vector<16xi32>
      %sub3A_557 = arith.constant 50048 : i32
      %sub3A_558 = vector.broadcast %sub3A_557 : i32 to vector<16xi32>
      %sub3A_559 = arith.subi %get3A_543, %sub3A_558 : vector<16xi32>
      %jit3A_560 = arith.constant 0 : i32
      %jit3A_561 = arith.constant 50047 : i32
      %max3A_562 = vector.broadcast %jit3A_560 : i32 to vector<16xi32>
      %max3A_563 = arith.maxsi %max3A_562, %sub3A_559 : vector<16xi32>
      %min3A_564 = vector.broadcast %jit3A_561 : i32 to vector<16xi32>
      %min3A_565 = arith.minsi %min3A_564, %max3A_563 : vector<16xi32>
      %shift_right_logical3A_566 = arith.constant 7 : i32
      %shift_right_logical3A_567 = vector.broadcast %shift_right_logical3A_566 : i32 to vector<16xi32>
      %shift_right_logical3A_568 = arith.shrui %min3A_565, %shift_right_logical3A_567 : vector<16xi32>
      %and3A_569 = arith.constant 127 : i32
      %and3A_570 = vector.broadcast %and3A_569 : i32 to vector<16xi32>
      %and3A_571 = arith.andi %min3A_565, %and3A_570 : vector<16xi32>
      %gather3A_572 = tpu.vector_load_idx %arg7[%shift_right_logical3A_568, %broadcast_in_dim3A_1, %and3A_571] : memref<391x1x128xf32, #tpu.memory_space<vmem>>[vector<16xi32>, vector<16xi32>, vector<16xi32>], vector<16xf32>,
      %select_n3A_573 = arith.select %ge3A_556, %gather3A_572, %gather3A_553 : vector<16xi1>, vector<16xf32>
      %bitcast3A_574 = vector.bitcast %select_n3A_573 : vector<16xf32> to vector<16xi32>
      %swap3A_575 = arith.index_cast %scan3A_318 : i32 to index
      %swap3A_576 = arith.constant 96 : index
      %swap3A_577 = tpu.vector_load %arg5[%swap3A_575, %swap3A_576] {strides = array<i32>} : memref<128x128xi32, #tpu.memory_space<vmem>>, vector<16xi32>,
      tpu.vector_store %arg5[%swap3A_575, %swap3A_576], %bitcast3A_574 {strides = array<i32>} : memref<128x128xi32, #tpu.memory_space<vmem>>, vector<16xi32>,
      %get3A_578 = arith.index_cast %scan3A_318 : i32 to index
      %get3A_579 = arith.constant 112 : index
      %get3A_580 = tpu.vector_load %arg5[%get3A_578, %get3A_579] {strides = array<i32>} : memref<128x128xi32, #tpu.memory_space<vmem>>, vector<16xi32>,
      %min3A_581 = arith.constant 50047 : i32
      %min3A_582 = vector.broadcast %min3A_581 : i32 to vector<16xi32>
      %min3A_583 = arith.minsi %get3A_580, %min3A_582 : vector<16xi32>
      %shift_right_logical3A_584 = arith.constant 7 : i32
      %shift_right_logical3A_585 = vector.broadcast %shift_right_logical3A_584 : i32 to vector<16xi32>
      %shift_right_logical3A_586 = arith.shrui %min3A_583, %shift_right_logical3A_585 : vector<16xi32>
      %and3A_587 = arith.constant 127 : i32
      %and3A_588 = vector.broadcast %and3A_587 : i32 to vector<16xi32>
      %and3A_589 = arith.andi %min3A_583, %and3A_588 : vector<16xi32>
      %gather3A_590 = tpu.vector_load_idx %arg6[%shift_right_logical3A_586, %broadcast_in_dim3A_1, %and3A_589] : memref<391x1x128xf32, #tpu.memory_space<vmem>>[vector<16xi32>, vector<16xi32>, vector<16xi32>], vector<16xf32>,
      %ge3A_591 = arith.constant 50048 : i32
      %ge3A_592 = vector.broadcast %ge3A_591 : i32 to vector<16xi32>
      %ge3A_593 = arith.cmpi sge, %get3A_580, %ge3A_592 : vector<16xi32>
      %sub3A_594 = arith.constant 50048 : i32
      %sub3A_595 = vector.broadcast %sub3A_594 : i32 to vector<16xi32>
      %sub3A_596 = arith.subi %get3A_580, %sub3A_595 : vector<16xi32>
      %jit3A_597 = arith.constant 0 : i32
      %jit3A_598 = arith.constant 50047 : i32
      %max3A_599 = vector.broadcast %jit3A_597 : i32 to vector<16xi32>
      %max3A_600 = arith.maxsi %max3A_599, %sub3A_596 : vector<16xi32>
      %min3A_601 = vector.broadcast %jit3A_598 : i32 to vector<16xi32>
      %min3A_602 = arith.minsi %min3A_601, %max3A_600 : vector<16xi32>
      %shift_right_logical3A_603 = arith.constant 7 : i32
      %shift_right_logical3A_604 = vector.broadcast %shift_right_logical3A_603 : i32 to vector<16xi32>
      %shift_right_logical3A_605 = arith.shrui %min3A_602, %shift_right_logical3A_604 : vector<16xi32>
      %and3A_606 = arith.constant 127 : i32
      %and3A_607 = vector.broadcast %and3A_606 : i32 to vector<16xi32>
      %and3A_608 = arith.andi %min3A_602, %and3A_607 : vector<16xi32>
      %gather3A_609 = tpu.vector_load_idx %arg7[%shift_right_logical3A_605, %broadcast_in_dim3A_1, %and3A_608] : memref<391x1x128xf32, #tpu.memory_space<vmem>>[vector<16xi32>, vector<16xi32>, vector<16xi32>], vector<16xf32>,
      %select_n3A_610 = arith.select %ge3A_593, %gather3A_609, %gather3A_590 : vector<16xi1>, vector<16xf32>
      %bitcast3A_611 = vector.bitcast %select_n3A_610 : vector<16xf32> to vector<16xi32>
      %swap3A_612 = arith.index_cast %scan3A_318 : i32 to index
      %swap3A_613 = arith.constant 112 : index
      %swap3A_614 = tpu.vector_load %arg5[%swap3A_612, %swap3A_613] {strides = array<i32>} : memref<128x128xi32, #tpu.memory_space<vmem>>, vector<16xi32>,
      tpu.vector_store %arg5[%swap3A_612, %swap3A_613], %bitcast3A_611 {strides = array<i32>} : memref<128x128xi32, #tpu.memory_space<vmem>>, vector<16xi32>,
      %scan3A_615 = arith.constant 0 : i32
      %scan3A_616 = arith.constant 2 : i32
      %scan3A_617 = arith.addi %scan3A_30, %scan3A_616 : i32
      %get3A_618 = arith.index_cast %scan3A_617 : i32 to index
      %get3A_619 = arith.constant 0 : index
      %get3A_620 = tpu.vector_load %arg5[%get3A_618, %get3A_619] {strides = array<i32>} : memref<128x128xi32, #tpu.memory_space<vmem>>, vector<16xi32>,
      %min3A_621 = arith.constant 50047 : i32
      %min3A_622 = vector.broadcast %min3A_621 : i32 to vector<16xi32>
      %min3A_623 = arith.minsi %get3A_620, %min3A_622 : vector<16xi32>
      %shift_right_logical3A_624 = arith.constant 7 : i32
      %shift_right_logical3A_625 = vector.broadcast %shift_right_logical3A_624 : i32 to vector<16xi32>
      %shift_right_logical3A_626 = arith.shrui %min3A_623, %shift_right_logical3A_625 : vector<16xi32>
      %and3A_627 = arith.constant 127 : i32
      %and3A_628 = vector.broadcast %and3A_627 : i32 to vector<16xi32>
      %and3A_629 = arith.andi %min3A_623, %and3A_628 : vector<16xi32>
      %gather3A_630 = tpu.vector_load_idx %arg6[%shift_right_logical3A_626, %broadcast_in_dim3A_1, %and3A_629] : memref<391x1x128xf32, #tpu.memory_space<vmem>>[vector<16xi32>, vector<16xi32>, vector<16xi32>], vector<16xf32>,
      %ge3A_631 = arith.constant 50048 : i32
      %ge3A_632 = vector.broadcast %ge3A_631 : i32 to vector<16xi32>
      %ge3A_633 = arith.cmpi sge, %get3A_620, %ge3A_632 : vector<16xi32>
      %sub3A_634 = arith.constant 50048 : i32
      %sub3A_635 = vector.broadcast %sub3A_634 : i32 to vector<16xi32>
      %sub3A_636 = arith.subi %get3A_620, %sub3A_635 : vector<16xi32>
      %jit3A_637 = arith.constant 0 : i32
      %jit3A_638 = arith.constant 50047 : i32
      %max3A_639 = vector.broadcast %jit3A_637 : i32 to vector<16xi32>
      %max3A_640 = arith.maxsi %max3A_639, %sub3A_636 : vector<16xi32>
      %min3A_641 = vector.broadcast %jit3A_638 : i32 to vector<16xi32>
      %min3A_642 = arith.minsi %min3A_641, %max3A_640 : vector<16xi32>
      %shift_right_logical3A_643 = arith.constant 7 : i32
      %shift_right_logical3A_644 = vector.broadcast %shift_right_logical3A_643 : i32 to vector<16xi32>
      %shift_right_logical3A_645 = arith.shrui %min3A_642, %shift_right_logical3A_644 : vector<16xi32>
      %and3A_646 = arith.constant 127 : i32
      %and3A_647 = vector.broadcast %and3A_646 : i32 to vector<16xi32>
      %and3A_648 = arith.andi %min3A_642, %and3A_647 : vector<16xi32>
      %gather3A_649 = tpu.vector_load_idx %arg7[%shift_right_logical3A_645, %broadcast_in_dim3A_1, %and3A_648] : memref<391x1x128xf32, #tpu.memory_space<vmem>>[vector<16xi32>, vector<16xi32>, vector<16xi32>], vector<16xf32>,
      %select_n3A_650 = arith.select %ge3A_633, %gather3A_649, %gather3A_630 : vector<16xi1>, vector<16xf32>
      %bitcast3A_651 = vector.bitcast %select_n3A_650 : vector<16xf32> to vector<16xi32>
      %swap3A_652 = arith.index_cast %scan3A_617 : i32 to index
      %swap3A_653 = arith.constant 0 : index
      %swap3A_654 = tpu.vector_load %arg5[%swap3A_652, %swap3A_653] {strides = array<i32>} : memref<128x128xi32, #tpu.memory_space<vmem>>, vector<16xi32>,
      tpu.vector_store %arg5[%swap3A_652, %swap3A_653], %bitcast3A_651 {strides = array<i32>} : memref<128x128xi32, #tpu.memory_space<vmem>>, vector<16xi32>,
      %get3A_655 = arith.index_cast %scan3A_617 : i32 to index
      %get3A_656 = arith.constant 16 : index
      %get3A_657 = tpu.vector_load %arg5[%get3A_655, %get3A_656] {strides = array<i32>} : memref<128x128xi32, #tpu.memory_space<vmem>>, vector<16xi32>,
      %min3A_658 = arith.constant 50047 : i32
      %min3A_659 = vector.broadcast %min3A_658 : i32 to vector<16xi32>
      %min3A_660 = arith.minsi %get3A_657, %min3A_659 : vector<16xi32>
      %shift_right_logical3A_661 = arith.constant 7 : i32
      %shift_right_logical3A_662 = vector.broadcast %shift_right_logical3A_661 : i32 to vector<16xi32>
      %shift_right_logical3A_663 = arith.shrui %min3A_660, %shift_right_logical3A_662 : vector<16xi32>
      %and3A_664 = arith.constant 127 : i32
      %and3A_665 = vector.broadcast %and3A_664 : i32 to vector<16xi32>
      %and3A_666 = arith.andi %min3A_660, %and3A_665 : vector<16xi32>
      %gather3A_667 = tpu.vector_load_idx %arg6[%shift_right_logical3A_663, %broadcast_in_dim3A_1, %and3A_666] : memref<391x1x128xf32, #tpu.memory_space<vmem>>[vector<16xi32>, vector<16xi32>, vector<16xi32>], vector<16xf32>,
      %ge3A_668 = arith.constant 50048 : i32
      %ge3A_669 = vector.broadcast %ge3A_668 : i32 to vector<16xi32>
      %ge3A_670 = arith.cmpi sge, %get3A_657, %ge3A_669 : vector<16xi32>
      %sub3A_671 = arith.constant 50048 : i32
      %sub3A_672 = vector.broadcast %sub3A_671 : i32 to vector<16xi32>
      %sub3A_673 = arith.subi %get3A_657, %sub3A_672 : vector<16xi32>
      %jit3A_674 = arith.constant 0 : i32
      %jit3A_675 = arith.constant 50047 : i32
      %max3A_676 = vector.broadcast %jit3A_674 : i32 to vector<16xi32>
      %max3A_677 = arith.maxsi %max3A_676, %sub3A_673 : vector<16xi32>
      %min3A_678 = vector.broadcast %jit3A_675 : i32 to vector<16xi32>
      %min3A_679 = arith.minsi %min3A_678, %max3A_677 : vector<16xi32>
      %shift_right_logical3A_680 = arith.constant 7 : i32
      %shift_right_logical3A_681 = vector.broadcast %shift_right_logical3A_680 : i32 to vector<16xi32>
      %shift_right_logical3A_682 = arith.shrui %min3A_679, %shift_right_logical3A_681 : vector<16xi32>
      %and3A_683 = arith.constant 127 : i32
      %and3A_684 = vector.broadcast %and3A_683 : i32 to vector<16xi32>
      %and3A_685 = arith.andi %min3A_679, %and3A_684 : vector<16xi32>
      %gather3A_686 = tpu.vector_load_idx %arg7[%shift_right_logical3A_682, %broadcast_in_dim3A_1, %and3A_685] : memref<391x1x128xf32, #tpu.memory_space<vmem>>[vector<16xi32>, vector<16xi32>, vector<16xi32>], vector<16xf32>,
      %select_n3A_687 = arith.select %ge3A_670, %gather3A_686, %gather3A_667 : vector<16xi1>, vector<16xf32>
      %bitcast3A_688 = vector.bitcast %select_n3A_687 : vector<16xf32> to vector<16xi32>
      %swap3A_689 = arith.index_cast %scan3A_617 : i32 to index
      %swap3A_690 = arith.constant 16 : index
      %swap3A_691 = tpu.vector_load %arg5[%swap3A_689, %swap3A_690] {strides = array<i32>} : memref<128x128xi32, #tpu.memory_space<vmem>>, vector<16xi32>,
      tpu.vector_store %arg5[%swap3A_689, %swap3A_690], %bitcast3A_688 {strides = array<i32>} : memref<128x128xi32, #tpu.memory_space<vmem>>, vector<16xi32>,
      %get3A_692 = arith.index_cast %scan3A_617 : i32 to index
      %get3A_693 = arith.constant 32 : index
      %get3A_694 = tpu.vector_load %arg5[%get3A_692, %get3A_693] {strides = array<i32>} : memref<128x128xi32, #tpu.memory_space<vmem>>, vector<16xi32>,
      %min3A_695 = arith.constant 50047 : i32
      %min3A_696 = vector.broadcast %min3A_695 : i32 to vector<16xi32>
      %min3A_697 = arith.minsi %get3A_694, %min3A_696 : vector<16xi32>
      %shift_right_logical3A_698 = arith.constant 7 : i32
      %shift_right_logical3A_699 = vector.broadcast %shift_right_logical3A_698 : i32 to vector<16xi32>
      %shift_right_logical3A_700 = arith.shrui %min3A_697, %shift_right_logical3A_699 : vector<16xi32>
      %and3A_701 = arith.constant 127 : i32
      %and3A_702 = vector.broadcast %and3A_701 : i32 to vector<16xi32>
      %and3A_703 = arith.andi %min3A_697, %and3A_702 : vector<16xi32>
      %gather3A_704 = tpu.vector_load_idx %arg6[%shift_right_logical3A_700, %broadcast_in_dim3A_1, %and3A_703] : memref<391x1x128xf32, #tpu.memory_space<vmem>>[vector<16xi32>, vector<16xi32>, vector<16xi32>], vector<16xf32>,
      %ge3A_705 = arith.constant 50048 : i32
      %ge3A_706 = vector.broadcast %ge3A_705 : i32 to vector<16xi32>
      %ge3A_707 = arith.cmpi sge, %get3A_694, %ge3A_706 : vector<16xi32>
      %sub3A_708 = arith.constant 50048 : i32
      %sub3A_709 = vector.broadcast %sub3A_708 : i32 to vector<16xi32>
      %sub3A_710 = arith.subi %get3A_694, %sub3A_709 : vector<16xi32>
      %jit3A_711 = arith.constant 0 : i32
      %jit3A_712 = arith.constant 50047 : i32
      %max3A_713 = vector.broadcast %jit3A_711 : i32 to vector<16xi32>
      %max3A_714 = arith.maxsi %max3A_713, %sub3A_710 : vector<16xi32>
      %min3A_715 = vector.broadcast %jit3A_712 : i32 to vector<16xi32>
      %min3A_716 = arith.minsi %min3A_715, %max3A_714 : vector<16xi32>
      %shift_right_logical3A_717 = arith.constant 7 : i32
      %shift_right_logical3A_718 = vector.broadcast %shift_right_logical3A_717 : i32 to vector<16xi32>
      %shift_right_logical3A_719 = arith.shrui %min3A_716, %shift_right_logical3A_718 : vector<16xi32>
      %and3A_720 = arith.constant 127 : i32
      %and3A_721 = vector.broadcast %and3A_720 : i32 to vector<16xi32>
      %and3A_722 = arith.andi %min3A_716, %and3A_721 : vector<16xi32>
      %gather3A_723 = tpu.vector_load_idx %arg7[%shift_right_logical3A_719, %broadcast_in_dim3A_1, %and3A_722] : memref<391x1x128xf32, #tpu.memory_space<vmem>>[vector<16xi32>, vector<16xi32>, vector<16xi32>], vector<16xf32>,
      %select_n3A_724 = arith.select %ge3A_707, %gather3A_723, %gather3A_704 : vector<16xi1>, vector<16xf32>
      %bitcast3A_725 = vector.bitcast %select_n3A_724 : vector<16xf32> to vector<16xi32>
      %swap3A_726 = arith.index_cast %scan3A_617 : i32 to index
      %swap3A_727 = arith.constant 32 : index
      %swap3A_728 = tpu.vector_load %arg5[%swap3A_726, %swap3A_727] {strides = array<i32>} : memref<128x128xi32, #tpu.memory_space<vmem>>, vector<16xi32>,
      tpu.vector_store %arg5[%swap3A_726, %swap3A_727], %bitcast3A_725 {strides = array<i32>} : memref<128x128xi32, #tpu.memory_space<vmem>>, vector<16xi32>,
      %get3A_729 = arith.index_cast %scan3A_617 : i32 to index
      %get3A_730 = arith.constant 48 : index
      %get3A_731 = tpu.vector_load %arg5[%get3A_729, %get3A_730] {strides = array<i32>} : memref<128x128xi32, #tpu.memory_space<vmem>>, vector<16xi32>,
      %min3A_732 = arith.constant 50047 : i32
      %min3A_733 = vector.broadcast %min3A_732 : i32 to vector<16xi32>
      %min3A_734 = arith.minsi %get3A_731, %min3A_733 : vector<16xi32>
      %shift_right_logical3A_735 = arith.constant 7 : i32
      %shift_right_logical3A_736 = vector.broadcast %shift_right_logical3A_735 : i32 to vector<16xi32>
      %shift_right_logical3A_737 = arith.shrui %min3A_734, %shift_right_logical3A_736 : vector<16xi32>
      %and3A_738 = arith.constant 127 : i32
      %and3A_739 = vector.broadcast %and3A_738 : i32 to vector<16xi32>
      %and3A_740 = arith.andi %min3A_734, %and3A_739 : vector<16xi32>
      %gather3A_741 = tpu.vector_load_idx %arg6[%shift_right_logical3A_737, %broadcast_in_dim3A_1, %and3A_740] : memref<391x1x128xf32, #tpu.memory_space<vmem>>[vector<16xi32>, vector<16xi32>, vector<16xi32>], vector<16xf32>,
      %ge3A_742 = arith.constant 50048 : i32
      %ge3A_743 = vector.broadcast %ge3A_742 : i32 to vector<16xi32>
      %ge3A_744 = arith.cmpi sge, %get3A_731, %ge3A_743 : vector<16xi32>
      %sub3A_745 = arith.constant 50048 : i32
      %sub3A_746 = vector.broadcast %sub3A_745 : i32 to vector<16xi32>
      %sub3A_747 = arith.subi %get3A_731, %sub3A_746 : vector<16xi32>
      %jit3A_748 = arith.constant 0 : i32
      %jit3A_749 = arith.constant 50047 : i32
      %max3A_750 = vector.broadcast %jit3A_748 : i32 to vector<16xi32>
      %max3A_751 = arith.maxsi %max3A_750, %sub3A_747 : vector<16xi32>
      %min3A_752 = vector.broadcast %jit3A_749 : i32 to vector<16xi32>
      %min3A_753 = arith.minsi %min3A_752, %max3A_751 : vector<16xi32>
      %shift_right_logical3A_754 = arith.constant 7 : i32
      %shift_right_logical3A_755 = vector.broadcast %shift_right_logical3A_754 : i32 to vector<16xi32>
      %shift_right_logical3A_756 = arith.shrui %min3A_753, %shift_right_logical3A_755 : vector<16xi32>
      %and3A_757 = arith.constant 127 : i32
      %and3A_758 = vector.broadcast %and3A_757 : i32 to vector<16xi32>
      %and3A_759 = arith.andi %min3A_753, %and3A_758 : vector<16xi32>
      %gather3A_760 = tpu.vector_load_idx %arg7[%shift_right_logical3A_756, %broadcast_in_dim3A_1, %and3A_759] : memref<391x1x128xf32, #tpu.memory_space<vmem>>[vector<16xi32>, vector<16xi32>, vector<16xi32>], vector<16xf32>,
      %select_n3A_761 = arith.select %ge3A_744, %gather3A_760, %gather3A_741 : vector<16xi1>, vector<16xf32>
      %bitcast3A_762 = vector.bitcast %select_n3A_761 : vector<16xf32> to vector<16xi32>
      %swap3A_763 = arith.index_cast %scan3A_617 : i32 to index
      %swap3A_764 = arith.constant 48 : index
      %swap3A_765 = tpu.vector_load %arg5[%swap3A_763, %swap3A_764] {strides = array<i32>} : memref<128x128xi32, #tpu.memory_space<vmem>>, vector<16xi32>,
      tpu.vector_store %arg5[%swap3A_763, %swap3A_764], %bitcast3A_762 {strides = array<i32>} : memref<128x128xi32, #tpu.memory_space<vmem>>, vector<16xi32>,
      %get3A_766 = arith.index_cast %scan3A_617 : i32 to index
      %get3A_767 = arith.constant 64 : index
      %get3A_768 = tpu.vector_load %arg5[%get3A_766, %get3A_767] {strides = array<i32>} : memref<128x128xi32, #tpu.memory_space<vmem>>, vector<16xi32>,
      %min3A_769 = arith.constant 50047 : i32
      %min3A_770 = vector.broadcast %min3A_769 : i32 to vector<16xi32>
      %min3A_771 = arith.minsi %get3A_768, %min3A_770 : vector<16xi32>
      %shift_right_logical3A_772 = arith.constant 7 : i32
      %shift_right_logical3A_773 = vector.broadcast %shift_right_logical3A_772 : i32 to vector<16xi32>
      %shift_right_logical3A_774 = arith.shrui %min3A_771, %shift_right_logical3A_773 : vector<16xi32>
      %and3A_775 = arith.constant 127 : i32
      %and3A_776 = vector.broadcast %and3A_775 : i32 to vector<16xi32>
      %and3A_777 = arith.andi %min3A_771, %and3A_776 : vector<16xi32>
      %gather3A_778 = tpu.vector_load_idx %arg6[%shift_right_logical3A_774, %broadcast_in_dim3A_1, %and3A_777] : memref<391x1x128xf32, #tpu.memory_space<vmem>>[vector<16xi32>, vector<16xi32>, vector<16xi32>], vector<16xf32>,
      %ge3A_779 = arith.constant 50048 : i32
      %ge3A_780 = vector.broadcast %ge3A_779 : i32 to vector<16xi32>
      %ge3A_781 = arith.cmpi sge, %get3A_768, %ge3A_780 : vector<16xi32>
      %sub3A_782 = arith.constant 50048 : i32
      %sub3A_783 = vector.broadcast %sub3A_782 : i32 to vector<16xi32>
      %sub3A_784 = arith.subi %get3A_768, %sub3A_783 : vector<16xi32>
      %jit3A_785 = arith.constant 0 : i32
      %jit3A_786 = arith.constant 50047 : i32
      %max3A_787 = vector.broadcast %jit3A_785 : i32 to vector<16xi32>
      %max3A_788 = arith.maxsi %max3A_787, %sub3A_784 : vector<16xi32>
      %min3A_789 = vector.broadcast %jit3A_786 : i32 to vector<16xi32>
      %min3A_790 = arith.minsi %min3A_789, %max3A_788 : vector<16xi32>
      %shift_right_logical3A_791 = arith.constant 7 : i32
      %shift_right_logical3A_792 = vector.broadcast %shift_right_logical3A_791 : i32 to vector<16xi32>
      %shift_right_logical3A_793 = arith.shrui %min3A_790, %shift_right_logical3A_792 : vector<16xi32>
      %and3A_794 = arith.constant 127 : i32
      %and3A_795 = vector.broadcast %and3A_794 : i32 to vector<16xi32>
      %and3A_796 = arith.andi %min3A_790, %and3A_795 : vector<16xi32>
      %gather3A_797 = tpu.vector_load_idx %arg7[%shift_right_logical3A_793, %broadcast_in_dim3A_1, %and3A_796] : memref<391x1x128xf32, #tpu.memory_space<vmem>>[vector<16xi32>, vector<16xi32>, vector<16xi32>], vector<16xf32>,
      %select_n3A_798 = arith.select %ge3A_781, %gather3A_797, %gather3A_778 : vector<16xi1>, vector<16xf32>
      %bitcast3A_799 = vector.bitcast %select_n3A_798 : vector<16xf32> to vector<16xi32>
      %swap3A_800 = arith.index_cast %scan3A_617 : i32 to index
      %swap3A_801 = arith.constant 64 : index
      %swap3A_802 = tpu.vector_load %arg5[%swap3A_800, %swap3A_801] {strides = array<i32>} : memref<128x128xi32, #tpu.memory_space<vmem>>, vector<16xi32>,
      tpu.vector_store %arg5[%swap3A_800, %swap3A_801], %bitcast3A_799 {strides = array<i32>} : memref<128x128xi32, #tpu.memory_space<vmem>>, vector<16xi32>,
      %get3A_803 = arith.index_cast %scan3A_617 : i32 to index
      %get3A_804 = arith.constant 80 : index
      %get3A_805 = tpu.vector_load %arg5[%get3A_803, %get3A_804] {strides = array<i32>} : memref<128x128xi32, #tpu.memory_space<vmem>>, vector<16xi32>,
      %min3A_806 = arith.constant 50047 : i32
      %min3A_807 = vector.broadcast %min3A_806 : i32 to vector<16xi32>
      %min3A_808 = arith.minsi %get3A_805, %min3A_807 : vector<16xi32>
      %shift_right_logical3A_809 = arith.constant 7 : i32
      %shift_right_logical3A_810 = vector.broadcast %shift_right_logical3A_809 : i32 to vector<16xi32>
      %shift_right_logical3A_811 = arith.shrui %min3A_808, %shift_right_logical3A_810 : vector<16xi32>
      %and3A_812 = arith.constant 127 : i32
      %and3A_813 = vector.broadcast %and3A_812 : i32 to vector<16xi32>
      %and3A_814 = arith.andi %min3A_808, %and3A_813 : vector<16xi32>
      %gather3A_815 = tpu.vector_load_idx %arg6[%shift_right_logical3A_811, %broadcast_in_dim3A_1, %and3A_814] : memref<391x1x128xf32, #tpu.memory_space<vmem>>[vector<16xi32>, vector<16xi32>, vector<16xi32>], vector<16xf32>,
      %ge3A_816 = arith.constant 50048 : i32
      %ge3A_817 = vector.broadcast %ge3A_816 : i32 to vector<16xi32>
      %ge3A_818 = arith.cmpi sge, %get3A_805, %ge3A_817 : vector<16xi32>
      %sub3A_819 = arith.constant 50048 : i32
      %sub3A_820 = vector.broadcast %sub3A_819 : i32 to vector<16xi32>
      %sub3A_821 = arith.subi %get3A_805, %sub3A_820 : vector<16xi32>
      %jit3A_822 = arith.constant 0 : i32
      %jit3A_823 = arith.constant 50047 : i32
      %max3A_824 = vector.broadcast %jit3A_822 : i32 to vector<16xi32>
      %max3A_825 = arith.maxsi %max3A_824, %sub3A_821 : vector<16xi32>
      %min3A_826 = vector.broadcast %jit3A_823 : i32 to vector<16xi32>
      %min3A_827 = arith.minsi %min3A_826, %max3A_825 : vector<16xi32>
      %shift_right_logical3A_828 = arith.constant 7 : i32
      %shift_right_logical3A_829 = vector.broadcast %shift_right_logical3A_828 : i32 to vector<16xi32>
      %shift_right_logical3A_830 = arith.shrui %min3A_827, %shift_right_logical3A_829 : vector<16xi32>
      %and3A_831 = arith.constant 127 : i32
      %and3A_832 = vector.broadcast %and3A_831 : i32 to vector<16xi32>
      %and3A_833 = arith.andi %min3A_827, %and3A_832 : vector<16xi32>
      %gather3A_834 = tpu.vector_load_idx %arg7[%shift_right_logical3A_830, %broadcast_in_dim3A_1, %and3A_833] : memref<391x1x128xf32, #tpu.memory_space<vmem>>[vector<16xi32>, vector<16xi32>, vector<16xi32>], vector<16xf32>,
      %select_n3A_835 = arith.select %ge3A_818, %gather3A_834, %gather3A_815 : vector<16xi1>, vector<16xf32>
      %bitcast3A_836 = vector.bitcast %select_n3A_835 : vector<16xf32> to vector<16xi32>
      %swap3A_837 = arith.index_cast %scan3A_617 : i32 to index
      %swap3A_838 = arith.constant 80 : index
      %swap3A_839 = tpu.vector_load %arg5[%swap3A_837, %swap3A_838] {strides = array<i32>} : memref<128x128xi32, #tpu.memory_space<vmem>>, vector<16xi32>,
      tpu.vector_store %arg5[%swap3A_837, %swap3A_838], %bitcast3A_836 {strides = array<i32>} : memref<128x128xi32, #tpu.memory_space<vmem>>, vector<16xi32>,
      %get3A_840 = arith.index_cast %scan3A_617 : i32 to index
      %get3A_841 = arith.constant 96 : index
      %get3A_842 = tpu.vector_load %arg5[%get3A_840, %get3A_841] {strides = array<i32>} : memref<128x128xi32, #tpu.memory_space<vmem>>, vector<16xi32>,
      %min3A_843 = arith.constant 50047 : i32
      %min3A_844 = vector.broadcast %min3A_843 : i32 to vector<16xi32>
      %min3A_845 = arith.minsi %get3A_842, %min3A_844 : vector<16xi32>
      %shift_right_logical3A_846 = arith.constant 7 : i32
      %shift_right_logical3A_847 = vector.broadcast %shift_right_logical3A_846 : i32 to vector<16xi32>
      %shift_right_logical3A_848 = arith.shrui %min3A_845, %shift_right_logical3A_847 : vector<16xi32>
      %and3A_849 = arith.constant 127 : i32
      %and3A_850 = vector.broadcast %and3A_849 : i32 to vector<16xi32>
      %and3A_851 = arith.andi %min3A_845, %and3A_850 : vector<16xi32>
      %gather3A_852 = tpu.vector_load_idx %arg6[%shift_right_logical3A_848, %broadcast_in_dim3A_1, %and3A_851] : memref<391x1x128xf32, #tpu.memory_space<vmem>>[vector<16xi32>, vector<16xi32>, vector<16xi32>], vector<16xf32>,
      %ge3A_853 = arith.constant 50048 : i32
      %ge3A_854 = vector.broadcast %ge3A_853 : i32 to vector<16xi32>
      %ge3A_855 = arith.cmpi sge, %get3A_842, %ge3A_854 : vector<16xi32>
      %sub3A_856 = arith.constant 50048 : i32
      %sub3A_857 = vector.broadcast %sub3A_856 : i32 to vector<16xi32>
      %sub3A_858 = arith.subi %get3A_842, %sub3A_857 : vector<16xi32>
      %jit3A_859 = arith.constant 0 : i32
      %jit3A_860 = arith.constant 50047 : i32
      %max3A_861 = vector.broadcast %jit3A_859 : i32 to vector<16xi32>
      %max3A_862 = arith.maxsi %max3A_861, %sub3A_858 : vector<16xi32>
      %min3A_863 = vector.broadcast %jit3A_860 : i32 to vector<16xi32>
      %min3A_864 = arith.minsi %min3A_863, %max3A_862 : vector<16xi32>
      %shift_right_logical3A_865 = arith.constant 7 : i32
      %shift_right_logical3A_866 = vector.broadcast %shift_right_logical3A_865 : i32 to vector<16xi32>
      %shift_right_logical3A_867 = arith.shrui %min3A_864, %shift_right_logical3A_866 : vector<16xi32>
      %and3A_868 = arith.constant 127 : i32
      %and3A_869 = vector.broadcast %and3A_868 : i32 to vector<16xi32>
      %and3A_870 = arith.andi %min3A_864, %and3A_869 : vector<16xi32>
      %gather3A_871 = tpu.vector_load_idx %arg7[%shift_right_logical3A_867, %broadcast_in_dim3A_1, %and3A_870] : memref<391x1x128xf32, #tpu.memory_space<vmem>>[vector<16xi32>, vector<16xi32>, vector<16xi32>], vector<16xf32>,
      %select_n3A_872 = arith.select %ge3A_855, %gather3A_871, %gather3A_852 : vector<16xi1>, vector<16xf32>
      %bitcast3A_873 = vector.bitcast %select_n3A_872 : vector<16xf32> to vector<16xi32>
      %swap3A_874 = arith.index_cast %scan3A_617 : i32 to index
      %swap3A_875 = arith.constant 96 : index
      %swap3A_876 = tpu.vector_load %arg5[%swap3A_874, %swap3A_875] {strides = array<i32>} : memref<128x128xi32, #tpu.memory_space<vmem>>, vector<16xi32>,
      tpu.vector_store %arg5[%swap3A_874, %swap3A_875], %bitcast3A_873 {strides = array<i32>} : memref<128x128xi32, #tpu.memory_space<vmem>>, vector<16xi32>,
      %get3A_877 = arith.index_cast %scan3A_617 : i32 to index
      %get3A_878 = arith.constant 112 : index
      %get3A_879 = tpu.vector_load %arg5[%get3A_877, %get3A_878] {strides = array<i32>} : memref<128x128xi32, #tpu.memory_space<vmem>>, vector<16xi32>,
      %min3A_880 = arith.constant 50047 : i32
      %min3A_881 = vector.broadcast %min3A_880 : i32 to vector<16xi32>
      %min3A_882 = arith.minsi %get3A_879, %min3A_881 : vector<16xi32>
      %shift_right_logical3A_883 = arith.constant 7 : i32
      %shift_right_logical3A_884 = vector.broadcast %shift_right_logical3A_883 : i32 to vector<16xi32>
      %shift_right_logical3A_885 = arith.shrui %min3A_882, %shift_right_logical3A_884 : vector<16xi32>
      %and3A_886 = arith.constant 127 : i32
      %and3A_887 = vector.broadcast %and3A_886 : i32 to vector<16xi32>
      %and3A_888 = arith.andi %min3A_882, %and3A_887 : vector<16xi32>
      %gather3A_889 = tpu.vector_load_idx %arg6[%shift_right_logical3A_885, %broadcast_in_dim3A_1, %and3A_888] : memref<391x1x128xf32, #tpu.memory_space<vmem>>[vector<16xi32>, vector<16xi32>, vector<16xi32>], vector<16xf32>,
      %ge3A_890 = arith.constant 50048 : i32
      %ge3A_891 = vector.broadcast %ge3A_890 : i32 to vector<16xi32>
      %ge3A_892 = arith.cmpi sge, %get3A_879, %ge3A_891 : vector<16xi32>
      %sub3A_893 = arith.constant 50048 : i32
      %sub3A_894 = vector.broadcast %sub3A_893 : i32 to vector<16xi32>
      %sub3A_895 = arith.subi %get3A_879, %sub3A_894 : vector<16xi32>
      %jit3A_896 = arith.constant 0 : i32
      %jit3A_897 = arith.constant 50047 : i32
      %max3A_898 = vector.broadcast %jit3A_896 : i32 to vector<16xi32>
      %max3A_899 = arith.maxsi %max3A_898, %sub3A_895 : vector<16xi32>
      %min3A_900 = vector.broadcast %jit3A_897 : i32 to vector<16xi32>
      %min3A_901 = arith.minsi %min3A_900, %max3A_899 : vector<16xi32>
      %shift_right_logical3A_902 = arith.constant 7 : i32
      %shift_right_logical3A_903 = vector.broadcast %shift_right_logical3A_902 : i32 to vector<16xi32>
      %shift_right_logical3A_904 = arith.shrui %min3A_901, %shift_right_logical3A_903 : vector<16xi32>
      %and3A_905 = arith.constant 127 : i32
      %and3A_906 = vector.broadcast %and3A_905 : i32 to vector<16xi32>
      %and3A_907 = arith.andi %min3A_901, %and3A_906 : vector<16xi32>
      %gather3A_908 = tpu.vector_load_idx %arg7[%shift_right_logical3A_904, %broadcast_in_dim3A_1, %and3A_907] : memref<391x1x128xf32, #tpu.memory_space<vmem>>[vector<16xi32>, vector<16xi32>, vector<16xi32>], vector<16xf32>,
      %select_n3A_909 = arith.select %ge3A_892, %gather3A_908, %gather3A_889 : vector<16xi1>, vector<16xf32>
      %bitcast3A_910 = vector.bitcast %select_n3A_909 : vector<16xf32> to vector<16xi32>
      %swap3A_911 = arith.index_cast %scan3A_617 : i32 to index
      %swap3A_912 = arith.constant 112 : index
      %swap3A_913 = tpu.vector_load %arg5[%swap3A_911, %swap3A_912] {strides = array<i32>} : memref<128x128xi32, #tpu.memory_space<vmem>>, vector<16xi32>,
      tpu.vector_store %arg5[%swap3A_911, %swap3A_912], %bitcast3A_910 {strides = array<i32>} : memref<128x128xi32, #tpu.memory_space<vmem>>, vector<16xi32>,
      %scan3A_914 = arith.constant 0 : i32
      %scan3A_915 = arith.constant 3 : i32
      %scan3A_916 = arith.addi %scan3A_30, %scan3A_915 : i32
      %get3A_917 = arith.index_cast %scan3A_916 : i32 to index
      %get3A_918 = arith.constant 0 : index
      %get3A_919 = tpu.vector_load %arg5[%get3A_917, %get3A_918] {strides = array<i32>} : memref<128x128xi32, #tpu.memory_space<vmem>>, vector<16xi32>,
      %min3A_920 = arith.constant 50047 : i32
      %min3A_921 = vector.broadcast %min3A_920 : i32 to vector<16xi32>
      %min3A_922 = arith.minsi %get3A_919, %min3A_921 : vector<16xi32>
      %shift_right_logical3A_923 = arith.constant 7 : i32
      %shift_right_logical3A_924 = vector.broadcast %shift_right_logical3A_923 : i32 to vector<16xi32>
      %shift_right_logical3A_925 = arith.shrui %min3A_922, %shift_right_logical3A_924 : vector<16xi32>
      %and3A_926 = arith.constant 127 : i32
      %and3A_927 = vector.broadcast %and3A_926 : i32 to vector<16xi32>
      %and3A_928 = arith.andi %min3A_922, %and3A_927 : vector<16xi32>
      %gather3A_929 = tpu.vector_load_idx %arg6[%shift_right_logical3A_925, %broadcast_in_dim3A_1, %and3A_928] : memref<391x1x128xf32, #tpu.memory_space<vmem>>[vector<16xi32>, vector<16xi32>, vector<16xi32>], vector<16xf32>,
      %ge3A_930 = arith.constant 50048 : i32
      %ge3A_931 = vector.broadcast %ge3A_930 : i32 to vector<16xi32>
      %ge3A_932 = arith.cmpi sge, %get3A_919, %ge3A_931 : vector<16xi32>
      %sub3A_933 = arith.constant 50048 : i32
      %sub3A_934 = vector.broadcast %sub3A_933 : i32 to vector<16xi32>
      %sub3A_935 = arith.subi %get3A_919, %sub3A_934 : vector<16xi32>
      %jit3A_936 = arith.constant 0 : i32
      %jit3A_937 = arith.constant 50047 : i32
      %max3A_938 = vector.broadcast %jit3A_936 : i32 to vector<16xi32>
      %max3A_939 = arith.maxsi %max3A_938, %sub3A_935 : vector<16xi32>
      %min3A_940 = vector.broadcast %jit3A_937 : i32 to vector<16xi32>
      %min3A_941 = arith.minsi %min3A_940, %max3A_939 : vector<16xi32>
      %shift_right_logical3A_942 = arith.constant 7 : i32
      %shift_right_logical3A_943 = vector.broadcast %shift_right_logical3A_942 : i32 to vector<16xi32>
      %shift_right_logical3A_944 = arith.shrui %min3A_941, %shift_right_logical3A_943 : vector<16xi32>
      %and3A_945 = arith.constant 127 : i32
      %and3A_946 = vector.broadcast %and3A_945 : i32 to vector<16xi32>
      %and3A_947 = arith.andi %min3A_941, %and3A_946 : vector<16xi32>
      %gather3A_948 = tpu.vector_load_idx %arg7[%shift_right_logical3A_944, %broadcast_in_dim3A_1, %and3A_947] : memref<391x1x128xf32, #tpu.memory_space<vmem>>[vector<16xi32>, vector<16xi32>, vector<16xi32>], vector<16xf32>,
      %select_n3A_949 = arith.select %ge3A_932, %gather3A_948, %gather3A_929 : vector<16xi1>, vector<16xf32>
      %bitcast3A_950 = vector.bitcast %select_n3A_949 : vector<16xf32> to vector<16xi32>
      %swap3A_951 = arith.index_cast %scan3A_916 : i32 to index
      %swap3A_952 = arith.constant 0 : index
      %swap3A_953 = tpu.vector_load %arg5[%swap3A_951, %swap3A_952] {strides = array<i32>} : memref<128x128xi32, #tpu.memory_space<vmem>>, vector<16xi32>,
      tpu.vector_store %arg5[%swap3A_951, %swap3A_952], %bitcast3A_950 {strides = array<i32>} : memref<128x128xi32, #tpu.memory_space<vmem>>, vector<16xi32>,
      %get3A_954 = arith.index_cast %scan3A_916 : i32 to index
      %get3A_955 = arith.constant 16 : index
      %get3A_956 = tpu.vector_load %arg5[%get3A_954, %get3A_955] {strides = array<i32>} : memref<128x128xi32, #tpu.memory_space<vmem>>, vector<16xi32>,
      %min3A_957 = arith.constant 50047 : i32
      %min3A_958 = vector.broadcast %min3A_957 : i32 to vector<16xi32>
      %min3A_959 = arith.minsi %get3A_956, %min3A_958 : vector<16xi32>
      %shift_right_logical3A_960 = arith.constant 7 : i32
      %shift_right_logical3A_961 = vector.broadcast %shift_right_logical3A_960 : i32 to vector<16xi32>
      %shift_right_logical3A_962 = arith.shrui %min3A_959, %shift_right_logical3A_961 : vector<16xi32>
      %and3A_963 = arith.constant 127 : i32
      %and3A_964 = vector.broadcast %and3A_963 : i32 to vector<16xi32>
      %and3A_965 = arith.andi %min3A_959, %and3A_964 : vector<16xi32>
      %gather3A_966 = tpu.vector_load_idx %arg6[%shift_right_logical3A_962, %broadcast_in_dim3A_1, %and3A_965] : memref<391x1x128xf32, #tpu.memory_space<vmem>>[vector<16xi32>, vector<16xi32>, vector<16xi32>], vector<16xf32>,
      %ge3A_967 = arith.constant 50048 : i32
      %ge3A_968 = vector.broadcast %ge3A_967 : i32 to vector<16xi32>
      %ge3A_969 = arith.cmpi sge, %get3A_956, %ge3A_968 : vector<16xi32>
      %sub3A_970 = arith.constant 50048 : i32
      %sub3A_971 = vector.broadcast %sub3A_970 : i32 to vector<16xi32>
      %sub3A_972 = arith.subi %get3A_956, %sub3A_971 : vector<16xi32>
      %jit3A_973 = arith.constant 0 : i32
      %jit3A_974 = arith.constant 50047 : i32
      %max3A_975 = vector.broadcast %jit3A_973 : i32 to vector<16xi32>
      %max3A_976 = arith.maxsi %max3A_975, %sub3A_972 : vector<16xi32>
      %min3A_977 = vector.broadcast %jit3A_974 : i32 to vector<16xi32>
      %min3A_978 = arith.minsi %min3A_977, %max3A_976 : vector<16xi32>
      %shift_right_logical3A_979 = arith.constant 7 : i32
      %shift_right_logical3A_980 = vector.broadcast %shift_right_logical3A_979 : i32 to vector<16xi32>
      %shift_right_logical3A_981 = arith.shrui %min3A_978, %shift_right_logical3A_980 : vector<16xi32>
      %and3A_982 = arith.constant 127 : i32
      %and3A_983 = vector.broadcast %and3A_982 : i32 to vector<16xi32>
      %and3A_984 = arith.andi %min3A_978, %and3A_983 : vector<16xi32>
      %gather3A_985 = tpu.vector_load_idx %arg7[%shift_right_logical3A_981, %broadcast_in_dim3A_1, %and3A_984] : memref<391x1x128xf32, #tpu.memory_space<vmem>>[vector<16xi32>, vector<16xi32>, vector<16xi32>], vector<16xf32>,
      %select_n3A_986 = arith.select %ge3A_969, %gather3A_985, %gather3A_966 : vector<16xi1>, vector<16xf32>
      %bitcast3A_987 = vector.bitcast %select_n3A_986 : vector<16xf32> to vector<16xi32>
      %swap3A_988 = arith.index_cast %scan3A_916 : i32 to index
      %swap3A_989 = arith.constant 16 : index
      %swap3A_990 = tpu.vector_load %arg5[%swap3A_988, %swap3A_989] {strides = array<i32>} : memref<128x128xi32, #tpu.memory_space<vmem>>, vector<16xi32>,
      tpu.vector_store %arg5[%swap3A_988, %swap3A_989], %bitcast3A_987 {strides = array<i32>} : memref<128x128xi32, #tpu.memory_space<vmem>>, vector<16xi32>,
      %get3A_991 = arith.index_cast %scan3A_916 : i32 to index
      %get3A_992 = arith.constant 32 : index
      %get3A_993 = tpu.vector_load %arg5[%get3A_991, %get3A_992] {strides = array<i32>} : memref<128x128xi32, #tpu.memory_space<vmem>>, vector<16xi32>,
      %min3A_994 = arith.constant 50047 : i32
      %min3A_995 = vector.broadcast %min3A_994 : i32 to vector<16xi32>
      %min3A_996 = arith.minsi %get3A_993, %min3A_995 : vector<16xi32>
      %shift_right_logical3A_997 = arith.constant 7 : i32
      %shift_right_logical3A_998 = vector.broadcast %shift_right_logical3A_997 : i32 to vector<16xi32>
      %shift_right_logical3A_999 = arith.shrui %min3A_996, %shift_right_logical3A_998 : vector<16xi32>
      %and3A_1000 = arith.constant 127 : i32
      %and3A_1001 = vector.broadcast %and3A_1000 : i32 to vector<16xi32>
      %and3A_1002 = arith.andi %min3A_996, %and3A_1001 : vector<16xi32>
      %gather3A_1003 = tpu.vector_load_idx %arg6[%shift_right_logical3A_999, %broadcast_in_dim3A_1, %and3A_1002] : memref<391x1x128xf32, #tpu.memory_space<vmem>>[vector<16xi32>, vector<16xi32>, vector<16xi32>], vector<16xf32>,
      %ge3A_1004 = arith.constant 50048 : i32
      %ge3A_1005 = vector.broadcast %ge3A_1004 : i32 to vector<16xi32>
      %ge3A_1006 = arith.cmpi sge, %get3A_993, %ge3A_1005 : vector<16xi32>
      %sub3A_1007 = arith.constant 50048 : i32
      %sub3A_1008 = vector.broadcast %sub3A_1007 : i32 to vector<16xi32>
      %sub3A_1009 = arith.subi %get3A_993, %sub3A_1008 : vector<16xi32>
      %jit3A_1010 = arith.constant 0 : i32
      %jit3A_1011 = arith.constant 50047 : i32
      %max3A_1012 = vector.broadcast %jit3A_1010 : i32 to vector<16xi32>
      %max3A_1013 = arith.maxsi %max3A_1012, %sub3A_1009 : vector<16xi32>
      %min3A_1014 = vector.broadcast %jit3A_1011 : i32 to vector<16xi32>
      %min3A_1015 = arith.minsi %min3A_1014, %max3A_1013 : vector<16xi32>
      %shift_right_logical3A_1016 = arith.constant 7 : i32
      %shift_right_logical3A_1017 = vector.broadcast %shift_right_logical3A_1016 : i32 to vector<16xi32>
      %shift_right_logical3A_1018 = arith.shrui %min3A_1015, %shift_right_logical3A_1017 : vector<16xi32>
      %and3A_1019 = arith.constant 127 : i32
      %and3A_1020 = vector.broadcast %and3A_1019 : i32 to vector<16xi32>
      %and3A_1021 = arith.andi %min3A_1015, %and3A_1020 : vector<16xi32>
      %gather3A_1022 = tpu.vector_load_idx %arg7[%shift_right_logical3A_1018, %broadcast_in_dim3A_1, %and3A_1021] : memref<391x1x128xf32, #tpu.memory_space<vmem>>[vector<16xi32>, vector<16xi32>, vector<16xi32>], vector<16xf32>,
      %select_n3A_1023 = arith.select %ge3A_1006, %gather3A_1022, %gather3A_1003 : vector<16xi1>, vector<16xf32>
      %bitcast3A_1024 = vector.bitcast %select_n3A_1023 : vector<16xf32> to vector<16xi32>
      %swap3A_1025 = arith.index_cast %scan3A_916 : i32 to index
      %swap3A_1026 = arith.constant 32 : index
      %swap3A_1027 = tpu.vector_load %arg5[%swap3A_1025, %swap3A_1026] {strides = array<i32>} : memref<128x128xi32, #tpu.memory_space<vmem>>, vector<16xi32>,
      tpu.vector_store %arg5[%swap3A_1025, %swap3A_1026], %bitcast3A_1024 {strides = array<i32>} : memref<128x128xi32, #tpu.memory_space<vmem>>, vector<16xi32>,
      %get3A_1028 = arith.index_cast %scan3A_916 : i32 to index
      %get3A_1029 = arith.constant 48 : index
      %get3A_1030 = tpu.vector_load %arg5[%get3A_1028, %get3A_1029] {strides = array<i32>} : memref<128x128xi32, #tpu.memory_space<vmem>>, vector<16xi32>,
      %min3A_1031 = arith.constant 50047 : i32
      %min3A_1032 = vector.broadcast %min3A_1031 : i32 to vector<16xi32>
      %min3A_1033 = arith.minsi %get3A_1030, %min3A_1032 : vector<16xi32>
      %shift_right_logical3A_1034 = arith.constant 7 : i32
      %shift_right_logical3A_1035 = vector.broadcast %shift_right_logical3A_1034 : i32 to vector<16xi32>
      %shift_right_logical3A_1036 = arith.shrui %min3A_1033, %shift_right_logical3A_1035 : vector<16xi32>
      %and3A_1037 = arith.constant 127 : i32
      %and3A_1038 = vector.broadcast %and3A_1037 : i32 to vector<16xi32>
      %and3A_1039 = arith.andi %min3A_1033, %and3A_1038 : vector<16xi32>
      %gather3A_1040 = tpu.vector_load_idx %arg6[%shift_right_logical3A_1036, %broadcast_in_dim3A_1, %and3A_1039] : memref<391x1x128xf32, #tpu.memory_space<vmem>>[vector<16xi32>, vector<16xi32>, vector<16xi32>], vector<16xf32>,
      %ge3A_1041 = arith.constant 50048 : i32
      %ge3A_1042 = vector.broadcast %ge3A_1041 : i32 to vector<16xi32>
      %ge3A_1043 = arith.cmpi sge, %get3A_1030, %ge3A_1042 : vector<16xi32>
      %sub3A_1044 = arith.constant 50048 : i32
      %sub3A_1045 = vector.broadcast %sub3A_1044 : i32 to vector<16xi32>
      %sub3A_1046 = arith.subi %get3A_1030, %sub3A_1045 : vector<16xi32>
      %jit3A_1047 = arith.constant 0 : i32
      %jit3A_1048 = arith.constant 50047 : i32
      %max3A_1049 = vector.broadcast %jit3A_1047 : i32 to vector<16xi32>
      %max3A_1050 = arith.maxsi %max3A_1049, %sub3A_1046 : vector<16xi32>
      %min3A_1051 = vector.broadcast %jit3A_1048 : i32 to vector<16xi32>
      %min3A_1052 = arith.minsi %min3A_1051, %max3A_1050 : vector<16xi32>
      %shift_right_logical3A_1053 = arith.constant 7 : i32
      %shift_right_logical3A_1054 = vector.broadcast %shift_right_logical3A_1053 : i32 to vector<16xi32>
      %shift_right_logical3A_1055 = arith.shrui %min3A_1052, %shift_right_logical3A_1054 : vector<16xi32>
      %and3A_1056 = arith.constant 127 : i32
      %and3A_1057 = vector.broadcast %and3A_1056 : i32 to vector<16xi32>
      %and3A_1058 = arith.andi %min3A_1052, %and3A_1057 : vector<16xi32>
      %gather3A_1059 = tpu.vector_load_idx %arg7[%shift_right_logical3A_1055, %broadcast_in_dim3A_1, %and3A_1058] : memref<391x1x128xf32, #tpu.memory_space<vmem>>[vector<16xi32>, vector<16xi32>, vector<16xi32>], vector<16xf32>,
      %select_n3A_1060 = arith.select %ge3A_1043, %gather3A_1059, %gather3A_1040 : vector<16xi1>, vector<16xf32>
      %bitcast3A_1061 = vector.bitcast %select_n3A_1060 : vector<16xf32> to vector<16xi32>
      %swap3A_1062 = arith.index_cast %scan3A_916 : i32 to index
      %swap3A_1063 = arith.constant 48 : index
      %swap3A_1064 = tpu.vector_load %arg5[%swap3A_1062, %swap3A_1063] {strides = array<i32>} : memref<128x128xi32, #tpu.memory_space<vmem>>, vector<16xi32>,
      tpu.vector_store %arg5[%swap3A_1062, %swap3A_1063], %bitcast3A_1061 {strides = array<i32>} : memref<128x128xi32, #tpu.memory_space<vmem>>, vector<16xi32>,
      %get3A_1065 = arith.index_cast %scan3A_916 : i32 to index
      %get3A_1066 = arith.constant 64 : index
      %get3A_1067 = tpu.vector_load %arg5[%get3A_1065, %get3A_1066] {strides = array<i32>} : memref<128x128xi32, #tpu.memory_space<vmem>>, vector<16xi32>,
      %min3A_1068 = arith.constant 50047 : i32
      %min3A_1069 = vector.broadcast %min3A_1068 : i32 to vector<16xi32>
      %min3A_1070 = arith.minsi %get3A_1067, %min3A_1069 : vector<16xi32>
      %shift_right_logical3A_1071 = arith.constant 7 : i32
      %shift_right_logical3A_1072 = vector.broadcast %shift_right_logical3A_1071 : i32 to vector<16xi32>
      %shift_right_logical3A_1073 = arith.shrui %min3A_1070, %shift_right_logical3A_1072 : vector<16xi32>
      %and3A_1074 = arith.constant 127 : i32
      %and3A_1075 = vector.broadcast %and3A_1074 : i32 to vector<16xi32>
      %and3A_1076 = arith.andi %min3A_1070, %and3A_1075 : vector<16xi32>
      %gather3A_1077 = tpu.vector_load_idx %arg6[%shift_right_logical3A_1073, %broadcast_in_dim3A_1, %and3A_1076] : memref<391x1x128xf32, #tpu.memory_space<vmem>>[vector<16xi32>, vector<16xi32>, vector<16xi32>], vector<16xf32>,
      %ge3A_1078 = arith.constant 50048 : i32
      %ge3A_1079 = vector.broadcast %ge3A_1078 : i32 to vector<16xi32>
      %ge3A_1080 = arith.cmpi sge, %get3A_1067, %ge3A_1079 : vector<16xi32>
      %sub3A_1081 = arith.constant 50048 : i32
      %sub3A_1082 = vector.broadcast %sub3A_1081 : i32 to vector<16xi32>
      %sub3A_1083 = arith.subi %get3A_1067, %sub3A_1082 : vector<16xi32>
      %jit3A_1084 = arith.constant 0 : i32
      %jit3A_1085 = arith.constant 50047 : i32
      %max3A_1086 = vector.broadcast %jit3A_1084 : i32 to vector<16xi32>
      %max3A_1087 = arith.maxsi %max3A_1086, %sub3A_1083 : vector<16xi32>
      %min3A_1088 = vector.broadcast %jit3A_1085 : i32 to vector<16xi32>
      %min3A_1089 = arith.minsi %min3A_1088, %max3A_1087 : vector<16xi32>
      %shift_right_logical3A_1090 = arith.constant 7 : i32
      %shift_right_logical3A_1091 = vector.broadcast %shift_right_logical3A_1090 : i32 to vector<16xi32>
      %shift_right_logical3A_1092 = arith.shrui %min3A_1089, %shift_right_logical3A_1091 : vector<16xi32>
      %and3A_1093 = arith.constant 127 : i32
      %and3A_1094 = vector.broadcast %and3A_1093 : i32 to vector<16xi32>
      %and3A_1095 = arith.andi %min3A_1089, %and3A_1094 : vector<16xi32>
      %gather3A_1096 = tpu.vector_load_idx %arg7[%shift_right_logical3A_1092, %broadcast_in_dim3A_1, %and3A_1095] : memref<391x1x128xf32, #tpu.memory_space<vmem>>[vector<16xi32>, vector<16xi32>, vector<16xi32>], vector<16xf32>,
      %select_n3A_1097 = arith.select %ge3A_1080, %gather3A_1096, %gather3A_1077 : vector<16xi1>, vector<16xf32>
      %bitcast3A_1098 = vector.bitcast %select_n3A_1097 : vector<16xf32> to vector<16xi32>
      %swap3A_1099 = arith.index_cast %scan3A_916 : i32 to index
      %swap3A_1100 = arith.constant 64 : index
      %swap3A_1101 = tpu.vector_load %arg5[%swap3A_1099, %swap3A_1100] {strides = array<i32>} : memref<128x128xi32, #tpu.memory_space<vmem>>, vector<16xi32>,
      tpu.vector_store %arg5[%swap3A_1099, %swap3A_1100], %bitcast3A_1098 {strides = array<i32>} : memref<128x128xi32, #tpu.memory_space<vmem>>, vector<16xi32>,
      %get3A_1102 = arith.index_cast %scan3A_916 : i32 to index
      %get3A_1103 = arith.constant 80 : index
      %get3A_1104 = tpu.vector_load %arg5[%get3A_1102, %get3A_1103] {strides = array<i32>} : memref<128x128xi32, #tpu.memory_space<vmem>>, vector<16xi32>,
      %min3A_1105 = arith.constant 50047 : i32
      %min3A_1106 = vector.broadcast %min3A_1105 : i32 to vector<16xi32>
      %min3A_1107 = arith.minsi %get3A_1104, %min3A_1106 : vector<16xi32>
      %shift_right_logical3A_1108 = arith.constant 7 : i32
      %shift_right_logical3A_1109 = vector.broadcast %shift_right_logical3A_1108 : i32 to vector<16xi32>
      %shift_right_logical3A_1110 = arith.shrui %min3A_1107, %shift_right_logical3A_1109 : vector<16xi32>
      %and3A_1111 = arith.constant 127 : i32
      %and3A_1112 = vector.broadcast %and3A_1111 : i32 to vector<16xi32>
      %and3A_1113 = arith.andi %min3A_1107, %and3A_1112 : vector<16xi32>
      %gather3A_1114 = tpu.vector_load_idx %arg6[%shift_right_logical3A_1110, %broadcast_in_dim3A_1, %and3A_1113] : memref<391x1x128xf32, #tpu.memory_space<vmem>>[vector<16xi32>, vector<16xi32>, vector<16xi32>], vector<16xf32>,
      %ge3A_1115 = arith.constant 50048 : i32
      %ge3A_1116 = vector.broadcast %ge3A_1115 : i32 to vector<16xi32>
      %ge3A_1117 = arith.cmpi sge, %get3A_1104, %ge3A_1116 : vector<16xi32>
      %sub3A_1118 = arith.constant 50048 : i32
      %sub3A_1119 = vector.broadcast %sub3A_1118 : i32 to vector<16xi32>
      %sub3A_1120 = arith.subi %get3A_1104, %sub3A_1119 : vector<16xi32>
      %jit3A_1121 = arith.constant 0 : i32
      %jit3A_1122 = arith.constant 50047 : i32
      %max3A_1123 = vector.broadcast %jit3A_1121 : i32 to vector<16xi32>
      %max3A_1124 = arith.maxsi %max3A_1123, %sub3A_1120 : vector<16xi32>
      %min3A_1125 = vector.broadcast %jit3A_1122 : i32 to vector<16xi32>
      %min3A_1126 = arith.minsi %min3A_1125, %max3A_1124 : vector<16xi32>
      %shift_right_logical3A_1127 = arith.constant 7 : i32
      %shift_right_logical3A_1128 = vector.broadcast %shift_right_logical3A_1127 : i32 to vector<16xi32>
      %shift_right_logical3A_1129 = arith.shrui %min3A_1126, %shift_right_logical3A_1128 : vector<16xi32>
      %and3A_1130 = arith.constant 127 : i32
      %and3A_1131 = vector.broadcast %and3A_1130 : i32 to vector<16xi32>
      %and3A_1132 = arith.andi %min3A_1126, %and3A_1131 : vector<16xi32>
      %gather3A_1133 = tpu.vector_load_idx %arg7[%shift_right_logical3A_1129, %broadcast_in_dim3A_1, %and3A_1132] : memref<391x1x128xf32, #tpu.memory_space<vmem>>[vector<16xi32>, vector<16xi32>, vector<16xi32>], vector<16xf32>,
      %select_n3A_1134 = arith.select %ge3A_1117, %gather3A_1133, %gather3A_1114 : vector<16xi1>, vector<16xf32>
      %bitcast3A_1135 = vector.bitcast %select_n3A_1134 : vector<16xf32> to vector<16xi32>
      %swap3A_1136 = arith.index_cast %scan3A_916 : i32 to index
      %swap3A_1137 = arith.constant 80 : index
      %swap3A_1138 = tpu.vector_load %arg5[%swap3A_1136, %swap3A_1137] {strides = array<i32>} : memref<128x128xi32, #tpu.memory_space<vmem>>, vector<16xi32>,
      tpu.vector_store %arg5[%swap3A_1136, %swap3A_1137], %bitcast3A_1135 {strides = array<i32>} : memref<128x128xi32, #tpu.memory_space<vmem>>, vector<16xi32>,
      %get3A_1139 = arith.index_cast %scan3A_916 : i32 to index
      %get3A_1140 = arith.constant 96 : index
      %get3A_1141 = tpu.vector_load %arg5[%get3A_1139, %get3A_1140] {strides = array<i32>} : memref<128x128xi32, #tpu.memory_space<vmem>>, vector<16xi32>,
      %min3A_1142 = arith.constant 50047 : i32
      %min3A_1143 = vector.broadcast %min3A_1142 : i32 to vector<16xi32>
      %min3A_1144 = arith.minsi %get3A_1141, %min3A_1143 : vector<16xi32>
      %shift_right_logical3A_1145 = arith.constant 7 : i32
      %shift_right_logical3A_1146 = vector.broadcast %shift_right_logical3A_1145 : i32 to vector<16xi32>
      %shift_right_logical3A_1147 = arith.shrui %min3A_1144, %shift_right_logical3A_1146 : vector<16xi32>
      %and3A_1148 = arith.constant 127 : i32
      %and3A_1149 = vector.broadcast %and3A_1148 : i32 to vector<16xi32>
      %and3A_1150 = arith.andi %min3A_1144, %and3A_1149 : vector<16xi32>
      %gather3A_1151 = tpu.vector_load_idx %arg6[%shift_right_logical3A_1147, %broadcast_in_dim3A_1, %and3A_1150] : memref<391x1x128xf32, #tpu.memory_space<vmem>>[vector<16xi32>, vector<16xi32>, vector<16xi32>], vector<16xf32>,
      %ge3A_1152 = arith.constant 50048 : i32
      %ge3A_1153 = vector.broadcast %ge3A_1152 : i32 to vector<16xi32>
      %ge3A_1154 = arith.cmpi sge, %get3A_1141, %ge3A_1153 : vector<16xi32>
      %sub3A_1155 = arith.constant 50048 : i32
      %sub3A_1156 = vector.broadcast %sub3A_1155 : i32 to vector<16xi32>
      %sub3A_1157 = arith.subi %get3A_1141, %sub3A_1156 : vector<16xi32>
      %jit3A_1158 = arith.constant 0 : i32
      %jit3A_1159 = arith.constant 50047 : i32
      %max3A_1160 = vector.broadcast %jit3A_1158 : i32 to vector<16xi32>
      %max3A_1161 = arith.maxsi %max3A_1160, %sub3A_1157 : vector<16xi32>
      %min3A_1162 = vector.broadcast %jit3A_1159 : i32 to vector<16xi32>
      %min3A_1163 = arith.minsi %min3A_1162, %max3A_1161 : vector<16xi32>
      %shift_right_logical3A_1164 = arith.constant 7 : i32
      %shift_right_logical3A_1165 = vector.broadcast %shift_right_logical3A_1164 : i32 to vector<16xi32>
      %shift_right_logical3A_1166 = arith.shrui %min3A_1163, %shift_right_logical3A_1165 : vector<16xi32>
      %and3A_1167 = arith.constant 127 : i32
      %and3A_1168 = vector.broadcast %and3A_1167 : i32 to vector<16xi32>
      %and3A_1169 = arith.andi %min3A_1163, %and3A_1168 : vector<16xi32>
      %gather3A_1170 = tpu.vector_load_idx %arg7[%shift_right_logical3A_1166, %broadcast_in_dim3A_1, %and3A_1169] : memref<391x1x128xf32, #tpu.memory_space<vmem>>[vector<16xi32>, vector<16xi32>, vector<16xi32>], vector<16xf32>,
      %select_n3A_1171 = arith.select %ge3A_1154, %gather3A_1170, %gather3A_1151 : vector<16xi1>, vector<16xf32>
      %bitcast3A_1172 = vector.bitcast %select_n3A_1171 : vector<16xf32> to vector<16xi32>
      %swap3A_1173 = arith.index_cast %scan3A_916 : i32 to index
      %swap3A_1174 = arith.constant 96 : index
      %swap3A_1175 = tpu.vector_load %arg5[%swap3A_1173, %swap3A_1174] {strides = array<i32>} : memref<128x128xi32, #tpu.memory_space<vmem>>, vector<16xi32>,
      tpu.vector_store %arg5[%swap3A_1173, %swap3A_1174], %bitcast3A_1172 {strides = array<i32>} : memref<128x128xi32, #tpu.memory_space<vmem>>, vector<16xi32>,
      %get3A_1176 = arith.index_cast %scan3A_916 : i32 to index
      %get3A_1177 = arith.constant 112 : index
      %get3A_1178 = tpu.vector_load %arg5[%get3A_1176, %get3A_1177] {strides = array<i32>} : memref<128x128xi32, #tpu.memory_space<vmem>>, vector<16xi32>,
      %min3A_1179 = arith.constant 50047 : i32
      %min3A_1180 = vector.broadcast %min3A_1179 : i32 to vector<16xi32>
      %min3A_1181 = arith.minsi %get3A_1178, %min3A_1180 : vector<16xi32>
      %shift_right_logical3A_1182 = arith.constant 7 : i32
      %shift_right_logical3A_1183 = vector.broadcast %shift_right_logical3A_1182 : i32 to vector<16xi32>
      %shift_right_logical3A_1184 = arith.shrui %min3A_1181, %shift_right_logical3A_1183 : vector<16xi32>
      %and3A_1185 = arith.constant 127 : i32
      %and3A_1186 = vector.broadcast %and3A_1185 : i32 to vector<16xi32>
      %and3A_1187 = arith.andi %min3A_1181, %and3A_1186 : vector<16xi32>
      %gather3A_1188 = tpu.vector_load_idx %arg6[%shift_right_logical3A_1184, %broadcast_in_dim3A_1, %and3A_1187] : memref<391x1x128xf32, #tpu.memory_space<vmem>>[vector<16xi32>, vector<16xi32>, vector<16xi32>], vector<16xf32>,
      %ge3A_1189 = arith.constant 50048 : i32
      %ge3A_1190 = vector.broadcast %ge3A_1189 : i32 to vector<16xi32>
      %ge3A_1191 = arith.cmpi sge, %get3A_1178, %ge3A_1190 : vector<16xi32>
      %sub3A_1192 = arith.constant 50048 : i32
      %sub3A_1193 = vector.broadcast %sub3A_1192 : i32 to vector<16xi32>
      %sub3A_1194 = arith.subi %get3A_1178, %sub3A_1193 : vector<16xi32>
      %jit3A_1195 = arith.constant 0 : i32
      %jit3A_1196 = arith.constant 50047 : i32
      %max3A_1197 = vector.broadcast %jit3A_1195 : i32 to vector<16xi32>
      %max3A_1198 = arith.maxsi %max3A_1197, %sub3A_1194 : vector<16xi32>
      %min3A_1199 = vector.broadcast %jit3A_1196 : i32 to vector<16xi32>
      %min3A_1200 = arith.minsi %min3A_1199, %max3A_1198 : vector<16xi32>
      %shift_right_logical3A_1201 = arith.constant 7 : i32
      %shift_right_logical3A_1202 = vector.broadcast %shift_right_logical3A_1201 : i32 to vector<16xi32>
      %shift_right_logical3A_1203 = arith.shrui %min3A_1200, %shift_right_logical3A_1202 : vector<16xi32>
      %and3A_1204 = arith.constant 127 : i32
      %and3A_1205 = vector.broadcast %and3A_1204 : i32 to vector<16xi32>
      %and3A_1206 = arith.andi %min3A_1200, %and3A_1205 : vector<16xi32>
      %gather3A_1207 = tpu.vector_load_idx %arg7[%shift_right_logical3A_1203, %broadcast_in_dim3A_1, %and3A_1206] : memref<391x1x128xf32, #tpu.memory_space<vmem>>[vector<16xi32>, vector<16xi32>, vector<16xi32>], vector<16xf32>,
      %select_n3A_1208 = arith.select %ge3A_1191, %gather3A_1207, %gather3A_1188 : vector<16xi1>, vector<16xf32>
      %bitcast3A_1209 = vector.bitcast %select_n3A_1208 : vector<16xf32> to vector<16xi32>
      %swap3A_1210 = arith.index_cast %scan3A_916 : i32 to index
      %swap3A_1211 = arith.constant 112 : index
      %swap3A_1212 = tpu.vector_load %arg5[%swap3A_1210, %swap3A_1211] {strides = array<i32>} : memref<128x128xi32, #tpu.memory_space<vmem>>, vector<16xi32>,
      tpu.vector_store %arg5[%swap3A_1210, %swap3A_1211], %bitcast3A_1209 {strides = array<i32>} : memref<128x128xi32, #tpu.memory_space<vmem>>, vector<16xi32>,
      %scan3A_1213 = arith.constant 0 : i32
      scf.yield %scan3A_1213 : i32
    }
    %scan3A_29 = arith.constant 128 : i32
    "tpu.region"() ({
      %run_scoped3A = tpu.sem_alloc : memref<!tpu.dma_semaphore, #tpu.memory_space<semaphore_mem>>
      %dma_start3A_30 = arith.constant 0 : i32
      %dma_start3A_31 = arith.constant 0 : i32
      %dma_start3A_32 = tpu.memref_slice %arg4[%add3A, %dma_start3A_30, %dma_start3A_31] : memref<32x128x128xi32, #tpu.memory_space<hbm>> -> memref<1x128x128xi32, #tpu.memory_space<hbm>>
      %dma_start3A_33 = tpu.memref_squeeze %dma_start3A_32 : memref<1x128x128xi32, #tpu.memory_space<hbm>> -> memref<128x128xi32, #tpu.memory_space<hbm>>
      %dma_start3A_34 = arith.constant 0 : i32
      %dma_start3A_35 = arith.constant 0 : i32
      %dma_start3A_36 = tpu.memref_slice %arg4[%add3A, %dma_start3A_34, %dma_start3A_35] : memref<32x128x128xi32, #tpu.memory_space<hbm>> -> memref<1x128x128xi32, #tpu.memory_space<hbm>>
      %dma_start3A_37 = tpu.memref_squeeze %dma_start3A_36 : memref<1x128x128xi32, #tpu.memory_space<hbm>> -> memref<128x128xi32, #tpu.memory_space<hbm>>
      tpu.enqueue_dma source(%arg5 : memref<128x128xi32, #tpu.memory_space<vmem>>) target(%dma_start3A_37 : memref<128x128xi32, #tpu.memory_space<hbm>>) target_semaphore(%run_scoped3A : memref<!tpu.dma_semaphore, #tpu.memory_space<semaphore_mem>>)
      %dma_wait3A_38 = arith.constant 0 : i32
      %dma_wait3A_39 = arith.constant 0 : i32
      %dma_wait3A_40 = tpu.memref_slice %arg4[%add3A, %dma_wait3A_38, %dma_wait3A_39] : memref<32x128x128xi32, #tpu.memory_space<hbm>> -> memref<1x128x128xi32, #tpu.memory_space<hbm>>
      %dma_wait3A_41 = tpu.memref_squeeze %dma_wait3A_40 : memref<1x128x128xi32, #tpu.memory_space<hbm>> -> memref<128x128xi32, #tpu.memory_space<hbm>>
      %dma_wait3A_42 = arith.constant 0 : i32
      %dma_wait3A_43 = arith.constant 0 : i32
      %dma_wait3A_44 = tpu.memref_slice %arg4[%add3A, %dma_wait3A_42, %dma_wait3A_43] : memref<32x128x128xi32, #tpu.memory_space<hbm>> -> memref<1x128x128xi32, #tpu.memory_space<hbm>>
      %dma_wait3A_45 = tpu.memref_squeeze %dma_wait3A_44 : memref<1x128x128xi32, #tpu.memory_space<hbm>> -> memref<128x128xi32, #tpu.memory_space<hbm>>
      tpu.wait_dma2 semaphore(%run_scoped3A : memref<!tpu.dma_semaphore, #tpu.memory_space<semaphore_mem>>) src(%arg5 : memref<128x128xi32, #tpu.memory_space<vmem>>) dst(%dma_wait3A_45 : memref<128x128xi32, #tpu.memory_space<hbm>>)
      tpu.yield
    }) : () -> ()
    return
  }
}

#map = affine_map<(d0, d1) -> (0, 0)>
#map1 = affine_map<(d0, d1) -> (0, 0, 0)>
module attributes {stable_mosaic.version = 14 : i64} {
  func.func @gather_kernel(%arg0: i32, %arg1: i32, %arg2: memref<128x128xi32, #tpu.memory_space<hbm>>, %arg3: memref<782x32x128xf32, #tpu.memory_space<hbm>>, %arg4: memref<32x128x128xi32, #tpu.memory_space<hbm>>, %arg5: memref<128x128xi32, #tpu.memory_space<vmem>>, %arg6: memref<391x1x128xf32, #tpu.memory_space<vmem>>, %arg7: memref<391x1x128xf32, #tpu.memory_space<vmem>>, %arg8: memref<!tpu.dma_semaphore, #tpu.memory_space<semaphore_mem>>) attributes {dimension_semantics = [#tpu.dimension_semantics<core_parallel>, #tpu.dimension_semantics<subcore_parallel>], iteration_bounds = array<i64: 2, 16>, scalar_prefetch = 0 : i64, scratch_operands = 4 : i64, tpu.core_type = #tpu.core_type<sc_vector_subcore>, window_params = [{transform_indices = #map}, {transform_indices = #map1}, {transform_indices = #map1}]} {
    %mul3A = arith.constant 2 : i32
    %mul3A_0 = arith.muli %arg1, %mul3A : i32
    %add3A = arith.addi %mul3A_0, %arg0 : i32
    %broadcast_in_dim3A = arith.constant 0 : i32
    %broadcast_in_dim3A_1 = vector.broadcast %broadcast_in_dim3A : i32 to vector<16xi32>
    %dma_start3A = arith.constant 0 : i32
    %dma_start3A_2 = arith.constant 0 : i32
    %dma_start3A_3 = tpu.memref_slice %arg3[%dma_start3A, %add3A, %dma_start3A_2] : memref<782x32x128xf32, #tpu.memory_space<hbm>> -> memref<391x1x128xf32, #tpu.memory_space<hbm>>
    %dma_start3A_4 = arith.constant 0 : i32
    %dma_start3A_5 = arith.constant 0 : i32
    %dma_start3A_6 = tpu.memref_slice %arg3[%dma_start3A_4, %add3A, %dma_start3A_5] : memref<782x32x128xf32, #tpu.memory_space<hbm>> -> memref<391x1x128xf32, #tpu.memory_space<hbm>>
    tpu.enqueue_dma source(%dma_start3A_6 : memref<391x1x128xf32, #tpu.memory_space<hbm>>) target(%arg6 : memref<391x1x128xf32, #tpu.memory_space<vmem>>) target_semaphore(%arg8 : memref<!tpu.dma_semaphore, #tpu.memory_space<semaphore_mem>>)
    %dma_start3A_7 = arith.constant 391 : i32
    %dma_start3A_8 = arith.constant 0 : i32
    %dma_start3A_9 = tpu.memref_slice %arg3[%dma_start3A_7, %add3A, %dma_start3A_8] : memref<782x32x128xf32, #tpu.memory_space<hbm>> -> memref<391x1x128xf32, #tpu.memory_space<hbm>>
    %dma_start3A_10 = arith.constant 391 : i32
    %dma_start3A_11 = arith.constant 0 : i32
    %dma_start3A_12 = tpu.memref_slice %arg3[%dma_start3A_10, %add3A, %dma_start3A_11] : memref<782x32x128xf32, #tpu.memory_space<hbm>> -> memref<391x1x128xf32, #tpu.memory_space<hbm>>
    tpu.enqueue_dma source(%dma_start3A_12 : memref<391x1x128xf32, #tpu.memory_space<hbm>>) target(%arg7 : memref<391x1x128xf32, #tpu.memory_space<vmem>>) target_semaphore(%arg8 : memref<!tpu.dma_semaphore, #tpu.memory_space<semaphore_mem>>)
    "tpu.region"() ({
      %run_scoped3A = tpu.sem_alloc : memref<!tpu.dma_semaphore, #tpu.memory_space<semaphore_mem>>
      tpu.enqueue_dma source(%arg2 : memref<128x128xi32, #tpu.memory_space<hbm>>) target(%arg5 : memref<128x128xi32, #tpu.memory_space<vmem>>) target_semaphore(%run_scoped3A : memref<!tpu.dma_semaphore, #tpu.memory_space<semaphore_mem>>)
      tpu.wait_dma2 semaphore(%run_scoped3A : memref<!tpu.dma_semaphore, #tpu.memory_space<semaphore_mem>>) src(%arg2 : memref<128x128xi32, #tpu.memory_space<hbm>>) dst(%arg5 : memref<128x128xi32, #tpu.memory_space<vmem>>)
      tpu.yield
    }) : () -> ()
    %dma_wait3A = arith.constant 0 : i32
    %dma_wait3A_13 = arith.constant 0 : i32
    %dma_wait3A_14 = tpu.memref_slice %arg3[%dma_wait3A, %add3A, %dma_wait3A_13] : memref<782x32x128xf32, #tpu.memory_space<hbm>> -> memref<391x1x128xf32, #tpu.memory_space<hbm>>
    %dma_wait3A_15 = arith.constant 0 : i32
    %dma_wait3A_16 = arith.constant 0 : i32
    %dma_wait3A_17 = tpu.memref_slice %arg3[%dma_wait3A_15, %add3A, %dma_wait3A_16] : memref<782x32x128xf32, #tpu.memory_space<hbm>> -> memref<391x1x128xf32, #tpu.memory_space<hbm>>
    tpu.wait_dma2 semaphore(%arg8 : memref<!tpu.dma_semaphore, #tpu.memory_space<semaphore_mem>>) src(%dma_wait3A_17 : memref<391x1x128xf32, #tpu.memory_space<hbm>>) dst(%arg6 : memref<391x1x128xf32, #tpu.memory_space<vmem>>)
    %dma_wait3A_18 = arith.constant 391 : i32
    %dma_wait3A_19 = arith.constant 0 : i32
    %dma_wait3A_20 = tpu.memref_slice %arg3[%dma_wait3A_18, %add3A, %dma_wait3A_19] : memref<782x32x128xf32, #tpu.memory_space<hbm>> -> memref<391x1x128xf32, #tpu.memory_space<hbm>>
    %dma_wait3A_21 = arith.constant 391 : i32
    %dma_wait3A_22 = arith.constant 0 : i32
    %dma_wait3A_23 = tpu.memref_slice %arg3[%dma_wait3A_21, %add3A, %dma_wait3A_22] : memref<782x32x128xf32, #tpu.memory_space<hbm>> -> memref<391x1x128xf32, #tpu.memory_space<hbm>>
    tpu.wait_dma2 semaphore(%arg8 : memref<!tpu.dma_semaphore, #tpu.memory_space<semaphore_mem>>) src(%dma_wait3A_23 : memref<391x1x128xf32, #tpu.memory_space<hbm>>) dst(%arg7 : memref<391x1x128xf32, #tpu.memory_space<vmem>>)
    %scan3A = arith.constant 0 : i32
    %scan3A_24 = arith.constant 0 : i32
    %scan3A_25 = arith.constant 128 : i32
    %scan3A_26 = arith.addi %scan3A_24, %scan3A_25 : i32
    %scan3A_27 = arith.constant 4 : i32
    %scan3A_28 = scf.for %scan3A_30 = %scan3A_24 to %scan3A_26 step %scan3A_27 iter_args(%scan3A_31 = %scan3A) -> (i32)  : i32 {
      %get3A = arith.index_cast %scan3A_30 : i32 to index
      %get3A_32 = arith.constant 0 : index
      %get3A_33 = tpu.vector_load %arg5[%get3A, %get3A_32] {strides = array<i32>} : memref<128x128xi32, #tpu.memory_space<vmem>>, vector<16xi32>,
      %min3A = arith.constant 50047 : i32
      %min3A_34 = vector.broadcast %min3A : i32 to vector<16xi32>
      %min3A_35 = arith.minsi %get3A_33, %min3A_34 : vector<16xi32>
      %shift_right_logical3A = arith.constant 7 : i32
      %shift_right_logical3A_36 = vector.broadcast %shift_right_logical3A : i32 to vector<16xi32>
      %shift_right_logical3A_37 = arith.shrui %min3A_35, %shift_right_logical3A_36 : vector<16xi32>
      %and3A = arith.constant 127 : i32
      %and3A_38 = vector.broadcast %and3A : i32 to vector<16xi32>
      %and3A_39 = arith.andi %min3A_35, %and3A_38 : vector<16xi32>
      %gather3A = tpu.vector_load_idx %arg6[%shift_right_logical3A_37, %broadcast_in_dim3A_1, %and3A_39] : memref<391x1x128xf32, #tpu.memory_space<vmem>>[vector<16xi32>, vector<16xi32>, vector<16xi32>], vector<16xf32>,
      %ge3A = arith.constant 50048 : i32
      %ge3A_40 = vector.broadcast %ge3A : i32 to vector<16xi32>
      %ge3A_41 = arith.cmpi sge, %get3A_33, %ge3A_40 : vector<16xi32>
      %sub3A = arith.constant 50048 : i32
      %sub3A_42 = vector.broadcast %sub3A : i32 to vector<16xi32>
      %sub3A_43 = arith.subi %get3A_33, %sub3A_42 : vector<16xi32>
      %jit3A = arith.constant 0 : i32
      %jit3A_44 = arith.constant 50047 : i32
      %max3A = vector.broadcast %jit3A : i32 to vector<16xi32>
      %max3A_45 = arith.maxsi %max3A, %sub3A_43 : vector<16xi32>
      %min3A_46 = vector.broadcast %jit3A_44 : i32 to vector<16xi32>
      %min3A_47 = arith.minsi %min3A_46, %max3A_45 : vector<16xi32>
      %shift_right_logical3A_48 = arith.constant 7 : i32
      %shift_right_logical3A_49 = vector.broadcast %shift_right_logical3A_48 : i32 to vector<16xi32>
      %shift_right_logical3A_50 = arith.shrui %min3A_47, %shift_right_logical3A_49 : vector<16xi32>
      %and3A_51 = arith.constant 127 : i32
      %and3A_52 = vector.broadcast %and3A_51 : i32 to vector<16xi32>
      %and3A_53 = arith.andi %min3A_47, %and3A_52 : vector<16xi32>
      %gather3A_54 = tpu.vector_load_idx %arg7[%shift_right_logical3A_50, %broadcast_in_dim3A_1, %and3A_53] : memref<391x1x128xf32, #tpu.memory_space<vmem>>[vector<16xi32>, vector<16xi32>, vector<16xi32>], vector<16xf32>,
      %select_n3A = arith.select %ge3A_41, %gather3A_54, %gather3A : vector<16xi1>, vector<16xf32>
      %bitcast3A = vector.bitcast %select_n3A : vector<16xf32> to vector<16xi32>
      %swap3A = arith.index_cast %scan3A_30 : i32 to index
      %swap3A_55 = arith.constant 0 : index
      %swap3A_56 = tpu.vector_load %arg5[%swap3A, %swap3A_55] {strides = array<i32>} : memref<128x128xi32, #tpu.memory_space<vmem>>, vector<16xi32>,
      tpu.vector_store %arg5[%swap3A, %swap3A_55], %bitcast3A {strides = array<i32>} : memref<128x128xi32, #tpu.memory_space<vmem>>, vector<16xi32>,
      %get3A_57 = arith.index_cast %scan3A_30 : i32 to index
      %get3A_58 = arith.constant 16 : index
      %get3A_59 = tpu.vector_load %arg5[%get3A_57, %get3A_58] {strides = array<i32>} : memref<128x128xi32, #tpu.memory_space<vmem>>, vector<16xi32>,
      %min3A_60 = arith.constant 50047 : i32
      %min3A_61 = vector.broadcast %min3A_60 : i32 to vector<16xi32>
      %min3A_62 = arith.minsi %get3A_59, %min3A_61 : vector<16xi32>
      %shift_right_logical3A_63 = arith.constant 7 : i32
      %shift_right_logical3A_64 = vector.broadcast %shift_right_logical3A_63 : i32 to vector<16xi32>
      %shift_right_logical3A_65 = arith.shrui %min3A_62, %shift_right_logical3A_64 : vector<16xi32>
      %and3A_66 = arith.constant 127 : i32
      %and3A_67 = vector.broadcast %and3A_66 : i32 to vector<16xi32>
      %and3A_68 = arith.andi %min3A_62, %and3A_67 : vector<16xi32>
      %gather3A_69 = tpu.vector_load_idx %arg6[%shift_right_logical3A_65, %broadcast_in_dim3A_1, %and3A_68] : memref<391x1x128xf32, #tpu.memory_space<vmem>>[vector<16xi32>, vector<16xi32>, vector<16xi32>], vector<16xf32>,
      %ge3A_70 = arith.constant 50048 : i32
      %ge3A_71 = vector.broadcast %ge3A_70 : i32 to vector<16xi32>
      %ge3A_72 = arith.cmpi sge, %get3A_59, %ge3A_71 : vector<16xi32>
      %sub3A_73 = arith.constant 50048 : i32
      %sub3A_74 = vector.broadcast %sub3A_73 : i32 to vector<16xi32>
      %sub3A_75 = arith.subi %get3A_59, %sub3A_74 : vector<16xi32>
      %jit3A_76 = arith.constant 0 : i32
      %jit3A_77 = arith.constant 50047 : i32
      %max3A_78 = vector.broadcast %jit3A_76 : i32 to vector<16xi32>
      %max3A_79 = arith.maxsi %max3A_78, %sub3A_75 : vector<16xi32>
      %min3A_80 = vector.broadcast %jit3A_77 : i32 to vector<16xi32>
      %min3A_81 = arith.minsi %min3A_80, %max3A_79 : vector<16xi32>
      %shift_right_logical3A_82 = arith.constant 7 : i32
      %shift_right_logical3A_83 = vector.broadcast %shift_right_logical3A_82 : i32 to vector<16xi32>
      %shift_right_logical3A_84 = arith.shrui %min3A_81, %shift_right_logical3A_83 : vector<16xi32>
      %and3A_85 = arith.constant 127 : i32
      %and3A_86 = vector.broadcast %and3A_85 : i32 to vector<16xi32>
      %and3A_87 = arith.andi %min3A_81, %and3A_86 : vector<16xi32>
      %gather3A_88 = tpu.vector_load_idx %arg7[%shift_right_logical3A_84, %broadcast_in_dim3A_1, %and3A_87] : memref<391x1x128xf32, #tpu.memory_space<vmem>>[vector<16xi32>, vector<16xi32>, vector<16xi32>], vector<16xf32>,
      %select_n3A_89 = arith.select %ge3A_72, %gather3A_88, %gather3A_69 : vector<16xi1>, vector<16xf32>
      %bitcast3A_90 = vector.bitcast %select_n3A_89 : vector<16xf32> to vector<16xi32>
      %swap3A_91 = arith.index_cast %scan3A_30 : i32 to index
      %swap3A_92 = arith.constant 16 : index
      %swap3A_93 = tpu.vector_load %arg5[%swap3A_91, %swap3A_92] {strides = array<i32>} : memref<128x128xi32, #tpu.memory_space<vmem>>, vector<16xi32>,
      tpu.vector_store %arg5[%swap3A_91, %swap3A_92], %bitcast3A_90 {strides = array<i32>} : memref<128x128xi32, #tpu.memory_space<vmem>>, vector<16xi32>,
      %get3A_94 = arith.index_cast %scan3A_30 : i32 to index
      %get3A_95 = arith.constant 32 : index
      %get3A_96 = tpu.vector_load %arg5[%get3A_94, %get3A_95] {strides = array<i32>} : memref<128x128xi32, #tpu.memory_space<vmem>>, vector<16xi32>,
      %min3A_97 = arith.constant 50047 : i32
      %min3A_98 = vector.broadcast %min3A_97 : i32 to vector<16xi32>
      %min3A_99 = arith.minsi %get3A_96, %min3A_98 : vector<16xi32>
      %shift_right_logical3A_100 = arith.constant 7 : i32
      %shift_right_logical3A_101 = vector.broadcast %shift_right_logical3A_100 : i32 to vector<16xi32>
      %shift_right_logical3A_102 = arith.shrui %min3A_99, %shift_right_logical3A_101 : vector<16xi32>
      %and3A_103 = arith.constant 127 : i32
      %and3A_104 = vector.broadcast %and3A_103 : i32 to vector<16xi32>
      %and3A_105 = arith.andi %min3A_99, %and3A_104 : vector<16xi32>
      %gather3A_106 = tpu.vector_load_idx %arg6[%shift_right_logical3A_102, %broadcast_in_dim3A_1, %and3A_105] : memref<391x1x128xf32, #tpu.memory_space<vmem>>[vector<16xi32>, vector<16xi32>, vector<16xi32>], vector<16xf32>,
      %ge3A_107 = arith.constant 50048 : i32
      %ge3A_108 = vector.broadcast %ge3A_107 : i32 to vector<16xi32>
      %ge3A_109 = arith.cmpi sge, %get3A_96, %ge3A_108 : vector<16xi32>
      %sub3A_110 = arith.constant 50048 : i32
      %sub3A_111 = vector.broadcast %sub3A_110 : i32 to vector<16xi32>
      %sub3A_112 = arith.subi %get3A_96, %sub3A_111 : vector<16xi32>
      %jit3A_113 = arith.constant 0 : i32
      %jit3A_114 = arith.constant 50047 : i32
      %max3A_115 = vector.broadcast %jit3A_113 : i32 to vector<16xi32>
      %max3A_116 = arith.maxsi %max3A_115, %sub3A_112 : vector<16xi32>
      %min3A_117 = vector.broadcast %jit3A_114 : i32 to vector<16xi32>
      %min3A_118 = arith.minsi %min3A_117, %max3A_116 : vector<16xi32>
      %shift_right_logical3A_119 = arith.constant 7 : i32
      %shift_right_logical3A_120 = vector.broadcast %shift_right_logical3A_119 : i32 to vector<16xi32>
      %shift_right_logical3A_121 = arith.shrui %min3A_118, %shift_right_logical3A_120 : vector<16xi32>
      %and3A_122 = arith.constant 127 : i32
      %and3A_123 = vector.broadcast %and3A_122 : i32 to vector<16xi32>
      %and3A_124 = arith.andi %min3A_118, %and3A_123 : vector<16xi32>
      %gather3A_125 = tpu.vector_load_idx %arg7[%shift_right_logical3A_121, %broadcast_in_dim3A_1, %and3A_124] : memref<391x1x128xf32, #tpu.memory_space<vmem>>[vector<16xi32>, vector<16xi32>, vector<16xi32>], vector<16xf32>,
      %select_n3A_126 = arith.select %ge3A_109, %gather3A_125, %gather3A_106 : vector<16xi1>, vector<16xf32>
      %bitcast3A_127 = vector.bitcast %select_n3A_126 : vector<16xf32> to vector<16xi32>
      %swap3A_128 = arith.index_cast %scan3A_30 : i32 to index
      %swap3A_129 = arith.constant 32 : index
      %swap3A_130 = tpu.vector_load %arg5[%swap3A_128, %swap3A_129] {strides = array<i32>} : memref<128x128xi32, #tpu.memory_space<vmem>>, vector<16xi32>,
      tpu.vector_store %arg5[%swap3A_128, %swap3A_129], %bitcast3A_127 {strides = array<i32>} : memref<128x128xi32, #tpu.memory_space<vmem>>, vector<16xi32>,
      %get3A_131 = arith.index_cast %scan3A_30 : i32 to index
      %get3A_132 = arith.constant 48 : index
      %get3A_133 = tpu.vector_load %arg5[%get3A_131, %get3A_132] {strides = array<i32>} : memref<128x128xi32, #tpu.memory_space<vmem>>, vector<16xi32>,
      %min3A_134 = arith.constant 50047 : i32
      %min3A_135 = vector.broadcast %min3A_134 : i32 to vector<16xi32>
      %min3A_136 = arith.minsi %get3A_133, %min3A_135 : vector<16xi32>
      %shift_right_logical3A_137 = arith.constant 7 : i32
      %shift_right_logical3A_138 = vector.broadcast %shift_right_logical3A_137 : i32 to vector<16xi32>
      %shift_right_logical3A_139 = arith.shrui %min3A_136, %shift_right_logical3A_138 : vector<16xi32>
      %and3A_140 = arith.constant 127 : i32
      %and3A_141 = vector.broadcast %and3A_140 : i32 to vector<16xi32>
      %and3A_142 = arith.andi %min3A_136, %and3A_141 : vector<16xi32>
      %gather3A_143 = tpu.vector_load_idx %arg6[%shift_right_logical3A_139, %broadcast_in_dim3A_1, %and3A_142] : memref<391x1x128xf32, #tpu.memory_space<vmem>>[vector<16xi32>, vector<16xi32>, vector<16xi32>], vector<16xf32>,
      %ge3A_144 = arith.constant 50048 : i32
      %ge3A_145 = vector.broadcast %ge3A_144 : i32 to vector<16xi32>
      %ge3A_146 = arith.cmpi sge, %get3A_133, %ge3A_145 : vector<16xi32>
      %sub3A_147 = arith.constant 50048 : i32
      %sub3A_148 = vector.broadcast %sub3A_147 : i32 to vector<16xi32>
      %sub3A_149 = arith.subi %get3A_133, %sub3A_148 : vector<16xi32>
      %jit3A_150 = arith.constant 0 : i32
      %jit3A_151 = arith.constant 50047 : i32
      %max3A_152 = vector.broadcast %jit3A_150 : i32 to vector<16xi32>
      %max3A_153 = arith.maxsi %max3A_152, %sub3A_149 : vector<16xi32>
      %min3A_154 = vector.broadcast %jit3A_151 : i32 to vector<16xi32>
      %min3A_155 = arith.minsi %min3A_154, %max3A_153 : vector<16xi32>
      %shift_right_logical3A_156 = arith.constant 7 : i32
      %shift_right_logical3A_157 = vector.broadcast %shift_right_logical3A_156 : i32 to vector<16xi32>
      %shift_right_logical3A_158 = arith.shrui %min3A_155, %shift_right_logical3A_157 : vector<16xi32>
      %and3A_159 = arith.constant 127 : i32
      %and3A_160 = vector.broadcast %and3A_159 : i32 to vector<16xi32>
      %and3A_161 = arith.andi %min3A_155, %and3A_160 : vector<16xi32>
      %gather3A_162 = tpu.vector_load_idx %arg7[%shift_right_logical3A_158, %broadcast_in_dim3A_1, %and3A_161] : memref<391x1x128xf32, #tpu.memory_space<vmem>>[vector<16xi32>, vector<16xi32>, vector<16xi32>], vector<16xf32>,
      %select_n3A_163 = arith.select %ge3A_146, %gather3A_162, %gather3A_143 : vector<16xi1>, vector<16xf32>
      %bitcast3A_164 = vector.bitcast %select_n3A_163 : vector<16xf32> to vector<16xi32>
      %swap3A_165 = arith.index_cast %scan3A_30 : i32 to index
      %swap3A_166 = arith.constant 48 : index
      %swap3A_167 = tpu.vector_load %arg5[%swap3A_165, %swap3A_166] {strides = array<i32>} : memref<128x128xi32, #tpu.memory_space<vmem>>, vector<16xi32>,
      tpu.vector_store %arg5[%swap3A_165, %swap3A_166], %bitcast3A_164 {strides = array<i32>} : memref<128x128xi32, #tpu.memory_space<vmem>>, vector<16xi32>,
      %get3A_168 = arith.index_cast %scan3A_30 : i32 to index
      %get3A_169 = arith.constant 64 : index
      %get3A_170 = tpu.vector_load %arg5[%get3A_168, %get3A_169] {strides = array<i32>} : memref<128x128xi32, #tpu.memory_space<vmem>>, vector<16xi32>,
      %min3A_171 = arith.constant 50047 : i32
      %min3A_172 = vector.broadcast %min3A_171 : i32 to vector<16xi32>
      %min3A_173 = arith.minsi %get3A_170, %min3A_172 : vector<16xi32>
      %shift_right_logical3A_174 = arith.constant 7 : i32
      %shift_right_logical3A_175 = vector.broadcast %shift_right_logical3A_174 : i32 to vector<16xi32>
      %shift_right_logical3A_176 = arith.shrui %min3A_173, %shift_right_logical3A_175 : vector<16xi32>
      %and3A_177 = arith.constant 127 : i32
      %and3A_178 = vector.broadcast %and3A_177 : i32 to vector<16xi32>
      %and3A_179 = arith.andi %min3A_173, %and3A_178 : vector<16xi32>
      %gather3A_180 = tpu.vector_load_idx %arg6[%shift_right_logical3A_176, %broadcast_in_dim3A_1, %and3A_179] : memref<391x1x128xf32, #tpu.memory_space<vmem>>[vector<16xi32>, vector<16xi32>, vector<16xi32>], vector<16xf32>,
      %ge3A_181 = arith.constant 50048 : i32
      %ge3A_182 = vector.broadcast %ge3A_181 : i32 to vector<16xi32>
      %ge3A_183 = arith.cmpi sge, %get3A_170, %ge3A_182 : vector<16xi32>
      %sub3A_184 = arith.constant 50048 : i32
      %sub3A_185 = vector.broadcast %sub3A_184 : i32 to vector<16xi32>
      %sub3A_186 = arith.subi %get3A_170, %sub3A_185 : vector<16xi32>
      %jit3A_187 = arith.constant 0 : i32
      %jit3A_188 = arith.constant 50047 : i32
      %max3A_189 = vector.broadcast %jit3A_187 : i32 to vector<16xi32>
      %max3A_190 = arith.maxsi %max3A_189, %sub3A_186 : vector<16xi32>
      %min3A_191 = vector.broadcast %jit3A_188 : i32 to vector<16xi32>
      %min3A_192 = arith.minsi %min3A_191, %max3A_190 : vector<16xi32>
      %shift_right_logical3A_193 = arith.constant 7 : i32
      %shift_right_logical3A_194 = vector.broadcast %shift_right_logical3A_193 : i32 to vector<16xi32>
      %shift_right_logical3A_195 = arith.shrui %min3A_192, %shift_right_logical3A_194 : vector<16xi32>
      %and3A_196 = arith.constant 127 : i32
      %and3A_197 = vector.broadcast %and3A_196 : i32 to vector<16xi32>
      %and3A_198 = arith.andi %min3A_192, %and3A_197 : vector<16xi32>
      %gather3A_199 = tpu.vector_load_idx %arg7[%shift_right_logical3A_195, %broadcast_in_dim3A_1, %and3A_198] : memref<391x1x128xf32, #tpu.memory_space<vmem>>[vector<16xi32>, vector<16xi32>, vector<16xi32>], vector<16xf32>,
      %select_n3A_200 = arith.select %ge3A_183, %gather3A_199, %gather3A_180 : vector<16xi1>, vector<16xf32>
      %bitcast3A_201 = vector.bitcast %select_n3A_200 : vector<16xf32> to vector<16xi32>
      %swap3A_202 = arith.index_cast %scan3A_30 : i32 to index
      %swap3A_203 = arith.constant 64 : index
      %swap3A_204 = tpu.vector_load %arg5[%swap3A_202, %swap3A_203] {strides = array<i32>} : memref<128x128xi32, #tpu.memory_space<vmem>>, vector<16xi32>,
      tpu.vector_store %arg5[%swap3A_202, %swap3A_203], %bitcast3A_201 {strides = array<i32>} : memref<128x128xi32, #tpu.memory_space<vmem>>, vector<16xi32>,
      %get3A_205 = arith.index_cast %scan3A_30 : i32 to index
      %get3A_206 = arith.constant 80 : index
      %get3A_207 = tpu.vector_load %arg5[%get3A_205, %get3A_206] {strides = array<i32>} : memref<128x128xi32, #tpu.memory_space<vmem>>, vector<16xi32>,
      %min3A_208 = arith.constant 50047 : i32
      %min3A_209 = vector.broadcast %min3A_208 : i32 to vector<16xi32>
      %min3A_210 = arith.minsi %get3A_207, %min3A_209 : vector<16xi32>
      %shift_right_logical3A_211 = arith.constant 7 : i32
      %shift_right_logical3A_212 = vector.broadcast %shift_right_logical3A_211 : i32 to vector<16xi32>
      %shift_right_logical3A_213 = arith.shrui %min3A_210, %shift_right_logical3A_212 : vector<16xi32>
      %and3A_214 = arith.constant 127 : i32
      %and3A_215 = vector.broadcast %and3A_214 : i32 to vector<16xi32>
      %and3A_216 = arith.andi %min3A_210, %and3A_215 : vector<16xi32>
      %gather3A_217 = tpu.vector_load_idx %arg6[%shift_right_logical3A_213, %broadcast_in_dim3A_1, %and3A_216] : memref<391x1x128xf32, #tpu.memory_space<vmem>>[vector<16xi32>, vector<16xi32>, vector<16xi32>], vector<16xf32>,
      %ge3A_218 = arith.constant 50048 : i32
      %ge3A_219 = vector.broadcast %ge3A_218 : i32 to vector<16xi32>
      %ge3A_220 = arith.cmpi sge, %get3A_207, %ge3A_219 : vector<16xi32>
      %sub3A_221 = arith.constant 50048 : i32
      %sub3A_222 = vector.broadcast %sub3A_221 : i32 to vector<16xi32>
      %sub3A_223 = arith.subi %get3A_207, %sub3A_222 : vector<16xi32>
      %jit3A_224 = arith.constant 0 : i32
      %jit3A_225 = arith.constant 50047 : i32
      %max3A_226 = vector.broadcast %jit3A_224 : i32 to vector<16xi32>
      %max3A_227 = arith.maxsi %max3A_226, %sub3A_223 : vector<16xi32>
      %min3A_228 = vector.broadcast %jit3A_225 : i32 to vector<16xi32>
      %min3A_229 = arith.minsi %min3A_228, %max3A_227 : vector<16xi32>
      %shift_right_logical3A_230 = arith.constant 7 : i32
      %shift_right_logical3A_231 = vector.broadcast %shift_right_logical3A_230 : i32 to vector<16xi32>
      %shift_right_logical3A_232 = arith.shrui %min3A_229, %shift_right_logical3A_231 : vector<16xi32>
      %and3A_233 = arith.constant 127 : i32
      %and3A_234 = vector.broadcast %and3A_233 : i32 to vector<16xi32>
      %and3A_235 = arith.andi %min3A_229, %and3A_234 : vector<16xi32>
      %gather3A_236 = tpu.vector_load_idx %arg7[%shift_right_logical3A_232, %broadcast_in_dim3A_1, %and3A_235] : memref<391x1x128xf32, #tpu.memory_space<vmem>>[vector<16xi32>, vector<16xi32>, vector<16xi32>], vector<16xf32>,
      %select_n3A_237 = arith.select %ge3A_220, %gather3A_236, %gather3A_217 : vector<16xi1>, vector<16xf32>
      %bitcast3A_238 = vector.bitcast %select_n3A_237 : vector<16xf32> to vector<16xi32>
      %swap3A_239 = arith.index_cast %scan3A_30 : i32 to index
      %swap3A_240 = arith.constant 80 : index
      %swap3A_241 = tpu.vector_load %arg5[%swap3A_239, %swap3A_240] {strides = array<i32>} : memref<128x128xi32, #tpu.memory_space<vmem>>, vector<16xi32>,
      tpu.vector_store %arg5[%swap3A_239, %swap3A_240], %bitcast3A_238 {strides = array<i32>} : memref<128x128xi32, #tpu.memory_space<vmem>>, vector<16xi32>,
      %get3A_242 = arith.index_cast %scan3A_30 : i32 to index
      %get3A_243 = arith.constant 96 : index
      %get3A_244 = tpu.vector_load %arg5[%get3A_242, %get3A_243] {strides = array<i32>} : memref<128x128xi32, #tpu.memory_space<vmem>>, vector<16xi32>,
      %min3A_245 = arith.constant 50047 : i32
      %min3A_246 = vector.broadcast %min3A_245 : i32 to vector<16xi32>
      %min3A_247 = arith.minsi %get3A_244, %min3A_246 : vector<16xi32>
      %shift_right_logical3A_248 = arith.constant 7 : i32
      %shift_right_logical3A_249 = vector.broadcast %shift_right_logical3A_248 : i32 to vector<16xi32>
      %shift_right_logical3A_250 = arith.shrui %min3A_247, %shift_right_logical3A_249 : vector<16xi32>
      %and3A_251 = arith.constant 127 : i32
      %and3A_252 = vector.broadcast %and3A_251 : i32 to vector<16xi32>
      %and3A_253 = arith.andi %min3A_247, %and3A_252 : vector<16xi32>
      %gather3A_254 = tpu.vector_load_idx %arg6[%shift_right_logical3A_250, %broadcast_in_dim3A_1, %and3A_253] : memref<391x1x128xf32, #tpu.memory_space<vmem>>[vector<16xi32>, vector<16xi32>, vector<16xi32>], vector<16xf32>,
      %ge3A_255 = arith.constant 50048 : i32
      %ge3A_256 = vector.broadcast %ge3A_255 : i32 to vector<16xi32>
      %ge3A_257 = arith.cmpi sge, %get3A_244, %ge3A_256 : vector<16xi32>
      %sub3A_258 = arith.constant 50048 : i32
      %sub3A_259 = vector.broadcast %sub3A_258 : i32 to vector<16xi32>
      %sub3A_260 = arith.subi %get3A_244, %sub3A_259 : vector<16xi32>
      %jit3A_261 = arith.constant 0 : i32
      %jit3A_262 = arith.constant 50047 : i32
      %max3A_263 = vector.broadcast %jit3A_261 : i32 to vector<16xi32>
      %max3A_264 = arith.maxsi %max3A_263, %sub3A_260 : vector<16xi32>
      %min3A_265 = vector.broadcast %jit3A_262 : i32 to vector<16xi32>
      %min3A_266 = arith.minsi %min3A_265, %max3A_264 : vector<16xi32>
      %shift_right_logical3A_267 = arith.constant 7 : i32
      %shift_right_logical3A_268 = vector.broadcast %shift_right_logical3A_267 : i32 to vector<16xi32>
      %shift_right_logical3A_269 = arith.shrui %min3A_266, %shift_right_logical3A_268 : vector<16xi32>
      %and3A_270 = arith.constant 127 : i32
      %and3A_271 = vector.broadcast %and3A_270 : i32 to vector<16xi32>
      %and3A_272 = arith.andi %min3A_266, %and3A_271 : vector<16xi32>
      %gather3A_273 = tpu.vector_load_idx %arg7[%shift_right_logical3A_269, %broadcast_in_dim3A_1, %and3A_272] : memref<391x1x128xf32, #tpu.memory_space<vmem>>[vector<16xi32>, vector<16xi32>, vector<16xi32>], vector<16xf32>,
      %select_n3A_274 = arith.select %ge3A_257, %gather3A_273, %gather3A_254 : vector<16xi1>, vector<16xf32>
      %bitcast3A_275 = vector.bitcast %select_n3A_274 : vector<16xf32> to vector<16xi32>
      %swap3A_276 = arith.index_cast %scan3A_30 : i32 to index
      %swap3A_277 = arith.constant 96 : index
      %swap3A_278 = tpu.vector_load %arg5[%swap3A_276, %swap3A_277] {strides = array<i32>} : memref<128x128xi32, #tpu.memory_space<vmem>>, vector<16xi32>,
      tpu.vector_store %arg5[%swap3A_276, %swap3A_277], %bitcast3A_275 {strides = array<i32>} : memref<128x128xi32, #tpu.memory_space<vmem>>, vector<16xi32>,
      %get3A_279 = arith.index_cast %scan3A_30 : i32 to index
      %get3A_280 = arith.constant 112 : index
      %get3A_281 = tpu.vector_load %arg5[%get3A_279, %get3A_280] {strides = array<i32>} : memref<128x128xi32, #tpu.memory_space<vmem>>, vector<16xi32>,
      %min3A_282 = arith.constant 50047 : i32
      %min3A_283 = vector.broadcast %min3A_282 : i32 to vector<16xi32>
      %min3A_284 = arith.minsi %get3A_281, %min3A_283 : vector<16xi32>
      %shift_right_logical3A_285 = arith.constant 7 : i32
      %shift_right_logical3A_286 = vector.broadcast %shift_right_logical3A_285 : i32 to vector<16xi32>
      %shift_right_logical3A_287 = arith.shrui %min3A_284, %shift_right_logical3A_286 : vector<16xi32>
      %and3A_288 = arith.constant 127 : i32
      %and3A_289 = vector.broadcast %and3A_288 : i32 to vector<16xi32>
      %and3A_290 = arith.andi %min3A_284, %and3A_289 : vector<16xi32>
      %gather3A_291 = tpu.vector_load_idx %arg6[%shift_right_logical3A_287, %broadcast_in_dim3A_1, %and3A_290] : memref<391x1x128xf32, #tpu.memory_space<vmem>>[vector<16xi32>, vector<16xi32>, vector<16xi32>], vector<16xf32>,
      %ge3A_292 = arith.constant 50048 : i32
      %ge3A_293 = vector.broadcast %ge3A_292 : i32 to vector<16xi32>
      %ge3A_294 = arith.cmpi sge, %get3A_281, %ge3A_293 : vector<16xi32>
      %sub3A_295 = arith.constant 50048 : i32
      %sub3A_296 = vector.broadcast %sub3A_295 : i32 to vector<16xi32>
      %sub3A_297 = arith.subi %get3A_281, %sub3A_296 : vector<16xi32>
      %jit3A_298 = arith.constant 0 : i32
      %jit3A_299 = arith.constant 50047 : i32
      %max3A_300 = vector.broadcast %jit3A_298 : i32 to vector<16xi32>
      %max3A_301 = arith.maxsi %max3A_300, %sub3A_297 : vector<16xi32>
      %min3A_302 = vector.broadcast %jit3A_299 : i32 to vector<16xi32>
      %min3A_303 = arith.minsi %min3A_302, %max3A_301 : vector<16xi32>
      %shift_right_logical3A_304 = arith.constant 7 : i32
      %shift_right_logical3A_305 = vector.broadcast %shift_right_logical3A_304 : i32 to vector<16xi32>
      %shift_right_logical3A_306 = arith.shrui %min3A_303, %shift_right_logical3A_305 : vector<16xi32>
      %and3A_307 = arith.constant 127 : i32
      %and3A_308 = vector.broadcast %and3A_307 : i32 to vector<16xi32>
      %and3A_309 = arith.andi %min3A_303, %and3A_308 : vector<16xi32>
      %gather3A_310 = tpu.vector_load_idx %arg7[%shift_right_logical3A_306, %broadcast_in_dim3A_1, %and3A_309] : memref<391x1x128xf32, #tpu.memory_space<vmem>>[vector<16xi32>, vector<16xi32>, vector<16xi32>], vector<16xf32>,
      %select_n3A_311 = arith.select %ge3A_294, %gather3A_310, %gather3A_291 : vector<16xi1>, vector<16xf32>
      %bitcast3A_312 = vector.bitcast %select_n3A_311 : vector<16xf32> to vector<16xi32>
      %swap3A_313 = arith.index_cast %scan3A_30 : i32 to index
      %swap3A_314 = arith.constant 112 : index
      %swap3A_315 = tpu.vector_load %arg5[%swap3A_313, %swap3A_314] {strides = array<i32>} : memref<128x128xi32, #tpu.memory_space<vmem>>, vector<16xi32>,
      tpu.vector_store %arg5[%swap3A_313, %swap3A_314], %bitcast3A_312 {strides = array<i32>} : memref<128x128xi32, #tpu.memory_space<vmem>>, vector<16xi32>,
      %scan3A_316 = arith.constant 0 : i32
      %scan3A_317 = arith.constant 1 : i32
      %scan3A_318 = arith.addi %scan3A_30, %scan3A_317 : i32
      %get3A_319 = arith.index_cast %scan3A_318 : i32 to index
      %get3A_320 = arith.constant 0 : index
      %get3A_321 = tpu.vector_load %arg5[%get3A_319, %get3A_320] {strides = array<i32>} : memref<128x128xi32, #tpu.memory_space<vmem>>, vector<16xi32>,
      %min3A_322 = arith.constant 50047 : i32
      %min3A_323 = vector.broadcast %min3A_322 : i32 to vector<16xi32>
      %min3A_324 = arith.minsi %get3A_321, %min3A_323 : vector<16xi32>
      %shift_right_logical3A_325 = arith.constant 7 : i32
      %shift_right_logical3A_326 = vector.broadcast %shift_right_logical3A_325 : i32 to vector<16xi32>
      %shift_right_logical3A_327 = arith.shrui %min3A_324, %shift_right_logical3A_326 : vector<16xi32>
      %and3A_328 = arith.constant 127 : i32
      %and3A_329 = vector.broadcast %and3A_328 : i32 to vector<16xi32>
      %and3A_330 = arith.andi %min3A_324, %and3A_329 : vector<16xi32>
      %gather3A_331 = tpu.vector_load_idx %arg6[%shift_right_logical3A_327, %broadcast_in_dim3A_1, %and3A_330] : memref<391x1x128xf32, #tpu.memory_space<vmem>>[vector<16xi32>, vector<16xi32>, vector<16xi32>], vector<16xf32>,
      %ge3A_332 = arith.constant 50048 : i32
      %ge3A_333 = vector.broadcast %ge3A_332 : i32 to vector<16xi32>
      %ge3A_334 = arith.cmpi sge, %get3A_321, %ge3A_333 : vector<16xi32>
      %sub3A_335 = arith.constant 50048 : i32
      %sub3A_336 = vector.broadcast %sub3A_335 : i32 to vector<16xi32>
      %sub3A_337 = arith.subi %get3A_321, %sub3A_336 : vector<16xi32>
      %jit3A_338 = arith.constant 0 : i32
      %jit3A_339 = arith.constant 50047 : i32
      %max3A_340 = vector.broadcast %jit3A_338 : i32 to vector<16xi32>
      %max3A_341 = arith.maxsi %max3A_340, %sub3A_337 : vector<16xi32>
      %min3A_342 = vector.broadcast %jit3A_339 : i32 to vector<16xi32>
      %min3A_343 = arith.minsi %min3A_342, %max3A_341 : vector<16xi32>
      %shift_right_logical3A_344 = arith.constant 7 : i32
      %shift_right_logical3A_345 = vector.broadcast %shift_right_logical3A_344 : i32 to vector<16xi32>
      %shift_right_logical3A_346 = arith.shrui %min3A_343, %shift_right_logical3A_345 : vector<16xi32>
      %and3A_347 = arith.constant 127 : i32
      %and3A_348 = vector.broadcast %and3A_347 : i32 to vector<16xi32>
      %and3A_349 = arith.andi %min3A_343, %and3A_348 : vector<16xi32>
      %gather3A_350 = tpu.vector_load_idx %arg7[%shift_right_logical3A_346, %broadcast_in_dim3A_1, %and3A_349] : memref<391x1x128xf32, #tpu.memory_space<vmem>>[vector<16xi32>, vector<16xi32>, vector<16xi32>], vector<16xf32>,
      %select_n3A_351 = arith.select %ge3A_334, %gather3A_350, %gather3A_331 : vector<16xi1>, vector<16xf32>
      %bitcast3A_352 = vector.bitcast %select_n3A_351 : vector<16xf32> to vector<16xi32>
      %swap3A_353 = arith.index_cast %scan3A_318 : i32 to index
      %swap3A_354 = arith.constant 0 : index
      %swap3A_355 = tpu.vector_load %arg5[%swap3A_353, %swap3A_354] {strides = array<i32>} : memref<128x128xi32, #tpu.memory_space<vmem>>, vector<16xi32>,
      tpu.vector_store %arg5[%swap3A_353, %swap3A_354], %bitcast3A_352 {strides = array<i32>} : memref<128x128xi32, #tpu.memory_space<vmem>>, vector<16xi32>,
      %get3A_356 = arith.index_cast %scan3A_318 : i32 to index
      %get3A_357 = arith.constant 16 : index
      %get3A_358 = tpu.vector_load %arg5[%get3A_356, %get3A_357] {strides = array<i32>} : memref<128x128xi32, #tpu.memory_space<vmem>>, vector<16xi32>,
      %min3A_359 = arith.constant 50047 : i32
      %min3A_360 = vector.broadcast %min3A_359 : i32 to vector<16xi32>
      %min3A_361 = arith.minsi %get3A_358, %min3A_360 : vector<16xi32>
      %shift_right_logical3A_362 = arith.constant 7 : i32
      %shift_right_logical3A_363 = vector.broadcast %shift_right_logical3A_362 : i32 to vector<16xi32>
      %shift_right_logical3A_364 = arith.shrui %min3A_361, %shift_right_logical3A_363 : vector<16xi32>
      %and3A_365 = arith.constant 127 : i32
      %and3A_366 = vector.broadcast %and3A_365 : i32 to vector<16xi32>
      %and3A_367 = arith.andi %min3A_361, %and3A_366 : vector<16xi32>
      %gather3A_368 = tpu.vector_load_idx %arg6[%shift_right_logical3A_364, %broadcast_in_dim3A_1, %and3A_367] : memref<391x1x128xf32, #tpu.memory_space<vmem>>[vector<16xi32>, vector<16xi32>, vector<16xi32>], vector<16xf32>,
      %ge3A_369 = arith.constant 50048 : i32
      %ge3A_370 = vector.broadcast %ge3A_369 : i32 to vector<16xi32>
      %ge3A_371 = arith.cmpi sge, %get3A_358, %ge3A_370 : vector<16xi32>
      %sub3A_372 = arith.constant 50048 : i32
      %sub3A_373 = vector.broadcast %sub3A_372 : i32 to vector<16xi32>
      %sub3A_374 = arith.subi %get3A_358, %sub3A_373 : vector<16xi32>
      %jit3A_375 = arith.constant 0 : i32
      %jit3A_376 = arith.constant 50047 : i32
      %max3A_377 = vector.broadcast %jit3A_375 : i32 to vector<16xi32>
      %max3A_378 = arith.maxsi %max3A_377, %sub3A_374 : vector<16xi32>
      %min3A_379 = vector.broadcast %jit3A_376 : i32 to vector<16xi32>
      %min3A_380 = arith.minsi %min3A_379, %max3A_378 : vector<16xi32>
      %shift_right_logical3A_381 = arith.constant 7 : i32
      %shift_right_logical3A_382 = vector.broadcast %shift_right_logical3A_381 : i32 to vector<16xi32>
      %shift_right_logical3A_383 = arith.shrui %min3A_380, %shift_right_logical3A_382 : vector<16xi32>
      %and3A_384 = arith.constant 127 : i32
      %and3A_385 = vector.broadcast %and3A_384 : i32 to vector<16xi32>
      %and3A_386 = arith.andi %min3A_380, %and3A_385 : vector<16xi32>
      %gather3A_387 = tpu.vector_load_idx %arg7[%shift_right_logical3A_383, %broadcast_in_dim3A_1, %and3A_386] : memref<391x1x128xf32, #tpu.memory_space<vmem>>[vector<16xi32>, vector<16xi32>, vector<16xi32>], vector<16xf32>,
      %select_n3A_388 = arith.select %ge3A_371, %gather3A_387, %gather3A_368 : vector<16xi1>, vector<16xf32>
      %bitcast3A_389 = vector.bitcast %select_n3A_388 : vector<16xf32> to vector<16xi32>
      %swap3A_390 = arith.index_cast %scan3A_318 : i32 to index
      %swap3A_391 = arith.constant 16 : index
      %swap3A_392 = tpu.vector_load %arg5[%swap3A_390, %swap3A_391] {strides = array<i32>} : memref<128x128xi32, #tpu.memory_space<vmem>>, vector<16xi32>,
      tpu.vector_store %arg5[%swap3A_390, %swap3A_391], %bitcast3A_389 {strides = array<i32>} : memref<128x128xi32, #tpu.memory_space<vmem>>, vector<16xi32>,
      %get3A_393 = arith.index_cast %scan3A_318 : i32 to index
      %get3A_394 = arith.constant 32 : index
      %get3A_395 = tpu.vector_load %arg5[%get3A_393, %get3A_394] {strides = array<i32>} : memref<128x128xi32, #tpu.memory_space<vmem>>, vector<16xi32>,
      %min3A_396 = arith.constant 50047 : i32
      %min3A_397 = vector.broadcast %min3A_396 : i32 to vector<16xi32>
      %min3A_398 = arith.minsi %get3A_395, %min3A_397 : vector<16xi32>
      %shift_right_logical3A_399 = arith.constant 7 : i32
      %shift_right_logical3A_400 = vector.broadcast %shift_right_logical3A_399 : i32 to vector<16xi32>
      %shift_right_logical3A_401 = arith.shrui %min3A_398, %shift_right_logical3A_400 : vector<16xi32>
      %and3A_402 = arith.constant 127 : i32
      %and3A_403 = vector.broadcast %and3A_402 : i32 to vector<16xi32>
      %and3A_404 = arith.andi %min3A_398, %and3A_403 : vector<16xi32>
      %gather3A_405 = tpu.vector_load_idx %arg6[%shift_right_logical3A_401, %broadcast_in_dim3A_1, %and3A_404] : memref<391x1x128xf32, #tpu.memory_space<vmem>>[vector<16xi32>, vector<16xi32>, vector<16xi32>], vector<16xf32>,
      %ge3A_406 = arith.constant 50048 : i32
      %ge3A_407 = vector.broadcast %ge3A_406 : i32 to vector<16xi32>
      %ge3A_408 = arith.cmpi sge, %get3A_395, %ge3A_407 : vector<16xi32>
      %sub3A_409 = arith.constant 50048 : i32
      %sub3A_410 = vector.broadcast %sub3A_409 : i32 to vector<16xi32>
      %sub3A_411 = arith.subi %get3A_395, %sub3A_410 : vector<16xi32>
      %jit3A_412 = arith.constant 0 : i32
      %jit3A_413 = arith.constant 50047 : i32
      %max3A_414 = vector.broadcast %jit3A_412 : i32 to vector<16xi32>
      %max3A_415 = arith.maxsi %max3A_414, %sub3A_411 : vector<16xi32>
      %min3A_416 = vector.broadcast %jit3A_413 : i32 to vector<16xi32>
      %min3A_417 = arith.minsi %min3A_416, %max3A_415 : vector<16xi32>
      %shift_right_logical3A_418 = arith.constant 7 : i32
      %shift_right_logical3A_419 = vector.broadcast %shift_right_logical3A_418 : i32 to vector<16xi32>
      %shift_right_logical3A_420 = arith.shrui %min3A_417, %shift_right_logical3A_419 : vector<16xi32>
      %and3A_421 = arith.constant 127 : i32
      %and3A_422 = vector.broadcast %and3A_421 : i32 to vector<16xi32>
      %and3A_423 = arith.andi %min3A_417, %and3A_422 : vector<16xi32>
      %gather3A_424 = tpu.vector_load_idx %arg7[%shift_right_logical3A_420, %broadcast_in_dim3A_1, %and3A_423] : memref<391x1x128xf32, #tpu.memory_space<vmem>>[vector<16xi32>, vector<16xi32>, vector<16xi32>], vector<16xf32>,
      %select_n3A_425 = arith.select %ge3A_408, %gather3A_424, %gather3A_405 : vector<16xi1>, vector<16xf32>
      %bitcast3A_426 = vector.bitcast %select_n3A_425 : vector<16xf32> to vector<16xi32>
      %swap3A_427 = arith.index_cast %scan3A_318 : i32 to index
      %swap3A_428 = arith.constant 32 : index
      %swap3A_429 = tpu.vector_load %arg5[%swap3A_427, %swap3A_428] {strides = array<i32>} : memref<128x128xi32, #tpu.memory_space<vmem>>, vector<16xi32>,
      tpu.vector_store %arg5[%swap3A_427, %swap3A_428], %bitcast3A_426 {strides = array<i32>} : memref<128x128xi32, #tpu.memory_space<vmem>>, vector<16xi32>,
      %get3A_430 = arith.index_cast %scan3A_318 : i32 to index
      %get3A_431 = arith.constant 48 : index
      %get3A_432 = tpu.vector_load %arg5[%get3A_430, %get3A_431] {strides = array<i32>} : memref<128x128xi32, #tpu.memory_space<vmem>>, vector<16xi32>,
      %min3A_433 = arith.constant 50047 : i32
      %min3A_434 = vector.broadcast %min3A_433 : i32 to vector<16xi32>
      %min3A_435 = arith.minsi %get3A_432, %min3A_434 : vector<16xi32>
      %shift_right_logical3A_436 = arith.constant 7 : i32
      %shift_right_logical3A_437 = vector.broadcast %shift_right_logical3A_436 : i32 to vector<16xi32>
      %shift_right_logical3A_438 = arith.shrui %min3A_435, %shift_right_logical3A_437 : vector<16xi32>
      %and3A_439 = arith.constant 127 : i32
      %and3A_440 = vector.broadcast %and3A_439 : i32 to vector<16xi32>
      %and3A_441 = arith.andi %min3A_435, %and3A_440 : vector<16xi32>
      %gather3A_442 = tpu.vector_load_idx %arg6[%shift_right_logical3A_438, %broadcast_in_dim3A_1, %and3A_441] : memref<391x1x128xf32, #tpu.memory_space<vmem>>[vector<16xi32>, vector<16xi32>, vector<16xi32>], vector<16xf32>,
      %ge3A_443 = arith.constant 50048 : i32
      %ge3A_444 = vector.broadcast %ge3A_443 : i32 to vector<16xi32>
      %ge3A_445 = arith.cmpi sge, %get3A_432, %ge3A_444 : vector<16xi32>
      %sub3A_446 = arith.constant 50048 : i32
      %sub3A_447 = vector.broadcast %sub3A_446 : i32 to vector<16xi32>
      %sub3A_448 = arith.subi %get3A_432, %sub3A_447 : vector<16xi32>
      %jit3A_449 = arith.constant 0 : i32
      %jit3A_450 = arith.constant 50047 : i32
      %max3A_451 = vector.broadcast %jit3A_449 : i32 to vector<16xi32>
      %max3A_452 = arith.maxsi %max3A_451, %sub3A_448 : vector<16xi32>
      %min3A_453 = vector.broadcast %jit3A_450 : i32 to vector<16xi32>
      %min3A_454 = arith.minsi %min3A_453, %max3A_452 : vector<16xi32>
      %shift_right_logical3A_455 = arith.constant 7 : i32
      %shift_right_logical3A_456 = vector.broadcast %shift_right_logical3A_455 : i32 to vector<16xi32>
      %shift_right_logical3A_457 = arith.shrui %min3A_454, %shift_right_logical3A_456 : vector<16xi32>
      %and3A_458 = arith.constant 127 : i32
      %and3A_459 = vector.broadcast %and3A_458 : i32 to vector<16xi32>
      %and3A_460 = arith.andi %min3A_454, %and3A_459 : vector<16xi32>
      %gather3A_461 = tpu.vector_load_idx %arg7[%shift_right_logical3A_457, %broadcast_in_dim3A_1, %and3A_460] : memref<391x1x128xf32, #tpu.memory_space<vmem>>[vector<16xi32>, vector<16xi32>, vector<16xi32>], vector<16xf32>,
      %select_n3A_462 = arith.select %ge3A_445, %gather3A_461, %gather3A_442 : vector<16xi1>, vector<16xf32>
      %bitcast3A_463 = vector.bitcast %select_n3A_462 : vector<16xf32> to vector<16xi32>
      %swap3A_464 = arith.index_cast %scan3A_318 : i32 to index
      %swap3A_465 = arith.constant 48 : index
      %swap3A_466 = tpu.vector_load %arg5[%swap3A_464, %swap3A_465] {strides = array<i32>} : memref<128x128xi32, #tpu.memory_space<vmem>>, vector<16xi32>,
      tpu.vector_store %arg5[%swap3A_464, %swap3A_465], %bitcast3A_463 {strides = array<i32>} : memref<128x128xi32, #tpu.memory_space<vmem>>, vector<16xi32>,
      %get3A_467 = arith.index_cast %scan3A_318 : i32 to index
      %get3A_468 = arith.constant 64 : index
      %get3A_469 = tpu.vector_load %arg5[%get3A_467, %get3A_468] {strides = array<i32>} : memref<128x128xi32, #tpu.memory_space<vmem>>, vector<16xi32>,
      %min3A_470 = arith.constant 50047 : i32
      %min3A_471 = vector.broadcast %min3A_470 : i32 to vector<16xi32>
      %min3A_472 = arith.minsi %get3A_469, %min3A_471 : vector<16xi32>
      %shift_right_logical3A_473 = arith.constant 7 : i32
      %shift_right_logical3A_474 = vector.broadcast %shift_right_logical3A_473 : i32 to vector<16xi32>
      %shift_right_logical3A_475 = arith.shrui %min3A_472, %shift_right_logical3A_474 : vector<16xi32>
      %and3A_476 = arith.constant 127 : i32
      %and3A_477 = vector.broadcast %and3A_476 : i32 to vector<16xi32>
      %and3A_478 = arith.andi %min3A_472, %and3A_477 : vector<16xi32>
      %gather3A_479 = tpu.vector_load_idx %arg6[%shift_right_logical3A_475, %broadcast_in_dim3A_1, %and3A_478] : memref<391x1x128xf32, #tpu.memory_space<vmem>>[vector<16xi32>, vector<16xi32>, vector<16xi32>], vector<16xf32>,
      %ge3A_480 = arith.constant 50048 : i32
      %ge3A_481 = vector.broadcast %ge3A_480 : i32 to vector<16xi32>
      %ge3A_482 = arith.cmpi sge, %get3A_469, %ge3A_481 : vector<16xi32>
      %sub3A_483 = arith.constant 50048 : i32
      %sub3A_484 = vector.broadcast %sub3A_483 : i32 to vector<16xi32>
      %sub3A_485 = arith.subi %get3A_469, %sub3A_484 : vector<16xi32>
      %jit3A_486 = arith.constant 0 : i32
      %jit3A_487 = arith.constant 50047 : i32
      %max3A_488 = vector.broadcast %jit3A_486 : i32 to vector<16xi32>
      %max3A_489 = arith.maxsi %max3A_488, %sub3A_485 : vector<16xi32>
      %min3A_490 = vector.broadcast %jit3A_487 : i32 to vector<16xi32>
      %min3A_491 = arith.minsi %min3A_490, %max3A_489 : vector<16xi32>
      %shift_right_logical3A_492 = arith.constant 7 : i32
      %shift_right_logical3A_493 = vector.broadcast %shift_right_logical3A_492 : i32 to vector<16xi32>
      %shift_right_logical3A_494 = arith.shrui %min3A_491, %shift_right_logical3A_493 : vector<16xi32>
      %and3A_495 = arith.constant 127 : i32
      %and3A_496 = vector.broadcast %and3A_495 : i32 to vector<16xi32>
      %and3A_497 = arith.andi %min3A_491, %and3A_496 : vector<16xi32>
      %gather3A_498 = tpu.vector_load_idx %arg7[%shift_right_logical3A_494, %broadcast_in_dim3A_1, %and3A_497] : memref<391x1x128xf32, #tpu.memory_space<vmem>>[vector<16xi32>, vector<16xi32>, vector<16xi32>], vector<16xf32>,
      %select_n3A_499 = arith.select %ge3A_482, %gather3A_498, %gather3A_479 : vector<16xi1>, vector<16xf32>
      %bitcast3A_500 = vector.bitcast %select_n3A_499 : vector<16xf32> to vector<16xi32>
      %swap3A_501 = arith.index_cast %scan3A_318 : i32 to index
      %swap3A_502 = arith.constant 64 : index
      %swap3A_503 = tpu.vector_load %arg5[%swap3A_501, %swap3A_502] {strides = array<i32>} : memref<128x128xi32, #tpu.memory_space<vmem>>, vector<16xi32>,
      tpu.vector_store %arg5[%swap3A_501, %swap3A_502], %bitcast3A_500 {strides = array<i32>} : memref<128x128xi32, #tpu.memory_space<vmem>>, vector<16xi32>,
      %get3A_504 = arith.index_cast %scan3A_318 : i32 to index
      %get3A_505 = arith.constant 80 : index
      %get3A_506 = tpu.vector_load %arg5[%get3A_504, %get3A_505] {strides = array<i32>} : memref<128x128xi32, #tpu.memory_space<vmem>>, vector<16xi32>,
      %min3A_507 = arith.constant 50047 : i32
      %min3A_508 = vector.broadcast %min3A_507 : i32 to vector<16xi32>
      %min3A_509 = arith.minsi %get3A_506, %min3A_508 : vector<16xi32>
      %shift_right_logical3A_510 = arith.constant 7 : i32
      %shift_right_logical3A_511 = vector.broadcast %shift_right_logical3A_510 : i32 to vector<16xi32>
      %shift_right_logical3A_512 = arith.shrui %min3A_509, %shift_right_logical3A_511 : vector<16xi32>
      %and3A_513 = arith.constant 127 : i32
      %and3A_514 = vector.broadcast %and3A_513 : i32 to vector<16xi32>
      %and3A_515 = arith.andi %min3A_509, %and3A_514 : vector<16xi32>
      %gather3A_516 = tpu.vector_load_idx %arg6[%shift_right_logical3A_512, %broadcast_in_dim3A_1, %and3A_515] : memref<391x1x128xf32, #tpu.memory_space<vmem>>[vector<16xi32>, vector<16xi32>, vector<16xi32>], vector<16xf32>,
      %ge3A_517 = arith.constant 50048 : i32
      %ge3A_518 = vector.broadcast %ge3A_517 : i32 to vector<16xi32>
      %ge3A_519 = arith.cmpi sge, %get3A_506, %ge3A_518 : vector<16xi32>
      %sub3A_520 = arith.constant 50048 : i32
      %sub3A_521 = vector.broadcast %sub3A_520 : i32 to vector<16xi32>
      %sub3A_522 = arith.subi %get3A_506, %sub3A_521 : vector<16xi32>
      %jit3A_523 = arith.constant 0 : i32
      %jit3A_524 = arith.constant 50047 : i32
      %max3A_525 = vector.broadcast %jit3A_523 : i32 to vector<16xi32>
      %max3A_526 = arith.maxsi %max3A_525, %sub3A_522 : vector<16xi32>
      %min3A_527 = vector.broadcast %jit3A_524 : i32 to vector<16xi32>
      %min3A_528 = arith.minsi %min3A_527, %max3A_526 : vector<16xi32>
      %shift_right_logical3A_529 = arith.constant 7 : i32
      %shift_right_logical3A_530 = vector.broadcast %shift_right_logical3A_529 : i32 to vector<16xi32>
      %shift_right_logical3A_531 = arith.shrui %min3A_528, %shift_right_logical3A_530 : vector<16xi32>
      %and3A_532 = arith.constant 127 : i32
      %and3A_533 = vector.broadcast %and3A_532 : i32 to vector<16xi32>
      %and3A_534 = arith.andi %min3A_528, %and3A_533 : vector<16xi32>
      %gather3A_535 = tpu.vector_load_idx %arg7[%shift_right_logical3A_531, %broadcast_in_dim3A_1, %and3A_534] : memref<391x1x128xf32, #tpu.memory_space<vmem>>[vector<16xi32>, vector<16xi32>, vector<16xi32>], vector<16xf32>,
      %select_n3A_536 = arith.select %ge3A_519, %gather3A_535, %gather3A_516 : vector<16xi1>, vector<16xf32>
      %bitcast3A_537 = vector.bitcast %select_n3A_536 : vector<16xf32> to vector<16xi32>
      %swap3A_538 = arith.index_cast %scan3A_318 : i32 to index
      %swap3A_539 = arith.constant 80 : index
      %swap3A_540 = tpu.vector_load %arg5[%swap3A_538, %swap3A_539] {strides = array<i32>} : memref<128x128xi32, #tpu.memory_space<vmem>>, vector<16xi32>,
      tpu.vector_store %arg5[%swap3A_538, %swap3A_539], %bitcast3A_537 {strides = array<i32>} : memref<128x128xi32, #tpu.memory_space<vmem>>, vector<16xi32>,
      %get3A_541 = arith.index_cast %scan3A_318 : i32 to index
      %get3A_542 = arith.constant 96 : index
      %get3A_543 = tpu.vector_load %arg5[%get3A_541, %get3A_542] {strides = array<i32>} : memref<128x128xi32, #tpu.memory_space<vmem>>, vector<16xi32>,
      %min3A_544 = arith.constant 50047 : i32
      %min3A_545 = vector.broadcast %min3A_544 : i32 to vector<16xi32>
      %min3A_546 = arith.minsi %get3A_543, %min3A_545 : vector<16xi32>
      %shift_right_logical3A_547 = arith.constant 7 : i32
      %shift_right_logical3A_548 = vector.broadcast %shift_right_logical3A_547 : i32 to vector<16xi32>
      %shift_right_logical3A_549 = arith.shrui %min3A_546, %shift_right_logical3A_548 : vector<16xi32>
      %and3A_550 = arith.constant 127 : i32
      %and3A_551 = vector.broadcast %and3A_550 : i32 to vector<16xi32>
      %and3A_552 = arith.andi %min3A_546, %and3A_551 : vector<16xi32>
      %gather3A_553 = tpu.vector_load_idx %arg6[%shift_right_logical3A_549, %broadcast_in_dim3A_1, %and3A_552] : memref<391x1x128xf32, #tpu.memory_space<vmem>>[vector<16xi32>, vector<16xi32>, vector<16xi32>], vector<16xf32>,
      %ge3A_554 = arith.constant 50048 : i32
      %ge3A_555 = vector.broadcast %ge3A_554 : i32 to vector<16xi32>
      %ge3A_556 = arith.cmpi sge, %get3A_543, %ge3A_555 : vector<16xi32>
      %sub3A_557 = arith.constant 50048 : i32
      %sub3A_558 = vector.broadcast %sub3A_557 : i32 to vector<16xi32>
      %sub3A_559 = arith.subi %get3A_543, %sub3A_558 : vector<16xi32>
      %jit3A_560 = arith.constant 0 : i32
      %jit3A_561 = arith.constant 50047 : i32
      %max3A_562 = vector.broadcast %jit3A_560 : i32 to vector<16xi32>
      %max3A_563 = arith.maxsi %max3A_562, %sub3A_559 : vector<16xi32>
      %min3A_564 = vector.broadcast %jit3A_561 : i32 to vector<16xi32>
      %min3A_565 = arith.minsi %min3A_564, %max3A_563 : vector<16xi32>
      %shift_right_logical3A_566 = arith.constant 7 : i32
      %shift_right_logical3A_567 = vector.broadcast %shift_right_logical3A_566 : i32 to vector<16xi32>
      %shift_right_logical3A_568 = arith.shrui %min3A_565, %shift_right_logical3A_567 : vector<16xi32>
      %and3A_569 = arith.constant 127 : i32
      %and3A_570 = vector.broadcast %and3A_569 : i32 to vector<16xi32>
      %and3A_571 = arith.andi %min3A_565, %and3A_570 : vector<16xi32>
      %gather3A_572 = tpu.vector_load_idx %arg7[%shift_right_logical3A_568, %broadcast_in_dim3A_1, %and3A_571] : memref<391x1x128xf32, #tpu.memory_space<vmem>>[vector<16xi32>, vector<16xi32>, vector<16xi32>], vector<16xf32>,
      %select_n3A_573 = arith.select %ge3A_556, %gather3A_572, %gather3A_553 : vector<16xi1>, vector<16xf32>
      %bitcast3A_574 = vector.bitcast %select_n3A_573 : vector<16xf32> to vector<16xi32>
      %swap3A_575 = arith.index_cast %scan3A_318 : i32 to index
      %swap3A_576 = arith.constant 96 : index
      %swap3A_577 = tpu.vector_load %arg5[%swap3A_575, %swap3A_576] {strides = array<i32>} : memref<128x128xi32, #tpu.memory_space<vmem>>, vector<16xi32>,
      tpu.vector_store %arg5[%swap3A_575, %swap3A_576], %bitcast3A_574 {strides = array<i32>} : memref<128x128xi32, #tpu.memory_space<vmem>>, vector<16xi32>,
      %get3A_578 = arith.index_cast %scan3A_318 : i32 to index
      %get3A_579 = arith.constant 112 : index
      %get3A_580 = tpu.vector_load %arg5[%get3A_578, %get3A_579] {strides = array<i32>} : memref<128x128xi32, #tpu.memory_space<vmem>>, vector<16xi32>,
      %min3A_581 = arith.constant 50047 : i32
      %min3A_582 = vector.broadcast %min3A_581 : i32 to vector<16xi32>
      %min3A_583 = arith.minsi %get3A_580, %min3A_582 : vector<16xi32>
      %shift_right_logical3A_584 = arith.constant 7 : i32
      %shift_right_logical3A_585 = vector.broadcast %shift_right_logical3A_584 : i32 to vector<16xi32>
      %shift_right_logical3A_586 = arith.shrui %min3A_583, %shift_right_logical3A_585 : vector<16xi32>
      %and3A_587 = arith.constant 127 : i32
      %and3A_588 = vector.broadcast %and3A_587 : i32 to vector<16xi32>
      %and3A_589 = arith.andi %min3A_583, %and3A_588 : vector<16xi32>
      %gather3A_590 = tpu.vector_load_idx %arg6[%shift_right_logical3A_586, %broadcast_in_dim3A_1, %and3A_589] : memref<391x1x128xf32, #tpu.memory_space<vmem>>[vector<16xi32>, vector<16xi32>, vector<16xi32>], vector<16xf32>,
      %ge3A_591 = arith.constant 50048 : i32
      %ge3A_592 = vector.broadcast %ge3A_591 : i32 to vector<16xi32>
      %ge3A_593 = arith.cmpi sge, %get3A_580, %ge3A_592 : vector<16xi32>
      %sub3A_594 = arith.constant 50048 : i32
      %sub3A_595 = vector.broadcast %sub3A_594 : i32 to vector<16xi32>
      %sub3A_596 = arith.subi %get3A_580, %sub3A_595 : vector<16xi32>
      %jit3A_597 = arith.constant 0 : i32
      %jit3A_598 = arith.constant 50047 : i32
      %max3A_599 = vector.broadcast %jit3A_597 : i32 to vector<16xi32>
      %max3A_600 = arith.maxsi %max3A_599, %sub3A_596 : vector<16xi32>
      %min3A_601 = vector.broadcast %jit3A_598 : i32 to vector<16xi32>
      %min3A_602 = arith.minsi %min3A_601, %max3A_600 : vector<16xi32>
      %shift_right_logical3A_603 = arith.constant 7 : i32
      %shift_right_logical3A_604 = vector.broadcast %shift_right_logical3A_603 : i32 to vector<16xi32>
      %shift_right_logical3A_605 = arith.shrui %min3A_602, %shift_right_logical3A_604 : vector<16xi32>
      %and3A_606 = arith.constant 127 : i32
      %and3A_607 = vector.broadcast %and3A_606 : i32 to vector<16xi32>
      %and3A_608 = arith.andi %min3A_602, %and3A_607 : vector<16xi32>
      %gather3A_609 = tpu.vector_load_idx %arg7[%shift_right_logical3A_605, %broadcast_in_dim3A_1, %and3A_608] : memref<391x1x128xf32, #tpu.memory_space<vmem>>[vector<16xi32>, vector<16xi32>, vector<16xi32>], vector<16xf32>,
      %select_n3A_610 = arith.select %ge3A_593, %gather3A_609, %gather3A_590 : vector<16xi1>, vector<16xf32>
      %bitcast3A_611 = vector.bitcast %select_n3A_610 : vector<16xf32> to vector<16xi32>
      %swap3A_612 = arith.index_cast %scan3A_318 : i32 to index
      %swap3A_613 = arith.constant 112 : index
      %swap3A_614 = tpu.vector_load %arg5[%swap3A_612, %swap3A_613] {strides = array<i32>} : memref<128x128xi32, #tpu.memory_space<vmem>>, vector<16xi32>,
      tpu.vector_store %arg5[%swap3A_612, %swap3A_613], %bitcast3A_611 {strides = array<i32>} : memref<128x128xi32, #tpu.memory_space<vmem>>, vector<16xi32>,
      %scan3A_615 = arith.constant 0 : i32
      %scan3A_616 = arith.constant 2 : i32
      %scan3A_617 = arith.addi %scan3A_30, %scan3A_616 : i32
      %get3A_618 = arith.index_cast %scan3A_617 : i32 to index
      %get3A_619 = arith.constant 0 : index
      %get3A_620 = tpu.vector_load %arg5[%get3A_618, %get3A_619] {strides = array<i32>} : memref<128x128xi32, #tpu.memory_space<vmem>>, vector<16xi32>,
      %min3A_621 = arith.constant 50047 : i32
      %min3A_622 = vector.broadcast %min3A_621 : i32 to vector<16xi32>
      %min3A_623 = arith.minsi %get3A_620, %min3A_622 : vector<16xi32>
      %shift_right_logical3A_624 = arith.constant 7 : i32
      %shift_right_logical3A_625 = vector.broadcast %shift_right_logical3A_624 : i32 to vector<16xi32>
      %shift_right_logical3A_626 = arith.shrui %min3A_623, %shift_right_logical3A_625 : vector<16xi32>
      %and3A_627 = arith.constant 127 : i32
      %and3A_628 = vector.broadcast %and3A_627 : i32 to vector<16xi32>
      %and3A_629 = arith.andi %min3A_623, %and3A_628 : vector<16xi32>
      %gather3A_630 = tpu.vector_load_idx %arg6[%shift_right_logical3A_626, %broadcast_in_dim3A_1, %and3A_629] : memref<391x1x128xf32, #tpu.memory_space<vmem>>[vector<16xi32>, vector<16xi32>, vector<16xi32>], vector<16xf32>,
      %ge3A_631 = arith.constant 50048 : i32
      %ge3A_632 = vector.broadcast %ge3A_631 : i32 to vector<16xi32>
      %ge3A_633 = arith.cmpi sge, %get3A_620, %ge3A_632 : vector<16xi32>
      %sub3A_634 = arith.constant 50048 : i32
      %sub3A_635 = vector.broadcast %sub3A_634 : i32 to vector<16xi32>
      %sub3A_636 = arith.subi %get3A_620, %sub3A_635 : vector<16xi32>
      %jit3A_637 = arith.constant 0 : i32
      %jit3A_638 = arith.constant 50047 : i32
      %max3A_639 = vector.broadcast %jit3A_637 : i32 to vector<16xi32>
      %max3A_640 = arith.maxsi %max3A_639, %sub3A_636 : vector<16xi32>
      %min3A_641 = vector.broadcast %jit3A_638 : i32 to vector<16xi32>
      %min3A_642 = arith.minsi %min3A_641, %max3A_640 : vector<16xi32>
      %shift_right_logical3A_643 = arith.constant 7 : i32
      %shift_right_logical3A_644 = vector.broadcast %shift_right_logical3A_643 : i32 to vector<16xi32>
      %shift_right_logical3A_645 = arith.shrui %min3A_642, %shift_right_logical3A_644 : vector<16xi32>
      %and3A_646 = arith.constant 127 : i32
      %and3A_647 = vector.broadcast %and3A_646 : i32 to vector<16xi32>
      %and3A_648 = arith.andi %min3A_642, %and3A_647 : vector<16xi32>
      %gather3A_649 = tpu.vector_load_idx %arg7[%shift_right_logical3A_645, %broadcast_in_dim3A_1, %and3A_648] : memref<391x1x128xf32, #tpu.memory_space<vmem>>[vector<16xi32>, vector<16xi32>, vector<16xi32>], vector<16xf32>,
      %select_n3A_650 = arith.select %ge3A_633, %gather3A_649, %gather3A_630 : vector<16xi1>, vector<16xf32>
      %bitcast3A_651 = vector.bitcast %select_n3A_650 : vector<16xf32> to vector<16xi32>
      %swap3A_652 = arith.index_cast %scan3A_617 : i32 to index
      %swap3A_653 = arith.constant 0 : index
      %swap3A_654 = tpu.vector_load %arg5[%swap3A_652, %swap3A_653] {strides = array<i32>} : memref<128x128xi32, #tpu.memory_space<vmem>>, vector<16xi32>,
      tpu.vector_store %arg5[%swap3A_652, %swap3A_653], %bitcast3A_651 {strides = array<i32>} : memref<128x128xi32, #tpu.memory_space<vmem>>, vector<16xi32>,
      %get3A_655 = arith.index_cast %scan3A_617 : i32 to index
      %get3A_656 = arith.constant 16 : index
      %get3A_657 = tpu.vector_load %arg5[%get3A_655, %get3A_656] {strides = array<i32>} : memref<128x128xi32, #tpu.memory_space<vmem>>, vector<16xi32>,
      %min3A_658 = arith.constant 50047 : i32
      %min3A_659 = vector.broadcast %min3A_658 : i32 to vector<16xi32>
      %min3A_660 = arith.minsi %get3A_657, %min3A_659 : vector<16xi32>
      %shift_right_logical3A_661 = arith.constant 7 : i32
      %shift_right_logical3A_662 = vector.broadcast %shift_right_logical3A_661 : i32 to vector<16xi32>
      %shift_right_logical3A_663 = arith.shrui %min3A_660, %shift_right_logical3A_662 : vector<16xi32>
      %and3A_664 = arith.constant 127 : i32
      %and3A_665 = vector.broadcast %and3A_664 : i32 to vector<16xi32>
      %and3A_666 = arith.andi %min3A_660, %and3A_665 : vector<16xi32>
      %gather3A_667 = tpu.vector_load_idx %arg6[%shift_right_logical3A_663, %broadcast_in_dim3A_1, %and3A_666] : memref<391x1x128xf32, #tpu.memory_space<vmem>>[vector<16xi32>, vector<16xi32>, vector<16xi32>], vector<16xf32>,
      %ge3A_668 = arith.constant 50048 : i32
      %ge3A_669 = vector.broadcast %ge3A_668 : i32 to vector<16xi32>
      %ge3A_670 = arith.cmpi sge, %get3A_657, %ge3A_669 : vector<16xi32>
      %sub3A_671 = arith.constant 50048 : i32
      %sub3A_672 = vector.broadcast %sub3A_671 : i32 to vector<16xi32>
      %sub3A_673 = arith.subi %get3A_657, %sub3A_672 : vector<16xi32>
      %jit3A_674 = arith.constant 0 : i32
      %jit3A_675 = arith.constant 50047 : i32
      %max3A_676 = vector.broadcast %jit3A_674 : i32 to vector<16xi32>
      %max3A_677 = arith.maxsi %max3A_676, %sub3A_673 : vector<16xi32>
      %min3A_678 = vector.broadcast %jit3A_675 : i32 to vector<16xi32>
      %min3A_679 = arith.minsi %min3A_678, %max3A_677 : vector<16xi32>
      %shift_right_logical3A_680 = arith.constant 7 : i32
      %shift_right_logical3A_681 = vector.broadcast %shift_right_logical3A_680 : i32 to vector<16xi32>
      %shift_right_logical3A_682 = arith.shrui %min3A_679, %shift_right_logical3A_681 : vector<16xi32>
      %and3A_683 = arith.constant 127 : i32
      %and3A_684 = vector.broadcast %and3A_683 : i32 to vector<16xi32>
      %and3A_685 = arith.andi %min3A_679, %and3A_684 : vector<16xi32>
      %gather3A_686 = tpu.vector_load_idx %arg7[%shift_right_logical3A_682, %broadcast_in_dim3A_1, %and3A_685] : memref<391x1x128xf32, #tpu.memory_space<vmem>>[vector<16xi32>, vector<16xi32>, vector<16xi32>], vector<16xf32>,
      %select_n3A_687 = arith.select %ge3A_670, %gather3A_686, %gather3A_667 : vector<16xi1>, vector<16xf32>
      %bitcast3A_688 = vector.bitcast %select_n3A_687 : vector<16xf32> to vector<16xi32>
      %swap3A_689 = arith.index_cast %scan3A_617 : i32 to index
      %swap3A_690 = arith.constant 16 : index
      %swap3A_691 = tpu.vector_load %arg5[%swap3A_689, %swap3A_690] {strides = array<i32>} : memref<128x128xi32, #tpu.memory_space<vmem>>, vector<16xi32>,
      tpu.vector_store %arg5[%swap3A_689, %swap3A_690], %bitcast3A_688 {strides = array<i32>} : memref<128x128xi32, #tpu.memory_space<vmem>>, vector<16xi32>,
      %get3A_692 = arith.index_cast %scan3A_617 : i32 to index
      %get3A_693 = arith.constant 32 : index
      %get3A_694 = tpu.vector_load %arg5[%get3A_692, %get3A_693] {strides = array<i32>} : memref<128x128xi32, #tpu.memory_space<vmem>>, vector<16xi32>,
      %min3A_695 = arith.constant 50047 : i32
      %min3A_696 = vector.broadcast %min3A_695 : i32 to vector<16xi32>
      %min3A_697 = arith.minsi %get3A_694, %min3A_696 : vector<16xi32>
      %shift_right_logical3A_698 = arith.constant 7 : i32
      %shift_right_logical3A_699 = vector.broadcast %shift_right_logical3A_698 : i32 to vector<16xi32>
      %shift_right_logical3A_700 = arith.shrui %min3A_697, %shift_right_logical3A_699 : vector<16xi32>
      %and3A_701 = arith.constant 127 : i32
      %and3A_702 = vector.broadcast %and3A_701 : i32 to vector<16xi32>
      %and3A_703 = arith.andi %min3A_697, %and3A_702 : vector<16xi32>
      %gather3A_704 = tpu.vector_load_idx %arg6[%shift_right_logical3A_700, %broadcast_in_dim3A_1, %and3A_703] : memref<391x1x128xf32, #tpu.memory_space<vmem>>[vector<16xi32>, vector<16xi32>, vector<16xi32>], vector<16xf32>,
      %ge3A_705 = arith.constant 50048 : i32
      %ge3A_706 = vector.broadcast %ge3A_705 : i32 to vector<16xi32>
      %ge3A_707 = arith.cmpi sge, %get3A_694, %ge3A_706 : vector<16xi32>
      %sub3A_708 = arith.constant 50048 : i32
      %sub3A_709 = vector.broadcast %sub3A_708 : i32 to vector<16xi32>
      %sub3A_710 = arith.subi %get3A_694, %sub3A_709 : vector<16xi32>
      %jit3A_711 = arith.constant 0 : i32
      %jit3A_712 = arith.constant 50047 : i32
      %max3A_713 = vector.broadcast %jit3A_711 : i32 to vector<16xi32>
      %max3A_714 = arith.maxsi %max3A_713, %sub3A_710 : vector<16xi32>
      %min3A_715 = vector.broadcast %jit3A_712 : i32 to vector<16xi32>
      %min3A_716 = arith.minsi %min3A_715, %max3A_714 : vector<16xi32>
      %shift_right_logical3A_717 = arith.constant 7 : i32
      %shift_right_logical3A_718 = vector.broadcast %shift_right_logical3A_717 : i32 to vector<16xi32>
      %shift_right_logical3A_719 = arith.shrui %min3A_716, %shift_right_logical3A_718 : vector<16xi32>
      %and3A_720 = arith.constant 127 : i32
      %and3A_721 = vector.broadcast %and3A_720 : i32 to vector<16xi32>
      %and3A_722 = arith.andi %min3A_716, %and3A_721 : vector<16xi32>
      %gather3A_723 = tpu.vector_load_idx %arg7[%shift_right_logical3A_719, %broadcast_in_dim3A_1, %and3A_722] : memref<391x1x128xf32, #tpu.memory_space<vmem>>[vector<16xi32>, vector<16xi32>, vector<16xi32>], vector<16xf32>,
      %select_n3A_724 = arith.select %ge3A_707, %gather3A_723, %gather3A_704 : vector<16xi1>, vector<16xf32>
      %bitcast3A_725 = vector.bitcast %select_n3A_724 : vector<16xf32> to vector<16xi32>
      %swap3A_726 = arith.index_cast %scan3A_617 : i32 to index
      %swap3A_727 = arith.constant 32 : index
      %swap3A_728 = tpu.vector_load %arg5[%swap3A_726, %swap3A_727] {strides = array<i32>} : memref<128x128xi32, #tpu.memory_space<vmem>>, vector<16xi32>,
      tpu.vector_store %arg5[%swap3A_726, %swap3A_727], %bitcast3A_725 {strides = array<i32>} : memref<128x128xi32, #tpu.memory_space<vmem>>, vector<16xi32>,
      %get3A_729 = arith.index_cast %scan3A_617 : i32 to index
      %get3A_730 = arith.constant 48 : index
      %get3A_731 = tpu.vector_load %arg5[%get3A_729, %get3A_730] {strides = array<i32>} : memref<128x128xi32, #tpu.memory_space<vmem>>, vector<16xi32>,
      %min3A_732 = arith.constant 50047 : i32
      %min3A_733 = vector.broadcast %min3A_732 : i32 to vector<16xi32>
      %min3A_734 = arith.minsi %get3A_731, %min3A_733 : vector<16xi32>
      %shift_right_logical3A_735 = arith.constant 7 : i32
      %shift_right_logical3A_736 = vector.broadcast %shift_right_logical3A_735 : i32 to vector<16xi32>
      %shift_right_logical3A_737 = arith.shrui %min3A_734, %shift_right_logical3A_736 : vector<16xi32>
      %and3A_738 = arith.constant 127 : i32
      %and3A_739 = vector.broadcast %and3A_738 : i32 to vector<16xi32>
      %and3A_740 = arith.andi %min3A_734, %and3A_739 : vector<16xi32>
      %gather3A_741 = tpu.vector_load_idx %arg6[%shift_right_logical3A_737, %broadcast_in_dim3A_1, %and3A_740] : memref<391x1x128xf32, #tpu.memory_space<vmem>>[vector<16xi32>, vector<16xi32>, vector<16xi32>], vector<16xf32>,
      %ge3A_742 = arith.constant 50048 : i32
      %ge3A_743 = vector.broadcast %ge3A_742 : i32 to vector<16xi32>
      %ge3A_744 = arith.cmpi sge, %get3A_731, %ge3A_743 : vector<16xi32>
      %sub3A_745 = arith.constant 50048 : i32
      %sub3A_746 = vector.broadcast %sub3A_745 : i32 to vector<16xi32>
      %sub3A_747 = arith.subi %get3A_731, %sub3A_746 : vector<16xi32>
      %jit3A_748 = arith.constant 0 : i32
      %jit3A_749 = arith.constant 50047 : i32
      %max3A_750 = vector.broadcast %jit3A_748 : i32 to vector<16xi32>
      %max3A_751 = arith.maxsi %max3A_750, %sub3A_747 : vector<16xi32>
      %min3A_752 = vector.broadcast %jit3A_749 : i32 to vector<16xi32>
      %min3A_753 = arith.minsi %min3A_752, %max3A_751 : vector<16xi32>
      %shift_right_logical3A_754 = arith.constant 7 : i32
      %shift_right_logical3A_755 = vector.broadcast %shift_right_logical3A_754 : i32 to vector<16xi32>
      %shift_right_logical3A_756 = arith.shrui %min3A_753, %shift_right_logical3A_755 : vector<16xi32>
      %and3A_757 = arith.constant 127 : i32
      %and3A_758 = vector.broadcast %and3A_757 : i32 to vector<16xi32>
      %and3A_759 = arith.andi %min3A_753, %and3A_758 : vector<16xi32>
      %gather3A_760 = tpu.vector_load_idx %arg7[%shift_right_logical3A_756, %broadcast_in_dim3A_1, %and3A_759] : memref<391x1x128xf32, #tpu.memory_space<vmem>>[vector<16xi32>, vector<16xi32>, vector<16xi32>], vector<16xf32>,
      %select_n3A_761 = arith.select %ge3A_744, %gather3A_760, %gather3A_741 : vector<16xi1>, vector<16xf32>
      %bitcast3A_762 = vector.bitcast %select_n3A_761 : vector<16xf32> to vector<16xi32>
      %swap3A_763 = arith.index_cast %scan3A_617 : i32 to index
      %swap3A_764 = arith.constant 48 : index
      %swap3A_765 = tpu.vector_load %arg5[%swap3A_763, %swap3A_764] {strides = array<i32>} : memref<128x128xi32, #tpu.memory_space<vmem>>, vector<16xi32>,
      tpu.vector_store %arg5[%swap3A_763, %swap3A_764], %bitcast3A_762 {strides = array<i32>} : memref<128x128xi32, #tpu.memory_space<vmem>>, vector<16xi32>,
      %get3A_766 = arith.index_cast %scan3A_617 : i32 to index
      %get3A_767 = arith.constant 64 : index
      %get3A_768 = tpu.vector_load %arg5[%get3A_766, %get3A_767] {strides = array<i32>} : memref<128x128xi32, #tpu.memory_space<vmem>>, vector<16xi32>,
      %min3A_769 = arith.constant 50047 : i32
      %min3A_770 = vector.broadcast %min3A_769 : i32 to vector<16xi32>
      %min3A_771 = arith.minsi %get3A_768, %min3A_770 : vector<16xi32>
      %shift_right_logical3A_772 = arith.constant 7 : i32
      %shift_right_logical3A_773 = vector.broadcast %shift_right_logical3A_772 : i32 to vector<16xi32>
      %shift_right_logical3A_774 = arith.shrui %min3A_771, %shift_right_logical3A_773 : vector<16xi32>
      %and3A_775 = arith.constant 127 : i32
      %and3A_776 = vector.broadcast %and3A_775 : i32 to vector<16xi32>
      %and3A_777 = arith.andi %min3A_771, %and3A_776 : vector<16xi32>
      %gather3A_778 = tpu.vector_load_idx %arg6[%shift_right_logical3A_774, %broadcast_in_dim3A_1, %and3A_777] : memref<391x1x128xf32, #tpu.memory_space<vmem>>[vector<16xi32>, vector<16xi32>, vector<16xi32>], vector<16xf32>,
      %ge3A_779 = arith.constant 50048 : i32
      %ge3A_780 = vector.broadcast %ge3A_779 : i32 to vector<16xi32>
      %ge3A_781 = arith.cmpi sge, %get3A_768, %ge3A_780 : vector<16xi32>
      %sub3A_782 = arith.constant 50048 : i32
      %sub3A_783 = vector.broadcast %sub3A_782 : i32 to vector<16xi32>
      %sub3A_784 = arith.subi %get3A_768, %sub3A_783 : vector<16xi32>
      %jit3A_785 = arith.constant 0 : i32
      %jit3A_786 = arith.constant 50047 : i32
      %max3A_787 = vector.broadcast %jit3A_785 : i32 to vector<16xi32>
      %max3A_788 = arith.maxsi %max3A_787, %sub3A_784 : vector<16xi32>
      %min3A_789 = vector.broadcast %jit3A_786 : i32 to vector<16xi32>
      %min3A_790 = arith.minsi %min3A_789, %max3A_788 : vector<16xi32>
      %shift_right_logical3A_791 = arith.constant 7 : i32
      %shift_right_logical3A_792 = vector.broadcast %shift_right_logical3A_791 : i32 to vector<16xi32>
      %shift_right_logical3A_793 = arith.shrui %min3A_790, %shift_right_logical3A_792 : vector<16xi32>
      %and3A_794 = arith.constant 127 : i32
      %and3A_795 = vector.broadcast %and3A_794 : i32 to vector<16xi32>
      %and3A_796 = arith.andi %min3A_790, %and3A_795 : vector<16xi32>
      %gather3A_797 = tpu.vector_load_idx %arg7[%shift_right_logical3A_793, %broadcast_in_dim3A_1, %and3A_796] : memref<391x1x128xf32, #tpu.memory_space<vmem>>[vector<16xi32>, vector<16xi32>, vector<16xi32>], vector<16xf32>,
      %select_n3A_798 = arith.select %ge3A_781, %gather3A_797, %gather3A_778 : vector<16xi1>, vector<16xf32>
      %bitcast3A_799 = vector.bitcast %select_n3A_798 : vector<16xf32> to vector<16xi32>
      %swap3A_800 = arith.index_cast %scan3A_617 : i32 to index
      %swap3A_801 = arith.constant 64 : index
      %swap3A_802 = tpu.vector_load %arg5[%swap3A_800, %swap3A_801] {strides = array<i32>} : memref<128x128xi32, #tpu.memory_space<vmem>>, vector<16xi32>,
      tpu.vector_store %arg5[%swap3A_800, %swap3A_801], %bitcast3A_799 {strides = array<i32>} : memref<128x128xi32, #tpu.memory_space<vmem>>, vector<16xi32>,
      %get3A_803 = arith.index_cast %scan3A_617 : i32 to index
      %get3A_804 = arith.constant 80 : index
      %get3A_805 = tpu.vector_load %arg5[%get3A_803, %get3A_804] {strides = array<i32>} : memref<128x128xi32, #tpu.memory_space<vmem>>, vector<16xi32>,
      %min3A_806 = arith.constant 50047 : i32
      %min3A_807 = vector.broadcast %min3A_806 : i32 to vector<16xi32>
      %min3A_808 = arith.minsi %get3A_805, %min3A_807 : vector<16xi32>
      %shift_right_logical3A_809 = arith.constant 7 : i32
      %shift_right_logical3A_810 = vector.broadcast %shift_right_logical3A_809 : i32 to vector<16xi32>
      %shift_right_logical3A_811 = arith.shrui %min3A_808, %shift_right_logical3A_810 : vector<16xi32>
      %and3A_812 = arith.constant 127 : i32
      %and3A_813 = vector.broadcast %and3A_812 : i32 to vector<16xi32>
      %and3A_814 = arith.andi %min3A_808, %and3A_813 : vector<16xi32>
      %gather3A_815 = tpu.vector_load_idx %arg6[%shift_right_logical3A_811, %broadcast_in_dim3A_1, %and3A_814] : memref<391x1x128xf32, #tpu.memory_space<vmem>>[vector<16xi32>, vector<16xi32>, vector<16xi32>], vector<16xf32>,
      %ge3A_816 = arith.constant 50048 : i32
      %ge3A_817 = vector.broadcast %ge3A_816 : i32 to vector<16xi32>
      %ge3A_818 = arith.cmpi sge, %get3A_805, %ge3A_817 : vector<16xi32>
      %sub3A_819 = arith.constant 50048 : i32
      %sub3A_820 = vector.broadcast %sub3A_819 : i32 to vector<16xi32>
      %sub3A_821 = arith.subi %get3A_805, %sub3A_820 : vector<16xi32>
      %jit3A_822 = arith.constant 0 : i32
      %jit3A_823 = arith.constant 50047 : i32
      %max3A_824 = vector.broadcast %jit3A_822 : i32 to vector<16xi32>
      %max3A_825 = arith.maxsi %max3A_824, %sub3A_821 : vector<16xi32>
      %min3A_826 = vector.broadcast %jit3A_823 : i32 to vector<16xi32>
      %min3A_827 = arith.minsi %min3A_826, %max3A_825 : vector<16xi32>
      %shift_right_logical3A_828 = arith.constant 7 : i32
      %shift_right_logical3A_829 = vector.broadcast %shift_right_logical3A_828 : i32 to vector<16xi32>
      %shift_right_logical3A_830 = arith.shrui %min3A_827, %shift_right_logical3A_829 : vector<16xi32>
      %and3A_831 = arith.constant 127 : i32
      %and3A_832 = vector.broadcast %and3A_831 : i32 to vector<16xi32>
      %and3A_833 = arith.andi %min3A_827, %and3A_832 : vector<16xi32>
      %gather3A_834 = tpu.vector_load_idx %arg7[%shift_right_logical3A_830, %broadcast_in_dim3A_1, %and3A_833] : memref<391x1x128xf32, #tpu.memory_space<vmem>>[vector<16xi32>, vector<16xi32>, vector<16xi32>], vector<16xf32>,
      %select_n3A_835 = arith.select %ge3A_818, %gather3A_834, %gather3A_815 : vector<16xi1>, vector<16xf32>
      %bitcast3A_836 = vector.bitcast %select_n3A_835 : vector<16xf32> to vector<16xi32>
      %swap3A_837 = arith.index_cast %scan3A_617 : i32 to index
      %swap3A_838 = arith.constant 80 : index
      %swap3A_839 = tpu.vector_load %arg5[%swap3A_837, %swap3A_838] {strides = array<i32>} : memref<128x128xi32, #tpu.memory_space<vmem>>, vector<16xi32>,
      tpu.vector_store %arg5[%swap3A_837, %swap3A_838], %bitcast3A_836 {strides = array<i32>} : memref<128x128xi32, #tpu.memory_space<vmem>>, vector<16xi32>,
      %get3A_840 = arith.index_cast %scan3A_617 : i32 to index
      %get3A_841 = arith.constant 96 : index
      %get3A_842 = tpu.vector_load %arg5[%get3A_840, %get3A_841] {strides = array<i32>} : memref<128x128xi32, #tpu.memory_space<vmem>>, vector<16xi32>,
      %min3A_843 = arith.constant 50047 : i32
      %min3A_844 = vector.broadcast %min3A_843 : i32 to vector<16xi32>
      %min3A_845 = arith.minsi %get3A_842, %min3A_844 : vector<16xi32>
      %shift_right_logical3A_846 = arith.constant 7 : i32
      %shift_right_logical3A_847 = vector.broadcast %shift_right_logical3A_846 : i32 to vector<16xi32>
      %shift_right_logical3A_848 = arith.shrui %min3A_845, %shift_right_logical3A_847 : vector<16xi32>
      %and3A_849 = arith.constant 127 : i32
      %and3A_850 = vector.broadcast %and3A_849 : i32 to vector<16xi32>
      %and3A_851 = arith.andi %min3A_845, %and3A_850 : vector<16xi32>
      %gather3A_852 = tpu.vector_load_idx %arg6[%shift_right_logical3A_848, %broadcast_in_dim3A_1, %and3A_851] : memref<391x1x128xf32, #tpu.memory_space<vmem>>[vector<16xi32>, vector<16xi32>, vector<16xi32>], vector<16xf32>,
      %ge3A_853 = arith.constant 50048 : i32
      %ge3A_854 = vector.broadcast %ge3A_853 : i32 to vector<16xi32>
      %ge3A_855 = arith.cmpi sge, %get3A_842, %ge3A_854 : vector<16xi32>
      %sub3A_856 = arith.constant 50048 : i32
      %sub3A_857 = vector.broadcast %sub3A_856 : i32 to vector<16xi32>
      %sub3A_858 = arith.subi %get3A_842, %sub3A_857 : vector<16xi32>
      %jit3A_859 = arith.constant 0 : i32
      %jit3A_860 = arith.constant 50047 : i32
      %max3A_861 = vector.broadcast %jit3A_859 : i32 to vector<16xi32>
      %max3A_862 = arith.maxsi %max3A_861, %sub3A_858 : vector<16xi32>
      %min3A_863 = vector.broadcast %jit3A_860 : i32 to vector<16xi32>
      %min3A_864 = arith.minsi %min3A_863, %max3A_862 : vector<16xi32>
      %shift_right_logical3A_865 = arith.constant 7 : i32
      %shift_right_logical3A_866 = vector.broadcast %shift_right_logical3A_865 : i32 to vector<16xi32>
      %shift_right_logical3A_867 = arith.shrui %min3A_864, %shift_right_logical3A_866 : vector<16xi32>
      %and3A_868 = arith.constant 127 : i32
      %and3A_869 = vector.broadcast %and3A_868 : i32 to vector<16xi32>
      %and3A_870 = arith.andi %min3A_864, %and3A_869 : vector<16xi32>
      %gather3A_871 = tpu.vector_load_idx %arg7[%shift_right_logical3A_867, %broadcast_in_dim3A_1, %and3A_870] : memref<391x1x128xf32, #tpu.memory_space<vmem>>[vector<16xi32>, vector<16xi32>, vector<16xi32>], vector<16xf32>,
      %select_n3A_872 = arith.select %ge3A_855, %gather3A_871, %gather3A_852 : vector<16xi1>, vector<16xf32>
      %bitcast3A_873 = vector.bitcast %select_n3A_872 : vector<16xf32> to vector<16xi32>
      %swap3A_874 = arith.index_cast %scan3A_617 : i32 to index
      %swap3A_875 = arith.constant 96 : index
      %swap3A_876 = tpu.vector_load %arg5[%swap3A_874, %swap3A_875] {strides = array<i32>} : memref<128x128xi32, #tpu.memory_space<vmem>>, vector<16xi32>,
      tpu.vector_store %arg5[%swap3A_874, %swap3A_875], %bitcast3A_873 {strides = array<i32>} : memref<128x128xi32, #tpu.memory_space<vmem>>, vector<16xi32>,
      %get3A_877 = arith.index_cast %scan3A_617 : i32 to index
      %get3A_878 = arith.constant 112 : index
      %get3A_879 = tpu.vector_load %arg5[%get3A_877, %get3A_878] {strides = array<i32>} : memref<128x128xi32, #tpu.memory_space<vmem>>, vector<16xi32>,
      %min3A_880 = arith.constant 50047 : i32
      %min3A_881 = vector.broadcast %min3A_880 : i32 to vector<16xi32>
      %min3A_882 = arith.minsi %get3A_879, %min3A_881 : vector<16xi32>
      %shift_right_logical3A_883 = arith.constant 7 : i32
      %shift_right_logical3A_884 = vector.broadcast %shift_right_logical3A_883 : i32 to vector<16xi32>
      %shift_right_logical3A_885 = arith.shrui %min3A_882, %shift_right_logical3A_884 : vector<16xi32>
      %and3A_886 = arith.constant 127 : i32
      %and3A_887 = vector.broadcast %and3A_886 : i32 to vector<16xi32>
      %and3A_888 = arith.andi %min3A_882, %and3A_887 : vector<16xi32>
      %gather3A_889 = tpu.vector_load_idx %arg6[%shift_right_logical3A_885, %broadcast_in_dim3A_1, %and3A_888] : memref<391x1x128xf32, #tpu.memory_space<vmem>>[vector<16xi32>, vector<16xi32>, vector<16xi32>], vector<16xf32>,
      %ge3A_890 = arith.constant 50048 : i32
      %ge3A_891 = vector.broadcast %ge3A_890 : i32 to vector<16xi32>
      %ge3A_892 = arith.cmpi sge, %get3A_879, %ge3A_891 : vector<16xi32>
      %sub3A_893 = arith.constant 50048 : i32
      %sub3A_894 = vector.broadcast %sub3A_893 : i32 to vector<16xi32>
      %sub3A_895 = arith.subi %get3A_879, %sub3A_894 : vector<16xi32>
      %jit3A_896 = arith.constant 0 : i32
      %jit3A_897 = arith.constant 50047 : i32
      %max3A_898 = vector.broadcast %jit3A_896 : i32 to vector<16xi32>
      %max3A_899 = arith.maxsi %max3A_898, %sub3A_895 : vector<16xi32>
      %min3A_900 = vector.broadcast %jit3A_897 : i32 to vector<16xi32>
      %min3A_901 = arith.minsi %min3A_900, %max3A_899 : vector<16xi32>
      %shift_right_logical3A_902 = arith.constant 7 : i32
      %shift_right_logical3A_903 = vector.broadcast %shift_right_logical3A_902 : i32 to vector<16xi32>
      %shift_right_logical3A_904 = arith.shrui %min3A_901, %shift_right_logical3A_903 : vector<16xi32>
      %and3A_905 = arith.constant 127 : i32
      %and3A_906 = vector.broadcast %and3A_905 : i32 to vector<16xi32>
      %and3A_907 = arith.andi %min3A_901, %and3A_906 : vector<16xi32>
      %gather3A_908 = tpu.vector_load_idx %arg7[%shift_right_logical3A_904, %broadcast_in_dim3A_1, %and3A_907] : memref<391x1x128xf32, #tpu.memory_space<vmem>>[vector<16xi32>, vector<16xi32>, vector<16xi32>], vector<16xf32>,
      %select_n3A_909 = arith.select %ge3A_892, %gather3A_908, %gather3A_889 : vector<16xi1>, vector<16xf32>
      %bitcast3A_910 = vector.bitcast %select_n3A_909 : vector<16xf32> to vector<16xi32>
      %swap3A_911 = arith.index_cast %scan3A_617 : i32 to index
      %swap3A_912 = arith.constant 112 : index
      %swap3A_913 = tpu.vector_load %arg5[%swap3A_911, %swap3A_912] {strides = array<i32>} : memref<128x128xi32, #tpu.memory_space<vmem>>, vector<16xi32>,
      tpu.vector_store %arg5[%swap3A_911, %swap3A_912], %bitcast3A_910 {strides = array<i32>} : memref<128x128xi32, #tpu.memory_space<vmem>>, vector<16xi32>,
      %scan3A_914 = arith.constant 0 : i32
      %scan3A_915 = arith.constant 3 : i32
      %scan3A_916 = arith.addi %scan3A_30, %scan3A_915 : i32
      %get3A_917 = arith.index_cast %scan3A_916 : i32 to index
      %get3A_918 = arith.constant 0 : index
      %get3A_919 = tpu.vector_load %arg5[%get3A_917, %get3A_918] {strides = array<i32>} : memref<128x128xi32, #tpu.memory_space<vmem>>, vector<16xi32>,
      %min3A_920 = arith.constant 50047 : i32
      %min3A_921 = vector.broadcast %min3A_920 : i32 to vector<16xi32>
      %min3A_922 = arith.minsi %get3A_919, %min3A_921 : vector<16xi32>
      %shift_right_logical3A_923 = arith.constant 7 : i32
      %shift_right_logical3A_924 = vector.broadcast %shift_right_logical3A_923 : i32 to vector<16xi32>
      %shift_right_logical3A_925 = arith.shrui %min3A_922, %shift_right_logical3A_924 : vector<16xi32>
      %and3A_926 = arith.constant 127 : i32
      %and3A_927 = vector.broadcast %and3A_926 : i32 to vector<16xi32>
      %and3A_928 = arith.andi %min3A_922, %and3A_927 : vector<16xi32>
      %gather3A_929 = tpu.vector_load_idx %arg6[%shift_right_logical3A_925, %broadcast_in_dim3A_1, %and3A_928] : memref<391x1x128xf32, #tpu.memory_space<vmem>>[vector<16xi32>, vector<16xi32>, vector<16xi32>], vector<16xf32>,
      %ge3A_930 = arith.constant 50048 : i32
      %ge3A_931 = vector.broadcast %ge3A_930 : i32 to vector<16xi32>
      %ge3A_932 = arith.cmpi sge, %get3A_919, %ge3A_931 : vector<16xi32>
      %sub3A_933 = arith.constant 50048 : i32
      %sub3A_934 = vector.broadcast %sub3A_933 : i32 to vector<16xi32>
      %sub3A_935 = arith.subi %get3A_919, %sub3A_934 : vector<16xi32>
      %jit3A_936 = arith.constant 0 : i32
      %jit3A_937 = arith.constant 50047 : i32
      %max3A_938 = vector.broadcast %jit3A_936 : i32 to vector<16xi32>
      %max3A_939 = arith.maxsi %max3A_938, %sub3A_935 : vector<16xi32>
      %min3A_940 = vector.broadcast %jit3A_937 : i32 to vector<16xi32>
      %min3A_941 = arith.minsi %min3A_940, %max3A_939 : vector<16xi32>
      %shift_right_logical3A_942 = arith.constant 7 : i32
      %shift_right_logical3A_943 = vector.broadcast %shift_right_logical3A_942 : i32 to vector<16xi32>
      %shift_right_logical3A_944 = arith.shrui %min3A_941, %shift_right_logical3A_943 : vector<16xi32>
      %and3A_945 = arith.constant 127 : i32
      %and3A_946 = vector.broadcast %and3A_945 : i32 to vector<16xi32>
      %and3A_947 = arith.andi %min3A_941, %and3A_946 : vector<16xi32>
      %gather3A_948 = tpu.vector_load_idx %arg7[%shift_right_logical3A_944, %broadcast_in_dim3A_1, %and3A_947] : memref<391x1x128xf32, #tpu.memory_space<vmem>>[vector<16xi32>, vector<16xi32>, vector<16xi32>], vector<16xf32>,
      %select_n3A_949 = arith.select %ge3A_932, %gather3A_948, %gather3A_929 : vector<16xi1>, vector<16xf32>
      %bitcast3A_950 = vector.bitcast %select_n3A_949 : vector<16xf32> to vector<16xi32>
      %swap3A_951 = arith.index_cast %scan3A_916 : i32 to index
      %swap3A_952 = arith.constant 0 : index
      %swap3A_953 = tpu.vector_load %arg5[%swap3A_951, %swap3A_952] {strides = array<i32>} : memref<128x128xi32, #tpu.memory_space<vmem>>, vector<16xi32>,
      tpu.vector_store %arg5[%swap3A_951, %swap3A_952], %bitcast3A_950 {strides = array<i32>} : memref<128x128xi32, #tpu.memory_space<vmem>>, vector<16xi32>,
      %get3A_954 = arith.index_cast %scan3A_916 : i32 to index
      %get3A_955 = arith.constant 16 : index
      %get3A_956 = tpu.vector_load %arg5[%get3A_954, %get3A_955] {strides = array<i32>} : memref<128x128xi32, #tpu.memory_space<vmem>>, vector<16xi32>,
      %min3A_957 = arith.constant 50047 : i32
      %min3A_958 = vector.broadcast %min3A_957 : i32 to vector<16xi32>
      %min3A_959 = arith.minsi %get3A_956, %min3A_958 : vector<16xi32>
      %shift_right_logical3A_960 = arith.constant 7 : i32
      %shift_right_logical3A_961 = vector.broadcast %shift_right_logical3A_960 : i32 to vector<16xi32>
      %shift_right_logical3A_962 = arith.shrui %min3A_959, %shift_right_logical3A_961 : vector<16xi32>
      %and3A_963 = arith.constant 127 : i32
      %and3A_964 = vector.broadcast %and3A_963 : i32 to vector<16xi32>
      %and3A_965 = arith.andi %min3A_959, %and3A_964 : vector<16xi32>
      %gather3A_966 = tpu.vector_load_idx %arg6[%shift_right_logical3A_962, %broadcast_in_dim3A_1, %and3A_965] : memref<391x1x128xf32, #tpu.memory_space<vmem>>[vector<16xi32>, vector<16xi32>, vector<16xi32>], vector<16xf32>,
      %ge3A_967 = arith.constant 50048 : i32
      %ge3A_968 = vector.broadcast %ge3A_967 : i32 to vector<16xi32>
      %ge3A_969 = arith.cmpi sge, %get3A_956, %ge3A_968 : vector<16xi32>
      %sub3A_970 = arith.constant 50048 : i32
      %sub3A_971 = vector.broadcast %sub3A_970 : i32 to vector<16xi32>
      %sub3A_972 = arith.subi %get3A_956, %sub3A_971 : vector<16xi32>
      %jit3A_973 = arith.constant 0 : i32
      %jit3A_974 = arith.constant 50047 : i32
      %max3A_975 = vector.broadcast %jit3A_973 : i32 to vector<16xi32>
      %max3A_976 = arith.maxsi %max3A_975, %sub3A_972 : vector<16xi32>
      %min3A_977 = vector.broadcast %jit3A_974 : i32 to vector<16xi32>
      %min3A_978 = arith.minsi %min3A_977, %max3A_976 : vector<16xi32>
      %shift_right_logical3A_979 = arith.constant 7 : i32
      %shift_right_logical3A_980 = vector.broadcast %shift_right_logical3A_979 : i32 to vector<16xi32>
      %shift_right_logical3A_981 = arith.shrui %min3A_978, %shift_right_logical3A_980 : vector<16xi32>
      %and3A_982 = arith.constant 127 : i32
      %and3A_983 = vector.broadcast %and3A_982 : i32 to vector<16xi32>
      %and3A_984 = arith.andi %min3A_978, %and3A_983 : vector<16xi32>
      %gather3A_985 = tpu.vector_load_idx %arg7[%shift_right_logical3A_981, %broadcast_in_dim3A_1, %and3A_984] : memref<391x1x128xf32, #tpu.memory_space<vmem>>[vector<16xi32>, vector<16xi32>, vector<16xi32>], vector<16xf32>,
      %select_n3A_986 = arith.select %ge3A_969, %gather3A_985, %gather3A_966 : vector<16xi1>, vector<16xf32>
      %bitcast3A_987 = vector.bitcast %select_n3A_986 : vector<16xf32> to vector<16xi32>
      %swap3A_988 = arith.index_cast %scan3A_916 : i32 to index
      %swap3A_989 = arith.constant 16 : index
      %swap3A_990 = tpu.vector_load %arg5[%swap3A_988, %swap3A_989] {strides = array<i32>} : memref<128x128xi32, #tpu.memory_space<vmem>>, vector<16xi32>,
      tpu.vector_store %arg5[%swap3A_988, %swap3A_989], %bitcast3A_987 {strides = array<i32>} : memref<128x128xi32, #tpu.memory_space<vmem>>, vector<16xi32>,
      %get3A_991 = arith.index_cast %scan3A_916 : i32 to index
      %get3A_992 = arith.constant 32 : index
      %get3A_993 = tpu.vector_load %arg5[%get3A_991, %get3A_992] {strides = array<i32>} : memref<128x128xi32, #tpu.memory_space<vmem>>, vector<16xi32>,
      %min3A_994 = arith.constant 50047 : i32
      %min3A_995 = vector.broadcast %min3A_994 : i32 to vector<16xi32>
      %min3A_996 = arith.minsi %get3A_993, %min3A_995 : vector<16xi32>
      %shift_right_logical3A_997 = arith.constant 7 : i32
      %shift_right_logical3A_998 = vector.broadcast %shift_right_logical3A_997 : i32 to vector<16xi32>
      %shift_right_logical3A_999 = arith.shrui %min3A_996, %shift_right_logical3A_998 : vector<16xi32>
      %and3A_1000 = arith.constant 127 : i32
      %and3A_1001 = vector.broadcast %and3A_1000 : i32 to vector<16xi32>
      %and3A_1002 = arith.andi %min3A_996, %and3A_1001 : vector<16xi32>
      %gather3A_1003 = tpu.vector_load_idx %arg6[%shift_right_logical3A_999, %broadcast_in_dim3A_1, %and3A_1002] : memref<391x1x128xf32, #tpu.memory_space<vmem>>[vector<16xi32>, vector<16xi32>, vector<16xi32>], vector<16xf32>,
      %ge3A_1004 = arith.constant 50048 : i32
      %ge3A_1005 = vector.broadcast %ge3A_1004 : i32 to vector<16xi32>
      %ge3A_1006 = arith.cmpi sge, %get3A_993, %ge3A_1005 : vector<16xi32>
      %sub3A_1007 = arith.constant 50048 : i32
      %sub3A_1008 = vector.broadcast %sub3A_1007 : i32 to vector<16xi32>
      %sub3A_1009 = arith.subi %get3A_993, %sub3A_1008 : vector<16xi32>
      %jit3A_1010 = arith.constant 0 : i32
      %jit3A_1011 = arith.constant 50047 : i32
      %max3A_1012 = vector.broadcast %jit3A_1010 : i32 to vector<16xi32>
      %max3A_1013 = arith.maxsi %max3A_1012, %sub3A_1009 : vector<16xi32>
      %min3A_1014 = vector.broadcast %jit3A_1011 : i32 to vector<16xi32>
      %min3A_1015 = arith.minsi %min3A_1014, %max3A_1013 : vector<16xi32>
      %shift_right_logical3A_1016 = arith.constant 7 : i32
      %shift_right_logical3A_1017 = vector.broadcast %shift_right_logical3A_1016 : i32 to vector<16xi32>
      %shift_right_logical3A_1018 = arith.shrui %min3A_1015, %shift_right_logical3A_1017 : vector<16xi32>
      %and3A_1019 = arith.constant 127 : i32
      %and3A_1020 = vector.broadcast %and3A_1019 : i32 to vector<16xi32>
      %and3A_1021 = arith.andi %min3A_1015, %and3A_1020 : vector<16xi32>
      %gather3A_1022 = tpu.vector_load_idx %arg7[%shift_right_logical3A_1018, %broadcast_in_dim3A_1, %and3A_1021] : memref<391x1x128xf32, #tpu.memory_space<vmem>>[vector<16xi32>, vector<16xi32>, vector<16xi32>], vector<16xf32>,
      %select_n3A_1023 = arith.select %ge3A_1006, %gather3A_1022, %gather3A_1003 : vector<16xi1>, vector<16xf32>
      %bitcast3A_1024 = vector.bitcast %select_n3A_1023 : vector<16xf32> to vector<16xi32>
      %swap3A_1025 = arith.index_cast %scan3A_916 : i32 to index
      %swap3A_1026 = arith.constant 32 : index
      %swap3A_1027 = tpu.vector_load %arg5[%swap3A_1025, %swap3A_1026] {strides = array<i32>} : memref<128x128xi32, #tpu.memory_space<vmem>>, vector<16xi32>,
      tpu.vector_store %arg5[%swap3A_1025, %swap3A_1026], %bitcast3A_1024 {strides = array<i32>} : memref<128x128xi32, #tpu.memory_space<vmem>>, vector<16xi32>,
      %get3A_1028 = arith.index_cast %scan3A_916 : i32 to index
      %get3A_1029 = arith.constant 48 : index
      %get3A_1030 = tpu.vector_load %arg5[%get3A_1028, %get3A_1029] {strides = array<i32>} : memref<128x128xi32, #tpu.memory_space<vmem>>, vector<16xi32>,
      %min3A_1031 = arith.constant 50047 : i32
      %min3A_1032 = vector.broadcast %min3A_1031 : i32 to vector<16xi32>
      %min3A_1033 = arith.minsi %get3A_1030, %min3A_1032 : vector<16xi32>
      %shift_right_logical3A_1034 = arith.constant 7 : i32
      %shift_right_logical3A_1035 = vector.broadcast %shift_right_logical3A_1034 : i32 to vector<16xi32>
      %shift_right_logical3A_1036 = arith.shrui %min3A_1033, %shift_right_logical3A_1035 : vector<16xi32>
      %and3A_1037 = arith.constant 127 : i32
      %and3A_1038 = vector.broadcast %and3A_1037 : i32 to vector<16xi32>
      %and3A_1039 = arith.andi %min3A_1033, %and3A_1038 : vector<16xi32>
      %gather3A_1040 = tpu.vector_load_idx %arg6[%shift_right_logical3A_1036, %broadcast_in_dim3A_1, %and3A_1039] : memref<391x1x128xf32, #tpu.memory_space<vmem>>[vector<16xi32>, vector<16xi32>, vector<16xi32>], vector<16xf32>,
      %ge3A_1041 = arith.constant 50048 : i32
      %ge3A_1042 = vector.broadcast %ge3A_1041 : i32 to vector<16xi32>
      %ge3A_1043 = arith.cmpi sge, %get3A_1030, %ge3A_1042 : vector<16xi32>
      %sub3A_1044 = arith.constant 50048 : i32
      %sub3A_1045 = vector.broadcast %sub3A_1044 : i32 to vector<16xi32>
      %sub3A_1046 = arith.subi %get3A_1030, %sub3A_1045 : vector<16xi32>
      %jit3A_1047 = arith.constant 0 : i32
      %jit3A_1048 = arith.constant 50047 : i32
      %max3A_1049 = vector.broadcast %jit3A_1047 : i32 to vector<16xi32>
      %max3A_1050 = arith.maxsi %max3A_1049, %sub3A_1046 : vector<16xi32>
      %min3A_1051 = vector.broadcast %jit3A_1048 : i32 to vector<16xi32>
      %min3A_1052 = arith.minsi %min3A_1051, %max3A_1050 : vector<16xi32>
      %shift_right_logical3A_1053 = arith.constant 7 : i32
      %shift_right_logical3A_1054 = vector.broadcast %shift_right_logical3A_1053 : i32 to vector<16xi32>
      %shift_right_logical3A_1055 = arith.shrui %min3A_1052, %shift_right_logical3A_1054 : vector<16xi32>
      %and3A_1056 = arith.constant 127 : i32
      %and3A_1057 = vector.broadcast %and3A_1056 : i32 to vector<16xi32>
      %and3A_1058 = arith.andi %min3A_1052, %and3A_1057 : vector<16xi32>
      %gather3A_1059 = tpu.vector_load_idx %arg7[%shift_right_logical3A_1055, %broadcast_in_dim3A_1, %and3A_1058] : memref<391x1x128xf32, #tpu.memory_space<vmem>>[vector<16xi32>, vector<16xi32>, vector<16xi32>], vector<16xf32>,
      %select_n3A_1060 = arith.select %ge3A_1043, %gather3A_1059, %gather3A_1040 : vector<16xi1>, vector<16xf32>
      %bitcast3A_1061 = vector.bitcast %select_n3A_1060 : vector<16xf32> to vector<16xi32>
      %swap3A_1062 = arith.index_cast %scan3A_916 : i32 to index
      %swap3A_1063 = arith.constant 48 : index
      %swap3A_1064 = tpu.vector_load %arg5[%swap3A_1062, %swap3A_1063] {strides = array<i32>} : memref<128x128xi32, #tpu.memory_space<vmem>>, vector<16xi32>,
      tpu.vector_store %arg5[%swap3A_1062, %swap3A_1063], %bitcast3A_1061 {strides = array<i32>} : memref<128x128xi32, #tpu.memory_space<vmem>>, vector<16xi32>,
      %get3A_1065 = arith.index_cast %scan3A_916 : i32 to index
      %get3A_1066 = arith.constant 64 : index
      %get3A_1067 = tpu.vector_load %arg5[%get3A_1065, %get3A_1066] {strides = array<i32>} : memref<128x128xi32, #tpu.memory_space<vmem>>, vector<16xi32>,
      %min3A_1068 = arith.constant 50047 : i32
      %min3A_1069 = vector.broadcast %min3A_1068 : i32 to vector<16xi32>
      %min3A_1070 = arith.minsi %get3A_1067, %min3A_1069 : vector<16xi32>
      %shift_right_logical3A_1071 = arith.constant 7 : i32
      %shift_right_logical3A_1072 = vector.broadcast %shift_right_logical3A_1071 : i32 to vector<16xi32>
      %shift_right_logical3A_1073 = arith.shrui %min3A_1070, %shift_right_logical3A_1072 : vector<16xi32>
      %and3A_1074 = arith.constant 127 : i32
      %and3A_1075 = vector.broadcast %and3A_1074 : i32 to vector<16xi32>
      %and3A_1076 = arith.andi %min3A_1070, %and3A_1075 : vector<16xi32>
      %gather3A_1077 = tpu.vector_load_idx %arg6[%shift_right_logical3A_1073, %broadcast_in_dim3A_1, %and3A_1076] : memref<391x1x128xf32, #tpu.memory_space<vmem>>[vector<16xi32>, vector<16xi32>, vector<16xi32>], vector<16xf32>,
      %ge3A_1078 = arith.constant 50048 : i32
      %ge3A_1079 = vector.broadcast %ge3A_1078 : i32 to vector<16xi32>
      %ge3A_1080 = arith.cmpi sge, %get3A_1067, %ge3A_1079 : vector<16xi32>
      %sub3A_1081 = arith.constant 50048 : i32
      %sub3A_1082 = vector.broadcast %sub3A_1081 : i32 to vector<16xi32>
      %sub3A_1083 = arith.subi %get3A_1067, %sub3A_1082 : vector<16xi32>
      %jit3A_1084 = arith.constant 0 : i32
      %jit3A_1085 = arith.constant 50047 : i32
      %max3A_1086 = vector.broadcast %jit3A_1084 : i32 to vector<16xi32>
      %max3A_1087 = arith.maxsi %max3A_1086, %sub3A_1083 : vector<16xi32>
      %min3A_1088 = vector.broadcast %jit3A_1085 : i32 to vector<16xi32>
      %min3A_1089 = arith.minsi %min3A_1088, %max3A_1087 : vector<16xi32>
      %shift_right_logical3A_1090 = arith.constant 7 : i32
      %shift_right_logical3A_1091 = vector.broadcast %shift_right_logical3A_1090 : i32 to vector<16xi32>
      %shift_right_logical3A_1092 = arith.shrui %min3A_1089, %shift_right_logical3A_1091 : vector<16xi32>
      %and3A_1093 = arith.constant 127 : i32
      %and3A_1094 = vector.broadcast %and3A_1093 : i32 to vector<16xi32>
      %and3A_1095 = arith.andi %min3A_1089, %and3A_1094 : vector<16xi32>
      %gather3A_1096 = tpu.vector_load_idx %arg7[%shift_right_logical3A_1092, %broadcast_in_dim3A_1, %and3A_1095] : memref<391x1x128xf32, #tpu.memory_space<vmem>>[vector<16xi32>, vector<16xi32>, vector<16xi32>], vector<16xf32>,
      %select_n3A_1097 = arith.select %ge3A_1080, %gather3A_1096, %gather3A_1077 : vector<16xi1>, vector<16xf32>
      %bitcast3A_1098 = vector.bitcast %select_n3A_1097 : vector<16xf32> to vector<16xi32>
      %swap3A_1099 = arith.index_cast %scan3A_916 : i32 to index
      %swap3A_1100 = arith.constant 64 : index
      %swap3A_1101 = tpu.vector_load %arg5[%swap3A_1099, %swap3A_1100] {strides = array<i32>} : memref<128x128xi32, #tpu.memory_space<vmem>>, vector<16xi32>,
      tpu.vector_store %arg5[%swap3A_1099, %swap3A_1100], %bitcast3A_1098 {strides = array<i32>} : memref<128x128xi32, #tpu.memory_space<vmem>>, vector<16xi32>,
      %get3A_1102 = arith.index_cast %scan3A_916 : i32 to index
      %get3A_1103 = arith.constant 80 : index
      %get3A_1104 = tpu.vector_load %arg5[%get3A_1102, %get3A_1103] {strides = array<i32>} : memref<128x128xi32, #tpu.memory_space<vmem>>, vector<16xi32>,
      %min3A_1105 = arith.constant 50047 : i32
      %min3A_1106 = vector.broadcast %min3A_1105 : i32 to vector<16xi32>
      %min3A_1107 = arith.minsi %get3A_1104, %min3A_1106 : vector<16xi32>
      %shift_right_logical3A_1108 = arith.constant 7 : i32
      %shift_right_logical3A_1109 = vector.broadcast %shift_right_logical3A_1108 : i32 to vector<16xi32>
      %shift_right_logical3A_1110 = arith.shrui %min3A_1107, %shift_right_logical3A_1109 : vector<16xi32>
      %and3A_1111 = arith.constant 127 : i32
      %and3A_1112 = vector.broadcast %and3A_1111 : i32 to vector<16xi32>
      %and3A_1113 = arith.andi %min3A_1107, %and3A_1112 : vector<16xi32>
      %gather3A_1114 = tpu.vector_load_idx %arg6[%shift_right_logical3A_1110, %broadcast_in_dim3A_1, %and3A_1113] : memref<391x1x128xf32, #tpu.memory_space<vmem>>[vector<16xi32>, vector<16xi32>, vector<16xi32>], vector<16xf32>,
      %ge3A_1115 = arith.constant 50048 : i32
      %ge3A_1116 = vector.broadcast %ge3A_1115 : i32 to vector<16xi32>
      %ge3A_1117 = arith.cmpi sge, %get3A_1104, %ge3A_1116 : vector<16xi32>
      %sub3A_1118 = arith.constant 50048 : i32
      %sub3A_1119 = vector.broadcast %sub3A_1118 : i32 to vector<16xi32>
      %sub3A_1120 = arith.subi %get3A_1104, %sub3A_1119 : vector<16xi32>
      %jit3A_1121 = arith.constant 0 : i32
      %jit3A_1122 = arith.constant 50047 : i32
      %max3A_1123 = vector.broadcast %jit3A_1121 : i32 to vector<16xi32>
      %max3A_1124 = arith.maxsi %max3A_1123, %sub3A_1120 : vector<16xi32>
      %min3A_1125 = vector.broadcast %jit3A_1122 : i32 to vector<16xi32>
      %min3A_1126 = arith.minsi %min3A_1125, %max3A_1124 : vector<16xi32>
      %shift_right_logical3A_1127 = arith.constant 7 : i32
      %shift_right_logical3A_1128 = vector.broadcast %shift_right_logical3A_1127 : i32 to vector<16xi32>
      %shift_right_logical3A_1129 = arith.shrui %min3A_1126, %shift_right_logical3A_1128 : vector<16xi32>
      %and3A_1130 = arith.constant 127 : i32
      %and3A_1131 = vector.broadcast %and3A_1130 : i32 to vector<16xi32>
      %and3A_1132 = arith.andi %min3A_1126, %and3A_1131 : vector<16xi32>
      %gather3A_1133 = tpu.vector_load_idx %arg7[%shift_right_logical3A_1129, %broadcast_in_dim3A_1, %and3A_1132] : memref<391x1x128xf32, #tpu.memory_space<vmem>>[vector<16xi32>, vector<16xi32>, vector<16xi32>], vector<16xf32>,
      %select_n3A_1134 = arith.select %ge3A_1117, %gather3A_1133, %gather3A_1114 : vector<16xi1>, vector<16xf32>
      %bitcast3A_1135 = vector.bitcast %select_n3A_1134 : vector<16xf32> to vector<16xi32>
      %swap3A_1136 = arith.index_cast %scan3A_916 : i32 to index
      %swap3A_1137 = arith.constant 80 : index
      %swap3A_1138 = tpu.vector_load %arg5[%swap3A_1136, %swap3A_1137] {strides = array<i32>} : memref<128x128xi32, #tpu.memory_space<vmem>>, vector<16xi32>,
      tpu.vector_store %arg5[%swap3A_1136, %swap3A_1137], %bitcast3A_1135 {strides = array<i32>} : memref<128x128xi32, #tpu.memory_space<vmem>>, vector<16xi32>,
      %get3A_1139 = arith.index_cast %scan3A_916 : i32 to index
      %get3A_1140 = arith.constant 96 : index
      %get3A_1141 = tpu.vector_load %arg5[%get3A_1139, %get3A_1140] {strides = array<i32>} : memref<128x128xi32, #tpu.memory_space<vmem>>, vector<16xi32>,
      %min3A_1142 = arith.constant 50047 : i32
      %min3A_1143 = vector.broadcast %min3A_1142 : i32 to vector<16xi32>
      %min3A_1144 = arith.minsi %get3A_1141, %min3A_1143 : vector<16xi32>
      %shift_right_logical3A_1145 = arith.constant 7 : i32
      %shift_right_logical3A_1146 = vector.broadcast %shift_right_logical3A_1145 : i32 to vector<16xi32>
      %shift_right_logical3A_1147 = arith.shrui %min3A_1144, %shift_right_logical3A_1146 : vector<16xi32>
      %and3A_1148 = arith.constant 127 : i32
      %and3A_1149 = vector.broadcast %and3A_1148 : i32 to vector<16xi32>
      %and3A_1150 = arith.andi %min3A_1144, %and3A_1149 : vector<16xi32>
      %gather3A_1151 = tpu.vector_load_idx %arg6[%shift_right_logical3A_1147, %broadcast_in_dim3A_1, %and3A_1150] : memref<391x1x128xf32, #tpu.memory_space<vmem>>[vector<16xi32>, vector<16xi32>, vector<16xi32>], vector<16xf32>,
      %ge3A_1152 = arith.constant 50048 : i32
      %ge3A_1153 = vector.broadcast %ge3A_1152 : i32 to vector<16xi32>
      %ge3A_1154 = arith.cmpi sge, %get3A_1141, %ge3A_1153 : vector<16xi32>
      %sub3A_1155 = arith.constant 50048 : i32
      %sub3A_1156 = vector.broadcast %sub3A_1155 : i32 to vector<16xi32>
      %sub3A_1157 = arith.subi %get3A_1141, %sub3A_1156 : vector<16xi32>
      %jit3A_1158 = arith.constant 0 : i32
      %jit3A_1159 = arith.constant 50047 : i32
      %max3A_1160 = vector.broadcast %jit3A_1158 : i32 to vector<16xi32>
      %max3A_1161 = arith.maxsi %max3A_1160, %sub3A_1157 : vector<16xi32>
      %min3A_1162 = vector.broadcast %jit3A_1159 : i32 to vector<16xi32>
      %min3A_1163 = arith.minsi %min3A_1162, %max3A_1161 : vector<16xi32>
      %shift_right_logical3A_1164 = arith.constant 7 : i32
      %shift_right_logical3A_1165 = vector.broadcast %shift_right_logical3A_1164 : i32 to vector<16xi32>
      %shift_right_logical3A_1166 = arith.shrui %min3A_1163, %shift_right_logical3A_1165 : vector<16xi32>
      %and3A_1167 = arith.constant 127 : i32
      %and3A_1168 = vector.broadcast %and3A_1167 : i32 to vector<16xi32>
      %and3A_1169 = arith.andi %min3A_1163, %and3A_1168 : vector<16xi32>
      %gather3A_1170 = tpu.vector_load_idx %arg7[%shift_right_logical3A_1166, %broadcast_in_dim3A_1, %and3A_1169] : memref<391x1x128xf32, #tpu.memory_space<vmem>>[vector<16xi32>, vector<16xi32>, vector<16xi32>], vector<16xf32>,
      %select_n3A_1171 = arith.select %ge3A_1154, %gather3A_1170, %gather3A_1151 : vector<16xi1>, vector<16xf32>
      %bitcast3A_1172 = vector.bitcast %select_n3A_1171 : vector<16xf32> to vector<16xi32>
      %swap3A_1173 = arith.index_cast %scan3A_916 : i32 to index
      %swap3A_1174 = arith.constant 96 : index
      %swap3A_1175 = tpu.vector_load %arg5[%swap3A_1173, %swap3A_1174] {strides = array<i32>} : memref<128x128xi32, #tpu.memory_space<vmem>>, vector<16xi32>,
      tpu.vector_store %arg5[%swap3A_1173, %swap3A_1174], %bitcast3A_1172 {strides = array<i32>} : memref<128x128xi32, #tpu.memory_space<vmem>>, vector<16xi32>,
      %get3A_1176 = arith.index_cast %scan3A_916 : i32 to index
      %get3A_1177 = arith.constant 112 : index
      %get3A_1178 = tpu.vector_load %arg5[%get3A_1176, %get3A_1177] {strides = array<i32>} : memref<128x128xi32, #tpu.memory_space<vmem>>, vector<16xi32>,
      %min3A_1179 = arith.constant 50047 : i32
      %min3A_1180 = vector.broadcast %min3A_1179 : i32 to vector<16xi32>
      %min3A_1181 = arith.minsi %get3A_1178, %min3A_1180 : vector<16xi32>
      %shift_right_logical3A_1182 = arith.constant 7 : i32
      %shift_right_logical3A_1183 = vector.broadcast %shift_right_logical3A_1182 : i32 to vector<16xi32>
      %shift_right_logical3A_1184 = arith.shrui %min3A_1181, %shift_right_logical3A_1183 : vector<16xi32>
      %and3A_1185 = arith.constant 127 : i32
      %and3A_1186 = vector.broadcast %and3A_1185 : i32 to vector<16xi32>
      %and3A_1187 = arith.andi %min3A_1181, %and3A_1186 : vector<16xi32>
      %gather3A_1188 = tpu.vector_load_idx %arg6[%shift_right_logical3A_1184, %broadcast_in_dim3A_1, %and3A_1187] : memref<391x1x128xf32, #tpu.memory_space<vmem>>[vector<16xi32>, vector<16xi32>, vector<16xi32>], vector<16xf32>,
      %ge3A_1189 = arith.constant 50048 : i32
      %ge3A_1190 = vector.broadcast %ge3A_1189 : i32 to vector<16xi32>
      %ge3A_1191 = arith.cmpi sge, %get3A_1178, %ge3A_1190 : vector<16xi32>
      %sub3A_1192 = arith.constant 50048 : i32
      %sub3A_1193 = vector.broadcast %sub3A_1192 : i32 to vector<16xi32>
      %sub3A_1194 = arith.subi %get3A_1178, %sub3A_1193 : vector<16xi32>
      %jit3A_1195 = arith.constant 0 : i32
      %jit3A_1196 = arith.constant 50047 : i32
      %max3A_1197 = vector.broadcast %jit3A_1195 : i32 to vector<16xi32>
      %max3A_1198 = arith.maxsi %max3A_1197, %sub3A_1194 : vector<16xi32>
      %min3A_1199 = vector.broadcast %jit3A_1196 : i32 to vector<16xi32>
      %min3A_1200 = arith.minsi %min3A_1199, %max3A_1198 : vector<16xi32>
      %shift_right_logical3A_1201 = arith.constant 7 : i32
      %shift_right_logical3A_1202 = vector.broadcast %shift_right_logical3A_1201 : i32 to vector<16xi32>
      %shift_right_logical3A_1203 = arith.shrui %min3A_1200, %shift_right_logical3A_1202 : vector<16xi32>
      %and3A_1204 = arith.constant 127 : i32
      %and3A_1205 = vector.broadcast %and3A_1204 : i32 to vector<16xi32>
      %and3A_1206 = arith.andi %min3A_1200, %and3A_1205 : vector<16xi32>
      %gather3A_1207 = tpu.vector_load_idx %arg7[%shift_right_logical3A_1203, %broadcast_in_dim3A_1, %and3A_1206] : memref<391x1x128xf32, #tpu.memory_space<vmem>>[vector<16xi32>, vector<16xi32>, vector<16xi32>], vector<16xf32>,
      %select_n3A_1208 = arith.select %ge3A_1191, %gather3A_1207, %gather3A_1188 : vector<16xi1>, vector<16xf32>
      %bitcast3A_1209 = vector.bitcast %select_n3A_1208 : vector<16xf32> to vector<16xi32>
      %swap3A_1210 = arith.index_cast %scan3A_916 : i32 to index
      %swap3A_1211 = arith.constant 112 : index
      %swap3A_1212 = tpu.vector_load %arg5[%swap3A_1210, %swap3A_1211] {strides = array<i32>} : memref<128x128xi32, #tpu.memory_space<vmem>>, vector<16xi32>,
      tpu.vector_store %arg5[%swap3A_1210, %swap3A_1211], %bitcast3A_1209 {strides = array<i32>} : memref<128x128xi32, #tpu.memory_space<vmem>>, vector<16xi32>,
      %scan3A_1213 = arith.constant 0 : i32
      scf.yield %scan3A_1213 : i32
    }
    %scan3A_29 = arith.constant 128 : i32
    "tpu.region"() ({
      %run_scoped3A = tpu.sem_alloc : memref<!tpu.dma_semaphore, #tpu.memory_space<semaphore_mem>>
      %dma_start3A_30 = arith.constant 0 : i32
      %dma_start3A_31 = arith.constant 0 : i32
      %dma_start3A_32 = tpu.memref_slice %arg4[%add3A, %dma_start3A_30, %dma_start3A_31] : memref<32x128x128xi32, #tpu.memory_space<hbm>> -> memref<1x128x128xi32, #tpu.memory_space<hbm>>
      %dma_start3A_33 = tpu.memref_squeeze %dma_start3A_32 : memref<1x128x128xi32, #tpu.memory_space<hbm>> -> memref<128x128xi32, #tpu.memory_space<hbm>>
      %dma_start3A_34 = arith.constant 0 : i32
      %dma_start3A_35 = arith.constant 0 : i32
      %dma_start3A_36 = tpu.memref_slice %arg4[%add3A, %dma_start3A_34, %dma_start3A_35] : memref<32x128x128xi32, #tpu.memory_space<hbm>> -> memref<1x128x128xi32, #tpu.memory_space<hbm>>
      %dma_start3A_37 = tpu.memref_squeeze %dma_start3A_36 : memref<1x128x128xi32, #tpu.memory_space<hbm>> -> memref<128x128xi32, #tpu.memory_space<hbm>>
      tpu.enqueue_dma source(%arg5 : memref<128x128xi32, #tpu.memory_space<vmem>>) target(%dma_start3A_37 : memref<128x128xi32, #tpu.memory_space<hbm>>) target_semaphore(%run_scoped3A : memref<!tpu.dma_semaphore, #tpu.memory_space<semaphore_mem>>)
      %dma_wait3A_38 = arith.constant 0 : i32
      %dma_wait3A_39 = arith.constant 0 : i32
      %dma_wait3A_40 = tpu.memref_slice %arg4[%add3A, %dma_wait3A_38, %dma_wait3A_39] : memref<32x128x128xi32, #tpu.memory_space<hbm>> -> memref<1x128x128xi32, #tpu.memory_space<hbm>>
      %dma_wait3A_41 = tpu.memref_squeeze %dma_wait3A_40 : memref<1x128x128xi32, #tpu.memory_space<hbm>> -> memref<128x128xi32, #tpu.memory_space<hbm>>
      %dma_wait3A_42 = arith.constant 0 : i32
      %dma_wait3A_43 = arith.constant 0 : i32
      %dma_wait3A_44 = tpu.memref_slice %arg4[%add3A, %dma_wait3A_42, %dma_wait3A_43] : memref<32x128x128xi32, #tpu.memory_space<hbm>> -> memref<1x128x128xi32, #tpu.memory_space<hbm>>
      %dma_wait3A_45 = tpu.memref_squeeze %dma_wait3A_44 : memref<1x128x128xi32, #tpu.memory_space<hbm>> -> memref<128x128xi32, #tpu.memory_space<hbm>>
      tpu.wait_dma2 semaphore(%run_scoped3A : memref<!tpu.dma_semaphore, #tpu.memory_space<semaphore_mem>>) src(%arg5 : memref<128x128xi32, #tpu.memory_space<vmem>>) dst(%dma_wait3A_45 : memref<128x128xi32, #tpu.memory_space<hbm>>)
      tpu.yield
    }) : () -> ()
    return
  }
}

module attributes {stable_mosaic.version = 14 : i64} {
  func.func @_mlp_body(%arg0: i32, %arg1: memref<32x128x128xi32, #tpu.memory_space<vmem>>, %arg2: memref<32x128x128xi32, #tpu.memory_space<vmem>>, %arg3: memref<64x64xf32, #tpu.memory_space<vmem>>, %arg4: memref<64x1xf32, #tpu.memory_space<vmem>>, %arg5: memref<64x32xf32, #tpu.memory_space<vmem>>, %arg6: memref<32x1xf32, #tpu.memory_space<vmem>>, %arg7: memref<32x1xf32, #tpu.memory_space<vmem>>, %arg8: memref<1x1xf32, #tpu.memory_space<vmem>>, %arg9: memref<1x16384xf32, #tpu.memory_space<vmem>>) attributes {dimension_semantics = [#tpu.dimension_semantics<arbitrary>], iteration_bounds = array<i64: 1>, scalar_prefetch = 0 : i64, scratch_operands = 0 : i64, tpu.core_type = #tpu.core_type<tc>, window_params = [{transform_indices = @transform_0, window_bounds = array<i64: 32, 128, 128>}, {transform_indices = @transform_1, window_bounds = array<i64: 32, 128, 128>}, {pipeline_mode = #tpu.pipeline_mode<synchronous>, transform_indices = @transform_2, window_bounds = array<i64: 64, 64>}, {pipeline_mode = #tpu.pipeline_mode<synchronous>, transform_indices = @transform_3, window_bounds = array<i64: 64, 1>}, {pipeline_mode = #tpu.pipeline_mode<synchronous>, transform_indices = @transform_4, window_bounds = array<i64: 64, 32>}, {pipeline_mode = #tpu.pipeline_mode<synchronous>, transform_indices = @transform_5, window_bounds = array<i64: 32, 1>}, {pipeline_mode = #tpu.pipeline_mode<synchronous>, transform_indices = @transform_6, window_bounds = array<i64: 32, 1>}, {pipeline_mode = #tpu.pipeline_mode<synchronous>, transform_indices = @transform_7, window_bounds = array<i64: 1, 1>}, {transform_indices = @transform_8, window_bounds = array<i64: 1, 16384>}]} {
    %get3A = arith.constant 0 : index
    %get3A_0 = arith.constant 0 : index
    %get3A_1 = arith.constant 0 : index
    %get3A_2 = vector.load %arg1[%get3A, %get3A_0, %get3A_1] : memref<32x128x128xi32, #tpu.memory_space<vmem>>, vector<32x128x128xi32>
    %bitcast_convert_type3A = tpu.bitcast %get3A_2 : vector<32x128x128xi32> -> vector<32x128x128xf32>
    %reshape3A = vector.shape_cast %bitcast_convert_type3A : vector<32x128x128xf32> to vector<32x16384xf32>
    %get3A_3 = arith.constant 0 : index
    %get3A_4 = arith.constant 0 : index
    %get3A_5 = arith.constant 0 : index
    %get3A_6 = vector.load %arg2[%get3A_3, %get3A_4, %get3A_5] : memref<32x128x128xi32, #tpu.memory_space<vmem>>, vector<32x128x128xi32>
    %bitcast_convert_type3A_7 = tpu.bitcast %get3A_6 : vector<32x128x128xi32> -> vector<32x128x128xf32>
    %reshape3A_8 = vector.shape_cast %bitcast_convert_type3A_7 : vector<32x128x128xf32> to vector<32x16384xf32>
    %get3A_9 = arith.constant 0 : index
    %get3A_10 = arith.constant 0 : index
    %get3A_11 = vector.load %arg3[%get3A_9, %get3A_10] : memref<64x64xf32, #tpu.memory_space<vmem>>, vector<64x64xf32>
    %slice3A = vector.extract_strided_slice %get3A_11 {offsets = [0, 0], sizes = [32, 64], strides = [1, 1]} : vector<64x64xf32> to vector<32x64xf32>
    %dot_general3A = arith.constant dense<0.000000e+00> : vector<64x16384xf32>
    %dot_general3A_12 = tpu.matmul %slice3A, %reshape3A, %dot_general3A {dimension_numbers = #tpu.dot_dimension_numbers<[0], [0], [1], [1], [0, 1, 1, 1], [], []>, transpose_lhs_hint = false} : vector<32x64xf32>, vector<32x16384xf32>, vector<64x16384xf32> -> vector<64x16384xf32>
    %slice3A_13 = vector.extract_strided_slice %get3A_11 {offsets = [32, 0], sizes = [32, 64], strides = [1, 1]} : vector<64x64xf32> to vector<32x64xf32>
    %dot_general3A_14 = arith.constant dense<0.000000e+00> : vector<64x16384xf32>
    %dot_general3A_15 = tpu.matmul %slice3A_13, %reshape3A_8, %dot_general3A_14 {dimension_numbers = #tpu.dot_dimension_numbers<[0], [0], [1], [1], [0, 1, 1, 1], [], []>, transpose_lhs_hint = false} : vector<32x64xf32>, vector<32x16384xf32>, vector<64x16384xf32> -> vector<64x16384xf32>
    %add3A = arith.addf %dot_general3A_12, %dot_general3A_15 : vector<64x16384xf32>
    %get3A_16 = arith.constant 0 : index
    %get3A_17 = arith.constant 0 : index
    %get3A_18 = vector.load %arg4[%get3A_16, %get3A_17] : memref<64x1xf32, #tpu.memory_space<vmem>>, vector<64x1xf32>
    %add3A_19 = vector.broadcast %get3A_18 : vector<64x1xf32> to vector<64x16384xf32>
    %add3A_20 = arith.addf %add3A, %add3A_19 : vector<64x16384xf32>
    %max3A = arith.constant 0.000000e+00 : f32
    %max3A_21 = vector.broadcast %max3A : f32 to vector<64x16384xf32>
    %max3A_22 = arith.maximumf %add3A_20, %max3A_21 : vector<64x16384xf32>
    %get3A_23 = arith.constant 0 : index
    %get3A_24 = arith.constant 0 : index
    %get3A_25 = vector.load %arg5[%get3A_23, %get3A_24] : memref<64x32xf32, #tpu.memory_space<vmem>>, vector<64x32xf32>
    %dot_general3A_26 = arith.constant dense<0.000000e+00> : vector<32x16384xf32>
    %dot_general3A_27 = tpu.matmul %get3A_25, %max3A_22, %dot_general3A_26 {dimension_numbers = #tpu.dot_dimension_numbers<[0], [0], [1], [1], [0, 1, 1, 1], [], []>, transpose_lhs_hint = false} : vector<64x32xf32>, vector<64x16384xf32>, vector<32x16384xf32> -> vector<32x16384xf32>
    %get3A_28 = arith.constant 0 : index
    %get3A_29 = arith.constant 0 : index
    %get3A_30 = vector.load %arg6[%get3A_28, %get3A_29] : memref<32x1xf32, #tpu.memory_space<vmem>>, vector<32x1xf32>
    %add3A_31 = vector.broadcast %get3A_30 : vector<32x1xf32> to vector<32x16384xf32>
    %add3A_32 = arith.addf %dot_general3A_27, %add3A_31 : vector<32x16384xf32>
    %max3A_33 = arith.constant 0.000000e+00 : f32
    %max3A_34 = vector.broadcast %max3A_33 : f32 to vector<32x16384xf32>
    %max3A_35 = arith.maximumf %add3A_32, %max3A_34 : vector<32x16384xf32>
    %get3A_36 = arith.constant 0 : index
    %get3A_37 = arith.constant 0 : index
    %get3A_38 = vector.load %arg7[%get3A_36, %get3A_37] : memref<32x1xf32, #tpu.memory_space<vmem>>, vector<32x1xf32>
    %dot_general3A_39 = arith.constant dense<0.000000e+00> : vector<1x16384xf32>
    %dot_general3A_40 = tpu.matmul %get3A_38, %max3A_35, %dot_general3A_39 {dimension_numbers = #tpu.dot_dimension_numbers<[0], [0], [1], [1], [0, 1, 1, 1], [], []>, transpose_lhs_hint = false} : vector<32x1xf32>, vector<32x16384xf32>, vector<1x16384xf32> -> vector<1x16384xf32>
    %get3A_41 = arith.constant 0 : index
    %get3A_42 = arith.constant 0 : index
    %get3A_43 = vector.load %arg8[%get3A_41, %get3A_42] : memref<1x1xf32, #tpu.memory_space<vmem>>, vector<1x1xf32>
    %add3A_44 = vector.broadcast %get3A_43 : vector<1x1xf32> to vector<1x16384xf32>
    %add3A_45 = arith.addf %dot_general3A_40, %add3A_44 : vector<1x16384xf32>
    %swap3A = arith.constant 0 : index
    %swap3A_46 = arith.constant 0 : index
    %swap3A_47 = vector.load %arg9[%swap3A, %swap3A_46] : memref<1x16384xf32, #tpu.memory_space<vmem>>, vector<1x16384xf32>
    tpu.vector_store %arg9[%swap3A, %swap3A_46], %add3A_45 {strides = array<i32>} : memref<1x16384xf32, #tpu.memory_space<vmem>>, vector<1x16384xf32>,
    return
  }
  func.func @transform_0(%arg0: i32) -> (i32, i32, i32) {
    %c0_i32 = arith.constant 0 : i32
    %c0_i32_0 = arith.constant 0 : i32
    %c0_i32_1 = arith.constant 0 : i32
    return %c0_i32, %arg0, %c0_i32_0 : i32, i32, i32
  }
  func.func @transform_1(%arg0: i32) -> (i32, i32, i32) {
    %c0_i32 = arith.constant 0 : i32
    %c0_i32_0 = arith.constant 0 : i32
    %c0_i32_1 = arith.constant 0 : i32
    return %c0_i32, %arg0, %c0_i32_0 : i32, i32, i32
  }
  func.func @transform_2(%arg0: i32) -> (i32, i32) {
    %c0_i32 = arith.constant 0 : i32
    %c0_i32_0 = arith.constant 0 : i32
    %c0_i32_1 = arith.constant 0 : i32
    return %c0_i32, %c0_i32_0 : i32, i32
  }
  func.func @transform_3(%arg0: i32) -> (i32, i32) {
    %c0_i32 = arith.constant 0 : i32
    %c0_i32_0 = arith.constant 0 : i32
    %c0_i32_1 = arith.constant 0 : i32
    return %c0_i32, %c0_i32_0 : i32, i32
  }
  func.func @transform_4(%arg0: i32) -> (i32, i32) {
    %c0_i32 = arith.constant 0 : i32
    %c0_i32_0 = arith.constant 0 : i32
    %c0_i32_1 = arith.constant 0 : i32
    return %c0_i32, %c0_i32_0 : i32, i32
  }
  func.func @transform_5(%arg0: i32) -> (i32, i32) {
    %c0_i32 = arith.constant 0 : i32
    %c0_i32_0 = arith.constant 0 : i32
    %c0_i32_1 = arith.constant 0 : i32
    return %c0_i32, %c0_i32_0 : i32, i32
  }
  func.func @transform_6(%arg0: i32) -> (i32, i32) {
    %c0_i32 = arith.constant 0 : i32
    %c0_i32_0 = arith.constant 0 : i32
    %c0_i32_1 = arith.constant 0 : i32
    return %c0_i32, %c0_i32_0 : i32, i32
  }
  func.func @transform_7(%arg0: i32) -> (i32, i32) {
    %c0_i32 = arith.constant 0 : i32
    %c0_i32_0 = arith.constant 0 : i32
    %c0_i32_1 = arith.constant 0 : i32
    return %c0_i32, %c0_i32_0 : i32, i32
  }
  func.func @transform_8(%arg0: i32) -> (i32, i32) {
    %c0_i32 = arith.constant 0 : i32
    %c0_i32_0 = arith.constant 0 : i32
    return %c0_i32, %arg0 : i32, i32
  }
}

</mosaic_0001>

<sc_bundles>
// kernel: kernel.5.cloned.1.call-start
scs
__scs_entry_jumppad:
0x0: {  	(pc) =	sbr.rel $0x88, $3  }
0x1: {  	(tag) =	ssettag $0x0;
	lr =	simm.s32 $0x1  }
0x2: {  	[smem:$0x3F98] =	sst lr;
	_ =	strace $0xD0000000  }
0x3: {  	_ = 	snop  }
0x4: {  	_ = 	snop  }
0x5: {  	_ = 	snop  }
0x6: {  	_ = 	snop  }
0x7: {  	_ = 	snop  }
__scs_overlays_trampoline_lowered:
0x8: {  	[smem:$0x3FA7] =	sst s0  }
0x9: {  	[smem:$0x3FA8] =	sst s1  }
0xa: {  	[smem:$0x3FA9] =	sst s2  }
0xb: {  	[smem:$0x3FAA] =	sst s3  }
0xc: {  	[smem:$0x3FAB] =	sst s4  }
0xd: {  	[smem:$0x3FAC] =	sst s5  }
0xe: {  	[smem:$0x3FAD] =	sst s6  }
0xf: {  	[smem:$0x3FAE] =	sst s7  }
0x10: {  	[smem:$0x3FAF] =	sst s8  }
0x11: {  	[smem:$0x3FB0] =	sst s9;
	s0 =	simm.s32 @!p0 $0x0  }
0x12: {  	s1 =	sld [smem:$0x3F96];
	s0 =	simm.s32 @p0 $0x1  }
0x13: {  	[smem:$0x3FB1] =	sst s0;
	s0 =	simm.s32 @!p1 $0x0  }
0x14: {  	s2 =	sld [smem:$0x3F95];
	s0 =	simm.s32 @p1 $0x1  }
0x15: {  	[smem:$0x3FB2] =	sst s0;
	s0 =	simm.s32 @!p2 $0x0  }
0x16: {  	s3 =	sld [smem:$0x3FDB];
	s0 =	simm.s32 @p2 $0x1  }
0x17: {  	s4 =	simm.s32 $0x1BF5;
	[smem:$0x3FB4] =	sst s0  }
0x18: {  	s0 =	sld [smem:$0x3F97];
	_ =	swait.ge [sflag:s4], $0x0  }
0x19: {  	s7 =	sld [smem:$0x3F98]  }
0x1a: {  	s8 =	sadd.s32 $0xFFFFE003, lr  }
0x1b: {  	s9 =	sadd.s32 $0xFFFFFEF7, lr;
	s5 =	simm.s32 $0xFFFFFFFF;
	p2 =	slt.u32 s8, $0xFFFFF086  }
0x1c: {  	p1 =	slt.u32 s9, $0xF7A;
	s5 =	simm.s32 @!p2 $0x0  }
0x1d: {  	s5 =	simm.s32 @p1 $0x1;
	p0 =	seq.s32 s7, s2  }
0x1e: {  	s7 =	smul.u32 @!p0 $0xF7A, s2;
	p2 =	seq.s32 @!p0 s5, $0x0  }
0x1f: {  	s9 =	smul.u32 $0xF7A, s1;
	s8 =	simm.s32 @!p0 $0x1BF5;
	p2 =	por !p2, p0  }
0x20: {  	[sflag:s8] =	ssyncset.s32 @!p0 $0xFFFFF086;
	s6 =	sadd.s32 @!p0 s3, s7;
	s7 =	simm.s32 @!p0 $0x108  }
0x21: {  	s3 =	sadd.s32 s3, s9;
	s6 =	sadd.s32 @!p0 $0x88, s6;
	s7 =	simm.s32 @p2 $0x1082  }
0x22: {  	[simem:s7], [sflag:s8] =	dma.local @!p0 [hbm:s6], $0xF7A  }
0x23: {  	s9 =	sor.u32 $0xD0000000, s2;
	s6 =	simm.s32 $0x108;
	_ =	swait.ge @!p0 [sflag:s8], $0x0  }
0x24: {  	s3 =	sadd.s32 $0x88, s3;
	s6 =	simm.s32 @!p1 $0x1082;
	[sflag:s4] =	ssyncset.s32 $0xFFFFF086  }
0x25: {  	[simem:s6], [sflag:s4] =	dma.local [hbm:s3], $0xF7A  }
0x26: {  	[smem:$0x3F98] =	sst s1;
	(tag) =	ssettag s2;
	_ =	strace s9  }
0x27: {  	s1 =	sld [smem:$0x3FA8]  }
0x28: {  	s2 =	sld [smem:$0x3FA9]  }
0x29: {  	s4 =	sld [smem:$0x3FAB]  }
0x2a: {  	p0 =	seq.s32 s5, $0x0;
	s5 =	sld [smem:$0x3FAC]  }
0x2b: {  	s6 =	sld [smem:$0x3FAD]  }
0x2c: {  	s7 =	sld [smem:$0x3FAE]  }
0x2d: {  	s3 =	simm.s32 $0x108;
	s8 =	sld [smem:$0x3FAF]  }
0x2e: {  	s3 =	simm.s32 @!p0 $0x1082;
	s9 =	sld [smem:$0x3FB0]  }
0x2f: {  	lr =	sadd.s32 s0, s3;
	s0 =	sld [smem:$0x3FA7]  }
0x30: {  	s3 =	sld [smem:$0x3FAA]  }
0x31: {  	[smem:$0x3FB3] =	sst s10  }
0x32: {  	s10 =	sld [smem:$0x3FB1];
	_ =	sdelay $0x3  }
0x33: {  	p0 =	seq.s32 s10, $0x1;
	s10 =	sld [smem:$0x3FB3];
	_ =	sdelay $0x3  }
0x34: {  	[smem:$0x3FB3] =	sst s10  }
0x35: {  	s10 =	sld [smem:$0x3FB2];
	_ =	sdelay $0x3  }
0x36: {  	p1 =	seq.s32 s10, $0x1;
	s10 =	sld [smem:$0x3FB3];
	_ =	sdelay $0x3  }
0x37: {  	[smem:$0x3FB3] =	sst s10  }
0x38: {  	s10 =	sld [smem:$0x3FB4]  }
0x39: {  	_ = 	snop;
	(pc) =	sbr.ind lr, $3  }
0x3a: {  	_ = 	snop  }
0x3b: {  	_ = 	snop  }
0x3c: {  	p2 =	seq.s32 s10, $0x1;
	s10 =	sld [smem:$0x3FB3]  }
0x3d: {  	_ =	shalt  }
0x3e: {  	_ =	shalt  }
0x3f: {  	_ =	shalt  }
0x40: {  	_ =	shalt  }
0x41: {  	_ =	shalt  }
0x42: {  	_ =	shalt  }
0x43: {  	_ =	shalt  }
0x44: {  	_ =	shalt  }
0x45: {  	_ =	shalt  }
0x46: {  	_ =	shalt  }
0x47: {  	_ =	shalt  }
0x48: {  	_ =	shalt  }
0x49: {  	_ =	shalt  }
0x4a: {  	_ =	shalt  }
0x4b: {  	_ =	shalt  }
0x4c: {  	_ =	shalt  }
0x4d: {  	_ =	shalt  }
0x4e: {  	_ =	shalt  }
0x4f: {  	_ =	shalt  }
0x50: {  	_ =	shalt  }
0x51: {  	_ =	shalt  }
0x52: {  	_ =	shalt  }
0x53: {  	_ =	shalt  }
0x54: {  	_ =	shalt  }
0x55: {  	_ =	shalt  }
0x56: {  	_ =	shalt  }
0x57: {  	_ =	shalt  }
0x58: {  	_ =	shalt  }
0x59: {  	_ =	shalt  }
0x5a: {  	_ =	shalt  }
0x5b: {  	_ =	shalt  }
0x5c: {  	_ =	shalt  }
0x5d: {  	_ =	shalt  }
0x5e: {  	_ =	shalt  }
0x5f: {  	_ =	shalt  }
0x60: {  	_ =	shalt  }
0x61: {  	_ =	shalt  }
0x62: {  	_ =	shalt  }
0x63: {  	_ =	shalt  }
0x64: {  	_ =	shalt  }
0x65: {  	_ =	shalt  }
0x66: {  	_ =	shalt  }
0x67: {  	_ =	shalt  }
0x68: {  	_ =	shalt  }
0x69: {  	_ =	shalt  }
0x6a: {  	_ =	shalt  }
0x6b: {  	_ =	shalt  }
0x6c: {  	_ =	shalt  }
0x6d: {  	_ =	shalt  }
0x6e: {  	_ =	shalt  }
0x6f: {  	_ =	shalt  }
0x70: {  	_ =	shalt  }
0x71: {  	_ =	shalt  }
0x72: {  	_ =	shalt  }
0x73: {  	_ =	shalt  }
0x74: {  	_ =	shalt  }
0x75: {  	_ =	shalt  }
0x76: {  	_ =	shalt  }
0x77: {  	_ =	shalt  }
0x78: {  	_ =	shalt  }
0x79: {  	_ =	shalt  }
0x7a: {  	_ =	shalt  }
0x7b: {  	_ =	shalt  }
0x7c: {  	_ =	shalt  }
0x7d: {  	_ =	shalt  }
0x7e: {  	_ =	shalt  }
0x7f: {  	_ =	shalt  }
0x80: {  	_ =	shalt  }
0x81: {  	_ =	shalt  }
0x82: {  	_ =	shalt  }
0x83: {  	_ =	shalt  }
0x84: {  	_ =	shalt  }
0x85: {  	_ =	shalt  }
0x86: {  	_ =	shalt  }
0x87: {  	_ =	shalt  }
.Lfunc_end0:
.L_simem_size_0:
called_computation_lowered:
.L_overlay_start_0:
0x88: {  	s2 =	sld [smem:$0x3FD9]  }
0x89: {  	s3 =	sld [smem:$0x3FFE];
	_ =	sdelay $0x1  }
0x8a: {  	s1 =	srdreg.scid  }
0x8b: {  	s0 =	sand.u32 $0x1, s1  }
0x8c: {  	s16 =	sshll.u32 s0, $0xA;
	s2 =	sadd.s32 s3, s2  }
0x8d: {  	s2 =	sadd.s32 s2, s16  }
0x8e: {  	[smem:$0x3FBF] =	sst s2  }
0x8f: {  	_ = 	snop  }
0x90: {  	(tm) =	ssettm $0x1  }
0x91: {  	s17 =	sld [smem:$0x3FFB];
	_ =	sdelay $0x3  }
0x92: {  	_ =	strace s17  }
0x93: {  	s2 =	sld [smem:$0x3FFC];
	_ =	sdelay $0x3  }
0x94: {  	_ =	strace s2  }
0x95: {  	s2 =	sld [smem:$0x3FFD];
	_ =	sdelay $0x3  }
0x96: {  	_ =	strace s2  }
0x97: {  	_ =	strace $0x8FFFFFFF  }
0x98: {  	s18 =	sld [smem:$0x3FDB];
	_ =	sdelay $0x1  }
0x99: {  	s19 =	simm.s32 $_scs_section_size  }
0x9a: {  	s4 =	simm.s32 $_size__tile_overlayer_lowered;
	s5 =	simm.s32 $_tile_overlayer_lowered  }
0x9b: {  	s22 =	simm.s32 $0x1BFF;
	s21 =	sshll.u32 s5, $0x1;
	s2 =	sadd.s32 s19, s18  }
0x9c: {  	s6 =	simm.s32 $0x0;
	s20 =	sshll.u32 s4, $0x1;
	s4 =	sadd.s32 s21, s2  }
0x9d: {  	[timem:s6], [sflag:s22] =	dma.local [hbm:s4], s20  }
0x9e: {  	_ =	swait.ge [sflag:s22], s20  }
0x9f: {  	s3 =	ssub.s32 $0x0, s20;
	[sflag:s22] =	ssyncset.done $0x0  }
0xa0: {  	[sflag:s22] =	ssyncadd.s32 s3;
	_ =	sdelay $0x1  }
0xa1: {  	s23 =	simm.s32 $0x1B8B  }
0xa2: {  	_ =	swait.ge [sflag:s23], $0x1  }
0xa3: {  	[sflag:s23] =	ssyncset.done $0x0  }
0xa4: {  	s25 =	simm.s32 $0x1B8E;
	s24 =	sld [smem:$0x3FFE];
	[sflag:s23] =	ssyncadd.s32 $0xFFFFFFFF  }
0xa5: {  	s26 =	simm.s32 $execute0_lowered;
	[smem:$0x3FD2] =	sst s25  }
0xa6: {  	s4 =	sshll.u32 s26, $0x1;
	_ =	strace $0x80000046;
	[dreg:$0x1] =	wrdreg $0xFFFFFFFF  }
0xa7: {  	s28 =	simm.s32 $_size_execute0_lowered;
	s2 =	sadd.s32 s2, s4;
	[dreg:$0x0] =	wrdreg $0x0  }
0xa8: {  	s4 =	sshll.u32 s28, $0x1;
	[dreg:$0x2] =	wrdreg s2  }
0xa9: {  	[dreg:$0x3] =	wrdreg s4  }
0xaa: {  	[dreg:$0x4] =	wrdreg $0xC0  }
0xab: {  	_ =	task [dreg:s6], $0x5FFFF  }
0xac: {  	[dreg:$0x1] =	wrdreg $0xFFFFFFFF  }
0xad: {  	[dreg:$0x0] =	wrdreg $0x60  }
0xae: {  	[dreg:$0x2] =	wrdreg s24  }
0xaf: {  	[dreg:$0x3] =	wrdreg $0x9  }
0xb0: {  	_ =	task.clear_ibuf [dreg:s6], $0x4FFFF;
	_ =	strace $0x90000046  }
0xb1: {  	s29 =	simm.s32 $0x9;
	_ =	strace $0x80000048  }
0xb2: {  	_ =	swait.ge [sflag:s29], $0x1  }
0xb3: {  	[sflag:s29] =	ssyncadd.s32 $0xFFFFFFFF  }
0xb4: {  	_ =	strace $0x90000048  }
0xb5: {  	_ =	sfence  }
0xb6: {  	s30 =	sld [smem:$0x0];
	_ =	sdelay $0x2  }
0xb7: {  	s31 =	sshll.u32 s1, $0xD;
	s1 =	sshrl.u32 s1, $0x2  }
0xb8: {  	s3 =	sand.u32 $0x4000, s31;
	s1 =	sadd.s32 s1, s30  }
0xb9: {  	s0 =	sor.u32 s3, s0;
	s1 =	sshll.u32 s1, $0x11  }
0xba: {  	s0 =	sor.u32 s1, s0  }
0xbb: {  	s0 =	sadd.s32 $0x8F2B, s0  }
0xbc: {  	[sflag:s0] =	ssyncadd.remote.s32 $0x1  }
0xbd: {  	_ =	sfence.sel $0xFFFF  }
0xbe: {  	[dreg:$0x0] =	wrdreg $0xFFFFFFFF;
	(pc) =	sbr.abs _section_cstart, $3  }
0xbf: {  	[dreg:$0x1] =	wrdreg $0xFFFFFFFF  }
0xc0: {  	_ =	task.clear_ibuf [dreg:s6], $0x2FFFF;
	_ =	strace $0x9FFFFFFF  }
0xc1: {  	(tm) =	ssettm $0x7FFFFFFF  }
tec
execute0_lowered:
.L_overlay_start_1:
0x0: {  	(tag) =	ssettag $0x1  }
0x1: {  	s4 =	rddreg [dreg:$0x0]  }
0x2: {  	s0 =	rddreg [dreg:$0x1]  }
0x3: {  	s2 =	simm.s32 $0x0;
	s3 =	srdreg.scid;
	s1 =	stileid.u32  }
0x4: {  	s9 =	simm.s32 $0x1000;
	s10 =	simm.s32 $0x4000;
	s11 =	simm.s32 $0x10380  }
0x5: {  	s12 =	simm.s32 $0x2;
	s13 =	simm.s32 $0x1;
	s14 =	simm.s32 $0x0  }
0x6: {  	[smem:$0x7FF] =	sst s2;
	s5 =	sand.u32 $0x1, s3;
	s6 =	sshll.u32 s1, $0x1  }
0x7: {  	s3 =	sadd.s32 $0x2800, s4;
	_ =	strace $0x80000047;
	s6 =	sor.u32 s5, s6  }
0x8: {  	s5 =	ssub.s32 $0x2, s5;
	s7 =	sshll.u32 s6, $0x4;
	s6 =	sshll.u32 s6, $0xB  }
0x9: {  	s31 =	sshrl.u32 s5, $0x1;
	s7 =	sadd.s32 s7, s4;
	s6 =	sadd.s32 s6, s4  }
0xa: {  	s8 =	ssub.s32 s5, s31;
	s4 =	sadd.s32 $0x3000, s7;
	s5 =	sadd.s32 $0x33E00, s7  }
0xb: {  	s6 =	sadd.s32 $0x64C00, s6;
	s7 =	smax.u32 s8, $0x1;
	s8 =	simm.s32 $0x80  }
.LBB2_1:
0xc: {  	[tilespmem:s10], [sflag:$0x1] =	stream.strided.gather [hbm4b:s4+s8], $0xC380, s9, s8, $0x38;
	[tilespmem:$0x1C700] =	vst v63  }
0xd: {  	_ = 	snop  }
0xe: {  	[tilespmem:s11], [sflag:$0x1] =	stream.strided.gather [hbm4b:s5+s8], $0xC380, s9, s8, $0x38;
	[tilespmem:$0x1C700] =	vst v63  }
0xf: {  	_ = 	snop  }
0x10: {  	[tilespmem:s2], [sflag:$0x2] =	stream.linear.gather [hbm4b:s3+s2], $0x4000, $0x38;
	[tilespmem:$0x1C700] =	vst v63  }
0x11: {  	_ =	swait.ge [sflag:s12], $0x4000  }
0x12: {  	[sflag:s12] =	ssyncset.done $0x0  }
0x13: {  	[sflag:s12] =	ssyncadd.s32 $0xFFFFC000  }
0x14: {  	_ =	swait.ge [sflag:s13], $0xC380  }
0x15: {  	[sflag:s13] =	ssyncset.done $0x0  }
0x16: {  	[sflag:s13] =	ssyncadd.s32 $0xFFFF3C80  }
0x17: {  	_ =	swait.ge [sflag:s13], $0xC380  }
0x18: {  	[sflag:s13] =	ssyncset.done $0x0  }
0x19: {  	s15 =	simm.s32 $0x100;
	[sflag:s13] =	ssyncadd.s32 $0xFFFF3C80  }
0x1a: {  	v0 =	vld [tilespmem:s15+$0xFFFFFF00];
	_ =	sdelay $0x4  }
0x1b: {  	v1 =	vadd.s32 $0xFFFF3C80, v0  }
0x1c: {  	vm0 =	vgt.s32 v0, $0xC37F;
	vm1 =	vgt.s32 v1, $0x0  }
0x1d: {  	v0 =	vsel vm0, $0xC37F, v0;
	v1 =	vnsel vm1, $0x0, v1  }
0x1e: {  	v2 =	vld [tilespmem:s15+$0xFFFFFF10];
	v1 =	vmin.u32 v1, $0xC37F;
	_ =	sdelay $0x3  }
0x1f: {  	v0 =	vld.idx.msk [tilespmem:v0+s10+$0x0], $0xffff  }
0x20: {  	v3 =	vadd.s32 $0xFFFF3C80, v2;
	v1 =	vld.idx.msk [tilespmem:v1+s11+$0x0], $0xffff  }
0x21: {  	vm2 =	vgt.s32 v2, $0xC37F;
	vm1 =	vgt.s32 v3, $0x0  }
0x22: {  	v2 =	vsel vm2, $0xC37F, v2;
	v3 =	vnsel vm1, $0x0, v3  }
0x23: {  	v4 =	vld [tilespmem:s15+$0xFFFFFF20];
	v3 =	vmin.u32 v3, $0xC37F;
	_ =	sdelay $0x1  }
0x24: {  	v0 =	vsel vm0, v1, v0  }
0x25: {  	[tilespmem:s15+$0xFFFFFF00] =	vst v0  }
0x26: {  	v0 =	vld.idx.msk [tilespmem:v2+s10+$0x0], $0xffff  }
0x27: {  	v1 =	vld.idx.msk [tilespmem:v3+s11+$0x0], $0xffff;
	v2 =	vadd.s32 $0xFFFF3C80, v4  }
0x28: {  	vm1 =	vgt.s32 v4, $0xC37F;
	vm0 =	vgt.s32 v2, $0x0  }
0x29: {  	v3 =	vsel vm1, $0xC37F, v4;
	v2 =	vnsel vm0, $0x0, v2  }
0x2a: {  	v4 =	vld [tilespmem:s15+$0xFFFFFF30];
	v2 =	vmin.u32 v2, $0xC37F;
	_ =	sdelay $0x1  }
0x2b: {  	v0 =	vsel vm2, v1, v0  }
0x2c: {  	[tilespmem:s15+$0xFFFFFF10] =	vst v0  }
0x2d: {  	v0 =	vld.idx.msk [tilespmem:v3+s10+$0x0], $0xffff  }
0x2e: {  	v1 =	vld.idx.msk [tilespmem:v2+s11+$0x0], $0xffff;
	v2 =	vadd.s32 $0xFFFF3C80, v4  }
0x2f: {  	vm2 =	vgt.s32 v4, $0xC37F;
	vm0 =	vgt.s32 v2, $0x0  }
0x30: {  	v3 =	vsel vm2, $0xC37F, v4;
	v2 =	vnsel vm0, $0x0, v2  }
0x31: {  	v4 =	vld [tilespmem:s15+$0xFFFFFF40];
	v2 =	vmin.u32 v2, $0xC37F;
	_ =	sdelay $0x1  }
0x32: {  	v0 =	vsel vm1, v1, v0  }
0x33: {  	[tilespmem:s15+$0xFFFFFF20] =	vst v0  }
0x34: {  	v0 =	vld.idx.msk [tilespmem:v3+s10+$0x0], $0xffff  }
0x35: {  	v1 =	vld.idx.msk [tilespmem:v2+s11+$0x0], $0xffff;
	v2 =	vadd.s32 $0xFFFF3C80, v4  }
0x36: {  	vm1 =	vgt.s32 v4, $0xC37F;
	vm0 =	vgt.s32 v2, $0x0  }
0x37: {  	v3 =	vsel vm1, $0xC37F, v4;
	v2 =	vnsel vm0, $0x0, v2  }
0x38: {  	v4 =	vld [tilespmem:s15+$0xFFFFFF50];
	v2 =	vmin.u32 v2, $0xC37F;
	_ =	sdelay $0x1  }
0x39: {  	v0 =	vsel vm2, v1, v0  }
0x3a: {  	[tilespmem:s15+$0xFFFFFF30] =	vst v0  }
0x3b: {  	v0 =	vld.idx.msk [tilespmem:v3+s10+$0x0], $0xffff  }
0x3c: {  	v1 =	vld.idx.msk [tilespmem:v2+s11+$0x0], $0xffff;
	v2 =	vadd.s32 $0xFFFF3C80, v4  }
0x3d: {  	vm2 =	vgt.s32 v4, $0xC37F;
	vm0 =	vgt.s32 v2, $0x0  }
0x3e: {  	v3 =	vsel vm2, $0xC37F, v4;
	v2 =	vnsel vm0, $0x0, v2  }
0x3f: {  	v4 =	vld [tilespmem:s15+$0xFFFFFF60];
	v2 =	vmin.u32 v2, $0xC37F;
	_ =	sdelay $0x1  }
0x40: {  	v0 =	vsel vm1, v1, v0  }
0x41: {  	[tilespmem:s15+$0xFFFFFF40] =	vst v0  }
0x42: {  	v0 =	vld.idx.msk [tilespmem:v3+s10+$0x0], $0xffff  }
0x43: {  	v1 =	vld.idx.msk [tilespmem:v2+s11+$0x0], $0xffff;
	v2 =	vadd.s32 $0xFFFF3C80, v4  }
0x44: {  	vm1 =	vgt.s32 v4, $0xC37F;
	vm0 =	vgt.s32 v2, $0x0  }
0x45: {  	v3 =	vsel vm1, $0xC37F, v4;
	v2 =	vnsel vm0, $0x0, v2  }
0x46: {  	v4 =	vld [tilespmem:s15+$0xFFFFFF70];
	v2 =	vmin.u32 v2, $0xC37F;
	_ =	sdelay $0x1  }
0x47: {  	v0 =	vsel vm2, v1, v0  }
0x48: {  	[tilespmem:s15+$0xFFFFFF50] =	vst v0  }
0x49: {  	v0 =	vld.idx.msk [tilespmem:v3+s10+$0x0], $0xffff  }
0x4a: {  	v1 =	vld.idx.msk [tilespmem:v2+s11+$0x0], $0xffff;
	v2 =	vadd.s32 $0xFFFF3C80, v4  }
0x4b: {  	vm2 =	vgt.s32 v4, $0xC37F;
	vm0 =	vgt.s32 v2, $0x0  }
0x4c: {  	v3 =	vsel vm2, $0xC37F, v4;
	v2 =	vnsel vm0, $0x0, v2  }
0x4d: {  	v4 =	vld [tilespmem:s15+$0xFFFFFF80];
	v2 =	vmin.u32 v2, $0xC37F;
	_ =	sdelay $0x1  }
0x4e: {  	v0 =	vsel vm1, v1, v0  }
0x4f: {  	[tilespmem:s15+$0xFFFFFF60] =	vst v0  }
0x50: {  	v0 =	vld.idx.msk [tilespmem:v3+s10+$0x0], $0xffff  }
0x51: {  	v1 =	vld.idx.msk [tilespmem:v2+s11+$0x0], $0xffff;
	v2 =	vadd.s32 $0xFFFF3C80, v4  }
0x52: {  	vm1 =	vgt.s32 v4, $0xC37F;
	vm0 =	vgt.s32 v2, $0x0  }
0x53: {  	v3 =	vsel vm1, $0xC37F, v4;
	v2 =	vnsel vm0, $0x0, v2  }
0x54: {  	v4 =	vld [tilespmem:s15+$0xFFFFFF90];
	v2 =	vmin.u32 v2, $0xC37F;
	_ =	sdelay $0x1  }
0x55: {  	v0 =	vsel vm2, v1, v0  }
0x56: {  	[tilespmem:s15+$0xFFFFFF70] =	vst v0  }
0x57: {  	v0 =	vld.idx.msk [tilespmem:v3+s10+$0x0], $0xffff  }
0x58: {  	v1 =	vld.idx.msk [tilespmem:v2+s11+$0x0], $0xffff;
	v2 =	vadd.s32 $0xFFFF3C80, v4  }
0x59: {  	vm2 =	vgt.s32 v4, $0xC37F;
	vm0 =	vgt.s32 v2, $0x0  }
0x5a: {  	v3 =	vsel vm2, $0xC37F, v4;
	v2 =	vnsel vm0, $0x0, v2  }
0x5b: {  	v4 =	vld [tilespmem:s15+$0xFFFFFFA0];
	v2 =	vmin.u32 v2, $0xC37F;
	_ =	sdelay $0x1  }
0x5c: {  	v0 =	vsel vm1, v1, v0  }
0x5d: {  	[tilespmem:s15+$0xFFFFFF80] =	vst v0  }
0x5e: {  	v0 =	vld.idx.msk [tilespmem:v3+s10+$0x0], $0xffff  }
0x5f: {  	v1 =	vld.idx.msk [tilespmem:v2+s11+$0x0], $0xffff;
	v2 =	vadd.s32 $0xFFFF3C80, v4  }
0x60: {  	vm1 =	vgt.s32 v4, $0xC37F;
	vm0 =	vgt.s32 v2, $0x0  }
0x61: {  	v3 =	vsel vm1, $0xC37F, v4;
	v2 =	vnsel vm0, $0x0, v2  }
0x62: {  	v4 =	vld [tilespmem:s15+$0xFFFFFFB0];
	v2 =	vmin.u32 v2, $0xC37F;
	_ =	sdelay $0x1  }
0x63: {  	v0 =	vsel vm2, v1, v0  }
0x64: {  	[tilespmem:s15+$0xFFFFFF90] =	vst v0  }
0x65: {  	v0 =	vld.idx.msk [tilespmem:v3+s10+$0x0], $0xffff  }
0x66: {  	v1 =	vld.idx.msk [tilespmem:v2+s11+$0x0], $0xffff;
	v2 =	vadd.s32 $0xFFFF3C80, v4  }
0x67: {  	vm2 =	vgt.s32 v4, $0xC37F;
	vm0 =	vgt.s32 v2, $0x0  }
0x68: {  	v3 =	vsel vm2, $0xC37F, v4;
	v2 =	vnsel vm0, $0x0, v2  }
0x69: {  	v4 =	vld [tilespmem:s15+$0xFFFFFFC0];
	v2 =	vmin.u32 v2, $0xC37F;
	_ =	sdelay $0x1  }
0x6a: {  	v0 =	vsel vm1, v1, v0  }
0x6b: {  	[tilespmem:s15+$0xFFFFFFA0] =	vst v0  }
0x6c: {  	v0 =	vld.idx.msk [tilespmem:v3+s10+$0x0], $0xffff  }
0x6d: {  	v1 =	vld.idx.msk [tilespmem:v2+s11+$0x0], $0xffff;
	v2 =	vadd.s32 $0xFFFF3C80, v4  }
0x6e: {  	vm1 =	vgt.s32 v4, $0xC37F;
	vm0 =	vgt.s32 v2, $0x0  }
0x6f: {  	v3 =	vsel vm1, $0xC37F, v4;
	v2 =	vnsel vm0, $0x0, v2  }
0x70: {  	v4 =	vld [tilespmem:s15+$0xFFFFFFD0];
	v2 =	vmin.u32 v2, $0xC37F;
	_ =	sdelay $0x1  }
0x71: {  	v0 =	vsel vm2, v1, v0  }
0x72: {  	[tilespmem:s15+$0xFFFFFFB0] =	vst v0  }
0x73: {  	v0 =	vld.idx.msk [tilespmem:v3+s10+$0x0], $0xffff  }
0x74: {  	v1 =	vld.idx.msk [tilespmem:v2+s11+$0x0], $0xffff;
	v2 =	vadd.s32 $0xFFFF3C80, v4  }
0x75: {  	vm2 =	vgt.s32 v4, $0xC37F;
	vm0 =	vgt.s32 v2, $0x0  }
0x76: {  	v3 =	vsel vm2, $0xC37F, v4;
	v2 =	vnsel vm0, $0x0, v2  }
0x77: {  	v4 =	vld [tilespmem:s15+$0xFFFFFFE0];
	v2 =	vmin.u32 v2, $0xC37F;
	_ =	sdelay $0x1  }
0x78: {  	v0 =	vsel vm1, v1, v0  }
0x79: {  	[tilespmem:s15+$0xFFFFFFC0] =	vst v0  }
0x7a: {  	v0 =	vld.idx.msk [tilespmem:v3+s10+$0x0], $0xffff  }
0x7b: {  	v1 =	vld.idx.msk [tilespmem:v2+s11+$0x0], $0xffff;
	v2 =	vadd.s32 $0xFFFF3C80, v4  }
0x7c: {  	vm1 =	vgt.s32 v4, $0xC37F;
	vm0 =	vgt.s32 v2, $0x0  }
0x7d: {  	v3 =	vsel vm1, $0xC37F, v4;
	v2 =	vnsel vm0, $0x0, v2  }
0x7e: {  	v4 =	vld [tilespmem:s15+$0xFFFFFFF0];
	v2 =	vmin.u32 v2, $0xC37F;
	_ =	sdelay $0x1  }
0x7f: {  	v0 =	vsel vm2, v1, v0  }
0x80: {  	[tilespmem:s15+$0xFFFFFFD0] =	vst v0  }
0x81: {  	v0 =	vld.idx.msk [tilespmem:v3+s10+$0x0], $0xffff  }
0x82: {  	v1 =	vld.idx.msk [tilespmem:v2+s11+$0x0], $0xffff;
	v2 =	vadd.s32 $0xFFFF3C80, v4  }
0x83: {  	vm2 =	vgt.s32 v4, $0xC37F;
	vm0 =	vgt.s32 v2, $0x0  }
0x84: {  	v3 =	vsel vm2, $0xC37F, v4;
	v2 =	vnsel vm0, $0x0, v2  }
0x85: {  	v4 =	vld [tilespmem:s15+$0x0];
	v2 =	vmin.u32 v2, $0xC37F;
	_ =	sdelay $0x1  }
0x86: {  	v0 =	vsel vm1, v1, v0  }
0x87: {  	[tilespmem:s15+$0xFFFFFFE0] =	vst v0  }
0x88: {  	v0 =	vld.idx.msk [tilespmem:v3+s10+$0x0], $0xffff  }
0x89: {  	v1 =	vld.idx.msk [tilespmem:v2+s11+$0x0], $0xffff;
	v2 =	vadd.s32 $0xFFFF3C80, v4  }
0x8a: {  	vm1 =	vgt.s32 v4, $0xC37F;
	vm0 =	vgt.s32 v2, $0x0  }
0x8b: {  	v3 =	vsel vm1, $0xC37F, v4;
	v2 =	vnsel vm0, $0x0, v2  }
0x8c: {  	v4 =	vld [tilespmem:s15+$0x10];
	v2 =	vmin.u32 v2, $0xC37F;
	_ =	sdelay $0x1  }
0x8d: {  	v0 =	vsel vm2, v1, v0  }
0x8e: {  	[tilespmem:s15+$0xFFFFFFF0] =	vst v0  }
0x8f: {  	v0 =	vld.idx.msk [tilespmem:v3+s10+$0x0], $0xffff  }
0x90: {  	v1 =	vld.idx.msk [tilespmem:v2+s11+$0x0], $0xffff;
	v2 =	vadd.s32 $0xFFFF3C80, v4  }
0x91: {  	vm2 =	vgt.s32 v4, $0xC37F;
	vm0 =	vgt.s32 v2, $0x0  }
0x92: {  	v3 =	vsel vm2, $0xC37F, v4;
	v2 =	vnsel vm0, $0x0, v2  }
0x93: {  	v4 =	vld [tilespmem:s15+$0x20];
	v2 =	vmin.u32 v2, $0xC37F;
	_ =	sdelay $0x1  }
0x94: {  	v0 =	vsel vm1, v1, v0  }
0x95: {  	[tilespmem:s15+$0x0] =	vst v0  }
0x96: {  	v0 =	vld.idx.msk [tilespmem:v3+s10+$0x0], $0xffff  }
0x97: {  	v1 =	vld.idx.msk [tilespmem:v2+s11+$0x0], $0xffff;
	v2 =	vadd.s32 $0xFFFF3C80, v4  }
0x98: {  	vm1 =	vgt.s32 v4, $0xC37F;
	vm0 =	vgt.s32 v2, $0x0  }
0x99: {  	v3 =	vsel vm1, $0xC37F, v4;
	v2 =	vnsel vm0, $0x0, v2  }
0x9a: {  	v4 =	vld [tilespmem:s15+$0x30];
	v2 =	vmin.u32 v2, $0xC37F;
	_ =	sdelay $0x1  }
0x9b: {  	v0 =	vsel vm2, v1, v0  }
0x9c: {  	[tilespmem:s15+$0x10] =	vst v0  }
0x9d: {  	v0 =	vld.idx.msk [tilespmem:v3+s10+$0x0], $0xffff  }
0x9e: {  	v1 =	vld.idx.msk [tilespmem:v2+s11+$0x0], $0xffff;
	v2 =	vadd.s32 $0xFFFF3C80, v4  }
0x9f: {  	vm2 =	vgt.s32 v4, $0xC37F;
	vm0 =	vgt.s32 v2, $0x0  }
0xa0: {  	v3 =	vsel vm2, $0xC37F, v4;
	v2 =	vnsel vm0, $0x0, v2  }
0xa1: {  	v4 =	vld [tilespmem:s15+$0x40];
	v2 =	vmin.u32 v2, $0xC37F;
	_ =	sdelay $0x1  }
0xa2: {  	v0 =	vsel vm1, v1, v0  }
0xa3: {  	[tilespmem:s15+$0x20] =	vst v0  }
0xa4: {  	v0 =	vld.idx.msk [tilespmem:v3+s10+$0x0], $0xffff  }
0xa5: {  	v1 =	vld.idx.msk [tilespmem:v2+s11+$0x0], $0xffff;
	v2 =	vadd.s32 $0xFFFF3C80, v4  }
0xa6: {  	vm1 =	vgt.s32 v4, $0xC37F;
	vm0 =	vgt.s32 v2, $0x0  }
0xa7: {  	v3 =	vsel vm1, $0xC37F, v4;
	v2 =	vnsel vm0, $0x0, v2  }
0xa8: {  	v4 =	vld [tilespmem:s15+$0x50];
	v2 =	vmin.u32 v2, $0xC37F;
	_ =	sdelay $0x1  }
0xa9: {  	v0 =	vsel vm2, v1, v0  }
0xaa: {  	[tilespmem:s15+$0x30] =	vst v0  }
0xab: {  	v0 =	vld.idx.msk [tilespmem:v3+s10+$0x0], $0xffff  }
0xac: {  	v1 =	vld.idx.msk [tilespmem:v2+s11+$0x0], $0xffff;
	v2 =	vadd.s32 $0xFFFF3C80, v4  }
0xad: {  	vm2 =	vgt.s32 v4, $0xC37F;
	vm0 =	vgt.s32 v2, $0x0  }
0xae: {  	v3 =	vsel vm2, $0xC37F, v4;
	v2 =	vnsel vm0, $0x0, v2  }
0xaf: {  	v4 =	vld [tilespmem:s15+$0x60];
	v2 =	vmin.u32 v2, $0xC37F;
	_ =	sdelay $0x1  }
0xb0: {  	v0 =	vsel vm1, v1, v0  }
0xb1: {  	[tilespmem:s15+$0x40] =	vst v0  }
0xb2: {  	v0 =	vld.idx.msk [tilespmem:v3+s10+$0x0], $0xffff  }
0xb3: {  	v1 =	vld.idx.msk [tilespmem:v2+s11+$0x0], $0xffff;
	v2 =	vadd.s32 $0xFFFF3C80, v4  }
0xb4: {  	vm1 =	vgt.s32 v4, $0xC37F;
	vm0 =	vgt.s32 v2, $0x0  }
0xb5: {  	v3 =	vsel vm1, $0xC37F, v4;
	v2 =	vnsel vm0, $0x0, v2  }
0xb6: {  	v4 =	vld [tilespmem:s15+$0x70];
	v2 =	vmin.u32 v2, $0xC37F;
	_ =	sdelay $0x1  }
0xb7: {  	v0 =	vsel vm2, v1, v0  }
0xb8: {  	[tilespmem:s15+$0x50] =	vst v0  }
0xb9: {  	v0 =	vld.idx.msk [tilespmem:v3+s10+$0x0], $0xffff  }
0xba: {  	v1 =	vld.idx.msk [tilespmem:v2+s11+$0x0], $0xffff;
	v2 =	vadd.s32 $0xFFFF3C80, v4  }
0xbb: {  	vm2 =	vgt.s32 v4, $0xC37F;
	vm0 =	vgt.s32 v2, $0x0  }
0xbc: {  	v3 =	vsel vm2, $0xC37F, v4;
	v2 =	vnsel vm0, $0x0, v2  }
0xbd: {  	v4 =	vld [tilespmem:s15+$0x80];
	v2 =	vmin.u32 v2, $0xC37F;
	_ =	sdelay $0x1  }
0xbe: {  	v0 =	vsel vm1, v1, v0  }
0xbf: {  	[tilespmem:s15+$0x60] =	vst v0  }
0xc0: {  	v0 =	vld.idx.msk [tilespmem:v3+s10+$0x0], $0xffff  }
0xc1: {  	v1 =	vld.idx.msk [tilespmem:v2+s11+$0x0], $0xffff;
	v2 =	vadd.s32 $0xFFFF3C80, v4  }
0xc2: {  	vm1 =	vgt.s32 v4, $0xC37F;
	vm0 =	vgt.s32 v2, $0x0  }
0xc3: {  	v3 =	vsel vm1, $0xC37F, v4;
	v2 =	vnsel vm0, $0x0, v2  }
0xc4: {  	v4 =	vld [tilespmem:s15+$0x90];
	v2 =	vmin.u32 v2, $0xC37F;
	_ =	sdelay $0x1  }
0xc5: {  	v0 =	vsel vm2, v1, v0  }
0xc6: {  	[tilespmem:s15+$0x70] =	vst v0  }
0xc7: {  	v0 =	vld.idx.msk [tilespmem:v3+s10+$0x0], $0xffff  }
0xc8: {  	v1 =	vld.idx.msk [tilespmem:v2+s11+$0x0], $0xffff;
	v2 =	vadd.s32 $0xFFFF3C80, v4  }
0xc9: {  	vm2 =	vgt.s32 v4, $0xC37F;
	vm0 =	vgt.s32 v2, $0x0  }
0xca: {  	v3 =	vsel vm2, $0xC37F, v4;
	v2 =	vnsel vm0, $0x0, v2  }
0xcb: {  	v4 =	vld [tilespmem:s15+$0xA0];
	v2 =	vmin.u32 v2, $0xC37F;
	_ =	sdelay $0x1  }
0xcc: {  	v0 =	vsel vm1, v1, v0  }
0xcd: {  	[tilespmem:s15+$0x80] =	vst v0  }
0xce: {  	v0 =	vld.idx.msk [tilespmem:v3+s10+$0x0], $0xffff  }
0xcf: {  	v1 =	vld.idx.msk [tilespmem:v2+s11+$0x0], $0xffff;
	v2 =	vadd.s32 $0xFFFF3C80, v4  }
0xd0: {  	vm1 =	vgt.s32 v4, $0xC37F;
	vm0 =	vgt.s32 v2, $0x0  }
0xd1: {  	v3 =	vsel vm1, $0xC37F, v4;
	v2 =	vnsel vm0, $0x0, v2  }
0xd2: {  	v4 =	vld [tilespmem:s15+$0xB0];
	v2 =	vmin.u32 v2, $0xC37F;
	_ =	sdelay $0x1  }
0xd3: {  	v0 =	vsel vm2, v1, v0  }
0xd4: {  	[tilespmem:s15+$0x90] =	vst v0  }
0xd5: {  	v0 =	vld.idx.msk [tilespmem:v3+s10+$0x0], $0xffff  }
0xd6: {  	v1 =	vld.idx.msk [tilespmem:v2+s11+$0x0], $0xffff;
	v2 =	vadd.s32 $0xFFFF3C80, v4  }
0xd7: {  	vm2 =	vgt.s32 v4, $0xC37F;
	vm0 =	vgt.s32 v2, $0x0  }
0xd8: {  	v3 =	vsel vm2, $0xC37F, v4;
	v2 =	vnsel vm0, $0x0, v2  }
0xd9: {  	v4 =	vld [tilespmem:s15+$0xC0];
	v2 =	vmin.u32 v2, $0xC37F;
	_ =	sdelay $0x1  }
0xda: {  	v0 =	vsel vm1, v1, v0  }
0xdb: {  	[tilespmem:s15+$0xA0] =	vst v0  }
0xdc: {  	v0 =	vld.idx.msk [tilespmem:v3+s10+$0x0], $0xffff  }
0xdd: {  	v1 =	vld.idx.msk [tilespmem:v2+s11+$0x0], $0xffff;
	v2 =	vadd.s32 $0xFFFF3C80, v4  }
0xde: {  	vm1 =	vgt.s32 v4, $0xC37F;
	vm0 =	vgt.s32 v2, $0x0  }
0xdf: {  	v3 =	vld [tilespmem:s15+$0xD0];
	v4 =	vsel vm1, $0xC37F, v4;
	v2 =	vnsel vm0, $0x0, v2  }
0xe0: {  	v2 =	vmin.u32 v2, $0xC37F;
	_ =	sdelay $0x1  }
0xe1: {  	v0 =	vsel vm2, v1, v0  }
0xe2: {  	[tilespmem:s15+$0xB0] =	vst v0  }
0xe3: {  	v5 =	vadd.s32 $0xFFFF3C80, v3;
	v0 =	vld.idx.msk [tilespmem:v4+s10+$0x0], $0xffff  }
0xe4: {  	vm0 =	vgt.s32 v3, $0xC37F;
	vm2 =	vgt.s32 v5, $0x0;
	v2 =	vld.idx.msk [tilespmem:v2+s11+$0x0], $0xffff  }
0xe5: {  	s17 =	simm.s32 $0x0;
	s16 =	simm.s32 $0x100;
	v1 =	vsel vm0, $0xC37F, v3;
	v3 =	vnsel vm2, $0x0, v5  }
.LBB2_2:
0xe6: {  	s17 =	sadd.s32 $0x4, s17;
	v3 =	vmin.u32 v3, $0xC37F;
	s15 =	sadd.s32 $0x200, s15  }
0xe7: {  	p0 =	slt.u32 s17, $0x7C;
	v4 =	vld [tilespmem:s16+$0xE0];
	_ =	sdelay $0x1  }
0xe8: {  	v0 =	vsel vm1, v2, v0  }
0xe9: {  	[tilespmem:s16+$0xC0] =	vst v0  }
0xea: {  	v0 =	vld.idx.msk [tilespmem:v1+s10+$0x0], $0xffff  }
0xeb: {  	v1 =	vld.idx.msk [tilespmem:v3+s11+$0x0], $0xffff;
	v2 =	vadd.s32 $0xFFFF3C80, v4  }
0xec: {  	vm1 =	vgt.s32 v2, $0x0  }
0xed: {  	vm2 =	vgt.s32 v4, $0xC37F;
	v2 =	vnsel vm1, $0x0, v2  }
0xee: {  	v3 =	vsel vm2, $0xC37F, v4;
	v2 =	vmin.u32 v2, $0xC37F  }
0xef: {  	v4 =	vld [tilespmem:s16+$0xF0];
	_ =	sdelay $0x1  }
0xf0: {  	v0 =	vsel vm0, v1, v0  }
0xf1: {  	[tilespmem:s16+$0xD0] =	vst v0  }
0xf2: {  	v0 =	vld.idx.msk [tilespmem:v3+s10+$0x0], $0xffff  }
0xf3: {  	v1 =	vld.idx.msk [tilespmem:v2+s11+$0x0], $0xffff;
	v2 =	vadd.s32 $0xFFFF3C80, v4  }
0xf4: {  	vm0 =	vgt.s32 v2, $0x0  }
0xf5: {  	vm1 =	vgt.s32 v4, $0xC37F;
	v2 =	vnsel vm0, $0x0, v2  }
0xf6: {  	v3 =	vsel vm1, $0xC37F, v4;
	v2 =	vmin.u32 v2, $0xC37F;
	_ =	sdelay $0x1  }
0xf7: {  	v4 =	vld [tilespmem:s15+$0xFFFFFF00]  }
0xf8: {  	v0 =	vsel vm2, v1, v0  }
0xf9: {  	[tilespmem:s16+$0xE0] =	vst v0  }
0xfa: {  	v0 =	vld.idx.msk [tilespmem:v3+s10+$0x0], $0xffff  }
0xfb: {  	v1 =	vld.idx.msk [tilespmem:v2+s11+$0x0], $0xffff  }
0xfc: {  	v2 =	vadd.s32 $0xFFFF3C80, v4  }
0xfd: {  	vm0 =	vgt.s32 v4, $0xC37F;
	vm2 =	vgt.s32 v2, $0x0  }
0xfe: {  	v3 =	vsel vm0, $0xC37F, v4;
	v2 =	vnsel vm2, $0x0, v2  }
0xff: {  	v2 =	vmin.u32 v2, $0xC37F;
	v4 =	vld [tilespmem:s15+$0xFFFFFF10];
	_ =	sdelay $0x1  }
0x100: {  	v0 =	vsel vm1, v1, v0  }
0x101: {  	[tilespmem:s16+$0xF0] =	vst v0;
	s16 =	smov.u32 s15  }
0x102: {  	v0 =	vld.idx.msk [tilespmem:v3+s10+$0x0], $0xffff  }
0x103: {  	v1 =	vld.idx.msk [tilespmem:v2+s11+$0x0], $0xffff;
	v2 =	vadd.s32 $0xFFFF3C80, v4  }
0x104: {  	vm1 =	vgt.s32 v2, $0x0  }
0x105: {  	vm2 =	vgt.s32 v4, $0xC37F;
	v2 =	vnsel vm1, $0x0, v2  }
0x106: {  	v3 =	vsel vm2, $0xC37F, v4;
	v2 =	vmin.u32 v2, $0xC37F  }
0x107: {  	v4 =	vld [tilespmem:s15+$0xFFFFFF20];
	_ =	sdelay $0x1  }
0x108: {  	v0 =	vsel vm0, v1, v0  }
0x109: {  	[tilespmem:s15+$0xFFFFFF00] =	vst v0  }
0x10a: {  	v0 =	vld.idx.msk [tilespmem:v3+s10+$0x0], $0xffff  }
0x10b: {  	v1 =	vld.idx.msk [tilespmem:v2+s11+$0x0], $0xffff;
	v2 =	vadd.s32 $0xFFFF3C80, v4  }
0x10c: {  	vm0 =	vgt.s32 v2, $0x0  }
0x10d: {  	vm1 =	vgt.s32 v4, $0xC37F;
	v2 =	vnsel vm0, $0x0, v2  }
0x10e: {  	v3 =	vsel vm1, $0xC37F, v4;
	v2 =	vmin.u32 v2, $0xC37F  }
0x10f: {  	v4 =	vld [tilespmem:s15+$0xFFFFFF30];
	_ =	sdelay $0x1  }
0x110: {  	v0 =	vsel vm2, v1, v0  }
0x111: {  	[tilespmem:s15+$0xFFFFFF10] =	vst v0  }
0x112: {  	v0 =	vld.idx.msk [tilespmem:v3+s10+$0x0], $0xffff  }
0x113: {  	v1 =	vld.idx.msk [tilespmem:v2+s11+$0x0], $0xffff;
	v2 =	vadd.s32 $0xFFFF3C80, v4  }
0x114: {  	vm0 =	vgt.s32 v2, $0x0  }
0x115: {  	vm2 =	vgt.s32 v4, $0xC37F;
	v2 =	vnsel vm0, $0x0, v2  }
0x116: {  	v3 =	vsel vm2, $0xC37F, v4;
	v2 =	vmin.u32 v2, $0xC37F  }
0x117: {  	v4 =	vld [tilespmem:s15+$0xFFFFFF40];
	_ =	sdelay $0x1  }
0x118: {  	v0 =	vsel vm1, v1, v0  }
0x119: {  	[tilespmem:s15+$0xFFFFFF20] =	vst v0  }
0x11a: {  	v0 =	vld.idx.msk [tilespmem:v3+s10+$0x0], $0xffff  }
0x11b: {  	v1 =	vld.idx.msk [tilespmem:v2+s11+$0x0], $0xffff;
	v2 =	vadd.s32 $0xFFFF3C80, v4  }
0x11c: {  	vm0 =	vgt.s32 v2, $0x0  }
0x11d: {  	vm1 =	vgt.s32 v4, $0xC37F;
	v2 =	vnsel vm0, $0x0, v2  }
0x11e: {  	v3 =	vsel vm1, $0xC37F, v4;
	v2 =	vmin.u32 v2, $0xC37F  }
0x11f: {  	v4 =	vld [tilespmem:s15+$0xFFFFFF50];
	_ =	sdelay $0x1  }
0x120: {  	v0 =	vsel vm2, v1, v0  }
0x121: {  	[tilespmem:s15+$0xFFFFFF30] =	vst v0  }
0x122: {  	v0 =	vld.idx.msk [tilespmem:v3+s10+$0x0], $0xffff  }
0x123: {  	v1 =	vld.idx.msk [tilespmem:v2+s11+$0x0], $0xffff;
	v2 =	vadd.s32 $0xFFFF3C80, v4  }
0x124: {  	vm0 =	vgt.s32 v2, $0x0  }
0x125: {  	vm2 =	vgt.s32 v4, $0xC37F;
	v2 =	vnsel vm0, $0x0, v2  }
0x126: {  	v3 =	vsel vm2, $0xC37F, v4;
	v2 =	vmin.u32 v2, $0xC37F  }
0x127: {  	v4 =	vld [tilespmem:s15+$0xFFFFFF60];
	_ =	sdelay $0x1  }
0x128: {  	v0 =	vsel vm1, v1, v0  }
0x129: {  	[tilespmem:s15+$0xFFFFFF40] =	vst v0  }
0x12a: {  	v0 =	vld.idx.msk [tilespmem:v3+s10+$0x0], $0xffff  }
0x12b: {  	v1 =	vld.idx.msk [tilespmem:v2+s11+$0x0], $0xffff;
	v2 =	vadd.s32 $0xFFFF3C80, v4  }
0x12c: {  	vm0 =	vgt.s32 v2, $0x0  }
0x12d: {  	vm1 =	vgt.s32 v4, $0xC37F;
	v2 =	vnsel vm0, $0x0, v2  }
0x12e: {  	v3 =	vsel vm1, $0xC37F, v4;
	v2 =	vmin.u32 v2, $0xC37F  }
0x12f: {  	v4 =	vld [tilespmem:s15+$0xFFFFFF70];
	_ =	sdelay $0x1  }
0x130: {  	v0 =	vsel vm2, v1, v0  }
0x131: {  	[tilespmem:s15+$0xFFFFFF50] =	vst v0  }
0x132: {  	v0 =	vld.idx.msk [tilespmem:v3+s10+$0x0], $0xffff  }
0x133: {  	v1 =	vld.idx.msk [tilespmem:v2+s11+$0x0], $0xffff;
	v2 =	vadd.s32 $0xFFFF3C80, v4  }
0x134: {  	vm0 =	vgt.s32 v2, $0x0  }
0x135: {  	vm2 =	vgt.s32 v4, $0xC37F;
	v2 =	vnsel vm0, $0x0, v2  }
0x136: {  	v3 =	vsel vm2, $0xC37F, v4;
	v2 =	vmin.u32 v2, $0xC37F  }
0x137: {  	v4 =	vld [tilespmem:s15+$0xFFFFFF80];
	_ =	sdelay $0x1  }
0x138: {  	v0 =	vsel vm1, v1, v0  }
0x139: {  	[tilespmem:s15+$0xFFFFFF60] =	vst v0  }
0x13a: {  	v0 =	vld.idx.msk [tilespmem:v3+s10+$0x0], $0xffff  }
0x13b: {  	v1 =	vld.idx.msk [tilespmem:v2+s11+$0x0], $0xffff;
	v2 =	vadd.s32 $0xFFFF3C80, v4  }
0x13c: {  	vm0 =	vgt.s32 v2, $0x0  }
0x13d: {  	vm1 =	vgt.s32 v4, $0xC37F;
	v2 =	vnsel vm0, $0x0, v2  }
0x13e: {  	v3 =	vsel vm1, $0xC37F, v4;
	v2 =	vmin.u32 v2, $0xC37F  }
0x13f: {  	v4 =	vld [tilespmem:s15+$0xFFFFFF90];
	_ =	sdelay $0x1  }
0x140: {  	v0 =	vsel vm2, v1, v0  }
0x141: {  	[tilespmem:s15+$0xFFFFFF70] =	vst v0  }
0x142: {  	v0 =	vld.idx.msk [tilespmem:v3+s10+$0x0], $0xffff  }
0x143: {  	v1 =	vld.idx.msk [tilespmem:v2+s11+$0x0], $0xffff;
	v2 =	vadd.s32 $0xFFFF3C80, v4  }
0x144: {  	vm0 =	vgt.s32 v2, $0x0  }
0x145: {  	vm2 =	vgt.s32 v4, $0xC37F;
	v2 =	vnsel vm0, $0x0, v2  }
0x146: {  	v3 =	vsel vm2, $0xC37F, v4;
	v2 =	vmin.u32 v2, $0xC37F  }
0x147: {  	v4 =	vld [tilespmem:s15+$0xFFFFFFA0];
	_ =	sdelay $0x1  }
0x148: {  	v0 =	vsel vm1, v1, v0  }
0x149: {  	[tilespmem:s15+$0xFFFFFF80] =	vst v0  }
0x14a: {  	v0 =	vld.idx.msk [tilespmem:v3+s10+$0x0], $0xffff  }
0x14b: {  	v1 =	vld.idx.msk [tilespmem:v2+s11+$0x0], $0xffff;
	v2 =	vadd.s32 $0xFFFF3C80, v4  }
0x14c: {  	vm0 =	vgt.s32 v2, $0x0  }
0x14d: {  	vm1 =	vgt.s32 v4, $0xC37F;
	v2 =	vnsel vm0, $0x0, v2  }
0x14e: {  	v3 =	vsel vm1, $0xC37F, v4;
	v2 =	vmin.u32 v2, $0xC37F  }
0x14f: {  	v4 =	vld [tilespmem:s15+$0xFFFFFFB0];
	_ =	sdelay $0x1  }
0x150: {  	v0 =	vsel vm2, v1, v0  }
0x151: {  	[tilespmem:s15+$0xFFFFFF90] =	vst v0  }
0x152: {  	v0 =	vld.idx.msk [tilespmem:v3+s10+$0x0], $0xffff  }
0x153: {  	v1 =	vld.idx.msk [tilespmem:v2+s11+$0x0], $0xffff;
	v2 =	vadd.s32 $0xFFFF3C80, v4  }
0x154: {  	vm0 =	vgt.s32 v2, $0x0  }
0x155: {  	vm2 =	vgt.s32 v4, $0xC37F;
	v2 =	vnsel vm0, $0x0, v2  }
0x156: {  	v3 =	vsel vm2, $0xC37F, v4;
	v2 =	vmin.u32 v2, $0xC37F  }
0x157: {  	v4 =	vld [tilespmem:s15+$0xFFFFFFC0];
	_ =	sdelay $0x1  }
0x158: {  	v0 =	vsel vm1, v1, v0  }
0x159: {  	[tilespmem:s15+$0xFFFFFFA0] =	vst v0  }
0x15a: {  	v0 =	vld.idx.msk [tilespmem:v3+s10+$0x0], $0xffff  }
0x15b: {  	v1 =	vld.idx.msk [tilespmem:v2+s11+$0x0], $0xffff;
	v2 =	vadd.s32 $0xFFFF3C80, v4  }
0x15c: {  	vm0 =	vgt.s32 v2, $0x0  }
0x15d: {  	vm1 =	vgt.s32 v4, $0xC37F;
	v2 =	vnsel vm0, $0x0, v2  }
0x15e: {  	v3 =	vsel vm1, $0xC37F, v4;
	v2 =	vmin.u32 v2, $0xC37F  }
0x15f: {  	v4 =	vld [tilespmem:s15+$0xFFFFFFD0];
	_ =	sdelay $0x1  }
0x160: {  	v0 =	vsel vm2, v1, v0  }
0x161: {  	[tilespmem:s15+$0xFFFFFFB0] =	vst v0  }
0x162: {  	v0 =	vld.idx.msk [tilespmem:v3+s10+$0x0], $0xffff  }
0x163: {  	v1 =	vld.idx.msk [tilespmem:v2+s11+$0x0], $0xffff;
	v2 =	vadd.s32 $0xFFFF3C80, v4  }
0x164: {  	vm0 =	vgt.s32 v2, $0x0  }
0x165: {  	vm2 =	vgt.s32 v4, $0xC37F;
	v2 =	vnsel vm0, $0x0, v2  }
0x166: {  	v3 =	vsel vm2, $0xC37F, v4;
	v2 =	vmin.u32 v2, $0xC37F  }
0x167: {  	v4 =	vld [tilespmem:s15+$0xFFFFFFE0];
	_ =	sdelay $0x1  }
0x168: {  	v0 =	vsel vm1, v1, v0  }
0x169: {  	[tilespmem:s15+$0xFFFFFFC0] =	vst v0  }
0x16a: {  	v0 =	vld.idx.msk [tilespmem:v3+s10+$0x0], $0xffff  }
0x16b: {  	v1 =	vld.idx.msk [tilespmem:v2+s11+$0x0], $0xffff;
	v2 =	vadd.s32 $0xFFFF3C80, v4  }
0x16c: {  	vm0 =	vgt.s32 v2, $0x0  }
0x16d: {  	vm1 =	vgt.s32 v4, $0xC37F;
	v2 =	vnsel vm0, $0x0, v2  }
0x16e: {  	v3 =	vsel vm1, $0xC37F, v4;
	v2 =	vmin.u32 v2, $0xC37F  }
0x16f: {  	v4 =	vld [tilespmem:s15+$0xFFFFFFF0];
	_ =	sdelay $0x1  }
0x170: {  	v0 =	vsel vm2, v1, v0  }
0x171: {  	[tilespmem:s15+$0xFFFFFFD0] =	vst v0  }
0x172: {  	v0 =	vld.idx.msk [tilespmem:v3+s10+$0x0], $0xffff  }
0x173: {  	v1 =	vld.idx.msk [tilespmem:v2+s11+$0x0], $0xffff;
	v2 =	vadd.s32 $0xFFFF3C80, v4  }
0x174: {  	vm0 =	vgt.s32 v2, $0x0  }
0x175: {  	vm2 =	vgt.s32 v4, $0xC37F;
	v2 =	vnsel vm0, $0x0, v2  }
0x176: {  	v3 =	vsel vm2, $0xC37F, v4;
	v2 =	vmin.u32 v2, $0xC37F  }
0x177: {  	v4 =	vld [tilespmem:s15+$0x0];
	_ =	sdelay $0x1  }
0x178: {  	v0 =	vsel vm1, v1, v0  }
0x179: {  	[tilespmem:s15+$0xFFFFFFE0] =	vst v0  }
0x17a: {  	v0 =	vld.idx.msk [tilespmem:v3+s10+$0x0], $0xffff  }
0x17b: {  	v1 =	vld.idx.msk [tilespmem:v2+s11+$0x0], $0xffff;
	v2 =	vadd.s32 $0xFFFF3C80, v4  }
0x17c: {  	vm0 =	vgt.s32 v2, $0x0  }
0x17d: {  	vm1 =	vgt.s32 v4, $0xC37F;
	v2 =	vnsel vm0, $0x0, v2  }
0x17e: {  	v3 =	vsel vm1, $0xC37F, v4;
	v2 =	vmin.u32 v2, $0xC37F  }
0x17f: {  	v4 =	vld [tilespmem:s15+$0x10];
	_ =	sdelay $0x1  }
0x180: {  	v0 =	vsel vm2, v1, v0  }
0x181: {  	[tilespmem:s15+$0xFFFFFFF0] =	vst v0  }
0x182: {  	v0 =	vld.idx.msk [tilespmem:v3+s10+$0x0], $0xffff  }
0x183: {  	v1 =	vld.idx.msk [tilespmem:v2+s11+$0x0], $0xffff;
	v2 =	vadd.s32 $0xFFFF3C80, v4  }
0x184: {  	vm0 =	vgt.s32 v2, $0x0  }
0x185: {  	vm2 =	vgt.s32 v4, $0xC37F;
	v2 =	vnsel vm0, $0x0, v2  }
0x186: {  	v3 =	vsel vm2, $0xC37F, v4;
	v2 =	vmin.u32 v2, $0xC37F  }
0x187: {  	v4 =	vld [tilespmem:s15+$0x20];
	_ =	sdelay $0x1  }
0x188: {  	v0 =	vsel vm1, v1, v0  }
0x189: {  	[tilespmem:s15+$0x0] =	vst v0  }
0x18a: {  	v0 =	vld.idx.msk [tilespmem:v3+s10+$0x0], $0xffff  }
0x18b: {  	v1 =	vld.idx.msk [tilespmem:v2+s11+$0x0], $0xffff;
	v2 =	vadd.s32 $0xFFFF3C80, v4  }
0x18c: {  	vm0 =	vgt.s32 v2, $0x0  }
0x18d: {  	vm1 =	vgt.s32 v4, $0xC37F;
	v2 =	vnsel vm0, $0x0, v2  }
0x18e: {  	v3 =	vsel vm1, $0xC37F, v4;
	v2 =	vmin.u32 v2, $0xC37F  }
0x18f: {  	v4 =	vld [tilespmem:s15+$0x30];
	_ =	sdelay $0x1  }
0x190: {  	v0 =	vsel vm2, v1, v0  }
0x191: {  	[tilespmem:s15+$0x10] =	vst v0  }
0x192: {  	v0 =	vld.idx.msk [tilespmem:v3+s10+$0x0], $0xffff  }
0x193: {  	v1 =	vld.idx.msk [tilespmem:v2+s11+$0x0], $0xffff;
	v2 =	vadd.s32 $0xFFFF3C80, v4  }
0x194: {  	vm0 =	vgt.s32 v2, $0x0  }
0x195: {  	vm2 =	vgt.s32 v4, $0xC37F;
	v2 =	vnsel vm0, $0x0, v2  }
0x196: {  	v3 =	vsel vm2, $0xC37F, v4;
	v2 =	vmin.u32 v2, $0xC37F  }
0x197: {  	v4 =	vld [tilespmem:s15+$0x40];
	_ =	sdelay $0x1  }
0x198: {  	v0 =	vsel vm1, v1, v0  }
0x199: {  	[tilespmem:s15+$0x20] =	vst v0  }
0x19a: {  	v0 =	vld.idx.msk [tilespmem:v3+s10+$0x0], $0xffff  }
0x19b: {  	v1 =	vld.idx.msk [tilespmem:v2+s11+$0x0], $0xffff;
	v2 =	vadd.s32 $0xFFFF3C80, v4  }
0x19c: {  	vm0 =	vgt.s32 v2, $0x0  }
0x19d: {  	vm1 =	vgt.s32 v4, $0xC37F;
	v2 =	vnsel vm0, $0x0, v2  }
0x19e: {  	v3 =	vsel vm1, $0xC37F, v4;
	v2 =	vmin.u32 v2, $0xC37F  }
0x19f: {  	v4 =	vld [tilespmem:s15+$0x50];
	_ =	sdelay $0x1  }
0x1a0: {  	v0 =	vsel vm2, v1, v0  }
0x1a1: {  	[tilespmem:s15+$0x30] =	vst v0  }
0x1a2: {  	v0 =	vld.idx.msk [tilespmem:v3+s10+$0x0], $0xffff  }
0x1a3: {  	v1 =	vld.idx.msk [tilespmem:v2+s11+$0x0], $0xffff;
	v2 =	vadd.s32 $0xFFFF3C80, v4  }
0x1a4: {  	vm0 =	vgt.s32 v2, $0x0  }
0x1a5: {  	vm2 =	vgt.s32 v4, $0xC37F;
	v2 =	vnsel vm0, $0x0, v2  }
0x1a6: {  	v3 =	vsel vm2, $0xC37F, v4;
	v2 =	vmin.u32 v2, $0xC37F  }
0x1a7: {  	v4 =	vld [tilespmem:s15+$0x60];
	_ =	sdelay $0x1  }
0x1a8: {  	v0 =	vsel vm1, v1, v0  }
0x1a9: {  	[tilespmem:s15+$0x40] =	vst v0  }
0x1aa: {  	v0 =	vld.idx.msk [tilespmem:v3+s10+$0x0], $0xffff  }
0x1ab: {  	v1 =	vld.idx.msk [tilespmem:v2+s11+$0x0], $0xffff;
	v2 =	vadd.s32 $0xFFFF3C80, v4  }
0x1ac: {  	vm0 =	vgt.s32 v2, $0x0  }
0x1ad: {  	vm1 =	vgt.s32 v4, $0xC37F;
	v2 =	vnsel vm0, $0x0, v2  }
0x1ae: {  	v3 =	vsel vm1, $0xC37F, v4;
	v2 =	vmin.u32 v2, $0xC37F  }
0x1af: {  	v4 =	vld [tilespmem:s15+$0x70];
	_ =	sdelay $0x1  }
0x1b0: {  	v0 =	vsel vm2, v1, v0  }
0x1b1: {  	[tilespmem:s15+$0x50] =	vst v0  }
0x1b2: {  	v0 =	vld.idx.msk [tilespmem:v3+s10+$0x0], $0xffff  }
0x1b3: {  	v1 =	vld.idx.msk [tilespmem:v2+s11+$0x0], $0xffff;
	v2 =	vadd.s32 $0xFFFF3C80, v4  }
0x1b4: {  	vm0 =	vgt.s32 v2, $0x0  }
0x1b5: {  	vm2 =	vgt.s32 v4, $0xC37F;
	v2 =	vnsel vm0, $0x0, v2  }
0x1b6: {  	v3 =	vsel vm2, $0xC37F, v4;
	v2 =	vmin.u32 v2, $0xC37F  }
0x1b7: {  	v4 =	vld [tilespmem:s15+$0x80];
	_ =	sdelay $0x1  }
0x1b8: {  	v0 =	vsel vm1, v1, v0  }
0x1b9: {  	[tilespmem:s15+$0x60] =	vst v0  }
0x1ba: {  	v0 =	vld.idx.msk [tilespmem:v3+s10+$0x0], $0xffff  }
0x1bb: {  	v1 =	vld.idx.msk [tilespmem:v2+s11+$0x0], $0xffff;
	v2 =	vadd.s32 $0xFFFF3C80, v4  }
0x1bc: {  	vm0 =	vgt.s32 v2, $0x0  }
0x1bd: {  	vm1 =	vgt.s32 v4, $0xC37F;
	v2 =	vnsel vm0, $0x0, v2  }
0x1be: {  	v3 =	vsel vm1, $0xC37F, v4;
	v2 =	vmin.u32 v2, $0xC37F  }
0x1bf: {  	v4 =	vld [tilespmem:s15+$0x90];
	_ =	sdelay $0x1  }
0x1c0: {  	v0 =	vsel vm2, v1, v0  }
0x1c1: {  	[tilespmem:s15+$0x70] =	vst v0  }
0x1c2: {  	v0 =	vld.idx.msk [tilespmem:v3+s10+$0x0], $0xffff  }
0x1c3: {  	v1 =	vld.idx.msk [tilespmem:v2+s11+$0x0], $0xffff;
	v2 =	vadd.s32 $0xFFFF3C80, v4  }
0x1c4: {  	vm0 =	vgt.s32 v2, $0x0  }
0x1c5: {  	vm2 =	vgt.s32 v4, $0xC37F;
	v2 =	vnsel vm0, $0x0, v2  }
0x1c6: {  	v3 =	vsel vm2, $0xC37F, v4;
	v2 =	vmin.u32 v2, $0xC37F  }
0x1c7: {  	v4 =	vld [tilespmem:s15+$0xA0];
	_ =	sdelay $0x1  }
0x1c8: {  	v0 =	vsel vm1, v1, v0  }
0x1c9: {  	[tilespmem:s15+$0x80] =	vst v0  }
0x1ca: {  	v0 =	vld.idx.msk [tilespmem:v3+s10+$0x0], $0xffff  }
0x1cb: {  	v1 =	vld.idx.msk [tilespmem:v2+s11+$0x0], $0xffff;
	v2 =	vadd.s32 $0xFFFF3C80, v4  }
0x1cc: {  	vm0 =	vgt.s32 v2, $0x0  }
0x1cd: {  	vm1 =	vgt.s32 v4, $0xC37F;
	v2 =	vnsel vm0, $0x0, v2  }
0x1ce: {  	v3 =	vsel vm1, $0xC37F, v4;
	v2 =	vmin.u32 v2, $0xC37F  }
0x1cf: {  	v4 =	vld [tilespmem:s15+$0xB0];
	_ =	sdelay $0x1  }
0x1d0: {  	v0 =	vsel vm2, v1, v0  }
0x1d1: {  	[tilespmem:s15+$0x90] =	vst v0  }
0x1d2: {  	v0 =	vld.idx.msk [tilespmem:v3+s10+$0x0], $0xffff  }
0x1d3: {  	v1 =	vld.idx.msk [tilespmem:v2+s11+$0x0], $0xffff;
	v2 =	vadd.s32 $0xFFFF3C80, v4  }
0x1d4: {  	vm0 =	vgt.s32 v2, $0x0  }
0x1d5: {  	vm2 =	vgt.s32 v4, $0xC37F;
	v2 =	vnsel vm0, $0x0, v2  }
0x1d6: {  	v3 =	vsel vm2, $0xC37F, v4;
	v2 =	vmin.u32 v2, $0xC37F  }
0x1d7: {  	v4 =	vld [tilespmem:s15+$0xC0];
	_ =	sdelay $0x1  }
0x1d8: {  	v0 =	vsel vm1, v1, v0  }
0x1d9: {  	[tilespmem:s15+$0xA0] =	vst v0  }
0x1da: {  	v0 =	vld.idx.msk [tilespmem:v3+s10+$0x0], $0xffff  }
0x1db: {  	v1 =	vld.idx.msk [tilespmem:v2+s11+$0x0], $0xffff;
	v2 =	vadd.s32 $0xFFFF3C80, v4  }
0x1dc: {  	vm0 =	vgt.s32 v2, $0x0  }
0x1dd: {  	vm1 =	vgt.s32 v4, $0xC37F;
	v2 =	vnsel vm0, $0x0, v2  }
0x1de: {  	v3 =	vsel vm1, $0xC37F, v4;
	v2 =	vmin.u32 v2, $0xC37F  }
0x1df: {  	v4 =	vld [tilespmem:s15+$0xD0];
	_ =	sdelay $0x1  }
0x1e0: {  	v0 =	vsel vm2, v1, v0  }
.Ltmp0:
0x1e1: {  	[tilespmem:s15+$0xB0] =	vst v0;
	(pc) =	sbr.rel @p0 .LBB2_2-.Ltmp0, $4  }
0x1e2: {  	v0 =	vld.idx.msk [tilespmem:v3+s10+$0x0], $0xffff  }
0x1e3: {  	v2 =	vld.idx.msk [tilespmem:v2+s11+$0x0], $0xffff;
	vm0 =	vgt.s32 v4, $0xC37F;
	v3 =	vadd.s32 $0xFFFF3C80, v4  }
0x1e4: {  	v1 =	vsel vm0, $0xC37F, v4;
	vm2 =	vgt.s32 v3, $0x0  }
0x1e5: {  	v3 =	vnsel vm2, $0x0, v3  }
0x1e6: {  	v3 =	vmin.u32 v3, $0xC37F;
	v4 =	vld [tilespmem:s16+$0xE0];
	_ =	sdelay $0x1  }
0x1e7: {  	v0 =	vsel vm1, v2, v0  }
0x1e8: {  	[tilespmem:s16+$0xC0] =	vst v0  }
0x1e9: {  	v0 =	vld.idx.msk [tilespmem:v1+s10+$0x0], $0xffff  }
0x1ea: {  	v56 =	vld.idx.msk [tilespmem:v3+s11+$0x0], $0xffff;
	v57 =	vadd.s32 $0xFFFF3C80, v4  }
0x1eb: {  	vm2 =	vgt.s32 v4, $0xC37F;
	vm13 =	vgt.s32 v57, $0x0  }
0x1ec: {  	v58 =	vsel vm2, $0xC37F, v4;
	v2 =	vnsel vm13, $0x0, v57  }
0x1ed: {  	v59 =	vld [tilespmem:s16+$0xF0];
	v2 =	vmin.u32 v2, $0xC37F;
	_ =	sdelay $0x1  }
0x1ee: {  	v0 =	vsel vm0, v56, v0  }
0x1ef: {  	[tilespmem:s16+$0xD0] =	vst v0  }
0x1f0: {  	v0 =	vld.idx.msk [tilespmem:v58+s10+$0x0], $0xffff  }
0x1f1: {  	v61 =	vadd.s32 $0xFFFF3C80, v59;
	v60 =	vld.idx.msk [tilespmem:v2+s11+$0x0], $0xffff  }
0x1f2: {  	vm15 =	vgt.s32 v59, $0xC37F;
	vm14 =	vgt.s32 v61, $0x0  }
0x1f3: {  	v62 =	vsel vm15, $0xC37F, v59;
	v2 =	vnsel vm14, $0x0, v61  }
0x1f4: {  	v2 =	vmin.u32 v2, $0xC37F;
	_ =	sdelay $0x1  }
0x1f5: {  	v0 =	vsel vm2, v60, v0  }
0x1f6: {  	[tilespmem:s16+$0xE0] =	vst v0  }
0x1f7: {  	v0 =	vld.idx.msk [tilespmem:v62+s10+$0x0], $0xffff  }
0x1f8: {  	v63 =	vld.idx.msk [tilespmem:v2+s11+$0x0], $0xffff;
	_ =	sdelay $0x3  }
0x1f9: {  	s14 =	sadd.s32 $0x1, s14  }
0x1fa: {  	p0 =	sne.s32 s14, s7;
	v0 =	vsel vm15, v63, v0  }
.Ltmp1:
0x1fb: {  	[tilespmem:s16+$0xF0] =	vst v0;
	(pc) =	sbr.rel @p0 .LBB2_1-.Ltmp1, $4  }
0x1fc: {  	[hbm4b:s6+s2] =	stream.linear.scatter [tilespmem:s2], [sflag:$0x2], $0x4000, $0x38;
	[tilespmem:$0x1C700] =	vst v63  }
0x1fd: {  	_ =	swait.ge [sflag:s12], $0x4000  }
0x1fe: {  	[sflag:s12] =	ssyncset.done $0x0  }
0x1ff: {  	[sflag:s12] =	ssyncadd.s32 $0xFFFFC000  }
0x200: {  	_ =	sfence.sel $0x180000  }
0x201: {  	[bflag:$0x0] =	sbarrier.arrive $0xFFFF  }
0x202: {  	p0 =	sne.s32 s1, $0x0;
	_ =	strace $0x90000047  }
0x203: {  	s0 =	sadd.s32 @!p0 $0x100000, s0;
	[bflag:$0x2] =	sbarrier.arrive $0xFFFF  }
0x204: {  	[sflag:s0] =	ssyncadd.tile.s32 @!p0 $0x1;
	_ =	shalt  }
.Lfunc_end2:
_tile_overlayer_lowered:
.L_overlay_start_2:
0x205: {  	(tag) =	ssettag $0x2  }
0x206: {  	s0 =	rddreg [dreg:$0x0];
	s2 =	stileid.u32  }
0x207: {  	s1 =	rddreg [dreg:$0x1];
	p0 =	sne.s32 s2, $0x0  }
0x208: {  	s3 =	rddreg [dreg:$0x2];
	[bflag:$0x3] =	sbarrier.arrive $0xFFFF;
	s2 =	simm.s32 @!p0 $0x1C02  }
0x209: {  	[timem:s3], [sflag:s2] =	dma.local @!p0 [hbm:s0], s1  }
0x20a: {  	s0 =	simm.s32 @!p0 $0x2  }
0x20b: {  	_ =	swait.ge @!p0 [sflag:s0], s1  }
0x20c: {  	s1 =	ssub.s32 @!p0 $0x0, s1;
	[sflag:s0] =	ssyncset.done @!p0 $0x0  }
0x20d: {  	[sflag:s0] =	ssyncadd.s32 @!p0 s1  }
0x20e: {  	[bflag:$0x3] =	sbarrier.arrive $0xFFFF  }
0x20f: {  	_ =	shalt  }

// kernel: kernel.8.cloned.1.call-start
scs
__scs_entry_jumppad:
0x0: {  	(pc) =	sbr.rel $0x88, $3  }
0x1: {  	(tag) =	ssettag $0x0;
	lr =	simm.s32 $0x1  }
0x2: {  	[smem:$0x3F98] =	sst lr;
	_ =	strace $0xD0000000  }
0x3: {  	_ = 	snop  }
0x4: {  	_ = 	snop  }
0x5: {  	_ = 	snop  }
0x6: {  	_ = 	snop  }
0x7: {  	_ = 	snop  }
__scs_overlays_trampoline_lowered:
0x8: {  	[smem:$0x3FA7] =	sst s0  }
0x9: {  	[smem:$0x3FA8] =	sst s1  }
0xa: {  	[smem:$0x3FA9] =	sst s2  }
0xb: {  	[smem:$0x3FAA] =	sst s3  }
0xc: {  	[smem:$0x3FAB] =	sst s4  }
0xd: {  	[smem:$0x3FAC] =	sst s5  }
0xe: {  	[smem:$0x3FAD] =	sst s6  }
0xf: {  	[smem:$0x3FAE] =	sst s7  }
0x10: {  	[smem:$0x3FAF] =	sst s8  }
0x11: {  	[smem:$0x3FB0] =	sst s9;
	s0 =	simm.s32 @!p0 $0x0  }
0x12: {  	s1 =	sld [smem:$0x3F96];
	s0 =	simm.s32 @p0 $0x1  }
0x13: {  	[smem:$0x3FB1] =	sst s0;
	s0 =	simm.s32 @!p1 $0x0  }
0x14: {  	s2 =	sld [smem:$0x3F95];
	s0 =	simm.s32 @p1 $0x1  }
0x15: {  	[smem:$0x3FB2] =	sst s0;
	s0 =	simm.s32 @!p2 $0x0  }
0x16: {  	s3 =	sld [smem:$0x3FDB];
	s0 =	simm.s32 @p2 $0x1  }
0x17: {  	s4 =	simm.s32 $0x1BF5;
	[smem:$0x3FB4] =	sst s0  }
0x18: {  	s0 =	sld [smem:$0x3F97];
	_ =	swait.ge [sflag:s4], $0x0  }
0x19: {  	s7 =	sld [smem:$0x3F98]  }
0x1a: {  	s8 =	sadd.s32 $0xFFFFE003, lr  }
0x1b: {  	s9 =	sadd.s32 $0xFFFFFEF7, lr;
	s5 =	simm.s32 $0xFFFFFFFF;
	p2 =	slt.u32 s8, $0xFFFFF086  }
0x1c: {  	p1 =	slt.u32 s9, $0xF7A;
	s5 =	simm.s32 @!p2 $0x0  }
0x1d: {  	s5 =	simm.s32 @p1 $0x1;
	p0 =	seq.s32 s7, s2  }
0x1e: {  	s7 =	smul.u32 @!p0 $0xF7A, s2;
	p2 =	seq.s32 @!p0 s5, $0x0  }
0x1f: {  	s9 =	smul.u32 $0xF7A, s1;
	s8 =	simm.s32 @!p0 $0x1BF5;
	p2 =	por !p2, p0  }
0x20: {  	[sflag:s8] =	ssyncset.s32 @!p0 $0xFFFFF086;
	s6 =	sadd.s32 @!p0 s3, s7;
	s7 =	simm.s32 @!p0 $0x108  }
0x21: {  	s3 =	sadd.s32 s3, s9;
	s6 =	sadd.s32 @!p0 $0x88, s6;
	s7 =	simm.s32 @p2 $0x1082  }
0x22: {  	[simem:s7], [sflag:s8] =	dma.local @!p0 [hbm:s6], $0xF7A  }
0x23: {  	s9 =	sor.u32 $0xD0000000, s2;
	s6 =	simm.s32 $0x108;
	_ =	swait.ge @!p0 [sflag:s8], $0x0  }
0x24: {  	s3 =	sadd.s32 $0x88, s3;
	s6 =	simm.s32 @!p1 $0x1082;
	[sflag:s4] =	ssyncset.s32 $0xFFFFF086  }
0x25: {  	[simem:s6], [sflag:s4] =	dma.local [hbm:s3], $0xF7A  }
0x26: {  	[smem:$0x3F98] =	sst s1;
	(tag) =	ssettag s2;
	_ =	strace s9  }
0x27: {  	s1 =	sld [smem:$0x3FA8]  }
0x28: {  	s2 =	sld [smem:$0x3FA9]  }
0x29: {  	s4 =	sld [smem:$0x3FAB]  }
0x2a: {  	p0 =	seq.s32 s5, $0x0;
	s5 =	sld [smem:$0x3FAC]  }
0x2b: {  	s6 =	sld [smem:$0x3FAD]  }
0x2c: {  	s7 =	sld [smem:$0x3FAE]  }
0x2d: {  	s3 =	simm.s32 $0x108;
	s8 =	sld [smem:$0x3FAF]  }
0x2e: {  	s3 =	simm.s32 @!p0 $0x1082;
	s9 =	sld [smem:$0x3FB0]  }
0x2f: {  	lr =	sadd.s32 s0, s3;
	s0 =	sld [smem:$0x3FA7]  }
0x30: {  	s3 =	sld [smem:$0x3FAA]  }
0x31: {  	[smem:$0x3FB3] =	sst s10  }
0x32: {  	s10 =	sld [smem:$0x3FB1];
	_ =	sdelay $0x3  }
0x33: {  	p0 =	seq.s32 s10, $0x1;
	s10 =	sld [smem:$0x3FB3];
	_ =	sdelay $0x3  }
0x34: {  	[smem:$0x3FB3] =	sst s10  }
0x35: {  	s10 =	sld [smem:$0x3FB2];
	_ =	sdelay $0x3  }
0x36: {  	p1 =	seq.s32 s10, $0x1;
	s10 =	sld [smem:$0x3FB3];
	_ =	sdelay $0x3  }
0x37: {  	[smem:$0x3FB3] =	sst s10  }
0x38: {  	s10 =	sld [smem:$0x3FB4]  }
0x39: {  	_ = 	snop;
	(pc) =	sbr.ind lr, $3  }
0x3a: {  	_ = 	snop  }
0x3b: {  	_ = 	snop  }
0x3c: {  	p2 =	seq.s32 s10, $0x1;
	s10 =	sld [smem:$0x3FB3]  }
0x3d: {  	_ =	shalt  }
0x3e: {  	_ =	shalt  }
0x3f: {  	_ =	shalt  }
0x40: {  	_ =	shalt  }
0x41: {  	_ =	shalt  }
0x42: {  	_ =	shalt  }
0x43: {  	_ =	shalt  }
0x44: {  	_ =	shalt  }
0x45: {  	_ =	shalt  }
0x46: {  	_ =	shalt  }
0x47: {  	_ =	shalt  }
0x48: {  	_ =	shalt  }
0x49: {  	_ =	shalt  }
0x4a: {  	_ =	shalt  }
0x4b: {  	_ =	shalt  }
0x4c: {  	_ =	shalt  }
0x4d: {  	_ =	shalt  }
0x4e: {  	_ =	shalt  }
0x4f: {  	_ =	shalt  }
0x50: {  	_ =	shalt  }
0x51: {  	_ =	shalt  }
0x52: {  	_ =	shalt  }
0x53: {  	_ =	shalt  }
0x54: {  	_ =	shalt  }
0x55: {  	_ =	shalt  }
0x56: {  	_ =	shalt  }
0x57: {  	_ =	shalt  }
0x58: {  	_ =	shalt  }
0x59: {  	_ =	shalt  }
0x5a: {  	_ =	shalt  }
0x5b: {  	_ =	shalt  }
0x5c: {  	_ =	shalt  }
0x5d: {  	_ =	shalt  }
0x5e: {  	_ =	shalt  }
0x5f: {  	_ =	shalt  }
0x60: {  	_ =	shalt  }
0x61: {  	_ =	shalt  }
0x62: {  	_ =	shalt  }
0x63: {  	_ =	shalt  }
0x64: {  	_ =	shalt  }
0x65: {  	_ =	shalt  }
0x66: {  	_ =	shalt  }
0x67: {  	_ =	shalt  }
0x68: {  	_ =	shalt  }
0x69: {  	_ =	shalt  }
0x6a: {  	_ =	shalt  }
0x6b: {  	_ =	shalt  }
0x6c: {  	_ =	shalt  }
0x6d: {  	_ =	shalt  }
0x6e: {  	_ =	shalt  }
0x6f: {  	_ =	shalt  }
0x70: {  	_ =	shalt  }
0x71: {  	_ =	shalt  }
0x72: {  	_ =	shalt  }
0x73: {  	_ =	shalt  }
0x74: {  	_ =	shalt  }
0x75: {  	_ =	shalt  }
0x76: {  	_ =	shalt  }
0x77: {  	_ =	shalt  }
0x78: {  	_ =	shalt  }
0x79: {  	_ =	shalt  }
0x7a: {  	_ =	shalt  }
0x7b: {  	_ =	shalt  }
0x7c: {  	_ =	shalt  }
0x7d: {  	_ =	shalt  }
0x7e: {  	_ =	shalt  }
0x7f: {  	_ =	shalt  }
0x80: {  	_ =	shalt  }
0x81: {  	_ =	shalt  }
0x82: {  	_ =	shalt  }
0x83: {  	_ =	shalt  }
0x84: {  	_ =	shalt  }
0x85: {  	_ =	shalt  }
0x86: {  	_ =	shalt  }
0x87: {  	_ =	shalt  }
.Lfunc_end0:
.L_simem_size_0:
called_computation.1_lowered:
.L_overlay_start_0:
0x88: {  	s2 =	sld [smem:$0x3FD9]  }
0x89: {  	s3 =	sld [smem:$0x3FFE];
	_ =	sdelay $0x1  }
0x8a: {  	s1 =	srdreg.scid  }
0x8b: {  	s0 =	sand.u32 $0x1, s1  }
0x8c: {  	s17 =	sshll.u32 s0, $0xA;
	s2 =	sadd.s32 s3, s2  }
0x8d: {  	s2 =	sadd.s32 s2, s17  }
0x8e: {  	[smem:$0x3FBF] =	sst s2  }
0x8f: {  	_ = 	snop  }
0x90: {  	s18 =	sld [smem:$0x3FD0];
	(tm) =	ssettm $0x1  }
0x91: {  	s19 =	sld [smem:$0x3FFB];
	_ =	sdelay $0x3  }
0x92: {  	_ =	strace s19  }
0x93: {  	s2 =	sld [smem:$0x3FFC];
	_ =	sdelay $0x3  }
0x94: {  	_ =	strace s2  }
0x95: {  	s2 =	sld [smem:$0x3FFD];
	_ =	sdelay $0x3  }
0x96: {  	_ =	strace s2  }
0x97: {  	_ =	strace $0x8FFFFFFF  }
0x98: {  	s20 =	sld [smem:$0x3FDB];
	_ =	sdelay $0x1  }
0x99: {  	s4 =	simm.s32 $_scs_section_size  }
0x9a: {  	s5 =	simm.s32 $_size__tile_overlayer_lowered;
	s6 =	simm.s32 $_tile_overlayer_lowered  }
0x9b: {  	s7 =	simm.s32 $0x1BFF;
	s21 =	sshll.u32 s6, $0x1;
	s4 =	sadd.s32 s4, s20  }
0x9c: {  	s22 =	simm.s32 $0x0;
	s5 =	sshll.u32 s5, $0x1;
	s6 =	sadd.s32 s21, s4  }
0x9d: {  	[timem:s22], [sflag:s7] =	dma.local [hbm:s6], s5  }
0x9e: {  	_ =	swait.ge [sflag:s7], s5  }
0x9f: {  	s5 =	ssub.s32 $0x0, s5;
	[sflag:s7] =	ssyncset.done $0x0  }
0xa0: {  	[sflag:s7] =	ssyncadd.s32 s5;
	_ =	sdelay $0x1  }
0xa1: {  	s23 =	simm.s32 $0x1B8B  }
0xa2: {  	_ =	swait.ge [sflag:s23], $0x1  }
0xa3: {  	[sflag:s23] =	ssyncset.done $0x0  }
0xa4: {  	[sflag:s23] =	ssyncadd.s32 $0xFFFFFFFF  }
0xa5: {  	s5 =	sld [smem:$0x0]  }
0xa6: {  	s6 =	sand.u32 $0xFFFFFFFE, s1  }
0xa7: {  	p0 =	sne.s32 s1, s6  }
0xa8: {  	s6 =	sshll.u32 @p0 s6, $0xE  }
0xa9: {  	s6 =	sadd.s32 @p0 $0x11B8D, s6;
	s7 =	sshll.u32 @p0 s5, $0x11  }
0xaa: {  	s6 =	sor.u32 @p0 s7, s6  }
0xab: {  	[sflag:s6] =	ssyncadd.remote.s32 @p0 $0x1;
	_ =	sdelay $0x1  }
0xac: {  	s6 =	simm.s32 @p0 $0x1B8D  }
0xad: {  	_ =	swait.eq @p0 [sflag:s6], $0x1  }
0xae: {  	[sflag:s6] =	ssyncadd.s32 @p0 $0xFFFFFFFF  }
0xaf: {  	s7 =	sshll.u32 @!p0 s1, $0xE  }
0xb0: {  	s7 =	sor.u32 @!p0 $0x4000, s7;
	s6 =	simm.s32 @!p0 $0x1B8D  }
0xb1: {  	s5 =	sshll.u32 @!p0 s5, $0x11;
	s7 =	sadd.s32 @!p0 $0x11B8D, s7;
	_ =	swait.eq @!p0 [sflag:s6], $0x1  }
0xb2: {  	s5 =	sor.u32 @!p0 s5, s7;
	[sflag:s6] =	ssyncadd.s32 @!p0 $0xFFFFFFFF  }
0xb3: {  	s25 =	simm.s32 $0x1B8E;
	s24 =	sld [smem:$0x3FFE];
	[sflag:s5] =	ssyncadd.remote.s32 @!p0 $0x1  }
0xb4: {  	s26 =	simm.s32 $execute0_lowered;
	[smem:$0x3FD2] =	sst s25  }
0xb5: {  	s6 =	sshll.u32 s26, $0x1;
	_ =	strace $0x80000049;
	[dreg:$0x1] =	wrdreg $0xFFFFFFFF  }
0xb6: {  	s28 =	simm.s32 $_size_execute0_lowered;
	s4 =	sadd.s32 s4, s6;
	[dreg:$0x0] =	wrdreg $0x0  }
0xb7: {  	s6 =	sshll.u32 s28, $0x1;
	[dreg:$0x2] =	wrdreg s4  }
0xb8: {  	[dreg:$0x3] =	wrdreg s6  }
0xb9: {  	[dreg:$0x4] =	wrdreg $0xC0  }
0xba: {  	_ =	task [dreg:s22], $0x5FFFF  }
0xbb: {  	[dreg:$0x1] =	wrdreg $0xFFFFFFFF  }
0xbc: {  	[dreg:$0x0] =	wrdreg $0x60  }
0xbd: {  	[dreg:$0x2] =	wrdreg s18  }
0xbe: {  	[dreg:$0x3] =	wrdreg s24  }
0xbf: {  	[dreg:$0x4] =	wrdreg $0xA  }
0xc0: {  	_ =	task.clear_ibuf [dreg:s22], $0x5FFFF;
	_ =	strace $0x90000049  }
0xc1: {  	s29 =	simm.s32 $0xA;
	_ =	strace $0x8000004B  }
0xc2: {  	_ =	swait.ge [sflag:s29], $0x1  }
0xc3: {  	[sflag:s29] =	ssyncadd.s32 $0xFFFFFFFF  }
0xc4: {  	_ =	strace $0x9000004B  }
0xc5: {  	_ =	sfence  }
0xc6: {  	s30 =	sld [smem:$0x0];
	_ =	sdelay $0x2  }
0xc7: {  	s31 =	sshll.u32 s1, $0xD;
	s1 =	sshrl.u32 s1, $0x2  }
0xc8: {  	s4 =	sand.u32 $0x4000, s31;
	s1 =	sadd.s32 s1, s30  }
0xc9: {  	s0 =	sor.u32 s4, s0;
	s1 =	sshll.u32 s1, $0x11  }
0xca: {  	s0 =	sor.u32 s1, s0  }
0xcb: {  	s0 =	sadd.s32 $0x8F2B, s0  }
0xcc: {  	[sflag:s0] =	ssyncadd.remote.s32 $0x1  }
0xcd: {  	_ =	sfence.sel $0xFFFF  }
0xce: {  	[dreg:$0x0] =	wrdreg $0xFFFFFFFF;
	(pc) =	sbr.abs _section_cstart, $3  }
0xcf: {  	[dreg:$0x1] =	wrdreg $0xFFFFFFFF  }
0xd0: {  	_ =	task.clear_ibuf [dreg:s22], $0x2FFFF;
	_ =	strace $0x9FFFFFFF  }
0xd1: {  	(tm) =	ssettm $0x7FFFFFFF  }
tec
execute0_lowered:
.L_overlay_start_1:
0x0: {  	(tag) =	ssettag $0x1  }
0x1: {  	s1 =	rddreg [dreg:$0x0]  }
0x2: {  	s4 =	rddreg [dreg:$0x1]  }
0x3: {  	s0 =	rddreg [dreg:$0x2];
	s3 =	simm.s32 $0x0;
	s5 =	srdreg.scid  }
0x4: {  	s2 =	stileid.u32;
	s9 =	simm.s32 $0x1000;
	s10 =	simm.s32 $0x4000  }
0x5: {  	s11 =	simm.s32 $0x10380;
	s12 =	simm.s32 $0x2;
	s13 =	simm.s32 $0x1  }
0x6: {  	[smem:$0x7FF] =	sst s3;
	s5 =	sand.u32 $0x1, s5;
	s6 =	sshll.u32 s2, $0x1  }
0x7: {  	s14 =	simm.s32 $0x0;
	_ =	strace $0x8000004A;
	s6 =	sor.u32 s5, s6  }
0x8: {  	s5 =	ssub.s32 $0x2, s5;
	s7 =	sshll.u32 s6, $0x4;
	s6 =	sshll.u32 s6, $0xB  }
0x9: {  	s31 =	sshrl.u32 s5, $0x1;
	s7 =	sadd.s32 s7, s4;
	s6 =	sadd.s32 s6, s4  }
0xa: {  	s8 =	ssub.s32 s5, s31;
	s4 =	sadd.s32 $0x74C00, s7;
	s5 =	sadd.s32 $0xA5A00, s7  }
0xb: {  	s6 =	sadd.s32 $0xD6800, s6;
	s7 =	smax.u32 s8, $0x1;
	s8 =	simm.s32 $0x80  }
.LBB2_1:
0xc: {  	[tilespmem:s10], [sflag:$0x1] =	stream.strided.gather [hbm4b:s4+s8], $0xC380, s9, s8, $0x38;
	[tilespmem:$0x1C700] =	vst v63  }
0xd: {  	_ = 	snop  }
0xe: {  	[tilespmem:s11], [sflag:$0x1] =	stream.strided.gather [hbm4b:s5+s8], $0xC380, s9, s8, $0x38;
	[tilespmem:$0x1C700] =	vst v63  }
0xf: {  	_ = 	snop  }
0x10: {  	[tilespmem:s3], [sflag:$0x2] =	stream.linear.gather [hbm4b:s1+s3], $0x4000, $0x38;
	[tilespmem:$0x1C700] =	vst v63  }
0x11: {  	_ =	swait.ge [sflag:s12], $0x4000  }
0x12: {  	[sflag:s12] =	ssyncset.done $0x0  }
0x13: {  	[sflag:s12] =	ssyncadd.s32 $0xFFFFC000  }
0x14: {  	_ =	swait.ge [sflag:s13], $0xC380  }
0x15: {  	[sflag:s13] =	ssyncset.done $0x0  }
0x16: {  	[sflag:s13] =	ssyncadd.s32 $0xFFFF3C80  }
0x17: {  	_ =	swait.ge [sflag:s13], $0xC380  }
0x18: {  	[sflag:s13] =	ssyncset.done $0x0  }
0x19: {  	s15 =	simm.s32 $0x100;
	[sflag:s13] =	ssyncadd.s32 $0xFFFF3C80  }
0x1a: {  	v0 =	vld [tilespmem:s15+$0xFFFFFF00];
	_ =	sdelay $0x4  }
0x1b: {  	v1 =	vadd.s32 $0xFFFF3C80, v0  }
0x1c: {  	vm0 =	vgt.s32 v0, $0xC37F;
	vm1 =	vgt.s32 v1, $0x0  }
0x1d: {  	v0 =	vsel vm0, $0xC37F, v0;
	v1 =	vnsel vm1, $0x0, v1  }
0x1e: {  	v2 =	vld [tilespmem:s15+$0xFFFFFF10];
	v1 =	vmin.u32 v1, $0xC37F;
	_ =	sdelay $0x3  }
0x1f: {  	v0 =	vld.idx.msk [tilespmem:v0+s10+$0x0], $0xffff  }
0x20: {  	v3 =	vadd.s32 $0xFFFF3C80, v2;
	v1 =	vld.idx.msk [tilespmem:v1+s11+$0x0], $0xffff  }
0x21: {  	vm2 =	vgt.s32 v2, $0xC37F;
	vm1 =	vgt.s32 v3, $0x0  }
0x22: {  	v2 =	vsel vm2, $0xC37F, v2;
	v3 =	vnsel vm1, $0x0, v3  }
0x23: {  	v4 =	vld [tilespmem:s15+$0xFFFFFF20];
	v3 =	vmin.u32 v3, $0xC37F;
	_ =	sdelay $0x1  }
0x24: {  	v0 =	vsel vm0, v1, v0  }
0x25: {  	[tilespmem:s15+$0xFFFFFF00] =	vst v0  }
0x26: {  	v0 =	vld.idx.msk [tilespmem:v2+s10+$0x0], $0xffff  }
0x27: {  	v1 =	vld.idx.msk [tilespmem:v3+s11+$0x0], $0xffff;
	v2 =	vadd.s32 $0xFFFF3C80, v4  }
0x28: {  	vm1 =	vgt.s32 v4, $0xC37F;
	vm0 =	vgt.s32 v2, $0x0  }
0x29: {  	v3 =	vsel vm1, $0xC37F, v4;
	v2 =	vnsel vm0, $0x0, v2  }
0x2a: {  	v4 =	vld [tilespmem:s15+$0xFFFFFF30];
	v2 =	vmin.u32 v2, $0xC37F;
	_ =	sdelay $0x1  }
0x2b: {  	v0 =	vsel vm2, v1, v0  }
0x2c: {  	[tilespmem:s15+$0xFFFFFF10] =	vst v0  }
0x2d: {  	v0 =	vld.idx.msk [tilespmem:v3+s10+$0x0], $0xffff  }
0x2e: {  	v1 =	vld.idx.msk [tilespmem:v2+s11+$0x0], $0xffff;
	v2 =	vadd.s32 $0xFFFF3C80, v4  }
0x2f: {  	vm2 =	vgt.s32 v4, $0xC37F;
	vm0 =	vgt.s32 v2, $0x0  }
0x30: {  	v3 =	vsel vm2, $0xC37F, v4;
	v2 =	vnsel vm0, $0x0, v2  }
0x31: {  	v4 =	vld [tilespmem:s15+$0xFFFFFF40];
	v2 =	vmin.u32 v2, $0xC37F;
	_ =	sdelay $0x1  }
0x32: {  	v0 =	vsel vm1, v1, v0  }
0x33: {  	[tilespmem:s15+$0xFFFFFF20] =	vst v0  }
0x34: {  	v0 =	vld.idx.msk [tilespmem:v3+s10+$0x0], $0xffff  }
0x35: {  	v1 =	vld.idx.msk [tilespmem:v2+s11+$0x0], $0xffff;
	v2 =	vadd.s32 $0xFFFF3C80, v4  }
0x36: {  	vm1 =	vgt.s32 v4, $0xC37F;
	vm0 =	vgt.s32 v2, $0x0  }
0x37: {  	v3 =	vsel vm1, $0xC37F, v4;
	v2 =	vnsel vm0, $0x0, v2  }
0x38: {  	v4 =	vld [tilespmem:s15+$0xFFFFFF50];
	v2 =	vmin.u32 v2, $0xC37F;
	_ =	sdelay $0x1  }
0x39: {  	v0 =	vsel vm2, v1, v0  }
0x3a: {  	[tilespmem:s15+$0xFFFFFF30] =	vst v0  }
0x3b: {  	v0 =	vld.idx.msk [tilespmem:v3+s10+$0x0], $0xffff  }
0x3c: {  	v1 =	vld.idx.msk [tilespmem:v2+s11+$0x0], $0xffff;
	v2 =	vadd.s32 $0xFFFF3C80, v4  }
0x3d: {  	vm2 =	vgt.s32 v4, $0xC37F;
	vm0 =	vgt.s32 v2, $0x0  }
0x3e: {  	v3 =	vsel vm2, $0xC37F, v4;
	v2 =	vnsel vm0, $0x0, v2  }
0x3f: {  	v4 =	vld [tilespmem:s15+$0xFFFFFF60];
	v2 =	vmin.u32 v2, $0xC37F;
	_ =	sdelay $0x1  }
0x40: {  	v0 =	vsel vm1, v1, v0  }
0x41: {  	[tilespmem:s15+$0xFFFFFF40] =	vst v0  }
0x42: {  	v0 =	vld.idx.msk [tilespmem:v3+s10+$0x0], $0xffff  }
0x43: {  	v1 =	vld.idx.msk [tilespmem:v2+s11+$0x0], $0xffff;
	v2 =	vadd.s32 $0xFFFF3C80, v4  }
0x44: {  	vm1 =	vgt.s32 v4, $0xC37F;
	vm0 =	vgt.s32 v2, $0x0  }
0x45: {  	v3 =	vsel vm1, $0xC37F, v4;
	v2 =	vnsel vm0, $0x0, v2  }
0x46: {  	v4 =	vld [tilespmem:s15+$0xFFFFFF70];
	v2 =	vmin.u32 v2, $0xC37F;
	_ =	sdelay $0x1  }
0x47: {  	v0 =	vsel vm2, v1, v0  }
0x48: {  	[tilespmem:s15+$0xFFFFFF50] =	vst v0  }
0x49: {  	v0 =	vld.idx.msk [tilespmem:v3+s10+$0x0], $0xffff  }
0x4a: {  	v1 =	vld.idx.msk [tilespmem:v2+s11+$0x0], $0xffff;
	v2 =	vadd.s32 $0xFFFF3C80, v4  }
0x4b: {  	vm2 =	vgt.s32 v4, $0xC37F;
	vm0 =	vgt.s32 v2, $0x0  }
0x4c: {  	v3 =	vsel vm2, $0xC37F, v4;
	v2 =	vnsel vm0, $0x0, v2  }
0x4d: {  	v4 =	vld [tilespmem:s15+$0xFFFFFF80];
	v2 =	vmin.u32 v2, $0xC37F;
	_ =	sdelay $0x1  }
0x4e: {  	v0 =	vsel vm1, v1, v0  }
0x4f: {  	[tilespmem:s15+$0xFFFFFF60] =	vst v0  }
0x50: {  	v0 =	vld.idx.msk [tilespmem:v3+s10+$0x0], $0xffff  }
0x51: {  	v1 =	vld.idx.msk [tilespmem:v2+s11+$0x0], $0xffff;
	v2 =	vadd.s32 $0xFFFF3C80, v4  }
0x52: {  	vm1 =	vgt.s32 v4, $0xC37F;
	vm0 =	vgt.s32 v2, $0x0  }
0x53: {  	v3 =	vsel vm1, $0xC37F, v4;
	v2 =	vnsel vm0, $0x0, v2  }
0x54: {  	v4 =	vld [tilespmem:s15+$0xFFFFFF90];
	v2 =	vmin.u32 v2, $0xC37F;
	_ =	sdelay $0x1  }
0x55: {  	v0 =	vsel vm2, v1, v0  }
0x56: {  	[tilespmem:s15+$0xFFFFFF70] =	vst v0  }
0x57: {  	v0 =	vld.idx.msk [tilespmem:v3+s10+$0x0], $0xffff  }
0x58: {  	v1 =	vld.idx.msk [tilespmem:v2+s11+$0x0], $0xffff;
	v2 =	vadd.s32 $0xFFFF3C80, v4  }
0x59: {  	vm2 =	vgt.s32 v4, $0xC37F;
	vm0 =	vgt.s32 v2, $0x0  }
0x5a: {  	v3 =	vsel vm2, $0xC37F, v4;
	v2 =	vnsel vm0, $0x0, v2  }
0x5b: {  	v4 =	vld [tilespmem:s15+$0xFFFFFFA0];
	v2 =	vmin.u32 v2, $0xC37F;
	_ =	sdelay $0x1  }
0x5c: {  	v0 =	vsel vm1, v1, v0  }
0x5d: {  	[tilespmem:s15+$0xFFFFFF80] =	vst v0  }
0x5e: {  	v0 =	vld.idx.msk [tilespmem:v3+s10+$0x0], $0xffff  }
0x5f: {  	v1 =	vld.idx.msk [tilespmem:v2+s11+$0x0], $0xffff;
	v2 =	vadd.s32 $0xFFFF3C80, v4  }
0x60: {  	vm1 =	vgt.s32 v4, $0xC37F;
	vm0 =	vgt.s32 v2, $0x0  }
0x61: {  	v3 =	vsel vm1, $0xC37F, v4;
	v2 =	vnsel vm0, $0x0, v2  }
0x62: {  	v4 =	vld [tilespmem:s15+$0xFFFFFFB0];
	v2 =	vmin.u32 v2, $0xC37F;
	_ =	sdelay $0x1  }
0x63: {  	v0 =	vsel vm2, v1, v0  }
0x64: {  	[tilespmem:s15+$0xFFFFFF90] =	vst v0  }
0x65: {  	v0 =	vld.idx.msk [tilespmem:v3+s10+$0x0], $0xffff  }
0x66: {  	v1 =	vld.idx.msk [tilespmem:v2+s11+$0x0], $0xffff;
	v2 =	vadd.s32 $0xFFFF3C80, v4  }
0x67: {  	vm2 =	vgt.s32 v4, $0xC37F;
	vm0 =	vgt.s32 v2, $0x0  }
0x68: {  	v3 =	vsel vm2, $0xC37F, v4;
	v2 =	vnsel vm0, $0x0, v2  }
0x69: {  	v4 =	vld [tilespmem:s15+$0xFFFFFFC0];
	v2 =	vmin.u32 v2, $0xC37F;
	_ =	sdelay $0x1  }
0x6a: {  	v0 =	vsel vm1, v1, v0  }
0x6b: {  	[tilespmem:s15+$0xFFFFFFA0] =	vst v0  }
0x6c: {  	v0 =	vld.idx.msk [tilespmem:v3+s10+$0x0], $0xffff  }
0x6d: {  	v1 =	vld.idx.msk [tilespmem:v2+s11+$0x0], $0xffff;
	v2 =	vadd.s32 $0xFFFF3C80, v4  }
0x6e: {  	vm1 =	vgt.s32 v4, $0xC37F;
	vm0 =	vgt.s32 v2, $0x0  }
0x6f: {  	v3 =	vsel vm1, $0xC37F, v4;
	v2 =	vnsel vm0, $0x0, v2  }
0x70: {  	v4 =	vld [tilespmem:s15+$0xFFFFFFD0];
	v2 =	vmin.u32 v2, $0xC37F;
	_ =	sdelay $0x1  }
0x71: {  	v0 =	vsel vm2, v1, v0  }
0x72: {  	[tilespmem:s15+$0xFFFFFFB0] =	vst v0  }
0x73: {  	v0 =	vld.idx.msk [tilespmem:v3+s10+$0x0], $0xffff  }
0x74: {  	v1 =	vld.idx.msk [tilespmem:v2+s11+$0x0], $0xffff;
	v2 =	vadd.s32 $0xFFFF3C80, v4  }
0x75: {  	vm2 =	vgt.s32 v4, $0xC37F;
	vm0 =	vgt.s32 v2, $0x0  }
0x76: {  	v3 =	vsel vm2, $0xC37F, v4;
	v2 =	vnsel vm0, $0x0, v2  }
0x77: {  	v4 =	vld [tilespmem:s15+$0xFFFFFFE0];
	v2 =	vmin.u32 v2, $0xC37F;
	_ =	sdelay $0x1  }
0x78: {  	v0 =	vsel vm1, v1, v0  }
0x79: {  	[tilespmem:s15+$0xFFFFFFC0] =	vst v0  }
0x7a: {  	v0 =	vld.idx.msk [tilespmem:v3+s10+$0x0], $0xffff  }
0x7b: {  	v1 =	vld.idx.msk [tilespmem:v2+s11+$0x0], $0xffff;
	v2 =	vadd.s32 $0xFFFF3C80, v4  }
0x7c: {  	vm1 =	vgt.s32 v4, $0xC37F;
	vm0 =	vgt.s32 v2, $0x0  }
0x7d: {  	v3 =	vsel vm1, $0xC37F, v4;
	v2 =	vnsel vm0, $0x0, v2  }
0x7e: {  	v4 =	vld [tilespmem:s15+$0xFFFFFFF0];
	v2 =	vmin.u32 v2, $0xC37F;
	_ =	sdelay $0x1  }
0x7f: {  	v0 =	vsel vm2, v1, v0  }
0x80: {  	[tilespmem:s15+$0xFFFFFFD0] =	vst v0  }
0x81: {  	v0 =	vld.idx.msk [tilespmem:v3+s10+$0x0], $0xffff  }
0x82: {  	v1 =	vld.idx.msk [tilespmem:v2+s11+$0x0], $0xffff;
	v2 =	vadd.s32 $0xFFFF3C80, v4  }
0x83: {  	vm2 =	vgt.s32 v4, $0xC37F;
	vm0 =	vgt.s32 v2, $0x0  }
0x84: {  	v3 =	vsel vm2, $0xC37F, v4;
	v2 =	vnsel vm0, $0x0, v2  }
0x85: {  	v4 =	vld [tilespmem:s15+$0x0];
	v2 =	vmin.u32 v2, $0xC37F;
	_ =	sdelay $0x1  }
0x86: {  	v0 =	vsel vm1, v1, v0  }
0x87: {  	[tilespmem:s15+$0xFFFFFFE0] =	vst v0  }
0x88: {  	v0 =	vld.idx.msk [tilespmem:v3+s10+$0x0], $0xffff  }
0x89: {  	v1 =	vld.idx.msk [tilespmem:v2+s11+$0x0], $0xffff;
	v2 =	vadd.s32 $0xFFFF3C80, v4  }
0x8a: {  	vm1 =	vgt.s32 v4, $0xC37F;
	vm0 =	vgt.s32 v2, $0x0  }
0x8b: {  	v3 =	vsel vm1, $0xC37F, v4;
	v2 =	vnsel vm0, $0x0, v2  }
0x8c: {  	v4 =	vld [tilespmem:s15+$0x10];
	v2 =	vmin.u32 v2, $0xC37F;
	_ =	sdelay $0x1  }
0x8d: {  	v0 =	vsel vm2, v1, v0  }
0x8e: {  	[tilespmem:s15+$0xFFFFFFF0] =	vst v0  }
0x8f: {  	v0 =	vld.idx.msk [tilespmem:v3+s10+$0x0], $0xffff  }
0x90: {  	v1 =	vld.idx.msk [tilespmem:v2+s11+$0x0], $0xffff;
	v2 =	vadd.s32 $0xFFFF3C80, v4  }
0x91: {  	vm2 =	vgt.s32 v4, $0xC37F;
	vm0 =	vgt.s32 v2, $0x0  }
0x92: {  	v3 =	vsel vm2, $0xC37F, v4;
	v2 =	vnsel vm0, $0x0, v2  }
0x93: {  	v4 =	vld [tilespmem:s15+$0x20];
	v2 =	vmin.u32 v2, $0xC37F;
	_ =	sdelay $0x1  }
0x94: {  	v0 =	vsel vm1, v1, v0  }
0x95: {  	[tilespmem:s15+$0x0] =	vst v0  }
0x96: {  	v0 =	vld.idx.msk [tilespmem:v3+s10+$0x0], $0xffff  }
0x97: {  	v1 =	vld.idx.msk [tilespmem:v2+s11+$0x0], $0xffff;
	v2 =	vadd.s32 $0xFFFF3C80, v4  }
0x98: {  	vm1 =	vgt.s32 v4, $0xC37F;
	vm0 =	vgt.s32 v2, $0x0  }
0x99: {  	v3 =	vsel vm1, $0xC37F, v4;
	v2 =	vnsel vm0, $0x0, v2  }
0x9a: {  	v4 =	vld [tilespmem:s15+$0x30];
	v2 =	vmin.u32 v2, $0xC37F;
	_ =	sdelay $0x1  }
0x9b: {  	v0 =	vsel vm2, v1, v0  }
0x9c: {  	[tilespmem:s15+$0x10] =	vst v0  }
0x9d: {  	v0 =	vld.idx.msk [tilespmem:v3+s10+$0x0], $0xffff  }
0x9e: {  	v1 =	vld.idx.msk [tilespmem:v2+s11+$0x0], $0xffff;
	v2 =	vadd.s32 $0xFFFF3C80, v4  }
0x9f: {  	vm2 =	vgt.s32 v4, $0xC37F;
	vm0 =	vgt.s32 v2, $0x0  }
0xa0: {  	v3 =	vsel vm2, $0xC37F, v4;
	v2 =	vnsel vm0, $0x0, v2  }
0xa1: {  	v4 =	vld [tilespmem:s15+$0x40];
	v2 =	vmin.u32 v2, $0xC37F;
	_ =	sdelay $0x1  }
0xa2: {  	v0 =	vsel vm1, v1, v0  }
0xa3: {  	[tilespmem:s15+$0x20] =	vst v0  }
0xa4: {  	v0 =	vld.idx.msk [tilespmem:v3+s10+$0x0], $0xffff  }
0xa5: {  	v1 =	vld.idx.msk [tilespmem:v2+s11+$0x0], $0xffff;
	v2 =	vadd.s32 $0xFFFF3C80, v4  }
0xa6: {  	vm1 =	vgt.s32 v4, $0xC37F;
	vm0 =	vgt.s32 v2, $0x0  }
0xa7: {  	v3 =	vsel vm1, $0xC37F, v4;
	v2 =	vnsel vm0, $0x0, v2  }
0xa8: {  	v4 =	vld [tilespmem:s15+$0x50];
	v2 =	vmin.u32 v2, $0xC37F;
	_ =	sdelay $0x1  }
0xa9: {  	v0 =	vsel vm2, v1, v0  }
0xaa: {  	[tilespmem:s15+$0x30] =	vst v0  }
0xab: {  	v0 =	vld.idx.msk [tilespmem:v3+s10+$0x0], $0xffff  }
0xac: {  	v1 =	vld.idx.msk [tilespmem:v2+s11+$0x0], $0xffff;
	v2 =	vadd.s32 $0xFFFF3C80, v4  }
0xad: {  	vm2 =	vgt.s32 v4, $0xC37F;
	vm0 =	vgt.s32 v2, $0x0  }
0xae: {  	v3 =	vsel vm2, $0xC37F, v4;
	v2 =	vnsel vm0, $0x0, v2  }
0xaf: {  	v4 =	vld [tilespmem:s15+$0x60];
	v2 =	vmin.u32 v2, $0xC37F;
	_ =	sdelay $0x1  }
0xb0: {  	v0 =	vsel vm1, v1, v0  }
0xb1: {  	[tilespmem:s15+$0x40] =	vst v0  }
0xb2: {  	v0 =	vld.idx.msk [tilespmem:v3+s10+$0x0], $0xffff  }
0xb3: {  	v1 =	vld.idx.msk [tilespmem:v2+s11+$0x0], $0xffff;
	v2 =	vadd.s32 $0xFFFF3C80, v4  }
0xb4: {  	vm1 =	vgt.s32 v4, $0xC37F;
	vm0 =	vgt.s32 v2, $0x0  }
0xb5: {  	v3 =	vsel vm1, $0xC37F, v4;
	v2 =	vnsel vm0, $0x0, v2  }
0xb6: {  	v4 =	vld [tilespmem:s15+$0x70];
	v2 =	vmin.u32 v2, $0xC37F;
	_ =	sdelay $0x1  }
0xb7: {  	v0 =	vsel vm2, v1, v0  }
0xb8: {  	[tilespmem:s15+$0x50] =	vst v0  }
0xb9: {  	v0 =	vld.idx.msk [tilespmem:v3+s10+$0x0], $0xffff  }
0xba: {  	v1 =	vld.idx.msk [tilespmem:v2+s11+$0x0], $0xffff;
	v2 =	vadd.s32 $0xFFFF3C80, v4  }
0xbb: {  	vm2 =	vgt.s32 v4, $0xC37F;
	vm0 =	vgt.s32 v2, $0x0  }
0xbc: {  	v3 =	vsel vm2, $0xC37F, v4;
	v2 =	vnsel vm0, $0x0, v2  }
0xbd: {  	v4 =	vld [tilespmem:s15+$0x80];
	v2 =	vmin.u32 v2, $0xC37F;
	_ =	sdelay $0x1  }
0xbe: {  	v0 =	vsel vm1, v1, v0  }
0xbf: {  	[tilespmem:s15+$0x60] =	vst v0  }
0xc0: {  	v0 =	vld.idx.msk [tilespmem:v3+s10+$0x0], $0xffff  }
0xc1: {  	v1 =	vld.idx.msk [tilespmem:v2+s11+$0x0], $0xffff;
	v2 =	vadd.s32 $0xFFFF3C80, v4  }
0xc2: {  	vm1 =	vgt.s32 v4, $0xC37F;
	vm0 =	vgt.s32 v2, $0x0  }
0xc3: {  	v3 =	vsel vm1, $0xC37F, v4;
	v2 =	vnsel vm0, $0x0, v2  }
0xc4: {  	v4 =	vld [tilespmem:s15+$0x90];
	v2 =	vmin.u32 v2, $0xC37F;
	_ =	sdelay $0x1  }
0xc5: {  	v0 =	vsel vm2, v1, v0  }
0xc6: {  	[tilespmem:s15+$0x70] =	vst v0  }
0xc7: {  	v0 =	vld.idx.msk [tilespmem:v3+s10+$0x0], $0xffff  }
0xc8: {  	v1 =	vld.idx.msk [tilespmem:v2+s11+$0x0], $0xffff;
	v2 =	vadd.s32 $0xFFFF3C80, v4  }
0xc9: {  	vm2 =	vgt.s32 v4, $0xC37F;
	vm0 =	vgt.s32 v2, $0x0  }
0xca: {  	v3 =	vsel vm2, $0xC37F, v4;
	v2 =	vnsel vm0, $0x0, v2  }
0xcb: {  	v4 =	vld [tilespmem:s15+$0xA0];
	v2 =	vmin.u32 v2, $0xC37F;
	_ =	sdelay $0x1  }
0xcc: {  	v0 =	vsel vm1, v1, v0  }
0xcd: {  	[tilespmem:s15+$0x80] =	vst v0  }
0xce: {  	v0 =	vld.idx.msk [tilespmem:v3+s10+$0x0], $0xffff  }
0xcf: {  	v1 =	vld.idx.msk [tilespmem:v2+s11+$0x0], $0xffff;
	v2 =	vadd.s32 $0xFFFF3C80, v4  }
0xd0: {  	vm1 =	vgt.s32 v4, $0xC37F;
	vm0 =	vgt.s32 v2, $0x0  }
0xd1: {  	v3 =	vsel vm1, $0xC37F, v4;
	v2 =	vnsel vm0, $0x0, v2  }
0xd2: {  	v4 =	vld [tilespmem:s15+$0xB0];
	v2 =	vmin.u32 v2, $0xC37F;
	_ =	sdelay $0x1  }
0xd3: {  	v0 =	vsel vm2, v1, v0  }
0xd4: {  	[tilespmem:s15+$0x90] =	vst v0  }
0xd5: {  	v0 =	vld.idx.msk [tilespmem:v3+s10+$0x0], $0xffff  }
0xd6: {  	v1 =	vld.idx.msk [tilespmem:v2+s11+$0x0], $0xffff;
	v2 =	vadd.s32 $0xFFFF3C80, v4  }
0xd7: {  	vm2 =	vgt.s32 v4, $0xC37F;
	vm0 =	vgt.s32 v2, $0x0  }
0xd8: {  	v3 =	vsel vm2, $0xC37F, v4;
	v2 =	vnsel vm0, $0x0, v2  }
0xd9: {  	v4 =	vld [tilespmem:s15+$0xC0];
	v2 =	vmin.u32 v2, $0xC37F;
	_ =	sdelay $0x1  }
0xda: {  	v0 =	vsel vm1, v1, v0  }
0xdb: {  	[tilespmem:s15+$0xA0] =	vst v0  }
0xdc: {  	v0 =	vld.idx.msk [tilespmem:v3+s10+$0x0], $0xffff  }
0xdd: {  	v1 =	vld.idx.msk [tilespmem:v2+s11+$0x0], $0xffff;
	v2 =	vadd.s32 $0xFFFF3C80, v4  }
0xde: {  	vm1 =	vgt.s32 v4, $0xC37F;
	vm0 =	vgt.s32 v2, $0x0  }
0xdf: {  	v3 =	vld [tilespmem:s15+$0xD0];
	v4 =	vsel vm1, $0xC37F, v4;
	v2 =	vnsel vm0, $0x0, v2  }
0xe0: {  	v2 =	vmin.u32 v2, $0xC37F;
	_ =	sdelay $0x1  }
0xe1: {  	v0 =	vsel vm2, v1, v0  }
0xe2: {  	[tilespmem:s15+$0xB0] =	vst v0  }
0xe3: {  	v5 =	vadd.s32 $0xFFFF3C80, v3;
	v0 =	vld.idx.msk [tilespmem:v4+s10+$0x0], $0xffff  }
0xe4: {  	vm0 =	vgt.s32 v3, $0xC37F;
	vm2 =	vgt.s32 v5, $0x0;
	v2 =	vld.idx.msk [tilespmem:v2+s11+$0x0], $0xffff  }
0xe5: {  	s17 =	simm.s32 $0x0;
	s16 =	simm.s32 $0x100;
	v1 =	vsel vm0, $0xC37F, v3;
	v3 =	vnsel vm2, $0x0, v5  }
.LBB2_2:
0xe6: {  	s17 =	sadd.s32 $0x4, s17;
	v3 =	vmin.u32 v3, $0xC37F;
	s15 =	sadd.s32 $0x200, s15  }
0xe7: {  	p0 =	slt.u32 s17, $0x7C;
	v4 =	vld [tilespmem:s16+$0xE0];
	_ =	sdelay $0x1  }
0xe8: {  	v0 =	vsel vm1, v2, v0  }
0xe9: {  	[tilespmem:s16+$0xC0] =	vst v0  }
0xea: {  	v0 =	vld.idx.msk [tilespmem:v1+s10+$0x0], $0xffff  }
0xeb: {  	v1 =	vld.idx.msk [tilespmem:v3+s11+$0x0], $0xffff;
	v2 =	vadd.s32 $0xFFFF3C80, v4  }
0xec: {  	vm1 =	vgt.s32 v2, $0x0  }
0xed: {  	vm2 =	vgt.s32 v4, $0xC37F;
	v2 =	vnsel vm1, $0x0, v2  }
0xee: {  	v3 =	vsel vm2, $0xC37F, v4;
	v2 =	vmin.u32 v2, $0xC37F  }
0xef: {  	v4 =	vld [tilespmem:s16+$0xF0];
	_ =	sdelay $0x1  }
0xf0: {  	v0 =	vsel vm0, v1, v0  }
0xf1: {  	[tilespmem:s16+$0xD0] =	vst v0  }
0xf2: {  	v0 =	vld.idx.msk [tilespmem:v3+s10+$0x0], $0xffff  }
0xf3: {  	v1 =	vld.idx.msk [tilespmem:v2+s11+$0x0], $0xffff;
	v2 =	vadd.s32 $0xFFFF3C80, v4  }
0xf4: {  	vm0 =	vgt.s32 v2, $0x0  }
0xf5: {  	vm1 =	vgt.s32 v4, $0xC37F;
	v2 =	vnsel vm0, $0x0, v2  }
0xf6: {  	v3 =	vsel vm1, $0xC37F, v4;
	v2 =	vmin.u32 v2, $0xC37F;
	_ =	sdelay $0x1  }
0xf7: {  	v4 =	vld [tilespmem:s15+$0xFFFFFF00]  }
0xf8: {  	v0 =	vsel vm2, v1, v0  }
0xf9: {  	[tilespmem:s16+$0xE0] =	vst v0  }
0xfa: {  	v0 =	vld.idx.msk [tilespmem:v3+s10+$0x0], $0xffff  }
0xfb: {  	v1 =	vld.idx.msk [tilespmem:v2+s11+$0x0], $0xffff  }
0xfc: {  	v2 =	vadd.s32 $0xFFFF3C80, v4  }
0xfd: {  	vm0 =	vgt.s32 v4, $0xC37F;
	vm2 =	vgt.s32 v2, $0x0  }
0xfe: {  	v3 =	vsel vm0, $0xC37F, v4;
	v2 =	vnsel vm2, $0x0, v2  }
0xff: {  	v2 =	vmin.u32 v2, $0xC37F;
	v4 =	vld [tilespmem:s15+$0xFFFFFF10];
	_ =	sdelay $0x1  }
0x100: {  	v0 =	vsel vm1, v1, v0  }
0x101: {  	[tilespmem:s16+$0xF0] =	vst v0;
	s16 =	smov.u32 s15  }
0x102: {  	v0 =	vld.idx.msk [tilespmem:v3+s10+$0x0], $0xffff  }
0x103: {  	v1 =	vld.idx.msk [tilespmem:v2+s11+$0x0], $0xffff;
	v2 =	vadd.s32 $0xFFFF3C80, v4  }
0x104: {  	vm1 =	vgt.s32 v2, $0x0  }
0x105: {  	vm2 =	vgt.s32 v4, $0xC37F;
	v2 =	vnsel vm1, $0x0, v2  }
0x106: {  	v3 =	vsel vm2, $0xC37F, v4;
	v2 =	vmin.u32 v2, $0xC37F  }
0x107: {  	v4 =	vld [tilespmem:s15+$0xFFFFFF20];
	_ =	sdelay $0x1  }
0x108: {  	v0 =	vsel vm0, v1, v0  }
0x109: {  	[tilespmem:s15+$0xFFFFFF00] =	vst v0  }
0x10a: {  	v0 =	vld.idx.msk [tilespmem:v3+s10+$0x0], $0xffff  }
0x10b: {  	v1 =	vld.idx.msk [tilespmem:v2+s11+$0x0], $0xffff;
	v2 =	vadd.s32 $0xFFFF3C80, v4  }
0x10c: {  	vm0 =	vgt.s32 v2, $0x0  }
0x10d: {  	vm1 =	vgt.s32 v4, $0xC37F;
	v2 =	vnsel vm0, $0x0, v2  }
0x10e: {  	v3 =	vsel vm1, $0xC37F, v4;
	v2 =	vmin.u32 v2, $0xC37F  }
0x10f: {  	v4 =	vld [tilespmem:s15+$0xFFFFFF30];
	_ =	sdelay $0x1  }
0x110: {  	v0 =	vsel vm2, v1, v0  }
0x111: {  	[tilespmem:s15+$0xFFFFFF10] =	vst v0  }
0x112: {  	v0 =	vld.idx.msk [tilespmem:v3+s10+$0x0], $0xffff  }
0x113: {  	v1 =	vld.idx.msk [tilespmem:v2+s11+$0x0], $0xffff;
	v2 =	vadd.s32 $0xFFFF3C80, v4  }
0x114: {  	vm0 =	vgt.s32 v2, $0x0  }
0x115: {  	vm2 =	vgt.s32 v4, $0xC37F;
	v2 =	vnsel vm0, $0x0, v2  }
0x116: {  	v3 =	vsel vm2, $0xC37F, v4;
	v2 =	vmin.u32 v2, $0xC37F  }
0x117: {  	v4 =	vld [tilespmem:s15+$0xFFFFFF40];
	_ =	sdelay $0x1  }
0x118: {  	v0 =	vsel vm1, v1, v0  }
0x119: {  	[tilespmem:s15+$0xFFFFFF20] =	vst v0  }
0x11a: {  	v0 =	vld.idx.msk [tilespmem:v3+s10+$0x0], $0xffff  }
0x11b: {  	v1 =	vld.idx.msk [tilespmem:v2+s11+$0x0], $0xffff;
	v2 =	vadd.s32 $0xFFFF3C80, v4  }
0x11c: {  	vm0 =	vgt.s32 v2, $0x0  }
0x11d: {  	vm1 =	vgt.s32 v4, $0xC37F;
	v2 =	vnsel vm0, $0x0, v2  }
0x11e: {  	v3 =	vsel vm1, $0xC37F, v4;
	v2 =	vmin.u32 v2, $0xC37F  }
0x11f: {  	v4 =	vld [tilespmem:s15+$0xFFFFFF50];
	_ =	sdelay $0x1  }
0x120: {  	v0 =	vsel vm2, v1, v0  }
0x121: {  	[tilespmem:s15+$0xFFFFFF30] =	vst v0  }
0x122: {  	v0 =	vld.idx.msk [tilespmem:v3+s10+$0x0], $0xffff  }
0x123: {  	v1 =	vld.idx.msk [tilespmem:v2+s11+$0x0], $0xffff;
	v2 =	vadd.s32 $0xFFFF3C80, v4  }
0x124: {  	vm0 =	vgt.s32 v2, $0x0  }
0x125: {  	vm2 =	vgt.s32 v4, $0xC37F;
	v2 =	vnsel vm0, $0x0, v2  }
0x126: {  	v3 =	vsel vm2, $0xC37F, v4;
	v2 =	vmin.u32 v2, $0xC37F  }
0x127: {  	v4 =	vld [tilespmem:s15+$0xFFFFFF60];
	_ =	sdelay $0x1  }
0x128: {  	v0 =	vsel vm1, v1, v0  }
0x129: {  	[tilespmem:s15+$0xFFFFFF40] =	vst v0  }
0x12a: {  	v0 =	vld.idx.msk [tilespmem:v3+s10+$0x0], $0xffff  }
0x12b: {  	v1 =	vld.idx.msk [tilespmem:v2+s11+$0x0], $0xffff;
	v2 =	vadd.s32 $0xFFFF3C80, v4  }
0x12c: {  	vm0 =	vgt.s32 v2, $0x0  }
0x12d: {  	vm1 =	vgt.s32 v4, $0xC37F;
	v2 =	vnsel vm0, $0x0, v2  }
0x12e: {  	v3 =	vsel vm1, $0xC37F, v4;
	v2 =	vmin.u32 v2, $0xC37F  }
0x12f: {  	v4 =	vld [tilespmem:s15+$0xFFFFFF70];
	_ =	sdelay $0x1  }
0x130: {  	v0 =	vsel vm2, v1, v0  }
0x131: {  	[tilespmem:s15+$0xFFFFFF50] =	vst v0  }
0x132: {  	v0 =	vld.idx.msk [tilespmem:v3+s10+$0x0], $0xffff  }
0x133: {  	v1 =	vld.idx.msk [tilespmem:v2+s11+$0x0], $0xffff;
	v2 =	vadd.s32 $0xFFFF3C80, v4  }
0x134: {  	vm0 =	vgt.s32 v2, $0x0  }
0x135: {  	vm2 =	vgt.s32 v4, $0xC37F;
	v2 =	vnsel vm0, $0x0, v2  }
0x136: {  	v3 =	vsel vm2, $0xC37F, v4;
	v2 =	vmin.u32 v2, $0xC37F  }
0x137: {  	v4 =	vld [tilespmem:s15+$0xFFFFFF80];
	_ =	sdelay $0x1  }
0x138: {  	v0 =	vsel vm1, v1, v0  }
0x139: {  	[tilespmem:s15+$0xFFFFFF60] =	vst v0  }
0x13a: {  	v0 =	vld.idx.msk [tilespmem:v3+s10+$0x0], $0xffff  }
0x13b: {  	v1 =	vld.idx.msk [tilespmem:v2+s11+$0x0], $0xffff;
	v2 =	vadd.s32 $0xFFFF3C80, v4  }
0x13c: {  	vm0 =	vgt.s32 v2, $0x0  }
0x13d: {  	vm1 =	vgt.s32 v4, $0xC37F;
	v2 =	vnsel vm0, $0x0, v2  }
0x13e: {  	v3 =	vsel vm1, $0xC37F, v4;
	v2 =	vmin.u32 v2, $0xC37F  }
0x13f: {  	v4 =	vld [tilespmem:s15+$0xFFFFFF90];
	_ =	sdelay $0x1  }
0x140: {  	v0 =	vsel vm2, v1, v0  }
0x141: {  	[tilespmem:s15+$0xFFFFFF70] =	vst v0  }
0x142: {  	v0 =	vld.idx.msk [tilespmem:v3+s10+$0x0], $0xffff  }
0x143: {  	v1 =	vld.idx.msk [tilespmem:v2+s11+$0x0], $0xffff;
	v2 =	vadd.s32 $0xFFFF3C80, v4  }
0x144: {  	vm0 =	vgt.s32 v2, $0x0  }
0x145: {  	vm2 =	vgt.s32 v4, $0xC37F;
	v2 =	vnsel vm0, $0x0, v2  }
0x146: {  	v3 =	vsel vm2, $0xC37F, v4;
	v2 =	vmin.u32 v2, $0xC37F  }
0x147: {  	v4 =	vld [tilespmem:s15+$0xFFFFFFA0];
	_ =	sdelay $0x1  }
0x148: {  	v0 =	vsel vm1, v1, v0  }
0x149: {  	[tilespmem:s15+$0xFFFFFF80] =	vst v0  }
0x14a: {  	v0 =	vld.idx.msk [tilespmem:v3+s10+$0x0], $0xffff  }
0x14b: {  	v1 =	vld.idx.msk [tilespmem:v2+s11+$0x0], $0xffff;
	v2 =	vadd.s32 $0xFFFF3C80, v4  }
0x14c: {  	vm0 =	vgt.s32 v2, $0x0  }
0x14d: {  	vm1 =	vgt.s32 v4, $0xC37F;
	v2 =	vnsel vm0, $0x0, v2  }
0x14e: {  	v3 =	vsel vm1, $0xC37F, v4;
	v2 =	vmin.u32 v2, $0xC37F  }
0x14f: {  	v4 =	vld [tilespmem:s15+$0xFFFFFFB0];
	_ =	sdelay $0x1  }
0x150: {  	v0 =	vsel vm2, v1, v0  }
0x151: {  	[tilespmem:s15+$0xFFFFFF90] =	vst v0  }
0x152: {  	v0 =	vld.idx.msk [tilespmem:v3+s10+$0x0], $0xffff  }
0x153: {  	v1 =	vld.idx.msk [tilespmem:v2+s11+$0x0], $0xffff;
	v2 =	vadd.s32 $0xFFFF3C80, v4  }
0x154: {  	vm0 =	vgt.s32 v2, $0x0  }
0x155: {  	vm2 =	vgt.s32 v4, $0xC37F;
	v2 =	vnsel vm0, $0x0, v2  }
0x156: {  	v3 =	vsel vm2, $0xC37F, v4;
	v2 =	vmin.u32 v2, $0xC37F  }
0x157: {  	v4 =	vld [tilespmem:s15+$0xFFFFFFC0];
	_ =	sdelay $0x1  }
0x158: {  	v0 =	vsel vm1, v1, v0  }
0x159: {  	[tilespmem:s15+$0xFFFFFFA0] =	vst v0  }
0x15a: {  	v0 =	vld.idx.msk [tilespmem:v3+s10+$0x0], $0xffff  }
0x15b: {  	v1 =	vld.idx.msk [tilespmem:v2+s11+$0x0], $0xffff;
	v2 =	vadd.s32 $0xFFFF3C80, v4  }
0x15c: {  	vm0 =	vgt.s32 v2, $0x0  }
0x15d: {  	vm1 =	vgt.s32 v4, $0xC37F;
	v2 =	vnsel vm0, $0x0, v2  }
0x15e: {  	v3 =	vsel vm1, $0xC37F, v4;
	v2 =	vmin.u32 v2, $0xC37F  }
0x15f: {  	v4 =	vld [tilespmem:s15+$0xFFFFFFD0];
	_ =	sdelay $0x1  }
0x160: {  	v0 =	vsel vm2, v1, v0  }
0x161: {  	[tilespmem:s15+$0xFFFFFFB0] =	vst v0  }
0x162: {  	v0 =	vld.idx.msk [tilespmem:v3+s10+$0x0], $0xffff  }
0x163: {  	v1 =	vld.idx.msk [tilespmem:v2+s11+$0x0], $0xffff;
	v2 =	vadd.s32 $0xFFFF3C80, v4  }
0x164: {  	vm0 =	vgt.s32 v2, $0x0  }
0x165: {  	vm2 =	vgt.s32 v4, $0xC37F;
	v2 =	vnsel vm0, $0x0, v2  }
0x166: {  	v3 =	vsel vm2, $0xC37F, v4;
	v2 =	vmin.u32 v2, $0xC37F  }
0x167: {  	v4 =	vld [tilespmem:s15+$0xFFFFFFE0];
	_ =	sdelay $0x1  }
0x168: {  	v0 =	vsel vm1, v1, v0  }
0x169: {  	[tilespmem:s15+$0xFFFFFFC0] =	vst v0  }
0x16a: {  	v0 =	vld.idx.msk [tilespmem:v3+s10+$0x0], $0xffff  }
0x16b: {  	v1 =	vld.idx.msk [tilespmem:v2+s11+$0x0], $0xffff;
	v2 =	vadd.s32 $0xFFFF3C80, v4  }
0x16c: {  	vm0 =	vgt.s32 v2, $0x0  }
0x16d: {  	vm1 =	vgt.s32 v4, $0xC37F;
	v2 =	vnsel vm0, $0x0, v2  }
0x16e: {  	v3 =	vsel vm1, $0xC37F, v4;
	v2 =	vmin.u32 v2, $0xC37F  }
0x16f: {  	v4 =	vld [tilespmem:s15+$0xFFFFFFF0];
	_ =	sdelay $0x1  }
0x170: {  	v0 =	vsel vm2, v1, v0  }
0x171: {  	[tilespmem:s15+$0xFFFFFFD0] =	vst v0  }
0x172: {  	v0 =	vld.idx.msk [tilespmem:v3+s10+$0x0], $0xffff  }
0x173: {  	v1 =	vld.idx.msk [tilespmem:v2+s11+$0x0], $0xffff;
	v2 =	vadd.s32 $0xFFFF3C80, v4  }
0x174: {  	vm0 =	vgt.s32 v2, $0x0  }
0x175: {  	vm2 =	vgt.s32 v4, $0xC37F;
	v2 =	vnsel vm0, $0x0, v2  }
0x176: {  	v3 =	vsel vm2, $0xC37F, v4;
	v2 =	vmin.u32 v2, $0xC37F  }
0x177: {  	v4 =	vld [tilespmem:s15+$0x0];
	_ =	sdelay $0x1  }
0x178: {  	v0 =	vsel vm1, v1, v0  }
0x179: {  	[tilespmem:s15+$0xFFFFFFE0] =	vst v0  }
0x17a: {  	v0 =	vld.idx.msk [tilespmem:v3+s10+$0x0], $0xffff  }
0x17b: {  	v1 =	vld.idx.msk [tilespmem:v2+s11+$0x0], $0xffff;
	v2 =	vadd.s32 $0xFFFF3C80, v4  }
0x17c: {  	vm0 =	vgt.s32 v2, $0x0  }
0x17d: {  	vm1 =	vgt.s32 v4, $0xC37F;
	v2 =	vnsel vm0, $0x0, v2  }
0x17e: {  	v3 =	vsel vm1, $0xC37F, v4;
	v2 =	vmin.u32 v2, $0xC37F  }
0x17f: {  	v4 =	vld [tilespmem:s15+$0x10];
	_ =	sdelay $0x1  }
0x180: {  	v0 =	vsel vm2, v1, v0  }
0x181: {  	[tilespmem:s15+$0xFFFFFFF0] =	vst v0  }
0x182: {  	v0 =	vld.idx.msk [tilespmem:v3+s10+$0x0], $0xffff  }
0x183: {  	v1 =	vld.idx.msk [tilespmem:v2+s11+$0x0], $0xffff;
	v2 =	vadd.s32 $0xFFFF3C80, v4  }
0x184: {  	vm0 =	vgt.s32 v2, $0x0  }
0x185: {  	vm2 =	vgt.s32 v4, $0xC37F;
	v2 =	vnsel vm0, $0x0, v2  }
0x186: {  	v3 =	vsel vm2, $0xC37F, v4;
	v2 =	vmin.u32 v2, $0xC37F  }
0x187: {  	v4 =	vld [tilespmem:s15+$0x20];
	_ =	sdelay $0x1  }
0x188: {  	v0 =	vsel vm1, v1, v0  }
0x189: {  	[tilespmem:s15+$0x0] =	vst v0  }
0x18a: {  	v0 =	vld.idx.msk [tilespmem:v3+s10+$0x0], $0xffff  }
0x18b: {  	v1 =	vld.idx.msk [tilespmem:v2+s11+$0x0], $0xffff;
	v2 =	vadd.s32 $0xFFFF3C80, v4  }
0x18c: {  	vm0 =	vgt.s32 v2, $0x0  }
0x18d: {  	vm1 =	vgt.s32 v4, $0xC37F;
	v2 =	vnsel vm0, $0x0, v2  }
0x18e: {  	v3 =	vsel vm1, $0xC37F, v4;
	v2 =	vmin.u32 v2, $0xC37F  }
0x18f: {  	v4 =	vld [tilespmem:s15+$0x30];
	_ =	sdelay $0x1  }
0x190: {  	v0 =	vsel vm2, v1, v0  }
0x191: {  	[tilespmem:s15+$0x10] =	vst v0  }
0x192: {  	v0 =	vld.idx.msk [tilespmem:v3+s10+$0x0], $0xffff  }
0x193: {  	v1 =	vld.idx.msk [tilespmem:v2+s11+$0x0], $0xffff;
	v2 =	vadd.s32 $0xFFFF3C80, v4  }
0x194: {  	vm0 =	vgt.s32 v2, $0x0  }
0x195: {  	vm2 =	vgt.s32 v4, $0xC37F;
	v2 =	vnsel vm0, $0x0, v2  }
0x196: {  	v3 =	vsel vm2, $0xC37F, v4;
	v2 =	vmin.u32 v2, $0xC37F  }
0x197: {  	v4 =	vld [tilespmem:s15+$0x40];
	_ =	sdelay $0x1  }
0x198: {  	v0 =	vsel vm1, v1, v0  }
0x199: {  	[tilespmem:s15+$0x20] =	vst v0  }
0x19a: {  	v0 =	vld.idx.msk [tilespmem:v3+s10+$0x0], $0xffff  }
0x19b: {  	v1 =	vld.idx.msk [tilespmem:v2+s11+$0x0], $0xffff;
	v2 =	vadd.s32 $0xFFFF3C80, v4  }
0x19c: {  	vm0 =	vgt.s32 v2, $0x0  }
0x19d: {  	vm1 =	vgt.s32 v4, $0xC37F;
	v2 =	vnsel vm0, $0x0, v2  }
0x19e: {  	v3 =	vsel vm1, $0xC37F, v4;
	v2 =	vmin.u32 v2, $0xC37F  }
0x19f: {  	v4 =	vld [tilespmem:s15+$0x50];
	_ =	sdelay $0x1  }
0x1a0: {  	v0 =	vsel vm2, v1, v0  }
0x1a1: {  	[tilespmem:s15+$0x30] =	vst v0  }
0x1a2: {  	v0 =	vld.idx.msk [tilespmem:v3+s10+$0x0], $0xffff  }
0x1a3: {  	v1 =	vld.idx.msk [tilespmem:v2+s11+$0x0], $0xffff;
	v2 =	vadd.s32 $0xFFFF3C80, v4  }
0x1a4: {  	vm0 =	vgt.s32 v2, $0x0  }
0x1a5: {  	vm2 =	vgt.s32 v4, $0xC37F;
	v2 =	vnsel vm0, $0x0, v2  }
0x1a6: {  	v3 =	vsel vm2, $0xC37F, v4;
	v2 =	vmin.u32 v2, $0xC37F  }
0x1a7: {  	v4 =	vld [tilespmem:s15+$0x60];
	_ =	sdelay $0x1  }
0x1a8: {  	v0 =	vsel vm1, v1, v0  }
0x1a9: {  	[tilespmem:s15+$0x40] =	vst v0  }
0x1aa: {  	v0 =	vld.idx.msk [tilespmem:v3+s10+$0x0], $0xffff  }
0x1ab: {  	v1 =	vld.idx.msk [tilespmem:v2+s11+$0x0], $0xffff;
	v2 =	vadd.s32 $0xFFFF3C80, v4  }
0x1ac: {  	vm0 =	vgt.s32 v2, $0x0  }
0x1ad: {  	vm1 =	vgt.s32 v4, $0xC37F;
	v2 =	vnsel vm0, $0x0, v2  }
0x1ae: {  	v3 =	vsel vm1, $0xC37F, v4;
	v2 =	vmin.u32 v2, $0xC37F  }
0x1af: {  	v4 =	vld [tilespmem:s15+$0x70];
	_ =	sdelay $0x1  }
0x1b0: {  	v0 =	vsel vm2, v1, v0  }
0x1b1: {  	[tilespmem:s15+$0x50] =	vst v0  }
0x1b2: {  	v0 =	vld.idx.msk [tilespmem:v3+s10+$0x0], $0xffff  }
0x1b3: {  	v1 =	vld.idx.msk [tilespmem:v2+s11+$0x0], $0xffff;
	v2 =	vadd.s32 $0xFFFF3C80, v4  }
0x1b4: {  	vm0 =	vgt.s32 v2, $0x0  }
0x1b5: {  	vm2 =	vgt.s32 v4, $0xC37F;
	v2 =	vnsel vm0, $0x0, v2  }
0x1b6: {  	v3 =	vsel vm2, $0xC37F, v4;
	v2 =	vmin.u32 v2, $0xC37F  }
0x1b7: {  	v4 =	vld [tilespmem:s15+$0x80];
	_ =	sdelay $0x1  }
0x1b8: {  	v0 =	vsel vm1, v1, v0  }
0x1b9: {  	[tilespmem:s15+$0x60] =	vst v0  }
0x1ba: {  	v0 =	vld.idx.msk [tilespmem:v3+s10+$0x0], $0xffff  }
0x1bb: {  	v1 =	vld.idx.msk [tilespmem:v2+s11+$0x0], $0xffff;
	v2 =	vadd.s32 $0xFFFF3C80, v4  }
0x1bc: {  	vm0 =	vgt.s32 v2, $0x0  }
0x1bd: {  	vm1 =	vgt.s32 v4, $0xC37F;
	v2 =	vnsel vm0, $0x0, v2  }
0x1be: {  	v3 =	vsel vm1, $0xC37F, v4;
	v2 =	vmin.u32 v2, $0xC37F  }
0x1bf: {  	v4 =	vld [tilespmem:s15+$0x90];
	_ =	sdelay $0x1  }
0x1c0: {  	v0 =	vsel vm2, v1, v0  }
0x1c1: {  	[tilespmem:s15+$0x70] =	vst v0  }
0x1c2: {  	v0 =	vld.idx.msk [tilespmem:v3+s10+$0x0], $0xffff  }
0x1c3: {  	v1 =	vld.idx.msk [tilespmem:v2+s11+$0x0], $0xffff;
	v2 =	vadd.s32 $0xFFFF3C80, v4  }
0x1c4: {  	vm0 =	vgt.s32 v2, $0x0  }
0x1c5: {  	vm2 =	vgt.s32 v4, $0xC37F;
	v2 =	vnsel vm0, $0x0, v2  }
0x1c6: {  	v3 =	vsel vm2, $0xC37F, v4;
	v2 =	vmin.u32 v2, $0xC37F  }
0x1c7: {  	v4 =	vld [tilespmem:s15+$0xA0];
	_ =	sdelay $0x1  }
0x1c8: {  	v0 =	vsel vm1, v1, v0  }
0x1c9: {  	[tilespmem:s15+$0x80] =	vst v0  }
0x1ca: {  	v0 =	vld.idx.msk [tilespmem:v3+s10+$0x0], $0xffff  }
0x1cb: {  	v1 =	vld.idx.msk [tilespmem:v2+s11+$0x0], $0xffff;
	v2 =	vadd.s32 $0xFFFF3C80, v4  }
0x1cc: {  	vm0 =	vgt.s32 v2, $0x0  }
0x1cd: {  	vm1 =	vgt.s32 v4, $0xC37F;
	v2 =	vnsel vm0, $0x0, v2  }
0x1ce: {  	v3 =	vsel vm1, $0xC37F, v4;
	v2 =	vmin.u32 v2, $0xC37F  }
0x1cf: {  	v4 =	vld [tilespmem:s15+$0xB0];
	_ =	sdelay $0x1  }
0x1d0: {  	v0 =	vsel vm2, v1, v0  }
0x1d1: {  	[tilespmem:s15+$0x90] =	vst v0  }
0x1d2: {  	v0 =	vld.idx.msk [tilespmem:v3+s10+$0x0], $0xffff  }
0x1d3: {  	v1 =	vld.idx.msk [tilespmem:v2+s11+$0x0], $0xffff;
	v2 =	vadd.s32 $0xFFFF3C80, v4  }
0x1d4: {  	vm0 =	vgt.s32 v2, $0x0  }
0x1d5: {  	vm2 =	vgt.s32 v4, $0xC37F;
	v2 =	vnsel vm0, $0x0, v2  }
0x1d6: {  	v3 =	vsel vm2, $0xC37F, v4;
	v2 =	vmin.u32 v2, $0xC37F  }
0x1d7: {  	v4 =	vld [tilespmem:s15+$0xC0];
	_ =	sdelay $0x1  }
0x1d8: {  	v0 =	vsel vm1, v1, v0  }
0x1d9: {  	[tilespmem:s15+$0xA0] =	vst v0  }
0x1da: {  	v0 =	vld.idx.msk [tilespmem:v3+s10+$0x0], $0xffff  }
0x1db: {  	v1 =	vld.idx.msk [tilespmem:v2+s11+$0x0], $0xffff;
	v2 =	vadd.s32 $0xFFFF3C80, v4  }
0x1dc: {  	vm0 =	vgt.s32 v2, $0x0  }
0x1dd: {  	vm1 =	vgt.s32 v4, $0xC37F;
	v2 =	vnsel vm0, $0x0, v2  }
0x1de: {  	v3 =	vsel vm1, $0xC37F, v4;
	v2 =	vmin.u32 v2, $0xC37F  }
0x1df: {  	v4 =	vld [tilespmem:s15+$0xD0];
	_ =	sdelay $0x1  }
0x1e0: {  	v0 =	vsel vm2, v1, v0  }
.Ltmp0:
0x1e1: {  	[tilespmem:s15+$0xB0] =	vst v0;
	(pc) =	sbr.rel @p0 .LBB2_2-.Ltmp0, $4  }
0x1e2: {  	v0 =	vld.idx.msk [tilespmem:v3+s10+$0x0], $0xffff  }
0x1e3: {  	v2 =	vld.idx.msk [tilespmem:v2+s11+$0x0], $0xffff;
	vm0 =	vgt.s32 v4, $0xC37F;
	v3 =	vadd.s32 $0xFFFF3C80, v4  }
0x1e4: {  	v1 =	vsel vm0, $0xC37F, v4;
	vm2 =	vgt.s32 v3, $0x0  }
0x1e5: {  	v3 =	vnsel vm2, $0x0, v3  }
0x1e6: {  	v3 =	vmin.u32 v3, $0xC37F;
	v4 =	vld [tilespmem:s16+$0xE0];
	_ =	sdelay $0x1  }
0x1e7: {  	v0 =	vsel vm1, v2, v0  }
0x1e8: {  	[tilespmem:s16+$0xC0] =	vst v0  }
0x1e9: {  	v0 =	vld.idx.msk [tilespmem:v1+s10+$0x0], $0xffff  }
0x1ea: {  	v56 =	vld.idx.msk [tilespmem:v3+s11+$0x0], $0xffff;
	v57 =	vadd.s32 $0xFFFF3C80, v4  }
0x1eb: {  	vm2 =	vgt.s32 v4, $0xC37F;
	vm13 =	vgt.s32 v57, $0x0  }
0x1ec: {  	v58 =	vsel vm2, $0xC37F, v4;
	v2 =	vnsel vm13, $0x0, v57  }
0x1ed: {  	v59 =	vld [tilespmem:s16+$0xF0];
	v2 =	vmin.u32 v2, $0xC37F;
	_ =	sdelay $0x1  }
0x1ee: {  	v0 =	vsel vm0, v56, v0  }
0x1ef: {  	[tilespmem:s16+$0xD0] =	vst v0  }
0x1f0: {  	v0 =	vld.idx.msk [tilespmem:v58+s10+$0x0], $0xffff  }
0x1f1: {  	v61 =	vadd.s32 $0xFFFF3C80, v59;
	v60 =	vld.idx.msk [tilespmem:v2+s11+$0x0], $0xffff  }
0x1f2: {  	vm15 =	vgt.s32 v59, $0xC37F;
	vm14 =	vgt.s32 v61, $0x0  }
0x1f3: {  	v62 =	vsel vm15, $0xC37F, v59;
	v2 =	vnsel vm14, $0x0, v61  }
0x1f4: {  	v2 =	vmin.u32 v2, $0xC37F;
	_ =	sdelay $0x1  }
0x1f5: {  	v0 =	vsel vm2, v60, v0  }
0x1f6: {  	[tilespmem:s16+$0xE0] =	vst v0  }
0x1f7: {  	v0 =	vld.idx.msk [tilespmem:v62+s10+$0x0], $0xffff  }
0x1f8: {  	v63 =	vld.idx.msk [tilespmem:v2+s11+$0x0], $0xffff;
	_ =	sdelay $0x3  }
0x1f9: {  	s14 =	sadd.s32 $0x1, s14  }
0x1fa: {  	p0 =	sne.s32 s14, s7;
	v0 =	vsel vm15, v63, v0  }
.Ltmp1:
0x1fb: {  	[tilespmem:s16+$0xF0] =	vst v0;
	(pc) =	sbr.rel @p0 .LBB2_1-.Ltmp1, $4  }
0x1fc: {  	[hbm4b:s6+s3] =	stream.linear.scatter [tilespmem:s3], [sflag:$0x2], $0x4000, $0x38;
	[tilespmem:$0x1C700] =	vst v63  }
0x1fd: {  	_ =	swait.ge [sflag:s12], $0x4000  }
0x1fe: {  	[sflag:s12] =	ssyncset.done $0x0  }
0x1ff: {  	[sflag:s12] =	ssyncadd.s32 $0xFFFFC000  }
0x200: {  	_ =	sfence.sel $0x180000  }
0x201: {  	[bflag:$0x0] =	sbarrier.arrive $0xFFFF  }
0x202: {  	p0 =	sne.s32 s2, $0x0;
	_ =	strace $0x9000004A  }
0x203: {  	s0 =	sadd.s32 @!p0 $0x100000, s0;
	[bflag:$0x2] =	sbarrier.arrive $0xFFFF  }
0x204: {  	[sflag:s0] =	ssyncadd.tile.s32 @!p0 $0x1;
	_ =	shalt  }
.Lfunc_end2:
_tile_overlayer_lowered:
.L_overlay_start_2:
0x205: {  	(tag) =	ssettag $0x2  }
0x206: {  	s0 =	rddreg [dreg:$0x0];
	s2 =	stileid.u32  }
0x207: {  	s1 =	rddreg [dreg:$0x1];
	p0 =	sne.s32 s2, $0x0  }
0x208: {  	s3 =	rddreg [dreg:$0x2];
	[bflag:$0x3] =	sbarrier.arrive $0xFFFF;
	s2 =	simm.s32 @!p0 $0x1C02  }
0x209: {  	[timem:s3], [sflag:s2] =	dma.local @!p0 [hbm:s0], s1  }
0x20a: {  	s0 =	simm.s32 @!p0 $0x2  }
0x20b: {  	_ =	swait.ge @!p0 [sflag:s0], s1  }
0x20c: {  	s1 =	ssub.s32 @!p0 $0x0, s1;
	[sflag:s0] =	ssyncset.done @!p0 $0x0  }
0x20d: {  	[sflag:s0] =	ssyncadd.s32 @!p0 s1  }
0x20e: {  	[bflag:$0x3] =	sbarrier.arrive $0xFFFF  }
0x20f: {  	_ =	shalt  }

</sc_bundles>
